<compile_context>
chip_gen: v7x
topology: tpu7x:2x2x1
jax: 0.10.2.dev20260603
libtpu: 0.0.44.dev20260713+nightly
codegen_flags: <defaults>
</compile_context>

<pallas_src>
import functools

import jax
import jax.numpy as jnp
import numpy as np
from jax import lax
from jax.experimental import pallas as pl
from jax.experimental.pallas import tpu as pltpu
from jax.experimental.pallas import tpu_sc as plsc

N = 10000
NP = 10240
E = 320000
G = 64
H = 128
SENT = 10000
BN_EPS = 1e-5
_BN_SCALE = float(1.0 / np.sqrt(1.0 + BN_EPS))

NC, NS = 2, 16
NW = NC * NS
ECH = 80
EPW = E // NW
NCHK = EPW // ECH
RPW = NP // NW
RPT = NP // NS

@functools.cache
def _sc_mesh():
    return plsc.VectorSubcoreMesh(
        core_axis_name="c", subcore_axis_name="s",
        num_cores=NC, num_subcores=NS)

f32 = jnp.float32
i32 = jnp.int32


_NBUF = 4
_NGRP = NCHK // _NBUF
_NTAIL = NCHK - _NGRP * _NBUF


def _agg_body(x_hbm, src_hbm, dst_hbm, zz_hbm, out_hbm, *refs):
    src_v = refs[0:_NBUF]
    dst_v = refs[_NBUF:2 * _NBUF]
    rows_v = refs[2 * _NBUF:3 * _NBUF]
    acc_sh = refs[3 * _NBUF]
    sems = refs[3 * _NBUF + 1:3 * _NBUF + 1 + _NBUF]
    ssems = refs[3 * _NBUF + 1 + _NBUF:]
    cid = lax.axis_index("c")
    sid = lax.axis_index("s")
    pltpu.sync_copy(zz_hbm, acc_sh.at[pl.ds(sid * RPT, RPT)])
    plsc.subcore_barrier()

    wid = cid * NS + sid
    ebase = wid * EPW

    def start(c, b):
        eb = ebase + c * ECH
        pltpu.sync_copy(src_hbm.at[pl.ds(eb, ECH)], src_v[b])
        return pltpu.async_copy(x_hbm.at[src_v[b]], rows_v[b], sems[b])

    def scat(c, b):
        eb = ebase + c * ECH
        pltpu.sync_copy(dst_hbm.at[pl.ds(eb, ECH)], dst_v[b])
        return pltpu.async_copy(rows_v[b], acc_sh.at[dst_v[b]], ssems[b],
                                add=True)

    @pl.loop(0, _NGRP)
    def _grp(g):
        ds = [start(_NBUF * g + b, b) for b in range(_NBUF)]
        ws = []
        for b in range(_NBUF):
            ds[b].wait()
            ws.append(scat(_NBUF * g + b, b))
        for w in ws:
            w.wait()

    tail = [start(_NGRP * _NBUF + b, b) for b in range(_NTAIL)]
    wt = []
    for b in range(_NTAIL):
        tail[b].wait()
        wt.append(scat(_NGRP * _NBUF + b, b))
    for w in wt:
        w.wait()

    plsc.subcore_barrier()
    pltpu.sync_copy(acc_sh.at[pl.ds(sid * RPT, RPT)],
                    out_hbm.at[cid, pl.ds(sid * RPT, RPT)])


@functools.cache
def _agg_kernel():
    return pl.kernel(
        _agg_body,
        out_type=jax.ShapeDtypeStruct((NC, NP, H), f32),
        mesh=_sc_mesh(),
        scratch_types=(
            [pltpu.VMEM((ECH,), i32) for _ in range(2 * _NBUF)]
            + [pltpu.VMEM((ECH, H), f32) for _ in range(_NBUF)]
            + [pltpu.VMEM_SHARED((NP, H), f32)]
            + [pltpu.SemaphoreType.DMA for _ in range(2 * _NBUF)]
        ),
    )


def _agg(x_p, src, dst, zz):
    return _agg_kernel()(x_p, src, dst, zz)


_ECH2 = 2000
_NCH = RPW // ECH


def _pool_body(h1s_hbm, np_hbm, src_hbm, dst_hbm,
               xnew_hbm, ns_hbm, nd_hbm, *refs):
    rows_v = refs[0:_NCH]
    npc_v = refs[_NCH:2 * _NCH]
    gsems = refs[2 * _NCH:3 * _NCH]
    wsems = refs[3 * _NCH:4 * _NCH]
    npos_v, sidx_v, didx_v, nsb_v, ndb_v = refs[4 * _NCH:]
    cid = lax.axis_index("c")
    sid = lax.axis_index("s")
    wid = cid * NS + sid

    nb = wid * RPW
    dh = []
    for b in range(_NCH):
        pltpu.sync_copy(np_hbm.at[pl.ds(nb + b * ECH, ECH)], npc_v[b])
        dh.append(pltpu.async_copy(h1s_hbm.at[pl.ds(nb + b * ECH, ECH)],
                                   rows_v[b], gsems[b]))
    ws = []
    for b in range(_NCH):
        dh[b].wait()
        ws.append(pltpu.async_copy(rows_v[b], xnew_hbm.at[npc_v[b]],
                                   wsems[b]))
    for w in ws:
        w.wait()

    pltpu.sync_copy(np_hbm, npos_v)
    eb = wid * EPW

    @pl.loop(0, EPW // _ECH2)
    def _echunk(c):
        pltpu.sync_copy(src_hbm.at[pl.ds(eb + c * _ECH2, _ECH2)], sidx_v)
        pltpu.sync_copy(dst_hbm.at[pl.ds(eb + c * _ECH2, _ECH2)], didx_v)

        @pl.loop(0, _ECH2 // 16)
        def _vec(k):
            s16 = sidx_v[pl.ds(k * 16, 16)]
            d16 = didx_v[pl.ds(k * 16, 16)]
            ps = plsc.load_gather(npos_v, [s16])
            pd = plsc.load_gather(npos_v, [d16])
            valid = (ps < SENT) & (pd < SENT)
            nsb_v[pl.ds(k * 16, 16)] = jnp.where(valid, ps, SENT + (s16 & 127))
            ndb_v[pl.ds(k * 16, 16)] = jnp.where(valid, pd, SENT + (d16 & 127))

        pltpu.sync_copy(nsb_v, ns_hbm.at[pl.ds(eb + c * _ECH2, _ECH2)])
        pltpu.sync_copy(ndb_v, nd_hbm.at[pl.ds(eb + c * _ECH2, _ECH2)])


@functools.cache
def _pool_kernel():
    return pl.kernel(
        _pool_body,
        out_type=(
            jax.ShapeDtypeStruct((NP, H), f32),
            jax.ShapeDtypeStruct((E,), i32),
            jax.ShapeDtypeStruct((E,), i32),
        ),
        mesh=_sc_mesh(),
        compiler_params=pltpu.CompilerParams(needs_layout_passes=False),
        scratch_types=(
            [pltpu.VMEM((ECH, H), f32) for _ in range(_NCH)]
            + [pltpu.VMEM((ECH,), i32) for _ in range(_NCH)]
            + [pltpu.SemaphoreType.DMA for _ in range(2 * _NCH)]
            + [
                pltpu.VMEM((NP,), i32),
                pltpu.VMEM((_ECH2,), i32),
                pltpu.VMEM((_ECH2,), i32),
                pltpu.VMEM((_ECH2,), i32),
                pltpu.VMEM((_ECH2,), i32),
            ]
        ),
    )


def _pool(h1s, npos, src, dst):
    return _pool_kernel()(h1s, npos, src, dst)


def _counts_body(b_ref, out_ref):
    i = pl.program_id(0)

    @pl.when(i == 0)
    def _():
        out_ref[...] = jnp.zeros_like(out_ref)

    b = b_ref[0]
    gcol = lax.broadcasted_iota(i32, (G, 128), 0).astype(f32)
    eq = (jnp.broadcast_to(b, (G, 128)) == gcol).astype(f32)
    out_ref[...] += jnp.sum(eq, axis=1, keepdims=True)


def _counts(batch_f):
    return pl.pallas_call(
        _counts_body,
        grid=(NP // 128,),
        in_specs=[pl.BlockSpec((1, 1, 128), lambda i: (i, 0, 0))],
        out_specs=pl.BlockSpec((G, 1), lambda i: (0, 0)),
        out_shape=jax.ShapeDtypeStruct((G, 1), f32),
    )(batch_f)


R = 1024


def _mlp_body(lo_ref, hi_ref, x_ref, p0_ref, p1_ref, w1_ref, w2_ref, c_ref,
              h_ref, xs_ref):
    i = pl.program_id(0)
    t = x_ref[...] + p0_ref[...] + p1_ref[...]
    a = jnp.dot(t, w1_ref[...], preferred_element_type=f32) + c_ref[0:1, :]
    a = jnp.maximum(a, 0.0)
    a = jnp.dot(a, w2_ref[...], preferred_element_type=f32) + c_ref[1:2, :]
    a = jnp.maximum(a, 0.0)
    h = jnp.maximum(a * (c_ref[2:3, :] * _BN_SCALE) + c_ref[3:4, :], 0.0)
    h_ref[...] = h

    p = lax.broadcasted_iota(i32, (R, G), 0).astype(f32) + (i * R).astype(f32)
    oh = ((p >= lo_ref[...]) & (p < hi_ref[...])).astype(f32)
    vmask = jnp.sum(oh, axis=1, keepdims=True) > 0.0
    hm = jnp.where(vmask, h, 0.0)
    contrib = lax.dot_general(oh, hm, (((0,), (0,)), ((), ())),
                              preferred_element_type=f32)

    @pl.when(i == 0)
    def _():
        xs_ref[...] = jnp.zeros_like(xs_ref)

    xs_ref[...] += contrib


def _mlp(xin, p0, p1, w1, b1, w2, b2, g, be, lo, hi):
    cvec = jnp.stack([b1, b2, g, be], axis=0)
    return pl.pallas_call(
        _mlp_body,
        grid=(NP // R,),
        in_specs=[
            pl.BlockSpec((1, G), lambda i: (0, 0)),
            pl.BlockSpec((1, G), lambda i: (0, 0)),
            pl.BlockSpec((R, H), lambda i: (i, 0)),
            pl.BlockSpec((R, H), lambda i: (i, 0)),
            pl.BlockSpec((R, H), lambda i: (i, 0)),
            pl.BlockSpec((H, H), lambda i: (0, 0)),
            pl.BlockSpec((H, H), lambda i: (0, 0)),
            pl.BlockSpec((4, H), lambda i: (0, 0)),
        ],
        out_specs=[
            pl.BlockSpec((R, H), lambda i: (i, 0)),
            pl.BlockSpec((G, H), lambda i: (0, 0)),
        ],
        out_shape=[
            jax.ShapeDtypeStruct((NP, H), f32),
            jax.ShapeDtypeStruct((G, H), f32),
        ],
    )(lo, hi, xin, p0, p1, w1, w2, cvec)


def _rank_body(batch_s, ptr_s, h_ref, w_ref, loc_ref, hic_ref, lor_ref,
               hir_ref, kt_ref, pnt_ref, np_ref, h1s_ref):
    ic = pl.program_id(0)
    w = w_ref[...]
    nrm = jnp.sqrt(jnp.sum(w * w)) + 1e-16

    hi_blk = h_ref[pl.ds(ic * 128, 128), :]
    s_col = jnp.tanh(jnp.dot(hi_blk, w, preferred_element_type=f32) / nrm)
    h1s_ref[...] = hi_blk * s_col
    eyeb = (lax.broadcasted_iota(i32, (128, 128), 0)
            == lax.broadcasted_iota(i32, (128, 128), 1))
    s_row = jnp.max(jnp.where(eyeb, jnp.broadcast_to(s_col, (128, 128)),
                              -jnp.inf), axis=0, keepdims=True)

    p_i = lax.broadcasted_iota(i32, (G, 128), 1).astype(f32) + (ic * 128).astype(f32)
    ohi = ((p_i >= loc_ref[...]) & (p_i < hic_ref[...])).astype(f32)
    gcol = lax.broadcasted_iota(i32, (G, 128), 0).astype(f32)
    anyi = jnp.sum(ohi, axis=0, keepdims=True)
    bi_row = jnp.sum(ohi * gcol, axis=0, keepdims=True) + (1.0 - anyi) * 64.0
    k_i = jnp.sum(ohi * kt_ref[...], axis=0, keepdims=True)
    pn_i = jnp.sum(ohi * pnt_ref[...], axis=0, keepdims=True)

    idx_i = lax.broadcasted_iota(i32, (128, 128), 1) + ic * 128

    glo = jnp.minimum(batch_s[ic * 128], 63)
    ghi = jnp.minimum(batch_s[jnp.minimum(ic * 128 + 127, N - 1)], 63)
    jlo = ptr_s[glo] // 128
    jhi = (ptr_s[ghi + 1] + 127) // 128

    def jbody(jc, cnt):
        hj = h_ref[pl.ds(jc * 128, 128), :]
        sj = jnp.tanh(jnp.dot(hj, w, preferred_element_type=f32) / nrm)
        p_j = lax.broadcasted_iota(i32, (128, G), 0).astype(f32) + (jc * 128).astype(f32)
        ohj = ((p_j >= lor_ref[...]) & (p_j < hir_ref[...])).astype(f32)
        grow = lax.broadcasted_iota(i32, (128, G), 1).astype(f32)
        anyj = jnp.sum(ohj, axis=1, keepdims=True)
        bj = jnp.sum(ohj * grow, axis=1, keepdims=True) + (1.0 - anyj) * 64.0
        idx_j = lax.broadcasted_iota(i32, (128, 128), 0) + jc * 128
        m = (bj == bi_row) & ((sj > s_row) | ((sj == s_row) & (idx_j < idx_i)))
        return cnt + jnp.sum(m.astype(f32), axis=0, keepdims=True)

    cnt = lax.fori_loop(jlo, jhi, jbody, jnp.zeros((1, 128), f32))

    kept = cnt < k_i
    lane = lax.broadcasted_iota(i32, (1, 128), 1).astype(f32)
    np_ref[0] = jnp.where(kept, pn_i + cnt, jnp.float32(SENT) + lane)


def _rank(batch_p, ptr, h1, w, loc, hic, lor, hir, ktab, pntab):
    grid_spec = pltpu.PrefetchScalarGridSpec(
        num_scalar_prefetch=2,
        grid=(NP // 128,),
        in_specs=[
            pl.BlockSpec((NP, H), lambda ic, *_: (0, 0)),
            pl.BlockSpec((H, 1), lambda ic, *_: (0, 0)),
            pl.BlockSpec((G, 1), lambda ic, *_: (0, 0)),
            pl.BlockSpec((G, 1), lambda ic, *_: (0, 0)),
            pl.BlockSpec((1, G), lambda ic, *_: (0, 0)),
            pl.BlockSpec((1, G), lambda ic, *_: (0, 0)),
            pl.BlockSpec((G, 1), lambda ic, *_: (0, 0)),
            pl.BlockSpec((G, 1), lambda ic, *_: (0, 0)),
        ],
        out_specs=[
            pl.BlockSpec((1, 1, 128), lambda ic, *_: (ic, 0, 0)),
            pl.BlockSpec((128, H), lambda ic, *_: (ic, 0)),
        ],
    )
    return pl.pallas_call(
        _rank_body,
        grid_spec=grid_spec,
        out_shape=[
            jax.ShapeDtypeStruct((NP // 128, 1, 128), f32),
            jax.ShapeDtypeStruct((NP, H), f32),
        ],
    )(batch_p, ptr, h1, w, loc, hic, lor, hir, ktab, pntab)


def _head_body(xs0, xs1, xs2, xs3, c0, c1, wl1, bl1, wf1, bf1, g1, be1,
               wf2, bf2, g2, be2, wl2, bl2, out_ref):
    ic0 = 1.0 / jnp.maximum(c0[...], 1.0)
    ic1 = 1.0 / jnp.maximum(c1[...], 1.0)
    z = (jnp.dot(xs0[...] * ic0, wl1[0:H, :], preferred_element_type=f32)
         + jnp.dot(xs1[...] * ic0, wl1[H:2 * H, :], preferred_element_type=f32)
         + jnp.dot(xs2[...] * ic1, wl1[2 * H:3 * H, :], preferred_element_type=f32)
         + jnp.dot(xs3[...] * ic1, wl1[3 * H:4 * H, :], preferred_element_type=f32))
    z = jnp.maximum(z + bl1[...], 0.0)
    z = jnp.maximum(jnp.dot(z, wf1[...], preferred_element_type=f32) + bf1[...], 0.0)
    z = z * (g1[...] * _BN_SCALE) + be1[...]
    z = jnp.maximum(jnp.dot(z, wf2[...], preferred_element_type=f32) + bf2[...], 0.0)
    z = z * (g2[...] * _BN_SCALE) + be2[...]
    logits = jnp.dot(z, wl2[...], preferred_element_type=f32) + bl2[...]
    m = jnp.max(logits, axis=1, keepdims=True)
    s = logits - m
    lse = jnp.log(jnp.sum(jnp.exp(s), axis=1, keepdims=True))
    out_ref[...] = s - lse


def _head(xs, c0, c1, p):
    args = (xs[0], xs[1], xs[2], xs[3], c0, c1,
            p["lin1_W"], p["lin1_b"][None, :],
            p["fc1_W"], p["fc1_b"][None, :], p["bn1_g"][None, :], p["bn1_b"][None, :],
            p["fc2_W"], p["fc2_b"][None, :], p["bn2_g"][None, :], p["bn2_b"][None, :],
            p["lin2_W"], p["lin2_b"][None, :])
    return pl.pallas_call(
        _head_body,
        out_shape=jax.ShapeDtypeStruct((G, 10), f32),
    )(*args)


def kernel(x, params, edge_index, batch):
    p = params
    src = edge_index[0]
    dst = edge_index[1]
    x_p = jnp.pad(x, ((0, NP - N), (0, 0)))
    batch_p = jnp.pad(batch, (0, NP - N), constant_values=G)
    batch_f = batch_p.reshape(NP // 128, 1, 128).astype(f32)

    counts_f = _counts(batch_f)
    counts = counts_f[:, 0].astype(i32)
    k_ = (4 * counts + 4) // 5
    ptr = jnp.concatenate([jnp.zeros((1,), i32), jnp.cumsum(counts)])
    ptr_new = jnp.concatenate([jnp.zeros((1,), i32), jnp.cumsum(k_)])

    lo0c = ptr[:G].astype(f32)[:, None]
    hi0c = ptr[1:G + 1].astype(f32)[:, None]
    lo0r = lo0c.T
    hi0r = hi0c.T
    loNc = ptr_new[:G].astype(f32)[:, None]
    hiNc = (ptr_new[:G] + k_).astype(f32)[:, None]
    loNr = loNc.T
    hiNr = hiNc.T
    ktab = k_.astype(f32)[:, None]
    pntab = ptr_new[:G].astype(f32)[:, None]

    zz = jnp.zeros((RPT, H), f32)

    pa = _agg(x_p, src, dst, zz)
    h0, xs0 = _mlp(x_p, pa[0], pa[1], p["conv0_W1"], p["conv0_b1"],
                   p["conv0_W2"], p["conv0_b2"], p["conv0_g"], p["conv0_be"],
                   lo0r, hi0r)
    pb = _agg(h0, src, dst, zz)
    h1, xs1 = _mlp(h0, pb[0], pb[1], p["conv1_W1"], p["conv1_b1"],
                   p["conv1_W2"], p["conv1_b2"], p["conv1_g"], p["conv1_be"],
                   lo0r, hi0r)

    npf, h1s = _rank(batch_p, ptr, h1, p["pool0_w"][:, None],
                     lo0c, hi0c, lo0r, hi0r, ktab, pntab)
    npos = npf.reshape(NP).astype(i32)

    xnew, nsrc, ndst = _pool(h1s, npos, src, dst)

    pc = _agg(xnew, nsrc, ndst, zz)
    h2, xs2 = _mlp(xnew, pc[0], pc[1], p["conv2_W1"], p["conv2_b1"],
                   p["conv2_W2"], p["conv2_b2"], p["conv2_g"], p["conv2_be"],
                   loNr, hiNr)
    pd = _agg(h2, nsrc, ndst, zz)
    h3, xs3 = _mlp(h2, pd[0], pd[1], p["conv3_W1"], p["conv3_b1"],
                   p["conv3_W2"], p["conv3_b2"], p["conv3_g"], p["conv3_be"],
                   loNr, hiNr)

    return _head((xs0, xs1, xs2, xs3), counts_f, ktab, p)

# --- scband reference (transcript-rebuilt; emitter-appended) ---
"""Pipeline reference for scband-ginwith-top-k-21277267984632 (READ-ONLY COPY).

The authoritative reference and input builder live on the scoring server;
editing this copy changes nothing except your own understanding.
"""

import jax, jax.numpy as jnp
import numpy as np
import math

N_NODES = 10000
N_EDGES = 320000
N_GRAPHS = 64
HIDDEN = 128
NUM_FEATURES = 128
NUM_CLASSES = 10
RATIO = 0.8
BN_EPS = 1e-5


def _make_params(key):
    p = {}
    keys = iter(jax.random.split(key, 64))

    def lin(fan_in, fan_out):
        w = jax.random.normal(next(keys), (fan_in, fan_out), jnp.float32) / np.sqrt(fan_in)
        return w, jnp.zeros((fan_out,), jnp.float32)

    for li in range(4):
        fi = NUM_FEATURES if li == 0 else HIDDEN
        p[f"conv{li}_W1"], p[f"conv{li}_b1"] = lin(fi, HIDDEN)
        p[f"conv{li}_W2"], p[f"conv{li}_b2"] = lin(HIDDEN, HIDDEN)
        p[f"conv{li}_g"] = jnp.ones((HIDDEN,), jnp.float32)
        p[f"conv{li}_be"] = jnp.zeros((HIDDEN,), jnp.float32)
    p["pool0_w"] = jax.random.normal(next(keys), (HIDDEN,), jnp.float32)
    p["lin1_W"], p["lin1_b"] = lin(4 * HIDDEN, HIDDEN)
    p["fc1_W"], p["fc1_b"] = lin(HIDDEN, 32)
    p["bn1_g"] = jnp.ones((32,), jnp.float32)
    p["bn1_b"] = jnp.zeros((32,), jnp.float32)
    p["fc2_W"], p["fc2_b"] = lin(32, 512)
    p["bn2_g"] = jnp.ones((512,), jnp.float32)
    p["bn2_b"] = jnp.zeros((512,), jnp.float32)
    p["lin2_W"], p["lin2_b"] = lin(512, NUM_CLASSES)
    return p


def setup_inputs(seed: int = 0):
    key = jax.random.key(seed)
    k1, k2, k3, k4 = jax.random.split(key, 4)
    x = jax.random.normal(k1, (N_NODES, NUM_FEATURES), jnp.float32)
    edge_index = jax.random.randint(k2, (2, N_EDGES), 0, N_NODES, dtype=jnp.int32)
    batch = jnp.sort(jax.random.randint(k3, (N_NODES,), 0, N_GRAPHS, dtype=jnp.int32))
    params = _make_params(k4)
    return {"x": x, "params": params, "edge_index": edge_index, "batch": batch}


def _bn_eval(h, g, b):
    # BatchNorm1d in eval mode with default running stats (mean=0, var=1)
    return g * h / np.sqrt(1.0 + BN_EPS) + b


def _gin(x, src, dst, n, p, pref):
    # GINConv, eps=0: MLP(x + sum_{j->i} x_j). Pad row n is a zero sink for invalid (dropped) edges.
    xp = jnp.concatenate([x, jnp.zeros((1, x.shape[1]), x.dtype)], axis=0)
    agg = jax.ops.segment_sum(xp[src], dst, num_segments=n + 1)[:n]
    h = x + agg
    h = jax.nn.relu(h @ p[pref + "_W1"] + p[pref + "_b1"])
    h = jax.nn.relu(h @ p[pref + "_W2"] + p[pref + "_b2"])
    return _bn_eval(h, p[pref + "_g"], p[pref + "_be"])


def _topk_pool(x, w, src, dst, batch, ptr, ptr_new, k):
    # PyG TopKPooling: score = tanh((x*w).sum(-1)/||w||); top ceil(ratio*n_g) per graph; x = x[perm]*score[perm]
    score = jnp.tanh((x @ w) / (jnp.linalg.norm(w) + 1e-16))
    o1 = jnp.argsort(-score, stable=True)
    order = o1[jnp.argsort(batch[o1], stable=True)]
    rank = jnp.arange(N_NODES, dtype=jnp.int32) - ptr[batch]
    kept = rank < k[batch]
    newpos = jnp.where(kept, ptr_new[batch] + rank, N_NODES)
    vals = x[order] * score[order][:, None]
    x_new = jnp.zeros((N_NODES + 1, x.shape[1]), x.dtype).at[newpos].set(vals)[:N_NODES]
    keep = jnp.zeros((N_NODES,), bool).at[order].set(kept)
    relabel = jnp.zeros((N_NODES,), jnp.int32).at[order].set(newpos)
    batch_new = jnp.full((N_NODES + 1,), N_GRAPHS, jnp.int32).at[newpos].set(batch)[:N_NODES]
    valid = keep[src] & keep[dst]
    new_src = jnp.where(valid, relabel[src], N_NODES)
    new_dst = jnp.where(valid, relabel[dst], N_NODES)
    return x_new, new_src, new_dst, batch_new


def _forward(x, params, edge_index, batch):
    counts = jax.ops.segment_sum(jnp.ones((N_NODES,), jnp.int32), batch, num_segments=N_GRAPHS)
    ptr = jnp.concatenate([jnp.zeros((1,), jnp.int32), jnp.cumsum(counts)])
    k = (4 * counts + 4) // 5
    ptr_new = jnp.concatenate([jnp.zeros((1,), jnp.int32), jnp.cumsum(k)])
    src = edge_index[0]
    dst = edge_index[1]
    seg0 = batch
    c0 = jnp.maximum(counts, 1).astype(jnp.float32)[:, None]
    c1 = jnp.maximum(k, 1).astype(jnp.float32)[:, None]

    h = jax.nn.relu(_gin(x, src, dst, N_NODES, params, "conv0"))
    xs = [jax.ops.segment_sum(h, seg0, num_segments=N_GRAPHS) / c0]
    # convs[0] (i=0)
    h = jax.nn.relu(_gin(h, src, dst, N_NODES, params, "conv1"))
    xs.append(jax.ops.segment_sum(h, seg0, num_segments=N_GRAPHS) / c0)
    # pools[0] applied after i=0 (only pool actually used for num_layers=4)
    h, src2, dst2, seg1 = _topk_pool(h, params["pool0_w"], src, dst, batch, ptr, ptr_new, k)
    # convs[1] (i=1)
    h = jax.nn.relu(_gin(h, src2, dst2, N_NODES, params, "conv2"))
    xs.append(jax.ops.segment_sum(h, seg1, num_segments=N_GRAPHS + 1)[:N_GRAPHS] / c1)
    # convs[2] (i=2): i%2==0 but i >= len(convs)-1 so no pool
    h = jax.nn.relu(_gin(h, src2, dst2, N_NODES, params, "conv3"))
    xs.append(jax.ops.segment_sum(h, seg1, num_segments=N_GRAPHS + 1)[:N_GRAPHS] / c1)
    z = jnp.concatenate(xs, axis=1)  # JumpingKnowledge 'cat'
    z = jax.nn.relu(z @ params["lin1_W"] + params["lin1_b"])
    # dropout is identity in eval mode
    z = _bn_eval(jax.nn.relu(z @ params["fc1_W"] + params["fc1_b"]), params["bn1_g"], params["bn1_b"])
    z = _bn_eval(jax.nn.relu(z @ params["fc2_W"] + params["fc2_b"]), params["bn2_g"], params["bn2_b"])
    z = z @ params["lin2_W"] + params["lin2_b"]
    return jax.nn.log_softmax(z, axis=-1)


def reference(x, params, edge_index, batch):
    return _forward(x, params, edge_index, batch)

if __name__ == "__main__":
    import jax
    _d = setup_inputs()
    print(jax.jit(kernel)(*tuple(_d.values())))

</pallas_src>

<mosaic_0001>
#map = affine_map<(d0, d1) -> (0, 0)>
#map1 = affine_map<(d0, d1) -> (0)>
#map2 = affine_map<(d0, d1) -> (0, 0, 0)>
module attributes {stable_mosaic.version = 14 : i64} {
  func.func @_agg_body(%arg0: i32, %arg1: i32, %arg2: memref<10240x128xf32, #tpu.memory_space<hbm>>, %arg3: memref<320000xi32, #tpu.memory_space<hbm>>, %arg4: memref<320000xi32, #tpu.memory_space<hbm>>, %arg5: memref<640x128xf32, #tpu.memory_space<hbm>>, %arg6: memref<2x10240x128xf32, #tpu.memory_space<hbm>>, %arg7: memref<80xi32, #tpu.memory_space<vmem>>, %arg8: memref<80xi32, #tpu.memory_space<vmem>>, %arg9: memref<80xi32, #tpu.memory_space<vmem>>, %arg10: memref<80xi32, #tpu.memory_space<vmem>>, %arg11: memref<80xi32, #tpu.memory_space<vmem>>, %arg12: memref<80xi32, #tpu.memory_space<vmem>>, %arg13: memref<80xi32, #tpu.memory_space<vmem>>, %arg14: memref<80xi32, #tpu.memory_space<vmem>>, %arg15: memref<80x128xf32, #tpu.memory_space<vmem>>, %arg16: memref<80x128xf32, #tpu.memory_space<vmem>>, %arg17: memref<80x128xf32, #tpu.memory_space<vmem>>, %arg18: memref<80x128xf32, #tpu.memory_space<vmem>>, %arg19: memref<10240x128xf32, #tpu.memory_space<vmem_shared>>, %arg20: memref<!tpu.dma_semaphore, #tpu.memory_space<semaphore_mem>>, %arg21: memref<!tpu.dma_semaphore, #tpu.memory_space<semaphore_mem>>, %arg22: memref<!tpu.dma_semaphore, #tpu.memory_space<semaphore_mem>>, %arg23: memref<!tpu.dma_semaphore, #tpu.memory_space<semaphore_mem>>, %arg24: memref<!tpu.dma_semaphore, #tpu.memory_space<semaphore_mem>>, %arg25: memref<!tpu.dma_semaphore, #tpu.memory_space<semaphore_mem>>, %arg26: memref<!tpu.dma_semaphore, #tpu.memory_space<semaphore_mem>>, %arg27: memref<!tpu.dma_semaphore, #tpu.memory_space<semaphore_mem>>) attributes {dimension_semantics = [#tpu.dimension_semantics<core_parallel>, #tpu.dimension_semantics<subcore_parallel>], iteration_bounds = array<i64: 2, 16>, scalar_prefetch = 0 : i64, scratch_operands = 21 : i64, tpu.core_type = #tpu.core_type<sc_vector_subcore>, window_params = [{transform_indices = #map}, {transform_indices = #map1}, {transform_indices = #map1}, {transform_indices = #map}, {transform_indices = #map2}]} {
    %mul3A = arith.constant 640 : i32
    %mul3A_0 = arith.muli %arg1, %mul3A : i32
    "tpu.region"() ({
      %run_scoped3A = tpu.sem_alloc : memref<!tpu.dma_semaphore, #tpu.memory_space<semaphore_mem>>
      %dma_start3A_28 = arith.constant 0 : i32
      %dma_start3A_29 = tpu.memref_slice %arg19[%mul3A_0, %dma_start3A_28] : memref<10240x128xf32, #tpu.memory_space<vmem_shared>> -> memref<640x128xf32, #tpu.memory_space<vmem_shared>>
      tpu.enqueue_dma source(%arg5 : memref<640x128xf32, #tpu.memory_space<hbm>>) target(%dma_start3A_29 : memref<640x128xf32, #tpu.memory_space<vmem_shared>>) target_semaphore(%run_scoped3A : memref<!tpu.dma_semaphore, #tpu.memory_space<semaphore_mem>>)
      %dma_wait3A_30 = arith.constant 0 : i32
      %dma_wait3A_31 = tpu.memref_slice %arg19[%mul3A_0, %dma_wait3A_30] : memref<10240x128xf32, #tpu.memory_space<vmem_shared>> -> memref<640x128xf32, #tpu.memory_space<vmem_shared>>
      tpu.wait_dma2 semaphore(%run_scoped3A : memref<!tpu.dma_semaphore, #tpu.memory_space<semaphore_mem>>) src(%arg5 : memref<640x128xf32, #tpu.memory_space<hbm>>) dst(%dma_wait3A_31 : memref<640x128xf32, #tpu.memory_space<vmem_shared>>)
      tpu.yield
    }) : () -> ()
    %barrier3A = arith.constant 0 : index
    tpu.barrier barrier_id(%barrier3A)
    %mul3A_1 = arith.constant 16 : i32
    %mul3A_2 = arith.muli %arg0, %mul3A_1 : i32
    %add3A = arith.addi %mul3A_2, %arg1 : i32
    %mul3A_3 = arith.constant 10000 : i32
    %mul3A_4 = arith.muli %add3A, %mul3A_3 : i32
    %scan3A = arith.constant 0 : i32
    %scan3A_5 = arith.constant 31 : i32
    %scan3A_6 = arith.addi %scan3A, %scan3A_5 : i32
    %scan3A_7 = arith.constant 1 : i32
    scf.for %scan3A_28 = %scan3A to %scan3A_6 step %scan3A_7  : i32 {
      %mul3A_29 = arith.constant 1 : i32
      %mul3A_30 = arith.muli %scan3A_28, %mul3A_29 : i32
      %add3A_31 = arith.constant 0 : i32
      %add3A_32 = arith.addi %add3A_31, %mul3A_30 : i32
      %mul3A_33 = arith.constant 4 : i32
      %mul3A_34 = arith.muli %mul3A_33, %add3A_32 : i32
      %add3A_35 = arith.constant 0 : i32
      %add3A_36 = arith.addi %mul3A_34, %add3A_35 : i32
      %mul3A_37 = arith.constant 80 : i32
      %mul3A_38 = arith.muli %add3A_36, %mul3A_37 : i32
      %add3A_39 = arith.addi %mul3A_4, %mul3A_38 : i32
      "tpu.region"() ({
        %run_scoped3A = tpu.sem_alloc : memref<!tpu.dma_semaphore, #tpu.memory_space<semaphore_mem>>
        %dma_start3A_137 = tpu.memref_slice %arg3[%add3A_39] : memref<320000xi32, #tpu.memory_space<hbm>> -> memref<80xi32, #tpu.memory_space<hbm>>
        %dma_start3A_138 = tpu.memref_slice %arg3[%add3A_39] : memref<320000xi32, #tpu.memory_space<hbm>> -> memref<80xi32, #tpu.memory_space<hbm>>
        tpu.enqueue_dma source(%dma_start3A_138 : memref<80xi32, #tpu.memory_space<hbm>>) target(%arg7 : memref<80xi32, #tpu.memory_space<vmem>>) target_semaphore(%run_scoped3A : memref<!tpu.dma_semaphore, #tpu.memory_space<semaphore_mem>>)
        %dma_wait3A_139 = tpu.memref_slice %arg3[%add3A_39] : memref<320000xi32, #tpu.memory_space<hbm>> -> memref<80xi32, #tpu.memory_space<hbm>>
        %dma_wait3A_140 = tpu.memref_slice %arg3[%add3A_39] : memref<320000xi32, #tpu.memory_space<hbm>> -> memref<80xi32, #tpu.memory_space<hbm>>
        tpu.wait_dma2 semaphore(%run_scoped3A : memref<!tpu.dma_semaphore, #tpu.memory_space<semaphore_mem>>) src(%dma_wait3A_140 : memref<80xi32, #tpu.memory_space<hbm>>) dst(%arg7 : memref<80xi32, #tpu.memory_space<vmem>>)
        tpu.yield
      }) : () -> ()
      %dma_start3A_40 = arith.constant 0 : i32
      %dma_start3A_41 = arith.constant 0 : i32
      %dma_start3A_42 = tpu.memref_slice %arg2[%dma_start3A_40, %dma_start3A_41] : memref<10240x128xf32, #tpu.memory_space<hbm>> -> memref<10240x128xf32, #tpu.memory_space<hbm>>
      tpu.enqueue_indirect_dma source(%dma_start3A_42 : memref<10240x128xf32, #tpu.memory_space<hbm>>) target(%arg15 : memref<80x128xf32, #tpu.memory_space<vmem>>) offsets(%arg7 : memref<80xi32, #tpu.memory_space<vmem>>) semaphore(%arg20 : memref<!tpu.dma_semaphore, #tpu.memory_space<semaphore_mem>>)
      %mul3A_43 = arith.constant 4 : i32
      %mul3A_44 = arith.muli %mul3A_43, %add3A_32 : i32
      %add3A_45 = arith.constant 1 : i32
      %add3A_46 = arith.addi %mul3A_44, %add3A_45 : i32
      %mul3A_47 = arith.constant 80 : i32
      %mul3A_48 = arith.muli %add3A_46, %mul3A_47 : i32
      %add3A_49 = arith.addi %mul3A_4, %mul3A_48 : i32
      "tpu.region"() ({
        %run_scoped3A = tpu.sem_alloc : memref<!tpu.dma_semaphore, #tpu.memory_space<semaphore_mem>>
        %dma_start3A_137 = tpu.memref_slice %arg3[%add3A_49] : memref<320000xi32, #tpu.memory_space<hbm>> -> memref<80xi32, #tpu.memory_space<hbm>>
        %dma_start3A_138 = tpu.memref_slice %arg3[%add3A_49] : memref<320000xi32, #tpu.memory_space<hbm>> -> memref<80xi32, #tpu.memory_space<hbm>>
        tpu.enqueue_dma source(%dma_start3A_138 : memref<80xi32, #tpu.memory_space<hbm>>) target(%arg8 : memref<80xi32, #tpu.memory_space<vmem>>) target_semaphore(%run_scoped3A : memref<!tpu.dma_semaphore, #tpu.memory_space<semaphore_mem>>)
        %dma_wait3A_139 = tpu.memref_slice %arg3[%add3A_49] : memref<320000xi32, #tpu.memory_space<hbm>> -> memref<80xi32, #tpu.memory_space<hbm>>
        %dma_wait3A_140 = tpu.memref_slice %arg3[%add3A_49] : memref<320000xi32, #tpu.memory_space<hbm>> -> memref<80xi32, #tpu.memory_space<hbm>>
        tpu.wait_dma2 semaphore(%run_scoped3A : memref<!tpu.dma_semaphore, #tpu.memory_space<semaphore_mem>>) src(%dma_wait3A_140 : memref<80xi32, #tpu.memory_space<hbm>>) dst(%arg8 : memref<80xi32, #tpu.memory_space<vmem>>)
        tpu.yield
      }) : () -> ()
      %dma_start3A_50 = arith.constant 0 : i32
      %dma_start3A_51 = arith.constant 0 : i32
      %dma_start3A_52 = tpu.memref_slice %arg2[%dma_start3A_50, %dma_start3A_51] : memref<10240x128xf32, #tpu.memory_space<hbm>> -> memref<10240x128xf32, #tpu.memory_space<hbm>>
      tpu.enqueue_indirect_dma source(%dma_start3A_52 : memref<10240x128xf32, #tpu.memory_space<hbm>>) target(%arg16 : memref<80x128xf32, #tpu.memory_space<vmem>>) offsets(%arg8 : memref<80xi32, #tpu.memory_space<vmem>>) semaphore(%arg21 : memref<!tpu.dma_semaphore, #tpu.memory_space<semaphore_mem>>)
      %mul3A_53 = arith.constant 4 : i32
      %mul3A_54 = arith.muli %mul3A_53, %add3A_32 : i32
      %add3A_55 = arith.constant 2 : i32
      %add3A_56 = arith.addi %mul3A_54, %add3A_55 : i32
      %mul3A_57 = arith.constant 80 : i32
      %mul3A_58 = arith.muli %add3A_56, %mul3A_57 : i32
      %add3A_59 = arith.addi %mul3A_4, %mul3A_58 : i32
      "tpu.region"() ({
        %run_scoped3A = tpu.sem_alloc : memref<!tpu.dma_semaphore, #tpu.memory_space<semaphore_mem>>
        %dma_start3A_137 = tpu.memref_slice %arg3[%add3A_59] : memref<320000xi32, #tpu.memory_space<hbm>> -> memref<80xi32, #tpu.memory_space<hbm>>
        %dma_start3A_138 = tpu.memref_slice %arg3[%add3A_59] : memref<320000xi32, #tpu.memory_space<hbm>> -> memref<80xi32, #tpu.memory_space<hbm>>
        tpu.enqueue_dma source(%dma_start3A_138 : memref<80xi32, #tpu.memory_space<hbm>>) target(%arg9 : memref<80xi32, #tpu.memory_space<vmem>>) target_semaphore(%run_scoped3A : memref<!tpu.dma_semaphore, #tpu.memory_space<semaphore_mem>>)
        %dma_wait3A_139 = tpu.memref_slice %arg3[%add3A_59] : memref<320000xi32, #tpu.memory_space<hbm>> -> memref<80xi32, #tpu.memory_space<hbm>>
        %dma_wait3A_140 = tpu.memref_slice %arg3[%add3A_59] : memref<320000xi32, #tpu.memory_space<hbm>> -> memref<80xi32, #tpu.memory_space<hbm>>
        tpu.wait_dma2 semaphore(%run_scoped3A : memref<!tpu.dma_semaphore, #tpu.memory_space<semaphore_mem>>) src(%dma_wait3A_140 : memref<80xi32, #tpu.memory_space<hbm>>) dst(%arg9 : memref<80xi32, #tpu.memory_space<vmem>>)
        tpu.yield
      }) : () -> ()
      %dma_start3A_60 = arith.constant 0 : i32
      %dma_start3A_61 = arith.constant 0 : i32
      %dma_start3A_62 = tpu.memref_slice %arg2[%dma_start3A_60, %dma_start3A_61] : memref<10240x128xf32, #tpu.memory_space<hbm>> -> memref<10240x128xf32, #tpu.memory_space<hbm>>
      tpu.enqueue_indirect_dma source(%dma_start3A_62 : memref<10240x128xf32, #tpu.memory_space<hbm>>) target(%arg17 : memref<80x128xf32, #tpu.memory_space<vmem>>) offsets(%arg9 : memref<80xi32, #tpu.memory_space<vmem>>) semaphore(%arg22 : memref<!tpu.dma_semaphore, #tpu.memory_space<semaphore_mem>>)
      %mul3A_63 = arith.constant 4 : i32
      %mul3A_64 = arith.muli %mul3A_63, %add3A_32 : i32
      %add3A_65 = arith.constant 3 : i32
      %add3A_66 = arith.addi %mul3A_64, %add3A_65 : i32
      %mul3A_67 = arith.constant 80 : i32
      %mul3A_68 = arith.muli %add3A_66, %mul3A_67 : i32
      %add3A_69 = arith.addi %mul3A_4, %mul3A_68 : i32
      "tpu.region"() ({
        %run_scoped3A = tpu.sem_alloc : memref<!tpu.dma_semaphore, #tpu.memory_space<semaphore_mem>>
        %dma_start3A_137 = tpu.memref_slice %arg3[%add3A_69] : memref<320000xi32, #tpu.memory_space<hbm>> -> memref<80xi32, #tpu.memory_space<hbm>>
        %dma_start3A_138 = tpu.memref_slice %arg3[%add3A_69] : memref<320000xi32, #tpu.memory_space<hbm>> -> memref<80xi32, #tpu.memory_space<hbm>>
        tpu.enqueue_dma source(%dma_start3A_138 : memref<80xi32, #tpu.memory_space<hbm>>) target(%arg10 : memref<80xi32, #tpu.memory_space<vmem>>) target_semaphore(%run_scoped3A : memref<!tpu.dma_semaphore, #tpu.memory_space<semaphore_mem>>)
        %dma_wait3A_139 = tpu.memref_slice %arg3[%add3A_69] : memref<320000xi32, #tpu.memory_space<hbm>> -> memref<80xi32, #tpu.memory_space<hbm>>
        %dma_wait3A_140 = tpu.memref_slice %arg3[%add3A_69] : memref<320000xi32, #tpu.memory_space<hbm>> -> memref<80xi32, #tpu.memory_space<hbm>>
        tpu.wait_dma2 semaphore(%run_scoped3A : memref<!tpu.dma_semaphore, #tpu.memory_space<semaphore_mem>>) src(%dma_wait3A_140 : memref<80xi32, #tpu.memory_space<hbm>>) dst(%arg10 : memref<80xi32, #tpu.memory_space<vmem>>)
        tpu.yield
      }) : () -> ()
      %dma_start3A_70 = arith.constant 0 : i32
      %dma_start3A_71 = arith.constant 0 : i32
      %dma_start3A_72 = tpu.memref_slice %arg2[%dma_start3A_70, %dma_start3A_71] : memref<10240x128xf32, #tpu.memory_space<hbm>> -> memref<10240x128xf32, #tpu.memory_space<hbm>>
      tpu.enqueue_indirect_dma source(%dma_start3A_72 : memref<10240x128xf32, #tpu.memory_space<hbm>>) target(%arg18 : memref<80x128xf32, #tpu.memory_space<vmem>>) offsets(%arg10 : memref<80xi32, #tpu.memory_space<vmem>>) semaphore(%arg23 : memref<!tpu.dma_semaphore, #tpu.memory_space<semaphore_mem>>)
      %dma_wait3A_73 = arith.constant 0 : i32
      %dma_wait3A_74 = arith.constant 0 : i32
      %dma_wait3A_75 = tpu.memref_slice %arg2[%dma_wait3A_73, %dma_wait3A_74] : memref<10240x128xf32, #tpu.memory_space<hbm>> -> memref<10240x128xf32, #tpu.memory_space<hbm>>
      tpu.wait_indirect_dma semaphore(%arg20 : memref<!tpu.dma_semaphore, #tpu.memory_space<semaphore_mem>>) src(%dma_wait3A_75 : memref<10240x128xf32, #tpu.memory_space<hbm>>) dst(%arg15 : memref<80x128xf32, #tpu.memory_space<vmem>>)
      %mul3A_76 = arith.constant 4 : i32
      %mul3A_77 = arith.muli %mul3A_76, %add3A_32 : i32
      %add3A_78 = arith.constant 0 : i32
      %add3A_79 = arith.addi %mul3A_77, %add3A_78 : i32
      %mul3A_80 = arith.constant 80 : i32
      %mul3A_81 = arith.muli %add3A_79, %mul3A_80 : i32
      %add3A_82 = arith.addi %mul3A_4, %mul3A_81 : i32
      "tpu.region"() ({
        %run_scoped3A = tpu.sem_alloc : memref<!tpu.dma_semaphore, #tpu.memory_space<semaphore_mem>>
        %dma_start3A_137 = tpu.memref_slice %arg4[%add3A_82] : memref<320000xi32, #tpu.memory_space<hbm>> -> memref<80xi32, #tpu.memory_space<hbm>>
        %dma_start3A_138 = tpu.memref_slice %arg4[%add3A_82] : memref<320000xi32, #tpu.memory_space<hbm>> -> memref<80xi32, #tpu.memory_space<hbm>>
        tpu.enqueue_dma source(%dma_start3A_138 : memref<80xi32, #tpu.memory_space<hbm>>) target(%arg11 : memref<80xi32, #tpu.memory_space<vmem>>) target_semaphore(%run_scoped3A : memref<!tpu.dma_semaphore, #tpu.memory_space<semaphore_mem>>)
        %dma_wait3A_139 = tpu.memref_slice %arg4[%add3A_82] : memref<320000xi32, #tpu.memory_space<hbm>> -> memref<80xi32, #tpu.memory_space<hbm>>
        %dma_wait3A_140 = tpu.memref_slice %arg4[%add3A_82] : memref<320000xi32, #tpu.memory_space<hbm>> -> memref<80xi32, #tpu.memory_space<hbm>>
        tpu.wait_dma2 semaphore(%run_scoped3A : memref<!tpu.dma_semaphore, #tpu.memory_space<semaphore_mem>>) src(%dma_wait3A_140 : memref<80xi32, #tpu.memory_space<hbm>>) dst(%arg11 : memref<80xi32, #tpu.memory_space<vmem>>)
        tpu.yield
      }) : () -> ()
      %dma_start3A_83 = arith.constant 0 : i32
      %dma_start3A_84 = arith.constant 0 : i32
      %dma_start3A_85 = tpu.memref_slice %arg19[%dma_start3A_83, %dma_start3A_84] : memref<10240x128xf32, #tpu.memory_space<vmem_shared>> -> memref<10240x128xf32, #tpu.memory_space<vmem_shared>>
      tpu.enqueue_indirect_dma source(%arg15 : memref<80x128xf32, #tpu.memory_space<vmem>>) target(%dma_start3A_85 : memref<10240x128xf32, #tpu.memory_space<vmem_shared>>) offsets(%arg11 : memref<80xi32, #tpu.memory_space<vmem>>) semaphore(%arg24 : memref<!tpu.dma_semaphore, #tpu.memory_space<semaphore_mem>>) {add = true}
      %dma_wait3A_86 = arith.constant 0 : i32
      %dma_wait3A_87 = arith.constant 0 : i32
      %dma_wait3A_88 = tpu.memref_slice %arg2[%dma_wait3A_86, %dma_wait3A_87] : memref<10240x128xf32, #tpu.memory_space<hbm>> -> memref<10240x128xf32, #tpu.memory_space<hbm>>
      tpu.wait_indirect_dma semaphore(%arg21 : memref<!tpu.dma_semaphore, #tpu.memory_space<semaphore_mem>>) src(%dma_wait3A_88 : memref<10240x128xf32, #tpu.memory_space<hbm>>) dst(%arg16 : memref<80x128xf32, #tpu.memory_space<vmem>>)
      %mul3A_89 = arith.constant 4 : i32
      %mul3A_90 = arith.muli %mul3A_89, %add3A_32 : i32
      %add3A_91 = arith.constant 1 : i32
      %add3A_92 = arith.addi %mul3A_90, %add3A_91 : i32
      %mul3A_93 = arith.constant 80 : i32
      %mul3A_94 = arith.muli %add3A_92, %mul3A_93 : i32
      %add3A_95 = arith.addi %mul3A_4, %mul3A_94 : i32
      "tpu.region"() ({
        %run_scoped3A = tpu.sem_alloc : memref<!tpu.dma_semaphore, #tpu.memory_space<semaphore_mem>>
        %dma_start3A_137 = tpu.memref_slice %arg4[%add3A_95] : memref<320000xi32, #tpu.memory_space<hbm>> -> memref<80xi32, #tpu.memory_space<hbm>>
        %dma_start3A_138 = tpu.memref_slice %arg4[%add3A_95] : memref<320000xi32, #tpu.memory_space<hbm>> -> memref<80xi32, #tpu.memory_space<hbm>>
        tpu.enqueue_dma source(%dma_start3A_138 : memref<80xi32, #tpu.memory_space<hbm>>) target(%arg12 : memref<80xi32, #tpu.memory_space<vmem>>) target_semaphore(%run_scoped3A : memref<!tpu.dma_semaphore, #tpu.memory_space<semaphore_mem>>)
        %dma_wait3A_139 = tpu.memref_slice %arg4[%add3A_95] : memref<320000xi32, #tpu.memory_space<hbm>> -> memref<80xi32, #tpu.memory_space<hbm>>
        %dma_wait3A_140 = tpu.memref_slice %arg4[%add3A_95] : memref<320000xi32, #tpu.memory_space<hbm>> -> memref<80xi32, #tpu.memory_space<hbm>>
        tpu.wait_dma2 semaphore(%run_scoped3A : memref<!tpu.dma_semaphore, #tpu.memory_space<semaphore_mem>>) src(%dma_wait3A_140 : memref<80xi32, #tpu.memory_space<hbm>>) dst(%arg12 : memref<80xi32, #tpu.memory_space<vmem>>)
        tpu.yield
      }) : () -> ()
      %dma_start3A_96 = arith.constant 0 : i32
      %dma_start3A_97 = arith.constant 0 : i32
      %dma_start3A_98 = tpu.memref_slice %arg19[%dma_start3A_96, %dma_start3A_97] : memref<10240x128xf32, #tpu.memory_space<vmem_shared>> -> memref<10240x128xf32, #tpu.memory_space<vmem_shared>>
      tpu.enqueue_indirect_dma source(%arg16 : memref<80x128xf32, #tpu.memory_space<vmem>>) target(%dma_start3A_98 : memref<10240x128xf32, #tpu.memory_space<vmem_shared>>) offsets(%arg12 : memref<80xi32, #tpu.memory_space<vmem>>) semaphore(%arg25 : memref<!tpu.dma_semaphore, #tpu.memory_space<semaphore_mem>>) {add = true}
      %dma_wait3A_99 = arith.constant 0 : i32
      %dma_wait3A_100 = arith.constant 0 : i32
      %dma_wait3A_101 = tpu.memref_slice %arg2[%dma_wait3A_99, %dma_wait3A_100] : memref<10240x128xf32, #tpu.memory_space<hbm>> -> memref<10240x128xf32, #tpu.memory_space<hbm>>
      tpu.wait_indirect_dma semaphore(%arg22 : memref<!tpu.dma_semaphore, #tpu.memory_space<semaphore_mem>>) src(%dma_wait3A_101 : memref<10240x128xf32, #tpu.memory_space<hbm>>) dst(%arg17 : memref<80x128xf32, #tpu.memory_space<vmem>>)
      %mul3A_102 = arith.constant 4 : i32
      %mul3A_103 = arith.muli %mul3A_102, %add3A_32 : i32
      %add3A_104 = arith.constant 2 : i32
      %add3A_105 = arith.addi %mul3A_103, %add3A_104 : i32
      %mul3A_106 = arith.constant 80 : i32
      %mul3A_107 = arith.muli %add3A_105, %mul3A_106 : i32
      %add3A_108 = arith.addi %mul3A_4, %mul3A_107 : i32
      "tpu.region"() ({
        %run_scoped3A = tpu.sem_alloc : memref<!tpu.dma_semaphore, #tpu.memory_space<semaphore_mem>>
        %dma_start3A_137 = tpu.memref_slice %arg4[%add3A_108] : memref<320000xi32, #tpu.memory_space<hbm>> -> memref<80xi32, #tpu.memory_space<hbm>>
        %dma_start3A_138 = tpu.memref_slice %arg4[%add3A_108] : memref<320000xi32, #tpu.memory_space<hbm>> -> memref<80xi32, #tpu.memory_space<hbm>>
        tpu.enqueue_dma source(%dma_start3A_138 : memref<80xi32, #tpu.memory_space<hbm>>) target(%arg13 : memref<80xi32, #tpu.memory_space<vmem>>) target_semaphore(%run_scoped3A : memref<!tpu.dma_semaphore, #tpu.memory_space<semaphore_mem>>)
        %dma_wait3A_139 = tpu.memref_slice %arg4[%add3A_108] : memref<320000xi32, #tpu.memory_space<hbm>> -> memref<80xi32, #tpu.memory_space<hbm>>
        %dma_wait3A_140 = tpu.memref_slice %arg4[%add3A_108] : memref<320000xi32, #tpu.memory_space<hbm>> -> memref<80xi32, #tpu.memory_space<hbm>>
        tpu.wait_dma2 semaphore(%run_scoped3A : memref<!tpu.dma_semaphore, #tpu.memory_space<semaphore_mem>>) src(%dma_wait3A_140 : memref<80xi32, #tpu.memory_space<hbm>>) dst(%arg13 : memref<80xi32, #tpu.memory_space<vmem>>)
        tpu.yield
      }) : () -> ()
      %dma_start3A_109 = arith.constant 0 : i32
      %dma_start3A_110 = arith.constant 0 : i32
      %dma_start3A_111 = tpu.memref_slice %arg19[%dma_start3A_109, %dma_start3A_110] : memref<10240x128xf32, #tpu.memory_space<vmem_shared>> -> memref<10240x128xf32, #tpu.memory_space<vmem_shared>>
      tpu.enqueue_indirect_dma source(%arg17 : memref<80x128xf32, #tpu.memory_space<vmem>>) target(%dma_start3A_111 : memref<10240x128xf32, #tpu.memory_space<vmem_shared>>) offsets(%arg13 : memref<80xi32, #tpu.memory_space<vmem>>) semaphore(%arg26 : memref<!tpu.dma_semaphore, #tpu.memory_space<semaphore_mem>>) {add = true}
      %dma_wait3A_112 = arith.constant 0 : i32
      %dma_wait3A_113 = arith.constant 0 : i32
      %dma_wait3A_114 = tpu.memref_slice %arg2[%dma_wait3A_112, %dma_wait3A_113] : memref<10240x128xf32, #tpu.memory_space<hbm>> -> memref<10240x128xf32, #tpu.memory_space<hbm>>
      tpu.wait_indirect_dma semaphore(%arg23 : memref<!tpu.dma_semaphore, #tpu.memory_space<semaphore_mem>>) src(%dma_wait3A_114 : memref<10240x128xf32, #tpu.memory_space<hbm>>) dst(%arg18 : memref<80x128xf32, #tpu.memory_space<vmem>>)
      %mul3A_115 = arith.constant 4 : i32
      %mul3A_116 = arith.muli %mul3A_115, %add3A_32 : i32
      %add3A_117 = arith.constant 3 : i32
      %add3A_118 = arith.addi %mul3A_116, %add3A_117 : i32
      %mul3A_119 = arith.constant 80 : i32
      %mul3A_120 = arith.muli %add3A_118, %mul3A_119 : i32
      %add3A_121 = arith.addi %mul3A_4, %mul3A_120 : i32
      "tpu.region"() ({
        %run_scoped3A = tpu.sem_alloc : memref<!tpu.dma_semaphore, #tpu.memory_space<semaphore_mem>>
        %dma_start3A_137 = tpu.memref_slice %arg4[%add3A_121] : memref<320000xi32, #tpu.memory_space<hbm>> -> memref<80xi32, #tpu.memory_space<hbm>>
        %dma_start3A_138 = tpu.memref_slice %arg4[%add3A_121] : memref<320000xi32, #tpu.memory_space<hbm>> -> memref<80xi32, #tpu.memory_space<hbm>>
        tpu.enqueue_dma source(%dma_start3A_138 : memref<80xi32, #tpu.memory_space<hbm>>) target(%arg14 : memref<80xi32, #tpu.memory_space<vmem>>) target_semaphore(%run_scoped3A : memref<!tpu.dma_semaphore, #tpu.memory_space<semaphore_mem>>)
        %dma_wait3A_139 = tpu.memref_slice %arg4[%add3A_121] : memref<320000xi32, #tpu.memory_space<hbm>> -> memref<80xi32, #tpu.memory_space<hbm>>
        %dma_wait3A_140 = tpu.memref_slice %arg4[%add3A_121] : memref<320000xi32, #tpu.memory_space<hbm>> -> memref<80xi32, #tpu.memory_space<hbm>>
        tpu.wait_dma2 semaphore(%run_scoped3A : memref<!tpu.dma_semaphore, #tpu.memory_space<semaphore_mem>>) src(%dma_wait3A_140 : memref<80xi32, #tpu.memory_space<hbm>>) dst(%arg14 : memref<80xi32, #tpu.memory_space<vmem>>)
        tpu.yield
      }) : () -> ()
      %dma_start3A_122 = arith.constant 0 : i32
      %dma_start3A_123 = arith.constant 0 : i32
      %dma_start3A_124 = tpu.memref_slice %arg19[%dma_start3A_122, %dma_start3A_123] : memref<10240x128xf32, #tpu.memory_space<vmem_shared>> -> memref<10240x128xf32, #tpu.memory_space<vmem_shared>>
      tpu.enqueue_indirect_dma source(%arg18 : memref<80x128xf32, #tpu.memory_space<vmem>>) target(%dma_start3A_124 : memref<10240x128xf32, #tpu.memory_space<vmem_shared>>) offsets(%arg14 : memref<80xi32, #tpu.memory_space<vmem>>) semaphore(%arg27 : memref<!tpu.dma_semaphore, #tpu.memory_space<semaphore_mem>>) {add = true}
      %dma_wait3A_125 = arith.constant 0 : i32
      %dma_wait3A_126 = arith.constant 0 : i32
      %dma_wait3A_127 = tpu.memref_slice %arg19[%dma_wait3A_125, %dma_wait3A_126] : memref<10240x128xf32, #tpu.memory_space<vmem_shared>> -> memref<10240x128xf32, #tpu.memory_space<vmem_shared>>
      tpu.wait_indirect_dma semaphore(%arg24 : memref<!tpu.dma_semaphore, #tpu.memory_space<semaphore_mem>>) src(%arg15 : memref<80x128xf32, #tpu.memory_space<vmem>>) dst(%dma_wait3A_127 : memref<10240x128xf32, #tpu.memory_space<vmem_shared>>)
      %dma_wait3A_128 = arith.constant 0 : i32
      %dma_wait3A_129 = arith.constant 0 : i32
      %dma_wait3A_130 = tpu.memref_slice %arg19[%dma_wait3A_128, %dma_wait3A_129] : memref<10240x128xf32, #tpu.memory_space<vmem_shared>> -> memref<10240x128xf32, #tpu.memory_space<vmem_shared>>
      tpu.wait_indirect_dma semaphore(%arg25 : memref<!tpu.dma_semaphore, #tpu.memory_space<semaphore_mem>>) src(%arg16 : memref<80x128xf32, #tpu.memory_space<vmem>>) dst(%dma_wait3A_130 : memref<10240x128xf32, #tpu.memory_space<vmem_shared>>)
      %dma_wait3A_131 = arith.constant 0 : i32
      %dma_wait3A_132 = arith.constant 0 : i32
      %dma_wait3A_133 = tpu.memref_slice %arg19[%dma_wait3A_131, %dma_wait3A_132] : memref<10240x128xf32, #tpu.memory_space<vmem_shared>> -> memref<10240x128xf32, #tpu.memory_space<vmem_shared>>
      tpu.wait_indirect_dma semaphore(%arg26 : memref<!tpu.dma_semaphore, #tpu.memory_space<semaphore_mem>>) src(%arg17 : memref<80x128xf32, #tpu.memory_space<vmem>>) dst(%dma_wait3A_133 : memref<10240x128xf32, #tpu.memory_space<vmem_shared>>)
      %dma_wait3A_134 = arith.constant 0 : i32
      %dma_wait3A_135 = arith.constant 0 : i32
      %dma_wait3A_136 = tpu.memref_slice %arg19[%dma_wait3A_134, %dma_wait3A_135] : memref<10240x128xf32, #tpu.memory_space<vmem_shared>> -> memref<10240x128xf32, #tpu.memory_space<vmem_shared>>
      tpu.wait_indirect_dma semaphore(%arg27 : memref<!tpu.dma_semaphore, #tpu.memory_space<semaphore_mem>>) src(%arg18 : memref<80x128xf32, #tpu.memory_space<vmem>>) dst(%dma_wait3A_136 : memref<10240x128xf32, #tpu.memory_space<vmem_shared>>)
    }
    %scan3A_8 = arith.constant 31 : i32
    %add3A_9 = arith.constant 9920 : i32
    %add3A_10 = arith.addi %mul3A_4, %add3A_9 : i32
    "tpu.region"() ({
      %run_scoped3A = tpu.sem_alloc : memref<!tpu.dma_semaphore, #tpu.memory_space<semaphore_mem>>
      %dma_start3A_28 = tpu.memref_slice %arg3[%add3A_10] : memref<320000xi32, #tpu.memory_space<hbm>> -> memref<80xi32, #tpu.memory_space<hbm>>
      %dma_start3A_29 = tpu.memref_slice %arg3[%add3A_10] : memref<320000xi32, #tpu.memory_space<hbm>> -> memref<80xi32, #tpu.memory_space<hbm>>
      tpu.enqueue_dma source(%dma_start3A_29 : memref<80xi32, #tpu.memory_space<hbm>>) target(%arg7 : memref<80xi32, #tpu.memory_space<vmem>>) target_semaphore(%run_scoped3A : memref<!tpu.dma_semaphore, #tpu.memory_space<semaphore_mem>>)
      %dma_wait3A_30 = tpu.memref_slice %arg3[%add3A_10] : memref<320000xi32, #tpu.memory_space<hbm>> -> memref<80xi32, #tpu.memory_space<hbm>>
      %dma_wait3A_31 = tpu.memref_slice %arg3[%add3A_10] : memref<320000xi32, #tpu.memory_space<hbm>> -> memref<80xi32, #tpu.memory_space<hbm>>
      tpu.wait_dma2 semaphore(%run_scoped3A : memref<!tpu.dma_semaphore, #tpu.memory_space<semaphore_mem>>) src(%dma_wait3A_31 : memref<80xi32, #tpu.memory_space<hbm>>) dst(%arg7 : memref<80xi32, #tpu.memory_space<vmem>>)
      tpu.yield
    }) : () -> ()
    %dma_start3A = arith.constant 0 : i32
    %dma_start3A_11 = arith.constant 0 : i32
    %dma_start3A_12 = tpu.memref_slice %arg2[%dma_start3A, %dma_start3A_11] : memref<10240x128xf32, #tpu.memory_space<hbm>> -> memref<10240x128xf32, #tpu.memory_space<hbm>>
    tpu.enqueue_indirect_dma source(%dma_start3A_12 : memref<10240x128xf32, #tpu.memory_space<hbm>>) target(%arg15 : memref<80x128xf32, #tpu.memory_space<vmem>>) offsets(%arg7 : memref<80xi32, #tpu.memory_space<vmem>>) semaphore(%arg20 : memref<!tpu.dma_semaphore, #tpu.memory_space<semaphore_mem>>)
    %dma_wait3A = arith.constant 0 : i32
    %dma_wait3A_13 = arith.constant 0 : i32
    %dma_wait3A_14 = tpu.memref_slice %arg2[%dma_wait3A, %dma_wait3A_13] : memref<10240x128xf32, #tpu.memory_space<hbm>> -> memref<10240x128xf32, #tpu.memory_space<hbm>>
    tpu.wait_indirect_dma semaphore(%arg20 : memref<!tpu.dma_semaphore, #tpu.memory_space<semaphore_mem>>) src(%dma_wait3A_14 : memref<10240x128xf32, #tpu.memory_space<hbm>>) dst(%arg15 : memref<80x128xf32, #tpu.memory_space<vmem>>)
    %add3A_15 = arith.constant 9920 : i32
    %add3A_16 = arith.addi %mul3A_4, %add3A_15 : i32
    "tpu.region"() ({
      %run_scoped3A = tpu.sem_alloc : memref<!tpu.dma_semaphore, #tpu.memory_space<semaphore_mem>>
      %dma_start3A_28 = tpu.memref_slice %arg4[%add3A_16] : memref<320000xi32, #tpu.memory_space<hbm>> -> memref<80xi32, #tpu.memory_space<hbm>>
      %dma_start3A_29 = tpu.memref_slice %arg4[%add3A_16] : memref<320000xi32, #tpu.memory_space<hbm>> -> memref<80xi32, #tpu.memory_space<hbm>>
      tpu.enqueue_dma source(%dma_start3A_29 : memref<80xi32, #tpu.memory_space<hbm>>) target(%arg11 : memref<80xi32, #tpu.memory_space<vmem>>) target_semaphore(%run_scoped3A : memref<!tpu.dma_semaphore, #tpu.memory_space<semaphore_mem>>)
      %dma_wait3A_30 = tpu.memref_slice %arg4[%add3A_16] : memref<320000xi32, #tpu.memory_space<hbm>> -> memref<80xi32, #tpu.memory_space<hbm>>
      %dma_wait3A_31 = tpu.memref_slice %arg4[%add3A_16] : memref<320000xi32, #tpu.memory_space<hbm>> -> memref<80xi32, #tpu.memory_space<hbm>>
      tpu.wait_dma2 semaphore(%run_scoped3A : memref<!tpu.dma_semaphore, #tpu.memory_space<semaphore_mem>>) src(%dma_wait3A_31 : memref<80xi32, #tpu.memory_space<hbm>>) dst(%arg11 : memref<80xi32, #tpu.memory_space<vmem>>)
      tpu.yield
    }) : () -> ()
    %dma_start3A_17 = arith.constant 0 : i32
    %dma_start3A_18 = arith.constant 0 : i32
    %dma_start3A_19 = tpu.memref_slice %arg19[%dma_start3A_17, %dma_start3A_18] : memref<10240x128xf32, #tpu.memory_space<vmem_shared>> -> memref<10240x128xf32, #tpu.memory_space<vmem_shared>>
    tpu.enqueue_indirect_dma source(%arg15 : memref<80x128xf32, #tpu.memory_space<vmem>>) target(%dma_start3A_19 : memref<10240x128xf32, #tpu.memory_space<vmem_shared>>) offsets(%arg11 : memref<80xi32, #tpu.memory_space<vmem>>) semaphore(%arg24 : memref<!tpu.dma_semaphore, #tpu.memory_space<semaphore_mem>>) {add = true}
    %dma_wait3A_20 = arith.constant 0 : i32
    %dma_wait3A_21 = arith.constant 0 : i32
    %dma_wait3A_22 = tpu.memref_slice %arg19[%dma_wait3A_20, %dma_wait3A_21] : memref<10240x128xf32, #tpu.memory_space<vmem_shared>> -> memref<10240x128xf32, #tpu.memory_space<vmem_shared>>
    tpu.wait_indirect_dma semaphore(%arg24 : memref<!tpu.dma_semaphore, #tpu.memory_space<semaphore_mem>>) src(%arg15 : memref<80x128xf32, #tpu.memory_space<vmem>>) dst(%dma_wait3A_22 : memref<10240x128xf32, #tpu.memory_space<vmem_shared>>)
    %barrier3A_23 = arith.constant 0 : index
    tpu.barrier barrier_id(%barrier3A_23)
    %mul3A_24 = arith.constant 640 : i32
    %mul3A_25 = arith.muli %arg1, %mul3A_24 : i32
    %mul3A_26 = arith.constant 640 : i32
    %mul3A_27 = arith.muli %arg1, %mul3A_26 : i32
    "tpu.region"() ({
      %run_scoped3A = tpu.sem_alloc : memref<!tpu.dma_semaphore, #tpu.memory_space<semaphore_mem>>
      %dma_start3A_28 = arith.constant 0 : i32
      %dma_start3A_29 = tpu.memref_slice %arg6[%arg0, %mul3A_27, %dma_start3A_28] : memref<2x10240x128xf32, #tpu.memory_space<hbm>> -> memref<1x640x128xf32, #tpu.memory_space<hbm>>
      %dma_start3A_30 = tpu.memref_squeeze %dma_start3A_29 : memref<1x640x128xf32, #tpu.memory_space<hbm>> -> memref<640x128xf32, #tpu.memory_space<hbm>>
      %dma_start3A_31 = arith.constant 0 : i32
      %dma_start3A_32 = tpu.memref_slice %arg19[%mul3A_25, %dma_start3A_31] : memref<10240x128xf32, #tpu.memory_space<vmem_shared>> -> memref<640x128xf32, #tpu.memory_space<vmem_shared>>
      tpu.enqueue_dma source(%dma_start3A_32 : memref<640x128xf32, #tpu.memory_space<vmem_shared>>) target(%dma_start3A_30 : memref<640x128xf32, #tpu.memory_space<hbm>>) target_semaphore(%run_scoped3A : memref<!tpu.dma_semaphore, #tpu.memory_space<semaphore_mem>>)
      %dma_wait3A_33 = arith.constant 0 : i32
      %dma_wait3A_34 = tpu.memref_slice %arg6[%arg0, %mul3A_27, %dma_wait3A_33] : memref<2x10240x128xf32, #tpu.memory_space<hbm>> -> memref<1x640x128xf32, #tpu.memory_space<hbm>>
      %dma_wait3A_35 = tpu.memref_squeeze %dma_wait3A_34 : memref<1x640x128xf32, #tpu.memory_space<hbm>> -> memref<640x128xf32, #tpu.memory_space<hbm>>
      %dma_wait3A_36 = arith.constant 0 : i32
      %dma_wait3A_37 = tpu.memref_slice %arg19[%mul3A_25, %dma_wait3A_36] : memref<10240x128xf32, #tpu.memory_space<vmem_shared>> -> memref<640x128xf32, #tpu.memory_space<vmem_shared>>
      tpu.wait_dma2 semaphore(%run_scoped3A : memref<!tpu.dma_semaphore, #tpu.memory_space<semaphore_mem>>) src(%dma_wait3A_37 : memref<640x128xf32, #tpu.memory_space<vmem_shared>>) dst(%dma_wait3A_35 : memref<640x128xf32, #tpu.memory_space<hbm>>)
      tpu.yield
    }) : () -> ()
    return
  }
}

#map = affine_map<(d0, d1) -> (0, 0)>
#map1 = affine_map<(d0, d1) -> (0)>
#map2 = affine_map<(d0, d1) -> (0, 0, 0)>
module attributes {stable_mosaic.version = 14 : i64} {
  func.func @_agg_body(%arg0: i32, %arg1: i32, %arg2: memref<10240x128xf32, #tpu.memory_space<hbm>>, %arg3: memref<320000xi32, #tpu.memory_space<hbm>>, %arg4: memref<320000xi32, #tpu.memory_space<hbm>>, %arg5: memref<640x128xf32, #tpu.memory_space<hbm>>, %arg6: memref<2x10240x128xf32, #tpu.memory_space<hbm>>, %arg7: memref<80xi32, #tpu.memory_space<vmem>>, %arg8: memref<80xi32, #tpu.memory_space<vmem>>, %arg9: memref<80xi32, #tpu.memory_space<vmem>>, %arg10: memref<80xi32, #tpu.memory_space<vmem>>, %arg11: memref<80xi32, #tpu.memory_space<vmem>>, %arg12: memref<80xi32, #tpu.memory_space<vmem>>, %arg13: memref<80xi32, #tpu.memory_space<vmem>>, %arg14: memref<80xi32, #tpu.memory_space<vmem>>, %arg15: memref<80x128xf32, #tpu.memory_space<vmem>>, %arg16: memref<80x128xf32, #tpu.memory_space<vmem>>, %arg17: memref<80x128xf32, #tpu.memory_space<vmem>>, %arg18: memref<80x128xf32, #tpu.memory_space<vmem>>, %arg19: memref<10240x128xf32, #tpu.memory_space<vmem_shared>>, %arg20: memref<!tpu.dma_semaphore, #tpu.memory_space<semaphore_mem>>, %arg21: memref<!tpu.dma_semaphore, #tpu.memory_space<semaphore_mem>>, %arg22: memref<!tpu.dma_semaphore, #tpu.memory_space<semaphore_mem>>, %arg23: memref<!tpu.dma_semaphore, #tpu.memory_space<semaphore_mem>>, %arg24: memref<!tpu.dma_semaphore, #tpu.memory_space<semaphore_mem>>, %arg25: memref<!tpu.dma_semaphore, #tpu.memory_space<semaphore_mem>>, %arg26: memref<!tpu.dma_semaphore, #tpu.memory_space<semaphore_mem>>, %arg27: memref<!tpu.dma_semaphore, #tpu.memory_space<semaphore_mem>>) attributes {dimension_semantics = [#tpu.dimension_semantics<core_parallel>, #tpu.dimension_semantics<subcore_parallel>], iteration_bounds = array<i64: 2, 16>, scalar_prefetch = 0 : i64, scratch_operands = 21 : i64, tpu.core_type = #tpu.core_type<sc_vector_subcore>, window_params = [{transform_indices = #map}, {transform_indices = #map1}, {transform_indices = #map1}, {transform_indices = #map}, {transform_indices = #map2}]} {
    %mul3A = arith.constant 640 : i32
    %mul3A_0 = arith.muli %arg1, %mul3A : i32
    "tpu.region"() ({
      %run_scoped3A = tpu.sem_alloc : memref<!tpu.dma_semaphore, #tpu.memory_space<semaphore_mem>>
      %dma_start3A_28 = arith.constant 0 : i32
      %dma_start3A_29 = tpu.memref_slice %arg19[%mul3A_0, %dma_start3A_28] : memref<10240x128xf32, #tpu.memory_space<vmem_shared>> -> memref<640x128xf32, #tpu.memory_space<vmem_shared>>
      tpu.enqueue_dma source(%arg5 : memref<640x128xf32, #tpu.memory_space<hbm>>) target(%dma_start3A_29 : memref<640x128xf32, #tpu.memory_space<vmem_shared>>) target_semaphore(%run_scoped3A : memref<!tpu.dma_semaphore, #tpu.memory_space<semaphore_mem>>)
      %dma_wait3A_30 = arith.constant 0 : i32
      %dma_wait3A_31 = tpu.memref_slice %arg19[%mul3A_0, %dma_wait3A_30] : memref<10240x128xf32, #tpu.memory_space<vmem_shared>> -> memref<640x128xf32, #tpu.memory_space<vmem_shared>>
      tpu.wait_dma2 semaphore(%run_scoped3A : memref<!tpu.dma_semaphore, #tpu.memory_space<semaphore_mem>>) src(%arg5 : memref<640x128xf32, #tpu.memory_space<hbm>>) dst(%dma_wait3A_31 : memref<640x128xf32, #tpu.memory_space<vmem_shared>>)
      tpu.yield
    }) : () -> ()
    %barrier3A = arith.constant 0 : index
    tpu.barrier barrier_id(%barrier3A)
    %mul3A_1 = arith.constant 16 : i32
    %mul3A_2 = arith.muli %arg0, %mul3A_1 : i32
    %add3A = arith.addi %mul3A_2, %arg1 : i32
    %mul3A_3 = arith.constant 10000 : i32
    %mul3A_4 = arith.muli %add3A, %mul3A_3 : i32
    %scan3A = arith.constant 0 : i32
    %scan3A_5 = arith.constant 31 : i32
    %scan3A_6 = arith.addi %scan3A, %scan3A_5 : i32
    %scan3A_7 = arith.constant 1 : i32
    scf.for %scan3A_28 = %scan3A to %scan3A_6 step %scan3A_7  : i32 {
      %mul3A_29 = arith.constant 1 : i32
      %mul3A_30 = arith.muli %scan3A_28, %mul3A_29 : i32
      %add3A_31 = arith.constant 0 : i32
      %add3A_32 = arith.addi %add3A_31, %mul3A_30 : i32
      %mul3A_33 = arith.constant 4 : i32
      %mul3A_34 = arith.muli %mul3A_33, %add3A_32 : i32
      %add3A_35 = arith.constant 0 : i32
      %add3A_36 = arith.addi %mul3A_34, %add3A_35 : i32
      %mul3A_37 = arith.constant 80 : i32
      %mul3A_38 = arith.muli %add3A_36, %mul3A_37 : i32
      %add3A_39 = arith.addi %mul3A_4, %mul3A_38 : i32
      "tpu.region"() ({
        %run_scoped3A = tpu.sem_alloc : memref<!tpu.dma_semaphore, #tpu.memory_space<semaphore_mem>>
        %dma_start3A_137 = tpu.memref_slice %arg3[%add3A_39] : memref<320000xi32, #tpu.memory_space<hbm>> -> memref<80xi32, #tpu.memory_space<hbm>>
        %dma_start3A_138 = tpu.memref_slice %arg3[%add3A_39] : memref<320000xi32, #tpu.memory_space<hbm>> -> memref<80xi32, #tpu.memory_space<hbm>>
        tpu.enqueue_dma source(%dma_start3A_138 : memref<80xi32, #tpu.memory_space<hbm>>) target(%arg7 : memref<80xi32, #tpu.memory_space<vmem>>) target_semaphore(%run_scoped3A : memref<!tpu.dma_semaphore, #tpu.memory_space<semaphore_mem>>)
        %dma_wait3A_139 = tpu.memref_slice %arg3[%add3A_39] : memref<320000xi32, #tpu.memory_space<hbm>> -> memref<80xi32, #tpu.memory_space<hbm>>
        %dma_wait3A_140 = tpu.memref_slice %arg3[%add3A_39] : memref<320000xi32, #tpu.memory_space<hbm>> -> memref<80xi32, #tpu.memory_space<hbm>>
        tpu.wait_dma2 semaphore(%run_scoped3A : memref<!tpu.dma_semaphore, #tpu.memory_space<semaphore_mem>>) src(%dma_wait3A_140 : memref<80xi32, #tpu.memory_space<hbm>>) dst(%arg7 : memref<80xi32, #tpu.memory_space<vmem>>)
        tpu.yield
      }) : () -> ()
      %dma_start3A_40 = arith.constant 0 : i32
      %dma_start3A_41 = arith.constant 0 : i32
      %dma_start3A_42 = tpu.memref_slice %arg2[%dma_start3A_40, %dma_start3A_41] : memref<10240x128xf32, #tpu.memory_space<hbm>> -> memref<10240x128xf32, #tpu.memory_space<hbm>>
      tpu.enqueue_indirect_dma source(%dma_start3A_42 : memref<10240x128xf32, #tpu.memory_space<hbm>>) target(%arg15 : memref<80x128xf32, #tpu.memory_space<vmem>>) offsets(%arg7 : memref<80xi32, #tpu.memory_space<vmem>>) semaphore(%arg20 : memref<!tpu.dma_semaphore, #tpu.memory_space<semaphore_mem>>)
      %mul3A_43 = arith.constant 4 : i32
      %mul3A_44 = arith.muli %mul3A_43, %add3A_32 : i32
      %add3A_45 = arith.constant 1 : i32
      %add3A_46 = arith.addi %mul3A_44, %add3A_45 : i32
      %mul3A_47 = arith.constant 80 : i32
      %mul3A_48 = arith.muli %add3A_46, %mul3A_47 : i32
      %add3A_49 = arith.addi %mul3A_4, %mul3A_48 : i32
      "tpu.region"() ({
        %run_scoped3A = tpu.sem_alloc : memref<!tpu.dma_semaphore, #tpu.memory_space<semaphore_mem>>
        %dma_start3A_137 = tpu.memref_slice %arg3[%add3A_49] : memref<320000xi32, #tpu.memory_space<hbm>> -> memref<80xi32, #tpu.memory_space<hbm>>
        %dma_start3A_138 = tpu.memref_slice %arg3[%add3A_49] : memref<320000xi32, #tpu.memory_space<hbm>> -> memref<80xi32, #tpu.memory_space<hbm>>
        tpu.enqueue_dma source(%dma_start3A_138 : memref<80xi32, #tpu.memory_space<hbm>>) target(%arg8 : memref<80xi32, #tpu.memory_space<vmem>>) target_semaphore(%run_scoped3A : memref<!tpu.dma_semaphore, #tpu.memory_space<semaphore_mem>>)
        %dma_wait3A_139 = tpu.memref_slice %arg3[%add3A_49] : memref<320000xi32, #tpu.memory_space<hbm>> -> memref<80xi32, #tpu.memory_space<hbm>>
        %dma_wait3A_140 = tpu.memref_slice %arg3[%add3A_49] : memref<320000xi32, #tpu.memory_space<hbm>> -> memref<80xi32, #tpu.memory_space<hbm>>
        tpu.wait_dma2 semaphore(%run_scoped3A : memref<!tpu.dma_semaphore, #tpu.memory_space<semaphore_mem>>) src(%dma_wait3A_140 : memref<80xi32, #tpu.memory_space<hbm>>) dst(%arg8 : memref<80xi32, #tpu.memory_space<vmem>>)
        tpu.yield
      }) : () -> ()
      %dma_start3A_50 = arith.constant 0 : i32
      %dma_start3A_51 = arith.constant 0 : i32
      %dma_start3A_52 = tpu.memref_slice %arg2[%dma_start3A_50, %dma_start3A_51] : memref<10240x128xf32, #tpu.memory_space<hbm>> -> memref<10240x128xf32, #tpu.memory_space<hbm>>
      tpu.enqueue_indirect_dma source(%dma_start3A_52 : memref<10240x128xf32, #tpu.memory_space<hbm>>) target(%arg16 : memref<80x128xf32, #tpu.memory_space<vmem>>) offsets(%arg8 : memref<80xi32, #tpu.memory_space<vmem>>) semaphore(%arg21 : memref<!tpu.dma_semaphore, #tpu.memory_space<semaphore_mem>>)
      %mul3A_53 = arith.constant 4 : i32
      %mul3A_54 = arith.muli %mul3A_53, %add3A_32 : i32
      %add3A_55 = arith.constant 2 : i32
      %add3A_56 = arith.addi %mul3A_54, %add3A_55 : i32
      %mul3A_57 = arith.constant 80 : i32
      %mul3A_58 = arith.muli %add3A_56, %mul3A_57 : i32
      %add3A_59 = arith.addi %mul3A_4, %mul3A_58 : i32
      "tpu.region"() ({
        %run_scoped3A = tpu.sem_alloc : memref<!tpu.dma_semaphore, #tpu.memory_space<semaphore_mem>>
        %dma_start3A_137 = tpu.memref_slice %arg3[%add3A_59] : memref<320000xi32, #tpu.memory_space<hbm>> -> memref<80xi32, #tpu.memory_space<hbm>>
        %dma_start3A_138 = tpu.memref_slice %arg3[%add3A_59] : memref<320000xi32, #tpu.memory_space<hbm>> -> memref<80xi32, #tpu.memory_space<hbm>>
        tpu.enqueue_dma source(%dma_start3A_138 : memref<80xi32, #tpu.memory_space<hbm>>) target(%arg9 : memref<80xi32, #tpu.memory_space<vmem>>) target_semaphore(%run_scoped3A : memref<!tpu.dma_semaphore, #tpu.memory_space<semaphore_mem>>)
        %dma_wait3A_139 = tpu.memref_slice %arg3[%add3A_59] : memref<320000xi32, #tpu.memory_space<hbm>> -> memref<80xi32, #tpu.memory_space<hbm>>
        %dma_wait3A_140 = tpu.memref_slice %arg3[%add3A_59] : memref<320000xi32, #tpu.memory_space<hbm>> -> memref<80xi32, #tpu.memory_space<hbm>>
        tpu.wait_dma2 semaphore(%run_scoped3A : memref<!tpu.dma_semaphore, #tpu.memory_space<semaphore_mem>>) src(%dma_wait3A_140 : memref<80xi32, #tpu.memory_space<hbm>>) dst(%arg9 : memref<80xi32, #tpu.memory_space<vmem>>)
        tpu.yield
      }) : () -> ()
      %dma_start3A_60 = arith.constant 0 : i32
      %dma_start3A_61 = arith.constant 0 : i32
      %dma_start3A_62 = tpu.memref_slice %arg2[%dma_start3A_60, %dma_start3A_61] : memref<10240x128xf32, #tpu.memory_space<hbm>> -> memref<10240x128xf32, #tpu.memory_space<hbm>>
      tpu.enqueue_indirect_dma source(%dma_start3A_62 : memref<10240x128xf32, #tpu.memory_space<hbm>>) target(%arg17 : memref<80x128xf32, #tpu.memory_space<vmem>>) offsets(%arg9 : memref<80xi32, #tpu.memory_space<vmem>>) semaphore(%arg22 : memref<!tpu.dma_semaphore, #tpu.memory_space<semaphore_mem>>)
      %mul3A_63 = arith.constant 4 : i32
      %mul3A_64 = arith.muli %mul3A_63, %add3A_32 : i32
      %add3A_65 = arith.constant 3 : i32
      %add3A_66 = arith.addi %mul3A_64, %add3A_65 : i32
      %mul3A_67 = arith.constant 80 : i32
      %mul3A_68 = arith.muli %add3A_66, %mul3A_67 : i32
      %add3A_69 = arith.addi %mul3A_4, %mul3A_68 : i32
      "tpu.region"() ({
        %run_scoped3A = tpu.sem_alloc : memref<!tpu.dma_semaphore, #tpu.memory_space<semaphore_mem>>
        %dma_start3A_137 = tpu.memref_slice %arg3[%add3A_69] : memref<320000xi32, #tpu.memory_space<hbm>> -> memref<80xi32, #tpu.memory_space<hbm>>
        %dma_start3A_138 = tpu.memref_slice %arg3[%add3A_69] : memref<320000xi32, #tpu.memory_space<hbm>> -> memref<80xi32, #tpu.memory_space<hbm>>
        tpu.enqueue_dma source(%dma_start3A_138 : memref<80xi32, #tpu.memory_space<hbm>>) target(%arg10 : memref<80xi32, #tpu.memory_space<vmem>>) target_semaphore(%run_scoped3A : memref<!tpu.dma_semaphore, #tpu.memory_space<semaphore_mem>>)
        %dma_wait3A_139 = tpu.memref_slice %arg3[%add3A_69] : memref<320000xi32, #tpu.memory_space<hbm>> -> memref<80xi32, #tpu.memory_space<hbm>>
        %dma_wait3A_140 = tpu.memref_slice %arg3[%add3A_69] : memref<320000xi32, #tpu.memory_space<hbm>> -> memref<80xi32, #tpu.memory_space<hbm>>
        tpu.wait_dma2 semaphore(%run_scoped3A : memref<!tpu.dma_semaphore, #tpu.memory_space<semaphore_mem>>) src(%dma_wait3A_140 : memref<80xi32, #tpu.memory_space<hbm>>) dst(%arg10 : memref<80xi32, #tpu.memory_space<vmem>>)
        tpu.yield
      }) : () -> ()
      %dma_start3A_70 = arith.constant 0 : i32
      %dma_start3A_71 = arith.constant 0 : i32
      %dma_start3A_72 = tpu.memref_slice %arg2[%dma_start3A_70, %dma_start3A_71] : memref<10240x128xf32, #tpu.memory_space<hbm>> -> memref<10240x128xf32, #tpu.memory_space<hbm>>
      tpu.enqueue_indirect_dma source(%dma_start3A_72 : memref<10240x128xf32, #tpu.memory_space<hbm>>) target(%arg18 : memref<80x128xf32, #tpu.memory_space<vmem>>) offsets(%arg10 : memref<80xi32, #tpu.memory_space<vmem>>) semaphore(%arg23 : memref<!tpu.dma_semaphore, #tpu.memory_space<semaphore_mem>>)
      %dma_wait3A_73 = arith.constant 0 : i32
      %dma_wait3A_74 = arith.constant 0 : i32
      %dma_wait3A_75 = tpu.memref_slice %arg2[%dma_wait3A_73, %dma_wait3A_74] : memref<10240x128xf32, #tpu.memory_space<hbm>> -> memref<10240x128xf32, #tpu.memory_space<hbm>>
      tpu.wait_indirect_dma semaphore(%arg20 : memref<!tpu.dma_semaphore, #tpu.memory_space<semaphore_mem>>) src(%dma_wait3A_75 : memref<10240x128xf32, #tpu.memory_space<hbm>>) dst(%arg15 : memref<80x128xf32, #tpu.memory_space<vmem>>)
      %mul3A_76 = arith.constant 4 : i32
      %mul3A_77 = arith.muli %mul3A_76, %add3A_32 : i32
      %add3A_78 = arith.constant 0 : i32
      %add3A_79 = arith.addi %mul3A_77, %add3A_78 : i32
      %mul3A_80 = arith.constant 80 : i32
      %mul3A_81 = arith.muli %add3A_79, %mul3A_80 : i32
      %add3A_82 = arith.addi %mul3A_4, %mul3A_81 : i32
      "tpu.region"() ({
        %run_scoped3A = tpu.sem_alloc : memref<!tpu.dma_semaphore, #tpu.memory_space<semaphore_mem>>
        %dma_start3A_137 = tpu.memref_slice %arg4[%add3A_82] : memref<320000xi32, #tpu.memory_space<hbm>> -> memref<80xi32, #tpu.memory_space<hbm>>
        %dma_start3A_138 = tpu.memref_slice %arg4[%add3A_82] : memref<320000xi32, #tpu.memory_space<hbm>> -> memref<80xi32, #tpu.memory_space<hbm>>
        tpu.enqueue_dma source(%dma_start3A_138 : memref<80xi32, #tpu.memory_space<hbm>>) target(%arg11 : memref<80xi32, #tpu.memory_space<vmem>>) target_semaphore(%run_scoped3A : memref<!tpu.dma_semaphore, #tpu.memory_space<semaphore_mem>>)
        %dma_wait3A_139 = tpu.memref_slice %arg4[%add3A_82] : memref<320000xi32, #tpu.memory_space<hbm>> -> memref<80xi32, #tpu.memory_space<hbm>>
        %dma_wait3A_140 = tpu.memref_slice %arg4[%add3A_82] : memref<320000xi32, #tpu.memory_space<hbm>> -> memref<80xi32, #tpu.memory_space<hbm>>
        tpu.wait_dma2 semaphore(%run_scoped3A : memref<!tpu.dma_semaphore, #tpu.memory_space<semaphore_mem>>) src(%dma_wait3A_140 : memref<80xi32, #tpu.memory_space<hbm>>) dst(%arg11 : memref<80xi32, #tpu.memory_space<vmem>>)
        tpu.yield
      }) : () -> ()
      %dma_start3A_83 = arith.constant 0 : i32
      %dma_start3A_84 = arith.constant 0 : i32
      %dma_start3A_85 = tpu.memref_slice %arg19[%dma_start3A_83, %dma_start3A_84] : memref<10240x128xf32, #tpu.memory_space<vmem_shared>> -> memref<10240x128xf32, #tpu.memory_space<vmem_shared>>
      tpu.enqueue_indirect_dma source(%arg15 : memref<80x128xf32, #tpu.memory_space<vmem>>) target(%dma_start3A_85 : memref<10240x128xf32, #tpu.memory_space<vmem_shared>>) offsets(%arg11 : memref<80xi32, #tpu.memory_space<vmem>>) semaphore(%arg24 : memref<!tpu.dma_semaphore, #tpu.memory_space<semaphore_mem>>) {add = true}
      %dma_wait3A_86 = arith.constant 0 : i32
      %dma_wait3A_87 = arith.constant 0 : i32
      %dma_wait3A_88 = tpu.memref_slice %arg2[%dma_wait3A_86, %dma_wait3A_87] : memref<10240x128xf32, #tpu.memory_space<hbm>> -> memref<10240x128xf32, #tpu.memory_space<hbm>>
      tpu.wait_indirect_dma semaphore(%arg21 : memref<!tpu.dma_semaphore, #tpu.memory_space<semaphore_mem>>) src(%dma_wait3A_88 : memref<10240x128xf32, #tpu.memory_space<hbm>>) dst(%arg16 : memref<80x128xf32, #tpu.memory_space<vmem>>)
      %mul3A_89 = arith.constant 4 : i32
      %mul3A_90 = arith.muli %mul3A_89, %add3A_32 : i32
      %add3A_91 = arith.constant 1 : i32
      %add3A_92 = arith.addi %mul3A_90, %add3A_91 : i32
      %mul3A_93 = arith.constant 80 : i32
      %mul3A_94 = arith.muli %add3A_92, %mul3A_93 : i32
      %add3A_95 = arith.addi %mul3A_4, %mul3A_94 : i32
      "tpu.region"() ({
        %run_scoped3A = tpu.sem_alloc : memref<!tpu.dma_semaphore, #tpu.memory_space<semaphore_mem>>
        %dma_start3A_137 = tpu.memref_slice %arg4[%add3A_95] : memref<320000xi32, #tpu.memory_space<hbm>> -> memref<80xi32, #tpu.memory_space<hbm>>
        %dma_start3A_138 = tpu.memref_slice %arg4[%add3A_95] : memref<320000xi32, #tpu.memory_space<hbm>> -> memref<80xi32, #tpu.memory_space<hbm>>
        tpu.enqueue_dma source(%dma_start3A_138 : memref<80xi32, #tpu.memory_space<hbm>>) target(%arg12 : memref<80xi32, #tpu.memory_space<vmem>>) target_semaphore(%run_scoped3A : memref<!tpu.dma_semaphore, #tpu.memory_space<semaphore_mem>>)
        %dma_wait3A_139 = tpu.memref_slice %arg4[%add3A_95] : memref<320000xi32, #tpu.memory_space<hbm>> -> memref<80xi32, #tpu.memory_space<hbm>>
        %dma_wait3A_140 = tpu.memref_slice %arg4[%add3A_95] : memref<320000xi32, #tpu.memory_space<hbm>> -> memref<80xi32, #tpu.memory_space<hbm>>
        tpu.wait_dma2 semaphore(%run_scoped3A : memref<!tpu.dma_semaphore, #tpu.memory_space<semaphore_mem>>) src(%dma_wait3A_140 : memref<80xi32, #tpu.memory_space<hbm>>) dst(%arg12 : memref<80xi32, #tpu.memory_space<vmem>>)
        tpu.yield
      }) : () -> ()
      %dma_start3A_96 = arith.constant 0 : i32
      %dma_start3A_97 = arith.constant 0 : i32
      %dma_start3A_98 = tpu.memref_slice %arg19[%dma_start3A_96, %dma_start3A_97] : memref<10240x128xf32, #tpu.memory_space<vmem_shared>> -> memref<10240x128xf32, #tpu.memory_space<vmem_shared>>
      tpu.enqueue_indirect_dma source(%arg16 : memref<80x128xf32, #tpu.memory_space<vmem>>) target(%dma_start3A_98 : memref<10240x128xf32, #tpu.memory_space<vmem_shared>>) offsets(%arg12 : memref<80xi32, #tpu.memory_space<vmem>>) semaphore(%arg25 : memref<!tpu.dma_semaphore, #tpu.memory_space<semaphore_mem>>) {add = true}
      %dma_wait3A_99 = arith.constant 0 : i32
      %dma_wait3A_100 = arith.constant 0 : i32
      %dma_wait3A_101 = tpu.memref_slice %arg2[%dma_wait3A_99, %dma_wait3A_100] : memref<10240x128xf32, #tpu.memory_space<hbm>> -> memref<10240x128xf32, #tpu.memory_space<hbm>>
      tpu.wait_indirect_dma semaphore(%arg22 : memref<!tpu.dma_semaphore, #tpu.memory_space<semaphore_mem>>) src(%dma_wait3A_101 : memref<10240x128xf32, #tpu.memory_space<hbm>>) dst(%arg17 : memref<80x128xf32, #tpu.memory_space<vmem>>)
      %mul3A_102 = arith.constant 4 : i32
      %mul3A_103 = arith.muli %mul3A_102, %add3A_32 : i32
      %add3A_104 = arith.constant 2 : i32
      %add3A_105 = arith.addi %mul3A_103, %add3A_104 : i32
      %mul3A_106 = arith.constant 80 : i32
      %mul3A_107 = arith.muli %add3A_105, %mul3A_106 : i32
      %add3A_108 = arith.addi %mul3A_4, %mul3A_107 : i32
      "tpu.region"() ({
        %run_scoped3A = tpu.sem_alloc : memref<!tpu.dma_semaphore, #tpu.memory_space<semaphore_mem>>
        %dma_start3A_137 = tpu.memref_slice %arg4[%add3A_108] : memref<320000xi32, #tpu.memory_space<hbm>> -> memref<80xi32, #tpu.memory_space<hbm>>
        %dma_start3A_138 = tpu.memref_slice %arg4[%add3A_108] : memref<320000xi32, #tpu.memory_space<hbm>> -> memref<80xi32, #tpu.memory_space<hbm>>
        tpu.enqueue_dma source(%dma_start3A_138 : memref<80xi32, #tpu.memory_space<hbm>>) target(%arg13 : memref<80xi32, #tpu.memory_space<vmem>>) target_semaphore(%run_scoped3A : memref<!tpu.dma_semaphore, #tpu.memory_space<semaphore_mem>>)
        %dma_wait3A_139 = tpu.memref_slice %arg4[%add3A_108] : memref<320000xi32, #tpu.memory_space<hbm>> -> memref<80xi32, #tpu.memory_space<hbm>>
        %dma_wait3A_140 = tpu.memref_slice %arg4[%add3A_108] : memref<320000xi32, #tpu.memory_space<hbm>> -> memref<80xi32, #tpu.memory_space<hbm>>
        tpu.wait_dma2 semaphore(%run_scoped3A : memref<!tpu.dma_semaphore, #tpu.memory_space<semaphore_mem>>) src(%dma_wait3A_140 : memref<80xi32, #tpu.memory_space<hbm>>) dst(%arg13 : memref<80xi32, #tpu.memory_space<vmem>>)
        tpu.yield
      }) : () -> ()
      %dma_start3A_109 = arith.constant 0 : i32
      %dma_start3A_110 = arith.constant 0 : i32
      %dma_start3A_111 = tpu.memref_slice %arg19[%dma_start3A_109, %dma_start3A_110] : memref<10240x128xf32, #tpu.memory_space<vmem_shared>> -> memref<10240x128xf32, #tpu.memory_space<vmem_shared>>
      tpu.enqueue_indirect_dma source(%arg17 : memref<80x128xf32, #tpu.memory_space<vmem>>) target(%dma_start3A_111 : memref<10240x128xf32, #tpu.memory_space<vmem_shared>>) offsets(%arg13 : memref<80xi32, #tpu.memory_space<vmem>>) semaphore(%arg26 : memref<!tpu.dma_semaphore, #tpu.memory_space<semaphore_mem>>) {add = true}
      %dma_wait3A_112 = arith.constant 0 : i32
      %dma_wait3A_113 = arith.constant 0 : i32
      %dma_wait3A_114 = tpu.memref_slice %arg2[%dma_wait3A_112, %dma_wait3A_113] : memref<10240x128xf32, #tpu.memory_space<hbm>> -> memref<10240x128xf32, #tpu.memory_space<hbm>>
      tpu.wait_indirect_dma semaphore(%arg23 : memref<!tpu.dma_semaphore, #tpu.memory_space<semaphore_mem>>) src(%dma_wait3A_114 : memref<10240x128xf32, #tpu.memory_space<hbm>>) dst(%arg18 : memref<80x128xf32, #tpu.memory_space<vmem>>)
      %mul3A_115 = arith.constant 4 : i32
      %mul3A_116 = arith.muli %mul3A_115, %add3A_32 : i32
      %add3A_117 = arith.constant 3 : i32
      %add3A_118 = arith.addi %mul3A_116, %add3A_117 : i32
      %mul3A_119 = arith.constant 80 : i32
      %mul3A_120 = arith.muli %add3A_118, %mul3A_119 : i32
      %add3A_121 = arith.addi %mul3A_4, %mul3A_120 : i32
      "tpu.region"() ({
        %run_scoped3A = tpu.sem_alloc : memref<!tpu.dma_semaphore, #tpu.memory_space<semaphore_mem>>
        %dma_start3A_137 = tpu.memref_slice %arg4[%add3A_121] : memref<320000xi32, #tpu.memory_space<hbm>> -> memref<80xi32, #tpu.memory_space<hbm>>
        %dma_start3A_138 = tpu.memref_slice %arg4[%add3A_121] : memref<320000xi32, #tpu.memory_space<hbm>> -> memref<80xi32, #tpu.memory_space<hbm>>
        tpu.enqueue_dma source(%dma_start3A_138 : memref<80xi32, #tpu.memory_space<hbm>>) target(%arg14 : memref<80xi32, #tpu.memory_space<vmem>>) target_semaphore(%run_scoped3A : memref<!tpu.dma_semaphore, #tpu.memory_space<semaphore_mem>>)
        %dma_wait3A_139 = tpu.memref_slice %arg4[%add3A_121] : memref<320000xi32, #tpu.memory_space<hbm>> -> memref<80xi32, #tpu.memory_space<hbm>>
        %dma_wait3A_140 = tpu.memref_slice %arg4[%add3A_121] : memref<320000xi32, #tpu.memory_space<hbm>> -> memref<80xi32, #tpu.memory_space<hbm>>
        tpu.wait_dma2 semaphore(%run_scoped3A : memref<!tpu.dma_semaphore, #tpu.memory_space<semaphore_mem>>) src(%dma_wait3A_140 : memref<80xi32, #tpu.memory_space<hbm>>) dst(%arg14 : memref<80xi32, #tpu.memory_space<vmem>>)
        tpu.yield
      }) : () -> ()
      %dma_start3A_122 = arith.constant 0 : i32
      %dma_start3A_123 = arith.constant 0 : i32
      %dma_start3A_124 = tpu.memref_slice %arg19[%dma_start3A_122, %dma_start3A_123] : memref<10240x128xf32, #tpu.memory_space<vmem_shared>> -> memref<10240x128xf32, #tpu.memory_space<vmem_shared>>
      tpu.enqueue_indirect_dma source(%arg18 : memref<80x128xf32, #tpu.memory_space<vmem>>) target(%dma_start3A_124 : memref<10240x128xf32, #tpu.memory_space<vmem_shared>>) offsets(%arg14 : memref<80xi32, #tpu.memory_space<vmem>>) semaphore(%arg27 : memref<!tpu.dma_semaphore, #tpu.memory_space<semaphore_mem>>) {add = true}
      %dma_wait3A_125 = arith.constant 0 : i32
      %dma_wait3A_126 = arith.constant 0 : i32
      %dma_wait3A_127 = tpu.memref_slice %arg19[%dma_wait3A_125, %dma_wait3A_126] : memref<10240x128xf32, #tpu.memory_space<vmem_shared>> -> memref<10240x128xf32, #tpu.memory_space<vmem_shared>>
      tpu.wait_indirect_dma semaphore(%arg24 : memref<!tpu.dma_semaphore, #tpu.memory_space<semaphore_mem>>) src(%arg15 : memref<80x128xf32, #tpu.memory_space<vmem>>) dst(%dma_wait3A_127 : memref<10240x128xf32, #tpu.memory_space<vmem_shared>>)
      %dma_wait3A_128 = arith.constant 0 : i32
      %dma_wait3A_129 = arith.constant 0 : i32
      %dma_wait3A_130 = tpu.memref_slice %arg19[%dma_wait3A_128, %dma_wait3A_129] : memref<10240x128xf32, #tpu.memory_space<vmem_shared>> -> memref<10240x128xf32, #tpu.memory_space<vmem_shared>>
      tpu.wait_indirect_dma semaphore(%arg25 : memref<!tpu.dma_semaphore, #tpu.memory_space<semaphore_mem>>) src(%arg16 : memref<80x128xf32, #tpu.memory_space<vmem>>) dst(%dma_wait3A_130 : memref<10240x128xf32, #tpu.memory_space<vmem_shared>>)
      %dma_wait3A_131 = arith.constant 0 : i32
      %dma_wait3A_132 = arith.constant 0 : i32
      %dma_wait3A_133 = tpu.memref_slice %arg19[%dma_wait3A_131, %dma_wait3A_132] : memref<10240x128xf32, #tpu.memory_space<vmem_shared>> -> memref<10240x128xf32, #tpu.memory_space<vmem_shared>>
      tpu.wait_indirect_dma semaphore(%arg26 : memref<!tpu.dma_semaphore, #tpu.memory_space<semaphore_mem>>) src(%arg17 : memref<80x128xf32, #tpu.memory_space<vmem>>) dst(%dma_wait3A_133 : memref<10240x128xf32, #tpu.memory_space<vmem_shared>>)
      %dma_wait3A_134 = arith.constant 0 : i32
      %dma_wait3A_135 = arith.constant 0 : i32
      %dma_wait3A_136 = tpu.memref_slice %arg19[%dma_wait3A_134, %dma_wait3A_135] : memref<10240x128xf32, #tpu.memory_space<vmem_shared>> -> memref<10240x128xf32, #tpu.memory_space<vmem_shared>>
      tpu.wait_indirect_dma semaphore(%arg27 : memref<!tpu.dma_semaphore, #tpu.memory_space<semaphore_mem>>) src(%arg18 : memref<80x128xf32, #tpu.memory_space<vmem>>) dst(%dma_wait3A_136 : memref<10240x128xf32, #tpu.memory_space<vmem_shared>>)
    }
    %scan3A_8 = arith.constant 31 : i32
    %add3A_9 = arith.constant 9920 : i32
    %add3A_10 = arith.addi %mul3A_4, %add3A_9 : i32
    "tpu.region"() ({
      %run_scoped3A = tpu.sem_alloc : memref<!tpu.dma_semaphore, #tpu.memory_space<semaphore_mem>>
      %dma_start3A_28 = tpu.memref_slice %arg3[%add3A_10] : memref<320000xi32, #tpu.memory_space<hbm>> -> memref<80xi32, #tpu.memory_space<hbm>>
      %dma_start3A_29 = tpu.memref_slice %arg3[%add3A_10] : memref<320000xi32, #tpu.memory_space<hbm>> -> memref<80xi32, #tpu.memory_space<hbm>>
      tpu.enqueue_dma source(%dma_start3A_29 : memref<80xi32, #tpu.memory_space<hbm>>) target(%arg7 : memref<80xi32, #tpu.memory_space<vmem>>) target_semaphore(%run_scoped3A : memref<!tpu.dma_semaphore, #tpu.memory_space<semaphore_mem>>)
      %dma_wait3A_30 = tpu.memref_slice %arg3[%add3A_10] : memref<320000xi32, #tpu.memory_space<hbm>> -> memref<80xi32, #tpu.memory_space<hbm>>
      %dma_wait3A_31 = tpu.memref_slice %arg3[%add3A_10] : memref<320000xi32, #tpu.memory_space<hbm>> -> memref<80xi32, #tpu.memory_space<hbm>>
      tpu.wait_dma2 semaphore(%run_scoped3A : memref<!tpu.dma_semaphore, #tpu.memory_space<semaphore_mem>>) src(%dma_wait3A_31 : memref<80xi32, #tpu.memory_space<hbm>>) dst(%arg7 : memref<80xi32, #tpu.memory_space<vmem>>)
      tpu.yield
    }) : () -> ()
    %dma_start3A = arith.constant 0 : i32
    %dma_start3A_11 = arith.constant 0 : i32
    %dma_start3A_12 = tpu.memref_slice %arg2[%dma_start3A, %dma_start3A_11] : memref<10240x128xf32, #tpu.memory_space<hbm>> -> memref<10240x128xf32, #tpu.memory_space<hbm>>
    tpu.enqueue_indirect_dma source(%dma_start3A_12 : memref<10240x128xf32, #tpu.memory_space<hbm>>) target(%arg15 : memref<80x128xf32, #tpu.memory_space<vmem>>) offsets(%arg7 : memref<80xi32, #tpu.memory_space<vmem>>) semaphore(%arg20 : memref<!tpu.dma_semaphore, #tpu.memory_space<semaphore_mem>>)
    %dma_wait3A = arith.constant 0 : i32
    %dma_wait3A_13 = arith.constant 0 : i32
    %dma_wait3A_14 = tpu.memref_slice %arg2[%dma_wait3A, %dma_wait3A_13] : memref<10240x128xf32, #tpu.memory_space<hbm>> -> memref<10240x128xf32, #tpu.memory_space<hbm>>
    tpu.wait_indirect_dma semaphore(%arg20 : memref<!tpu.dma_semaphore, #tpu.memory_space<semaphore_mem>>) src(%dma_wait3A_14 : memref<10240x128xf32, #tpu.memory_space<hbm>>) dst(%arg15 : memref<80x128xf32, #tpu.memory_space<vmem>>)
    %add3A_15 = arith.constant 9920 : i32
    %add3A_16 = arith.addi %mul3A_4, %add3A_15 : i32
    "tpu.region"() ({
      %run_scoped3A = tpu.sem_alloc : memref<!tpu.dma_semaphore, #tpu.memory_space<semaphore_mem>>
      %dma_start3A_28 = tpu.memref_slice %arg4[%add3A_16] : memref<320000xi32, #tpu.memory_space<hbm>> -> memref<80xi32, #tpu.memory_space<hbm>>
      %dma_start3A_29 = tpu.memref_slice %arg4[%add3A_16] : memref<320000xi32, #tpu.memory_space<hbm>> -> memref<80xi32, #tpu.memory_space<hbm>>
      tpu.enqueue_dma source(%dma_start3A_29 : memref<80xi32, #tpu.memory_space<hbm>>) target(%arg11 : memref<80xi32, #tpu.memory_space<vmem>>) target_semaphore(%run_scoped3A : memref<!tpu.dma_semaphore, #tpu.memory_space<semaphore_mem>>)
      %dma_wait3A_30 = tpu.memref_slice %arg4[%add3A_16] : memref<320000xi32, #tpu.memory_space<hbm>> -> memref<80xi32, #tpu.memory_space<hbm>>
      %dma_wait3A_31 = tpu.memref_slice %arg4[%add3A_16] : memref<320000xi32, #tpu.memory_space<hbm>> -> memref<80xi32, #tpu.memory_space<hbm>>
      tpu.wait_dma2 semaphore(%run_scoped3A : memref<!tpu.dma_semaphore, #tpu.memory_space<semaphore_mem>>) src(%dma_wait3A_31 : memref<80xi32, #tpu.memory_space<hbm>>) dst(%arg11 : memref<80xi32, #tpu.memory_space<vmem>>)
      tpu.yield
    }) : () -> ()
    %dma_start3A_17 = arith.constant 0 : i32
    %dma_start3A_18 = arith.constant 0 : i32
    %dma_start3A_19 = tpu.memref_slice %arg19[%dma_start3A_17, %dma_start3A_18] : memref<10240x128xf32, #tpu.memory_space<vmem_shared>> -> memref<10240x128xf32, #tpu.memory_space<vmem_shared>>
    tpu.enqueue_indirect_dma source(%arg15 : memref<80x128xf32, #tpu.memory_space<vmem>>) target(%dma_start3A_19 : memref<10240x128xf32, #tpu.memory_space<vmem_shared>>) offsets(%arg11 : memref<80xi32, #tpu.memory_space<vmem>>) semaphore(%arg24 : memref<!tpu.dma_semaphore, #tpu.memory_space<semaphore_mem>>) {add = true}
    %dma_wait3A_20 = arith.constant 0 : i32
    %dma_wait3A_21 = arith.constant 0 : i32
    %dma_wait3A_22 = tpu.memref_slice %arg19[%dma_wait3A_20, %dma_wait3A_21] : memref<10240x128xf32, #tpu.memory_space<vmem_shared>> -> memref<10240x128xf32, #tpu.memory_space<vmem_shared>>
    tpu.wait_indirect_dma semaphore(%arg24 : memref<!tpu.dma_semaphore, #tpu.memory_space<semaphore_mem>>) src(%arg15 : memref<80x128xf32, #tpu.memory_space<vmem>>) dst(%dma_wait3A_22 : memref<10240x128xf32, #tpu.memory_space<vmem_shared>>)
    %barrier3A_23 = arith.constant 0 : index
    tpu.barrier barrier_id(%barrier3A_23)
    %mul3A_24 = arith.constant 640 : i32
    %mul3A_25 = arith.muli %arg1, %mul3A_24 : i32
    %mul3A_26 = arith.constant 640 : i32
    %mul3A_27 = arith.muli %arg1, %mul3A_26 : i32
    "tpu.region"() ({
      %run_scoped3A = tpu.sem_alloc : memref<!tpu.dma_semaphore, #tpu.memory_space<semaphore_mem>>
      %dma_start3A_28 = arith.constant 0 : i32
      %dma_start3A_29 = tpu.memref_slice %arg6[%arg0, %mul3A_27, %dma_start3A_28] : memref<2x10240x128xf32, #tpu.memory_space<hbm>> -> memref<1x640x128xf32, #tpu.memory_space<hbm>>
      %dma_start3A_30 = tpu.memref_squeeze %dma_start3A_29 : memref<1x640x128xf32, #tpu.memory_space<hbm>> -> memref<640x128xf32, #tpu.memory_space<hbm>>
      %dma_start3A_31 = arith.constant 0 : i32
      %dma_start3A_32 = tpu.memref_slice %arg19[%mul3A_25, %dma_start3A_31] : memref<10240x128xf32, #tpu.memory_space<vmem_shared>> -> memref<640x128xf32, #tpu.memory_space<vmem_shared>>
      tpu.enqueue_dma source(%dma_start3A_32 : memref<640x128xf32, #tpu.memory_space<vmem_shared>>) target(%dma_start3A_30 : memref<640x128xf32, #tpu.memory_space<hbm>>) target_semaphore(%run_scoped3A : memref<!tpu.dma_semaphore, #tpu.memory_space<semaphore_mem>>)
      %dma_wait3A_33 = arith.constant 0 : i32
      %dma_wait3A_34 = tpu.memref_slice %arg6[%arg0, %mul3A_27, %dma_wait3A_33] : memref<2x10240x128xf32, #tpu.memory_space<hbm>> -> memref<1x640x128xf32, #tpu.memory_space<hbm>>
      %dma_wait3A_35 = tpu.memref_squeeze %dma_wait3A_34 : memref<1x640x128xf32, #tpu.memory_space<hbm>> -> memref<640x128xf32, #tpu.memory_space<hbm>>
      %dma_wait3A_36 = arith.constant 0 : i32
      %dma_wait3A_37 = tpu.memref_slice %arg19[%mul3A_25, %dma_wait3A_36] : memref<10240x128xf32, #tpu.memory_space<vmem_shared>> -> memref<640x128xf32, #tpu.memory_space<vmem_shared>>
      tpu.wait_dma2 semaphore(%run_scoped3A : memref<!tpu.dma_semaphore, #tpu.memory_space<semaphore_mem>>) src(%dma_wait3A_37 : memref<640x128xf32, #tpu.memory_space<vmem_shared>>) dst(%dma_wait3A_35 : memref<640x128xf32, #tpu.memory_space<hbm>>)
      tpu.yield
    }) : () -> ()
    return
  }
}

#map = affine_map<(d0, d1) -> (0, 0)>
#map1 = affine_map<(d0, d1) -> (0)>
module attributes {stable_mosaic.version = 14 : i64} {
  func.func @_pool_body(%arg0: i32, %arg1: i32, %arg2: memref<10240x128xf32, #tpu.memory_space<hbm>>, %arg3: memref<10240xi32, #tpu.memory_space<hbm>>, %arg4: memref<320000xi32, #tpu.memory_space<hbm>>, %arg5: memref<320000xi32, #tpu.memory_space<hbm>>, %arg6: memref<10240x128xf32, #tpu.memory_space<hbm>>, %arg7: memref<320000xi32, #tpu.memory_space<hbm>>, %arg8: memref<320000xi32, #tpu.memory_space<hbm>>, %arg9: memref<80x128xf32, #tpu.memory_space<vmem>>, %arg10: memref<80x128xf32, #tpu.memory_space<vmem>>, %arg11: memref<80x128xf32, #tpu.memory_space<vmem>>, %arg12: memref<80x128xf32, #tpu.memory_space<vmem>>, %arg13: memref<80xi32, #tpu.memory_space<vmem>>, %arg14: memref<80xi32, #tpu.memory_space<vmem>>, %arg15: memref<80xi32, #tpu.memory_space<vmem>>, %arg16: memref<80xi32, #tpu.memory_space<vmem>>, %arg17: memref<!tpu.dma_semaphore, #tpu.memory_space<semaphore_mem>>, %arg18: memref<!tpu.dma_semaphore, #tpu.memory_space<semaphore_mem>>, %arg19: memref<!tpu.dma_semaphore, #tpu.memory_space<semaphore_mem>>, %arg20: memref<!tpu.dma_semaphore, #tpu.memory_space<semaphore_mem>>, %arg21: memref<!tpu.dma_semaphore, #tpu.memory_space<semaphore_mem>>, %arg22: memref<!tpu.dma_semaphore, #tpu.memory_space<semaphore_mem>>, %arg23: memref<!tpu.dma_semaphore, #tpu.memory_space<semaphore_mem>>, %arg24: memref<!tpu.dma_semaphore, #tpu.memory_space<semaphore_mem>>, %arg25: memref<10240xi32, #tpu.memory_space<vmem>>, %arg26: memref<2000xi32, #tpu.memory_space<vmem>>, %arg27: memref<2000xi32, #tpu.memory_space<vmem>>, %arg28: memref<2000xi32, #tpu.memory_space<vmem>>, %arg29: memref<2000xi32, #tpu.memory_space<vmem>>) attributes {dimension_semantics = [#tpu.dimension_semantics<core_parallel>, #tpu.dimension_semantics<subcore_parallel>], iteration_bounds = array<i64: 2, 16>, scalar_prefetch = 0 : i64, scratch_operands = 21 : i64, tpu.core_type = #tpu.core_type<sc_vector_subcore>, window_params = [{transform_indices = #map}, {transform_indices = #map1}, {transform_indices = #map1}, {transform_indices = #map1}, {transform_indices = #map}, {transform_indices = #map1}, {transform_indices = #map1}]} {
    %mul3A = arith.constant 16 : i32
    %mul3A_0 = arith.muli %arg0, %mul3A : i32
    %add3A = arith.addi %mul3A_0, %arg1 : i32
    %mul3A_1 = arith.constant 320 : i32
    %mul3A_2 = arith.muli %add3A, %mul3A_1 : i32
    %add3A_3 = arith.constant 0 : i32
    %add3A_4 = arith.addi %mul3A_2, %add3A_3 : i32
    "tpu.region"() ({
      %run_scoped3A = tpu.sem_alloc : memref<!tpu.dma_semaphore, #tpu.memory_space<semaphore_mem>>
      %dma_start3A_79 = tpu.memref_slice %arg3[%add3A_4] : memref<10240xi32, #tpu.memory_space<hbm>> -> memref<80xi32, #tpu.memory_space<hbm>>
      %dma_start3A_80 = tpu.memref_slice %arg3[%add3A_4] : memref<10240xi32, #tpu.memory_space<hbm>> -> memref<80xi32, #tpu.memory_space<hbm>>
      tpu.enqueue_dma source(%dma_start3A_80 : memref<80xi32, #tpu.memory_space<hbm>>) target(%arg13 : memref<80xi32, #tpu.memory_space<vmem>>) target_semaphore(%run_scoped3A : memref<!tpu.dma_semaphore, #tpu.memory_space<semaphore_mem>>)
      %dma_wait3A_81 = tpu.memref_slice %arg3[%add3A_4] : memref<10240xi32, #tpu.memory_space<hbm>> -> memref<80xi32, #tpu.memory_space<hbm>>
      %dma_wait3A_82 = tpu.memref_slice %arg3[%add3A_4] : memref<10240xi32, #tpu.memory_space<hbm>> -> memref<80xi32, #tpu.memory_space<hbm>>
      tpu.wait_dma2 semaphore(%run_scoped3A : memref<!tpu.dma_semaphore, #tpu.memory_space<semaphore_mem>>) src(%dma_wait3A_82 : memref<80xi32, #tpu.memory_space<hbm>>) dst(%arg13 : memref<80xi32, #tpu.memory_space<vmem>>)
      tpu.yield
    }) : () -> ()
    %add3A_5 = arith.constant 0 : i32
    %add3A_6 = arith.addi %mul3A_2, %add3A_5 : i32
    %dma_start3A = arith.constant 0 : i32
    %dma_start3A_7 = tpu.memref_slice %arg2[%add3A_6, %dma_start3A] : memref<10240x128xf32, #tpu.memory_space<hbm>> -> memref<80x128xf32, #tpu.memory_space<hbm>>
    %dma_start3A_8 = arith.constant 0 : i32
    %dma_start3A_9 = tpu.memref_slice %arg2[%add3A_6, %dma_start3A_8] : memref<10240x128xf32, #tpu.memory_space<hbm>> -> memref<80x128xf32, #tpu.memory_space<hbm>>
    tpu.enqueue_dma source(%dma_start3A_9 : memref<80x128xf32, #tpu.memory_space<hbm>>) target(%arg9 : memref<80x128xf32, #tpu.memory_space<vmem>>) target_semaphore(%arg17 : memref<!tpu.dma_semaphore, #tpu.memory_space<semaphore_mem>>)
    %add3A_10 = arith.constant 80 : i32
    %add3A_11 = arith.addi %mul3A_2, %add3A_10 : i32
    "tpu.region"() ({
      %run_scoped3A = tpu.sem_alloc : memref<!tpu.dma_semaphore, #tpu.memory_space<semaphore_mem>>
      %dma_start3A_79 = tpu.memref_slice %arg3[%add3A_11] : memref<10240xi32, #tpu.memory_space<hbm>> -> memref<80xi32, #tpu.memory_space<hbm>>
      %dma_start3A_80 = tpu.memref_slice %arg3[%add3A_11] : memref<10240xi32, #tpu.memory_space<hbm>> -> memref<80xi32, #tpu.memory_space<hbm>>
      tpu.enqueue_dma source(%dma_start3A_80 : memref<80xi32, #tpu.memory_space<hbm>>) target(%arg14 : memref<80xi32, #tpu.memory_space<vmem>>) target_semaphore(%run_scoped3A : memref<!tpu.dma_semaphore, #tpu.memory_space<semaphore_mem>>)
      %dma_wait3A_81 = tpu.memref_slice %arg3[%add3A_11] : memref<10240xi32, #tpu.memory_space<hbm>> -> memref<80xi32, #tpu.memory_space<hbm>>
      %dma_wait3A_82 = tpu.memref_slice %arg3[%add3A_11] : memref<10240xi32, #tpu.memory_space<hbm>> -> memref<80xi32, #tpu.memory_space<hbm>>
      tpu.wait_dma2 semaphore(%run_scoped3A : memref<!tpu.dma_semaphore, #tpu.memory_space<semaphore_mem>>) src(%dma_wait3A_82 : memref<80xi32, #tpu.memory_space<hbm>>) dst(%arg14 : memref<80xi32, #tpu.memory_space<vmem>>)
      tpu.yield
    }) : () -> ()
    %add3A_12 = arith.constant 80 : i32
    %add3A_13 = arith.addi %mul3A_2, %add3A_12 : i32
    %dma_start3A_14 = arith.constant 0 : i32
    %dma_start3A_15 = tpu.memref_slice %arg2[%add3A_13, %dma_start3A_14] : memref<10240x128xf32, #tpu.memory_space<hbm>> -> memref<80x128xf32, #tpu.memory_space<hbm>>
    %dma_start3A_16 = arith.constant 0 : i32
    %dma_start3A_17 = tpu.memref_slice %arg2[%add3A_13, %dma_start3A_16] : memref<10240x128xf32, #tpu.memory_space<hbm>> -> memref<80x128xf32, #tpu.memory_space<hbm>>
    tpu.enqueue_dma source(%dma_start3A_17 : memref<80x128xf32, #tpu.memory_space<hbm>>) target(%arg10 : memref<80x128xf32, #tpu.memory_space<vmem>>) target_semaphore(%arg18 : memref<!tpu.dma_semaphore, #tpu.memory_space<semaphore_mem>>)
    %add3A_18 = arith.constant 160 : i32
    %add3A_19 = arith.addi %mul3A_2, %add3A_18 : i32
    "tpu.region"() ({
      %run_scoped3A = tpu.sem_alloc : memref<!tpu.dma_semaphore, #tpu.memory_space<semaphore_mem>>
      %dma_start3A_79 = tpu.memref_slice %arg3[%add3A_19] : memref<10240xi32, #tpu.memory_space<hbm>> -> memref<80xi32, #tpu.memory_space<hbm>>
      %dma_start3A_80 = tpu.memref_slice %arg3[%add3A_19] : memref<10240xi32, #tpu.memory_space<hbm>> -> memref<80xi32, #tpu.memory_space<hbm>>
      tpu.enqueue_dma source(%dma_start3A_80 : memref<80xi32, #tpu.memory_space<hbm>>) target(%arg15 : memref<80xi32, #tpu.memory_space<vmem>>) target_semaphore(%run_scoped3A : memref<!tpu.dma_semaphore, #tpu.memory_space<semaphore_mem>>)
      %dma_wait3A_81 = tpu.memref_slice %arg3[%add3A_19] : memref<10240xi32, #tpu.memory_space<hbm>> -> memref<80xi32, #tpu.memory_space<hbm>>
      %dma_wait3A_82 = tpu.memref_slice %arg3[%add3A_19] : memref<10240xi32, #tpu.memory_space<hbm>> -> memref<80xi32, #tpu.memory_space<hbm>>
      tpu.wait_dma2 semaphore(%run_scoped3A : memref<!tpu.dma_semaphore, #tpu.memory_space<semaphore_mem>>) src(%dma_wait3A_82 : memref<80xi32, #tpu.memory_space<hbm>>) dst(%arg15 : memref<80xi32, #tpu.memory_space<vmem>>)
      tpu.yield
    }) : () -> ()
    %add3A_20 = arith.constant 160 : i32
    %add3A_21 = arith.addi %mul3A_2, %add3A_20 : i32
    %dma_start3A_22 = arith.constant 0 : i32
    %dma_start3A_23 = tpu.memref_slice %arg2[%add3A_21, %dma_start3A_22] : memref<10240x128xf32, #tpu.memory_space<hbm>> -> memref<80x128xf32, #tpu.memory_space<hbm>>
    %dma_start3A_24 = arith.constant 0 : i32
    %dma_start3A_25 = tpu.memref_slice %arg2[%add3A_21, %dma_start3A_24] : memref<10240x128xf32, #tpu.memory_space<hbm>> -> memref<80x128xf32, #tpu.memory_space<hbm>>
    tpu.enqueue_dma source(%dma_start3A_25 : memref<80x128xf32, #tpu.memory_space<hbm>>) target(%arg11 : memref<80x128xf32, #tpu.memory_space<vmem>>) target_semaphore(%arg19 : memref<!tpu.dma_semaphore, #tpu.memory_space<semaphore_mem>>)
    %add3A_26 = arith.constant 240 : i32
    %add3A_27 = arith.addi %mul3A_2, %add3A_26 : i32
    "tpu.region"() ({
      %run_scoped3A = tpu.sem_alloc : memref<!tpu.dma_semaphore, #tpu.memory_space<semaphore_mem>>
      %dma_start3A_79 = tpu.memref_slice %arg3[%add3A_27] : memref<10240xi32, #tpu.memory_space<hbm>> -> memref<80xi32, #tpu.memory_space<hbm>>
      %dma_start3A_80 = tpu.memref_slice %arg3[%add3A_27] : memref<10240xi32, #tpu.memory_space<hbm>> -> memref<80xi32, #tpu.memory_space<hbm>>
      tpu.enqueue_dma source(%dma_start3A_80 : memref<80xi32, #tpu.memory_space<hbm>>) target(%arg16 : memref<80xi32, #tpu.memory_space<vmem>>) target_semaphore(%run_scoped3A : memref<!tpu.dma_semaphore, #tpu.memory_space<semaphore_mem>>)
      %dma_wait3A_81 = tpu.memref_slice %arg3[%add3A_27] : memref<10240xi32, #tpu.memory_space<hbm>> -> memref<80xi32, #tpu.memory_space<hbm>>
      %dma_wait3A_82 = tpu.memref_slice %arg3[%add3A_27] : memref<10240xi32, #tpu.memory_space<hbm>> -> memref<80xi32, #tpu.memory_space<hbm>>
      tpu.wait_dma2 semaphore(%run_scoped3A : memref<!tpu.dma_semaphore, #tpu.memory_space<semaphore_mem>>) src(%dma_wait3A_82 : memref<80xi32, #tpu.memory_space<hbm>>) dst(%arg16 : memref<80xi32, #tpu.memory_space<vmem>>)
      tpu.yield
    }) : () -> ()
    %add3A_28 = arith.constant 240 : i32
    %add3A_29 = arith.addi %mul3A_2, %add3A_28 : i32
    %dma_start3A_30 = arith.constant 0 : i32
    %dma_start3A_31 = tpu.memref_slice %arg2[%add3A_29, %dma_start3A_30] : memref<10240x128xf32, #tpu.memory_space<hbm>> -> memref<80x128xf32, #tpu.memory_space<hbm>>
    %dma_start3A_32 = arith.constant 0 : i32
    %dma_start3A_33 = tpu.memref_slice %arg2[%add3A_29, %dma_start3A_32] : memref<10240x128xf32, #tpu.memory_space<hbm>> -> memref<80x128xf32, #tpu.memory_space<hbm>>
    tpu.enqueue_dma source(%dma_start3A_33 : memref<80x128xf32, #tpu.memory_space<hbm>>) target(%arg12 : memref<80x128xf32, #tpu.memory_space<vmem>>) target_semaphore(%arg20 : memref<!tpu.dma_semaphore, #tpu.memory_space<semaphore_mem>>)
    %dma_wait3A = arith.constant 0 : i32
    %dma_wait3A_34 = tpu.memref_slice %arg2[%add3A_6, %dma_wait3A] : memref<10240x128xf32, #tpu.memory_space<hbm>> -> memref<80x128xf32, #tpu.memory_space<hbm>>
    %dma_wait3A_35 = arith.constant 0 : i32
    %dma_wait3A_36 = tpu.memref_slice %arg2[%add3A_6, %dma_wait3A_35] : memref<10240x128xf32, #tpu.memory_space<hbm>> -> memref<80x128xf32, #tpu.memory_space<hbm>>
    tpu.wait_dma2 semaphore(%arg17 : memref<!tpu.dma_semaphore, #tpu.memory_space<semaphore_mem>>) src(%dma_wait3A_36 : memref<80x128xf32, #tpu.memory_space<hbm>>) dst(%arg9 : memref<80x128xf32, #tpu.memory_space<vmem>>)
    %dma_start3A_37 = arith.constant 0 : i32
    %dma_start3A_38 = arith.constant 0 : i32
    %dma_start3A_39 = tpu.memref_slice %arg6[%dma_start3A_37, %dma_start3A_38] : memref<10240x128xf32, #tpu.memory_space<hbm>> -> memref<10240x128xf32, #tpu.memory_space<hbm>>
    tpu.enqueue_indirect_dma source(%arg9 : memref<80x128xf32, #tpu.memory_space<vmem>>) target(%dma_start3A_39 : memref<10240x128xf32, #tpu.memory_space<hbm>>) offsets(%arg13 : memref<80xi32, #tpu.memory_space<vmem>>) semaphore(%arg21 : memref<!tpu.dma_semaphore, #tpu.memory_space<semaphore_mem>>)
    %dma_wait3A_40 = arith.constant 0 : i32
    %dma_wait3A_41 = tpu.memref_slice %arg2[%add3A_13, %dma_wait3A_40] : memref<10240x128xf32, #tpu.memory_space<hbm>> -> memref<80x128xf32, #tpu.memory_space<hbm>>
    %dma_wait3A_42 = arith.constant 0 : i32
    %dma_wait3A_43 = tpu.memref_slice %arg2[%add3A_13, %dma_wait3A_42] : memref<10240x128xf32, #tpu.memory_space<hbm>> -> memref<80x128xf32, #tpu.memory_space<hbm>>
    tpu.wait_dma2 semaphore(%arg18 : memref<!tpu.dma_semaphore, #tpu.memory_space<semaphore_mem>>) src(%dma_wait3A_43 : memref<80x128xf32, #tpu.memory_space<hbm>>) dst(%arg10 : memref<80x128xf32, #tpu.memory_space<vmem>>)
    %dma_start3A_44 = arith.constant 0 : i32
    %dma_start3A_45 = arith.constant 0 : i32
    %dma_start3A_46 = tpu.memref_slice %arg6[%dma_start3A_44, %dma_start3A_45] : memref<10240x128xf32, #tpu.memory_space<hbm>> -> memref<10240x128xf32, #tpu.memory_space<hbm>>
    tpu.enqueue_indirect_dma source(%arg10 : memref<80x128xf32, #tpu.memory_space<vmem>>) target(%dma_start3A_46 : memref<10240x128xf32, #tpu.memory_space<hbm>>) offsets(%arg14 : memref<80xi32, #tpu.memory_space<vmem>>) semaphore(%arg22 : memref<!tpu.dma_semaphore, #tpu.memory_space<semaphore_mem>>)
    %dma_wait3A_47 = arith.constant 0 : i32
    %dma_wait3A_48 = tpu.memref_slice %arg2[%add3A_21, %dma_wait3A_47] : memref<10240x128xf32, #tpu.memory_space<hbm>> -> memref<80x128xf32, #tpu.memory_space<hbm>>
    %dma_wait3A_49 = arith.constant 0 : i32
    %dma_wait3A_50 = tpu.memref_slice %arg2[%add3A_21, %dma_wait3A_49] : memref<10240x128xf32, #tpu.memory_space<hbm>> -> memref<80x128xf32, #tpu.memory_space<hbm>>
    tpu.wait_dma2 semaphore(%arg19 : memref<!tpu.dma_semaphore, #tpu.memory_space<semaphore_mem>>) src(%dma_wait3A_50 : memref<80x128xf32, #tpu.memory_space<hbm>>) dst(%arg11 : memref<80x128xf32, #tpu.memory_space<vmem>>)
    %dma_start3A_51 = arith.constant 0 : i32
    %dma_start3A_52 = arith.constant 0 : i32
    %dma_start3A_53 = tpu.memref_slice %arg6[%dma_start3A_51, %dma_start3A_52] : memref<10240x128xf32, #tpu.memory_space<hbm>> -> memref<10240x128xf32, #tpu.memory_space<hbm>>
    tpu.enqueue_indirect_dma source(%arg11 : memref<80x128xf32, #tpu.memory_space<vmem>>) target(%dma_start3A_53 : memref<10240x128xf32, #tpu.memory_space<hbm>>) offsets(%arg15 : memref<80xi32, #tpu.memory_space<vmem>>) semaphore(%arg23 : memref<!tpu.dma_semaphore, #tpu.memory_space<semaphore_mem>>)
    %dma_wait3A_54 = arith.constant 0 : i32
    %dma_wait3A_55 = tpu.memref_slice %arg2[%add3A_29, %dma_wait3A_54] : memref<10240x128xf32, #tpu.memory_space<hbm>> -> memref<80x128xf32, #tpu.memory_space<hbm>>
    %dma_wait3A_56 = arith.constant 0 : i32
    %dma_wait3A_57 = tpu.memref_slice %arg2[%add3A_29, %dma_wait3A_56] : memref<10240x128xf32, #tpu.memory_space<hbm>> -> memref<80x128xf32, #tpu.memory_space<hbm>>
    tpu.wait_dma2 semaphore(%arg20 : memref<!tpu.dma_semaphore, #tpu.memory_space<semaphore_mem>>) src(%dma_wait3A_57 : memref<80x128xf32, #tpu.memory_space<hbm>>) dst(%arg12 : memref<80x128xf32, #tpu.memory_space<vmem>>)
    %dma_start3A_58 = arith.constant 0 : i32
    %dma_start3A_59 = arith.constant 0 : i32
    %dma_start3A_60 = tpu.memref_slice %arg6[%dma_start3A_58, %dma_start3A_59] : memref<10240x128xf32, #tpu.memory_space<hbm>> -> memref<10240x128xf32, #tpu.memory_space<hbm>>
    tpu.enqueue_indirect_dma source(%arg12 : memref<80x128xf32, #tpu.memory_space<vmem>>) target(%dma_start3A_60 : memref<10240x128xf32, #tpu.memory_space<hbm>>) offsets(%arg16 : memref<80xi32, #tpu.memory_space<vmem>>) semaphore(%arg24 : memref<!tpu.dma_semaphore, #tpu.memory_space<semaphore_mem>>)
    %dma_wait3A_61 = arith.constant 0 : i32
    %dma_wait3A_62 = arith.constant 0 : i32
    %dma_wait3A_63 = tpu.memref_slice %arg6[%dma_wait3A_61, %dma_wait3A_62] : memref<10240x128xf32, #tpu.memory_space<hbm>> -> memref<10240x128xf32, #tpu.memory_space<hbm>>
    tpu.wait_indirect_dma semaphore(%arg21 : memref<!tpu.dma_semaphore, #tpu.memory_space<semaphore_mem>>) src(%arg9 : memref<80x128xf32, #tpu.memory_space<vmem>>) dst(%dma_wait3A_63 : memref<10240x128xf32, #tpu.memory_space<hbm>>)
    %dma_wait3A_64 = arith.constant 0 : i32
    %dma_wait3A_65 = arith.constant 0 : i32
    %dma_wait3A_66 = tpu.memref_slice %arg6[%dma_wait3A_64, %dma_wait3A_65] : memref<10240x128xf32, #tpu.memory_space<hbm>> -> memref<10240x128xf32, #tpu.memory_space<hbm>>
    tpu.wait_indirect_dma semaphore(%arg22 : memref<!tpu.dma_semaphore, #tpu.memory_space<semaphore_mem>>) src(%arg10 : memref<80x128xf32, #tpu.memory_space<vmem>>) dst(%dma_wait3A_66 : memref<10240x128xf32, #tpu.memory_space<hbm>>)
    %dma_wait3A_67 = arith.constant 0 : i32
    %dma_wait3A_68 = arith.constant 0 : i32
    %dma_wait3A_69 = tpu.memref_slice %arg6[%dma_wait3A_67, %dma_wait3A_68] : memref<10240x128xf32, #tpu.memory_space<hbm>> -> memref<10240x128xf32, #tpu.memory_space<hbm>>
    tpu.wait_indirect_dma semaphore(%arg23 : memref<!tpu.dma_semaphore, #tpu.memory_space<semaphore_mem>>) src(%arg11 : memref<80x128xf32, #tpu.memory_space<vmem>>) dst(%dma_wait3A_69 : memref<10240x128xf32, #tpu.memory_space<hbm>>)
    %dma_wait3A_70 = arith.constant 0 : i32
    %dma_wait3A_71 = arith.constant 0 : i32
    %dma_wait3A_72 = tpu.memref_slice %arg6[%dma_wait3A_70, %dma_wait3A_71] : memref<10240x128xf32, #tpu.memory_space<hbm>> -> memref<10240x128xf32, #tpu.memory_space<hbm>>
    tpu.wait_indirect_dma semaphore(%arg24 : memref<!tpu.dma_semaphore, #tpu.memory_space<semaphore_mem>>) src(%arg12 : memref<80x128xf32, #tpu.memory_space<vmem>>) dst(%dma_wait3A_72 : memref<10240x128xf32, #tpu.memory_space<hbm>>)
    "tpu.region"() ({
      %run_scoped3A = tpu.sem_alloc : memref<!tpu.dma_semaphore, #tpu.memory_space<semaphore_mem>>
      tpu.enqueue_dma source(%arg3 : memref<10240xi32, #tpu.memory_space<hbm>>) target(%arg25 : memref<10240xi32, #tpu.memory_space<vmem>>) target_semaphore(%run_scoped3A : memref<!tpu.dma_semaphore, #tpu.memory_space<semaphore_mem>>)
      tpu.wait_dma2 semaphore(%run_scoped3A : memref<!tpu.dma_semaphore, #tpu.memory_space<semaphore_mem>>) src(%arg3 : memref<10240xi32, #tpu.memory_space<hbm>>) dst(%arg25 : memref<10240xi32, #tpu.memory_space<vmem>>)
      tpu.yield
    }) : () -> ()
    %mul3A_73 = arith.constant 10000 : i32
    %mul3A_74 = arith.muli %add3A, %mul3A_73 : i32
    %scan3A = arith.constant 0 : i32
    %scan3A_75 = arith.constant 5 : i32
    %scan3A_76 = arith.addi %scan3A, %scan3A_75 : i32
    %scan3A_77 = arith.constant 1 : i32
    scf.for %scan3A_79 = %scan3A to %scan3A_76 step %scan3A_77  : i32 {
      %mul3A_80 = arith.constant 1 : i32
      %mul3A_81 = arith.muli %scan3A_79, %mul3A_80 : i32
      %add3A_82 = arith.constant 0 : i32
      %add3A_83 = arith.addi %add3A_82, %mul3A_81 : i32
      %mul3A_84 = arith.constant 2000 : i32
      %mul3A_85 = arith.muli %add3A_83, %mul3A_84 : i32
      %add3A_86 = arith.addi %mul3A_74, %mul3A_85 : i32
      "tpu.region"() ({
        %run_scoped3A = tpu.sem_alloc : memref<!tpu.dma_semaphore, #tpu.memory_space<semaphore_mem>>
        %dma_start3A_101 = tpu.memref_slice %arg4[%add3A_86] : memref<320000xi32, #tpu.memory_space<hbm>> -> memref<2000xi32, #tpu.memory_space<hbm>>
        %dma_start3A_102 = tpu.memref_slice %arg4[%add3A_86] : memref<320000xi32, #tpu.memory_space<hbm>> -> memref<2000xi32, #tpu.memory_space<hbm>>
        tpu.enqueue_dma source(%dma_start3A_102 : memref<2000xi32, #tpu.memory_space<hbm>>) target(%arg26 : memref<2000xi32, #tpu.memory_space<vmem>>) target_semaphore(%run_scoped3A : memref<!tpu.dma_semaphore, #tpu.memory_space<semaphore_mem>>)
        %dma_wait3A_103 = tpu.memref_slice %arg4[%add3A_86] : memref<320000xi32, #tpu.memory_space<hbm>> -> memref<2000xi32, #tpu.memory_space<hbm>>
        %dma_wait3A_104 = tpu.memref_slice %arg4[%add3A_86] : memref<320000xi32, #tpu.memory_space<hbm>> -> memref<2000xi32, #tpu.memory_space<hbm>>
        tpu.wait_dma2 semaphore(%run_scoped3A : memref<!tpu.dma_semaphore, #tpu.memory_space<semaphore_mem>>) src(%dma_wait3A_104 : memref<2000xi32, #tpu.memory_space<hbm>>) dst(%arg26 : memref<2000xi32, #tpu.memory_space<vmem>>)
        tpu.yield
      }) : () -> ()
      %mul3A_87 = arith.constant 2000 : i32
      %mul3A_88 = arith.muli %add3A_83, %mul3A_87 : i32
      %add3A_89 = arith.addi %mul3A_74, %mul3A_88 : i32
      "tpu.region"() ({
        %run_scoped3A = tpu.sem_alloc : memref<!tpu.dma_semaphore, #tpu.memory_space<semaphore_mem>>
        %dma_start3A_101 = tpu.memref_slice %arg5[%add3A_89] : memref<320000xi32, #tpu.memory_space<hbm>> -> memref<2000xi32, #tpu.memory_space<hbm>>
        %dma_start3A_102 = tpu.memref_slice %arg5[%add3A_89] : memref<320000xi32, #tpu.memory_space<hbm>> -> memref<2000xi32, #tpu.memory_space<hbm>>
        tpu.enqueue_dma source(%dma_start3A_102 : memref<2000xi32, #tpu.memory_space<hbm>>) target(%arg27 : memref<2000xi32, #tpu.memory_space<vmem>>) target_semaphore(%run_scoped3A : memref<!tpu.dma_semaphore, #tpu.memory_space<semaphore_mem>>)
        %dma_wait3A_103 = tpu.memref_slice %arg5[%add3A_89] : memref<320000xi32, #tpu.memory_space<hbm>> -> memref<2000xi32, #tpu.memory_space<hbm>>
        %dma_wait3A_104 = tpu.memref_slice %arg5[%add3A_89] : memref<320000xi32, #tpu.memory_space<hbm>> -> memref<2000xi32, #tpu.memory_space<hbm>>
        tpu.wait_dma2 semaphore(%run_scoped3A : memref<!tpu.dma_semaphore, #tpu.memory_space<semaphore_mem>>) src(%dma_wait3A_104 : memref<2000xi32, #tpu.memory_space<hbm>>) dst(%arg27 : memref<2000xi32, #tpu.memory_space<vmem>>)
        tpu.yield
      }) : () -> ()
      %scan3A_90 = arith.constant 0 : i32
      %scan3A_91 = arith.constant 125 : i32
      %scan3A_92 = arith.addi %scan3A_90, %scan3A_91 : i32
      %scan3A_93 = arith.constant 1 : i32
      scf.for %scan3A_101 = %scan3A_90 to %scan3A_92 step %scan3A_93  : i32 {
        %mul3A_102 = arith.constant 1 : i32
        %mul3A_103 = arith.muli %scan3A_101, %mul3A_102 : i32
        %add3A_104 = arith.constant 0 : i32
        %add3A_105 = arith.addi %add3A_104, %mul3A_103 : i32
        %mul3A_106 = arith.constant 16 : i32
        %mul3A_107 = arith.muli %add3A_105, %mul3A_106 : i32
        %get3A = arith.index_cast %mul3A_107 : i32 to index
        %get3A_108 = tpu.vector_load %arg26[%get3A] {strides = array<i32>} : memref<2000xi32, #tpu.memory_space<vmem>>, vector<16xi32>,
        %mul3A_109 = arith.constant 16 : i32
        %mul3A_110 = arith.muli %add3A_105, %mul3A_109 : i32
        %get3A_111 = arith.index_cast %mul3A_110 : i32 to index
        %get3A_112 = tpu.vector_load %arg27[%get3A_111] {strides = array<i32>} : memref<2000xi32, #tpu.memory_space<vmem>>, vector<16xi32>,
        %gather3A = tpu.vector_load_idx %arg25[%get3A_108] : memref<10240xi32, #tpu.memory_space<vmem>>[vector<16xi32>], vector<16xi32>,
        %gather3A_113 = tpu.vector_load_idx %arg25[%get3A_112] : memref<10240xi32, #tpu.memory_space<vmem>>[vector<16xi32>], vector<16xi32>,
        %lt3A = arith.constant 10000 : i32
        %lt3A_114 = vector.broadcast %lt3A : i32 to vector<16xi32>
        %lt3A_115 = arith.cmpi slt, %gather3A, %lt3A_114 : vector<16xi32>
        %lt3A_116 = arith.constant 10000 : i32
        %lt3A_117 = vector.broadcast %lt3A_116 : i32 to vector<16xi32>
        %lt3A_118 = arith.cmpi slt, %gather3A_113, %lt3A_117 : vector<16xi32>
        %and3A = arith.andi %lt3A_115, %lt3A_118 : vector<16xi1>
        %and3A_119 = arith.constant 127 : i32
        %and3A_120 = vector.broadcast %and3A_119 : i32 to vector<16xi32>
        %and3A_121 = arith.andi %get3A_108, %and3A_120 : vector<16xi32>
        %add3A_122 = arith.constant 10000 : i32
        %add3A_123 = vector.broadcast %add3A_122 : i32 to vector<16xi32>
        %add3A_124 = arith.addi %add3A_123, %and3A_121 : vector<16xi32>
        %select_n3A = arith.select %and3A, %gather3A, %add3A_124 : vector<16xi1>, vector<16xi32>
        %mul3A_125 = arith.constant 16 : i32
        %mul3A_126 = arith.muli %add3A_105, %mul3A_125 : i32
        %swap3A = arith.index_cast %mul3A_126 : i32 to index
        %swap3A_127 = tpu.vector_load %arg28[%swap3A] {strides = array<i32>} : memref<2000xi32, #tpu.memory_space<vmem>>, vector<16xi32>,
        tpu.vector_store %arg28[%swap3A], %select_n3A {strides = array<i32>} : memref<2000xi32, #tpu.memory_space<vmem>>, vector<16xi32>,
        %and3A_128 = arith.constant 127 : i32
        %and3A_129 = vector.broadcast %and3A_128 : i32 to vector<16xi32>
        %and3A_130 = arith.andi %get3A_112, %and3A_129 : vector<16xi32>
        %add3A_131 = arith.constant 10000 : i32
        %add3A_132 = vector.broadcast %add3A_131 : i32 to vector<16xi32>
        %add3A_133 = arith.addi %add3A_132, %and3A_130 : vector<16xi32>
        %select_n3A_134 = arith.select %and3A, %gather3A_113, %add3A_133 : vector<16xi1>, vector<16xi32>
        %mul3A_135 = arith.constant 16 : i32
        %mul3A_136 = arith.muli %add3A_105, %mul3A_135 : i32
        %swap3A_137 = arith.index_cast %mul3A_136 : i32 to index
        %swap3A_138 = tpu.vector_load %arg29[%swap3A_137] {strides = array<i32>} : memref<2000xi32, #tpu.memory_space<vmem>>, vector<16xi32>,
        tpu.vector_store %arg29[%swap3A_137], %select_n3A_134 {strides = array<i32>} : memref<2000xi32, #tpu.memory_space<vmem>>, vector<16xi32>,
      }
      %scan3A_94 = arith.constant 125 : i32
      %mul3A_95 = arith.constant 2000 : i32
      %mul3A_96 = arith.muli %add3A_83, %mul3A_95 : i32
      %add3A_97 = arith.addi %mul3A_74, %mul3A_96 : i32
      "tpu.region"() ({
        %run_scoped3A = tpu.sem_alloc : memref<!tpu.dma_semaphore, #tpu.memory_space<semaphore_mem>>
        %dma_start3A_101 = tpu.memref_slice %arg7[%add3A_97] : memref<320000xi32, #tpu.memory_space<hbm>> -> memref<2000xi32, #tpu.memory_space<hbm>>
        %dma_start3A_102 = tpu.memref_slice %arg7[%add3A_97] : memref<320000xi32, #tpu.memory_space<hbm>> -> memref<2000xi32, #tpu.memory_space<hbm>>
        tpu.enqueue_dma source(%arg28 : memref<2000xi32, #tpu.memory_space<vmem>>) target(%dma_start3A_102 : memref<2000xi32, #tpu.memory_space<hbm>>) target_semaphore(%run_scoped3A : memref<!tpu.dma_semaphore, #tpu.memory_space<semaphore_mem>>)
        %dma_wait3A_103 = tpu.memref_slice %arg7[%add3A_97] : memref<320000xi32, #tpu.memory_space<hbm>> -> memref<2000xi32, #tpu.memory_space<hbm>>
        %dma_wait3A_104 = tpu.memref_slice %arg7[%add3A_97] : memref<320000xi32, #tpu.memory_space<hbm>> -> memref<2000xi32, #tpu.memory_space<hbm>>
        tpu.wait_dma2 semaphore(%run_scoped3A : memref<!tpu.dma_semaphore, #tpu.memory_space<semaphore_mem>>) src(%arg28 : memref<2000xi32, #tpu.memory_space<vmem>>) dst(%dma_wait3A_104 : memref<2000xi32, #tpu.memory_space<hbm>>)
        tpu.yield
      }) : () -> ()
      %mul3A_98 = arith.constant 2000 : i32
      %mul3A_99 = arith.muli %add3A_83, %mul3A_98 : i32
      %add3A_100 = arith.addi %mul3A_74, %mul3A_99 : i32
      "tpu.region"() ({
        %run_scoped3A = tpu.sem_alloc : memref<!tpu.dma_semaphore, #tpu.memory_space<semaphore_mem>>
        %dma_start3A_101 = tpu.memref_slice %arg8[%add3A_100] : memref<320000xi32, #tpu.memory_space<hbm>> -> memref<2000xi32, #tpu.memory_space<hbm>>
        %dma_start3A_102 = tpu.memref_slice %arg8[%add3A_100] : memref<320000xi32, #tpu.memory_space<hbm>> -> memref<2000xi32, #tpu.memory_space<hbm>>
        tpu.enqueue_dma source(%arg29 : memref<2000xi32, #tpu.memory_space<vmem>>) target(%dma_start3A_102 : memref<2000xi32, #tpu.memory_space<hbm>>) target_semaphore(%run_scoped3A : memref<!tpu.dma_semaphore, #tpu.memory_space<semaphore_mem>>)
        %dma_wait3A_103 = tpu.memref_slice %arg8[%add3A_100] : memref<320000xi32, #tpu.memory_space<hbm>> -> memref<2000xi32, #tpu.memory_space<hbm>>
        %dma_wait3A_104 = tpu.memref_slice %arg8[%add3A_100] : memref<320000xi32, #tpu.memory_space<hbm>> -> memref<2000xi32, #tpu.memory_space<hbm>>
        tpu.wait_dma2 semaphore(%run_scoped3A : memref<!tpu.dma_semaphore, #tpu.memory_space<semaphore_mem>>) src(%arg29 : memref<2000xi32, #tpu.memory_space<vmem>>) dst(%dma_wait3A_104 : memref<2000xi32, #tpu.memory_space<hbm>>)
        tpu.yield
      }) : () -> ()
    }
    %scan3A_78 = arith.constant 5 : i32
    return
  }
}

#map = affine_map<(d0, d1) -> (0, 0)>
#map1 = affine_map<(d0, d1) -> (0)>
#map2 = affine_map<(d0, d1) -> (0, 0, 0)>
module attributes {stable_mosaic.version = 14 : i64} {
  func.func @_agg_body(%arg0: i32, %arg1: i32, %arg2: memref<10240x128xf32, #tpu.memory_space<hbm>>, %arg3: memref<320000xi32, #tpu.memory_space<hbm>>, %arg4: memref<320000xi32, #tpu.memory_space<hbm>>, %arg5: memref<640x128xf32, #tpu.memory_space<hbm>>, %arg6: memref<2x10240x128xf32, #tpu.memory_space<hbm>>, %arg7: memref<80xi32, #tpu.memory_space<vmem>>, %arg8: memref<80xi32, #tpu.memory_space<vmem>>, %arg9: memref<80xi32, #tpu.memory_space<vmem>>, %arg10: memref<80xi32, #tpu.memory_space<vmem>>, %arg11: memref<80xi32, #tpu.memory_space<vmem>>, %arg12: memref<80xi32, #tpu.memory_space<vmem>>, %arg13: memref<80xi32, #tpu.memory_space<vmem>>, %arg14: memref<80xi32, #tpu.memory_space<vmem>>, %arg15: memref<80x128xf32, #tpu.memory_space<vmem>>, %arg16: memref<80x128xf32, #tpu.memory_space<vmem>>, %arg17: memref<80x128xf32, #tpu.memory_space<vmem>>, %arg18: memref<80x128xf32, #tpu.memory_space<vmem>>, %arg19: memref<10240x128xf32, #tpu.memory_space<vmem_shared>>, %arg20: memref<!tpu.dma_semaphore, #tpu.memory_space<semaphore_mem>>, %arg21: memref<!tpu.dma_semaphore, #tpu.memory_space<semaphore_mem>>, %arg22: memref<!tpu.dma_semaphore, #tpu.memory_space<semaphore_mem>>, %arg23: memref<!tpu.dma_semaphore, #tpu.memory_space<semaphore_mem>>, %arg24: memref<!tpu.dma_semaphore, #tpu.memory_space<semaphore_mem>>, %arg25: memref<!tpu.dma_semaphore, #tpu.memory_space<semaphore_mem>>, %arg26: memref<!tpu.dma_semaphore, #tpu.memory_space<semaphore_mem>>, %arg27: memref<!tpu.dma_semaphore, #tpu.memory_space<semaphore_mem>>) attributes {dimension_semantics = [#tpu.dimension_semantics<core_parallel>, #tpu.dimension_semantics<subcore_parallel>], iteration_bounds = array<i64: 2, 16>, scalar_prefetch = 0 : i64, scratch_operands = 21 : i64, tpu.core_type = #tpu.core_type<sc_vector_subcore>, window_params = [{transform_indices = #map}, {transform_indices = #map1}, {transform_indices = #map1}, {transform_indices = #map}, {transform_indices = #map2}]} {
    %mul3A = arith.constant 640 : i32
    %mul3A_0 = arith.muli %arg1, %mul3A : i32
    "tpu.region"() ({
      %run_scoped3A = tpu.sem_alloc : memref<!tpu.dma_semaphore, #tpu.memory_space<semaphore_mem>>
      %dma_start3A_28 = arith.constant 0 : i32
      %dma_start3A_29 = tpu.memref_slice %arg19[%mul3A_0, %dma_start3A_28] : memref<10240x128xf32, #tpu.memory_space<vmem_shared>> -> memref<640x128xf32, #tpu.memory_space<vmem_shared>>
      tpu.enqueue_dma source(%arg5 : memref<640x128xf32, #tpu.memory_space<hbm>>) target(%dma_start3A_29 : memref<640x128xf32, #tpu.memory_space<vmem_shared>>) target_semaphore(%run_scoped3A : memref<!tpu.dma_semaphore, #tpu.memory_space<semaphore_mem>>)
      %dma_wait3A_30 = arith.constant 0 : i32
      %dma_wait3A_31 = tpu.memref_slice %arg19[%mul3A_0, %dma_wait3A_30] : memref<10240x128xf32, #tpu.memory_space<vmem_shared>> -> memref<640x128xf32, #tpu.memory_space<vmem_shared>>
      tpu.wait_dma2 semaphore(%run_scoped3A : memref<!tpu.dma_semaphore, #tpu.memory_space<semaphore_mem>>) src(%arg5 : memref<640x128xf32, #tpu.memory_space<hbm>>) dst(%dma_wait3A_31 : memref<640x128xf32, #tpu.memory_space<vmem_shared>>)
      tpu.yield
    }) : () -> ()
    %barrier3A = arith.constant 0 : index
    tpu.barrier barrier_id(%barrier3A)
    %mul3A_1 = arith.constant 16 : i32
    %mul3A_2 = arith.muli %arg0, %mul3A_1 : i32
    %add3A = arith.addi %mul3A_2, %arg1 : i32
    %mul3A_3 = arith.constant 10000 : i32
    %mul3A_4 = arith.muli %add3A, %mul3A_3 : i32
    %scan3A = arith.constant 0 : i32
    %scan3A_5 = arith.constant 31 : i32
    %scan3A_6 = arith.addi %scan3A, %scan3A_5 : i32
    %scan3A_7 = arith.constant 1 : i32
    scf.for %scan3A_28 = %scan3A to %scan3A_6 step %scan3A_7  : i32 {
      %mul3A_29 = arith.constant 1 : i32
      %mul3A_30 = arith.muli %scan3A_28, %mul3A_29 : i32
      %add3A_31 = arith.constant 0 : i32
      %add3A_32 = arith.addi %add3A_31, %mul3A_30 : i32
      %mul3A_33 = arith.constant 4 : i32
      %mul3A_34 = arith.muli %mul3A_33, %add3A_32 : i32
      %add3A_35 = arith.constant 0 : i32
      %add3A_36 = arith.addi %mul3A_34, %add3A_35 : i32
      %mul3A_37 = arith.constant 80 : i32
      %mul3A_38 = arith.muli %add3A_36, %mul3A_37 : i32
      %add3A_39 = arith.addi %mul3A_4, %mul3A_38 : i32
      "tpu.region"() ({
        %run_scoped3A = tpu.sem_alloc : memref<!tpu.dma_semaphore, #tpu.memory_space<semaphore_mem>>
        %dma_start3A_137 = tpu.memref_slice %arg3[%add3A_39] : memref<320000xi32, #tpu.memory_space<hbm>> -> memref<80xi32, #tpu.memory_space<hbm>>
        %dma_start3A_138 = tpu.memref_slice %arg3[%add3A_39] : memref<320000xi32, #tpu.memory_space<hbm>> -> memref<80xi32, #tpu.memory_space<hbm>>
        tpu.enqueue_dma source(%dma_start3A_138 : memref<80xi32, #tpu.memory_space<hbm>>) target(%arg7 : memref<80xi32, #tpu.memory_space<vmem>>) target_semaphore(%run_scoped3A : memref<!tpu.dma_semaphore, #tpu.memory_space<semaphore_mem>>)
        %dma_wait3A_139 = tpu.memref_slice %arg3[%add3A_39] : memref<320000xi32, #tpu.memory_space<hbm>> -> memref<80xi32, #tpu.memory_space<hbm>>
        %dma_wait3A_140 = tpu.memref_slice %arg3[%add3A_39] : memref<320000xi32, #tpu.memory_space<hbm>> -> memref<80xi32, #tpu.memory_space<hbm>>
        tpu.wait_dma2 semaphore(%run_scoped3A : memref<!tpu.dma_semaphore, #tpu.memory_space<semaphore_mem>>) src(%dma_wait3A_140 : memref<80xi32, #tpu.memory_space<hbm>>) dst(%arg7 : memref<80xi32, #tpu.memory_space<vmem>>)
        tpu.yield
      }) : () -> ()
      %dma_start3A_40 = arith.constant 0 : i32
      %dma_start3A_41 = arith.constant 0 : i32
      %dma_start3A_42 = tpu.memref_slice %arg2[%dma_start3A_40, %dma_start3A_41] : memref<10240x128xf32, #tpu.memory_space<hbm>> -> memref<10240x128xf32, #tpu.memory_space<hbm>>
      tpu.enqueue_indirect_dma source(%dma_start3A_42 : memref<10240x128xf32, #tpu.memory_space<hbm>>) target(%arg15 : memref<80x128xf32, #tpu.memory_space<vmem>>) offsets(%arg7 : memref<80xi32, #tpu.memory_space<vmem>>) semaphore(%arg20 : memref<!tpu.dma_semaphore, #tpu.memory_space<semaphore_mem>>)
      %mul3A_43 = arith.constant 4 : i32
      %mul3A_44 = arith.muli %mul3A_43, %add3A_32 : i32
      %add3A_45 = arith.constant 1 : i32
      %add3A_46 = arith.addi %mul3A_44, %add3A_45 : i32
      %mul3A_47 = arith.constant 80 : i32
      %mul3A_48 = arith.muli %add3A_46, %mul3A_47 : i32
      %add3A_49 = arith.addi %mul3A_4, %mul3A_48 : i32
      "tpu.region"() ({
        %run_scoped3A = tpu.sem_alloc : memref<!tpu.dma_semaphore, #tpu.memory_space<semaphore_mem>>
        %dma_start3A_137 = tpu.memref_slice %arg3[%add3A_49] : memref<320000xi32, #tpu.memory_space<hbm>> -> memref<80xi32, #tpu.memory_space<hbm>>
        %dma_start3A_138 = tpu.memref_slice %arg3[%add3A_49] : memref<320000xi32, #tpu.memory_space<hbm>> -> memref<80xi32, #tpu.memory_space<hbm>>
        tpu.enqueue_dma source(%dma_start3A_138 : memref<80xi32, #tpu.memory_space<hbm>>) target(%arg8 : memref<80xi32, #tpu.memory_space<vmem>>) target_semaphore(%run_scoped3A : memref<!tpu.dma_semaphore, #tpu.memory_space<semaphore_mem>>)
        %dma_wait3A_139 = tpu.memref_slice %arg3[%add3A_49] : memref<320000xi32, #tpu.memory_space<hbm>> -> memref<80xi32, #tpu.memory_space<hbm>>
        %dma_wait3A_140 = tpu.memref_slice %arg3[%add3A_49] : memref<320000xi32, #tpu.memory_space<hbm>> -> memref<80xi32, #tpu.memory_space<hbm>>
        tpu.wait_dma2 semaphore(%run_scoped3A : memref<!tpu.dma_semaphore, #tpu.memory_space<semaphore_mem>>) src(%dma_wait3A_140 : memref<80xi32, #tpu.memory_space<hbm>>) dst(%arg8 : memref<80xi32, #tpu.memory_space<vmem>>)
        tpu.yield
      }) : () -> ()
      %dma_start3A_50 = arith.constant 0 : i32
      %dma_start3A_51 = arith.constant 0 : i32
      %dma_start3A_52 = tpu.memref_slice %arg2[%dma_start3A_50, %dma_start3A_51] : memref<10240x128xf32, #tpu.memory_space<hbm>> -> memref<10240x128xf32, #tpu.memory_space<hbm>>
      tpu.enqueue_indirect_dma source(%dma_start3A_52 : memref<10240x128xf32, #tpu.memory_space<hbm>>) target(%arg16 : memref<80x128xf32, #tpu.memory_space<vmem>>) offsets(%arg8 : memref<80xi32, #tpu.memory_space<vmem>>) semaphore(%arg21 : memref<!tpu.dma_semaphore, #tpu.memory_space<semaphore_mem>>)
      %mul3A_53 = arith.constant 4 : i32
      %mul3A_54 = arith.muli %mul3A_53, %add3A_32 : i32
      %add3A_55 = arith.constant 2 : i32
      %add3A_56 = arith.addi %mul3A_54, %add3A_55 : i32
      %mul3A_57 = arith.constant 80 : i32
      %mul3A_58 = arith.muli %add3A_56, %mul3A_57 : i32
      %add3A_59 = arith.addi %mul3A_4, %mul3A_58 : i32
      "tpu.region"() ({
        %run_scoped3A = tpu.sem_alloc : memref<!tpu.dma_semaphore, #tpu.memory_space<semaphore_mem>>
        %dma_start3A_137 = tpu.memref_slice %arg3[%add3A_59] : memref<320000xi32, #tpu.memory_space<hbm>> -> memref<80xi32, #tpu.memory_space<hbm>>
        %dma_start3A_138 = tpu.memref_slice %arg3[%add3A_59] : memref<320000xi32, #tpu.memory_space<hbm>> -> memref<80xi32, #tpu.memory_space<hbm>>
        tpu.enqueue_dma source(%dma_start3A_138 : memref<80xi32, #tpu.memory_space<hbm>>) target(%arg9 : memref<80xi32, #tpu.memory_space<vmem>>) target_semaphore(%run_scoped3A : memref<!tpu.dma_semaphore, #tpu.memory_space<semaphore_mem>>)
        %dma_wait3A_139 = tpu.memref_slice %arg3[%add3A_59] : memref<320000xi32, #tpu.memory_space<hbm>> -> memref<80xi32, #tpu.memory_space<hbm>>
        %dma_wait3A_140 = tpu.memref_slice %arg3[%add3A_59] : memref<320000xi32, #tpu.memory_space<hbm>> -> memref<80xi32, #tpu.memory_space<hbm>>
        tpu.wait_dma2 semaphore(%run_scoped3A : memref<!tpu.dma_semaphore, #tpu.memory_space<semaphore_mem>>) src(%dma_wait3A_140 : memref<80xi32, #tpu.memory_space<hbm>>) dst(%arg9 : memref<80xi32, #tpu.memory_space<vmem>>)
        tpu.yield
      }) : () -> ()
      %dma_start3A_60 = arith.constant 0 : i32
      %dma_start3A_61 = arith.constant 0 : i32
      %dma_start3A_62 = tpu.memref_slice %arg2[%dma_start3A_60, %dma_start3A_61] : memref<10240x128xf32, #tpu.memory_space<hbm>> -> memref<10240x128xf32, #tpu.memory_space<hbm>>
      tpu.enqueue_indirect_dma source(%dma_start3A_62 : memref<10240x128xf32, #tpu.memory_space<hbm>>) target(%arg17 : memref<80x128xf32, #tpu.memory_space<vmem>>) offsets(%arg9 : memref<80xi32, #tpu.memory_space<vmem>>) semaphore(%arg22 : memref<!tpu.dma_semaphore, #tpu.memory_space<semaphore_mem>>)
      %mul3A_63 = arith.constant 4 : i32
      %mul3A_64 = arith.muli %mul3A_63, %add3A_32 : i32
      %add3A_65 = arith.constant 3 : i32
      %add3A_66 = arith.addi %mul3A_64, %add3A_65 : i32
      %mul3A_67 = arith.constant 80 : i32
      %mul3A_68 = arith.muli %add3A_66, %mul3A_67 : i32
      %add3A_69 = arith.addi %mul3A_4, %mul3A_68 : i32
      "tpu.region"() ({
        %run_scoped3A = tpu.sem_alloc : memref<!tpu.dma_semaphore, #tpu.memory_space<semaphore_mem>>
        %dma_start3A_137 = tpu.memref_slice %arg3[%add3A_69] : memref<320000xi32, #tpu.memory_space<hbm>> -> memref<80xi32, #tpu.memory_space<hbm>>
        %dma_start3A_138 = tpu.memref_slice %arg3[%add3A_69] : memref<320000xi32, #tpu.memory_space<hbm>> -> memref<80xi32, #tpu.memory_space<hbm>>
        tpu.enqueue_dma source(%dma_start3A_138 : memref<80xi32, #tpu.memory_space<hbm>>) target(%arg10 : memref<80xi32, #tpu.memory_space<vmem>>) target_semaphore(%run_scoped3A : memref<!tpu.dma_semaphore, #tpu.memory_space<semaphore_mem>>)
        %dma_wait3A_139 = tpu.memref_slice %arg3[%add3A_69] : memref<320000xi32, #tpu.memory_space<hbm>> -> memref<80xi32, #tpu.memory_space<hbm>>
        %dma_wait3A_140 = tpu.memref_slice %arg3[%add3A_69] : memref<320000xi32, #tpu.memory_space<hbm>> -> memref<80xi32, #tpu.memory_space<hbm>>
        tpu.wait_dma2 semaphore(%run_scoped3A : memref<!tpu.dma_semaphore, #tpu.memory_space<semaphore_mem>>) src(%dma_wait3A_140 : memref<80xi32, #tpu.memory_space<hbm>>) dst(%arg10 : memref<80xi32, #tpu.memory_space<vmem>>)
        tpu.yield
      }) : () -> ()
      %dma_start3A_70 = arith.constant 0 : i32
      %dma_start3A_71 = arith.constant 0 : i32
      %dma_start3A_72 = tpu.memref_slice %arg2[%dma_start3A_70, %dma_start3A_71] : memref<10240x128xf32, #tpu.memory_space<hbm>> -> memref<10240x128xf32, #tpu.memory_space<hbm>>
      tpu.enqueue_indirect_dma source(%dma_start3A_72 : memref<10240x128xf32, #tpu.memory_space<hbm>>) target(%arg18 : memref<80x128xf32, #tpu.memory_space<vmem>>) offsets(%arg10 : memref<80xi32, #tpu.memory_space<vmem>>) semaphore(%arg23 : memref<!tpu.dma_semaphore, #tpu.memory_space<semaphore_mem>>)
      %dma_wait3A_73 = arith.constant 0 : i32
      %dma_wait3A_74 = arith.constant 0 : i32
      %dma_wait3A_75 = tpu.memref_slice %arg2[%dma_wait3A_73, %dma_wait3A_74] : memref<10240x128xf32, #tpu.memory_space<hbm>> -> memref<10240x128xf32, #tpu.memory_space<hbm>>
      tpu.wait_indirect_dma semaphore(%arg20 : memref<!tpu.dma_semaphore, #tpu.memory_space<semaphore_mem>>) src(%dma_wait3A_75 : memref<10240x128xf32, #tpu.memory_space<hbm>>) dst(%arg15 : memref<80x128xf32, #tpu.memory_space<vmem>>)
      %mul3A_76 = arith.constant 4 : i32
      %mul3A_77 = arith.muli %mul3A_76, %add3A_32 : i32
      %add3A_78 = arith.constant 0 : i32
      %add3A_79 = arith.addi %mul3A_77, %add3A_78 : i32
      %mul3A_80 = arith.constant 80 : i32
      %mul3A_81 = arith.muli %add3A_79, %mul3A_80 : i32
      %add3A_82 = arith.addi %mul3A_4, %mul3A_81 : i32
      "tpu.region"() ({
        %run_scoped3A = tpu.sem_alloc : memref<!tpu.dma_semaphore, #tpu.memory_space<semaphore_mem>>
        %dma_start3A_137 = tpu.memref_slice %arg4[%add3A_82] : memref<320000xi32, #tpu.memory_space<hbm>> -> memref<80xi32, #tpu.memory_space<hbm>>
        %dma_start3A_138 = tpu.memref_slice %arg4[%add3A_82] : memref<320000xi32, #tpu.memory_space<hbm>> -> memref<80xi32, #tpu.memory_space<hbm>>
        tpu.enqueue_dma source(%dma_start3A_138 : memref<80xi32, #tpu.memory_space<hbm>>) target(%arg11 : memref<80xi32, #tpu.memory_space<vmem>>) target_semaphore(%run_scoped3A : memref<!tpu.dma_semaphore, #tpu.memory_space<semaphore_mem>>)
        %dma_wait3A_139 = tpu.memref_slice %arg4[%add3A_82] : memref<320000xi32, #tpu.memory_space<hbm>> -> memref<80xi32, #tpu.memory_space<hbm>>
        %dma_wait3A_140 = tpu.memref_slice %arg4[%add3A_82] : memref<320000xi32, #tpu.memory_space<hbm>> -> memref<80xi32, #tpu.memory_space<hbm>>
        tpu.wait_dma2 semaphore(%run_scoped3A : memref<!tpu.dma_semaphore, #tpu.memory_space<semaphore_mem>>) src(%dma_wait3A_140 : memref<80xi32, #tpu.memory_space<hbm>>) dst(%arg11 : memref<80xi32, #tpu.memory_space<vmem>>)
        tpu.yield
      }) : () -> ()
      %dma_start3A_83 = arith.constant 0 : i32
      %dma_start3A_84 = arith.constant 0 : i32
      %dma_start3A_85 = tpu.memref_slice %arg19[%dma_start3A_83, %dma_start3A_84] : memref<10240x128xf32, #tpu.memory_space<vmem_shared>> -> memref<10240x128xf32, #tpu.memory_space<vmem_shared>>
      tpu.enqueue_indirect_dma source(%arg15 : memref<80x128xf32, #tpu.memory_space<vmem>>) target(%dma_start3A_85 : memref<10240x128xf32, #tpu.memory_space<vmem_shared>>) offsets(%arg11 : memref<80xi32, #tpu.memory_space<vmem>>) semaphore(%arg24 : memref<!tpu.dma_semaphore, #tpu.memory_space<semaphore_mem>>) {add = true}
      %dma_wait3A_86 = arith.constant 0 : i32
      %dma_wait3A_87 = arith.constant 0 : i32
      %dma_wait3A_88 = tpu.memref_slice %arg2[%dma_wait3A_86, %dma_wait3A_87] : memref<10240x128xf32, #tpu.memory_space<hbm>> -> memref<10240x128xf32, #tpu.memory_space<hbm>>
      tpu.wait_indirect_dma semaphore(%arg21 : memref<!tpu.dma_semaphore, #tpu.memory_space<semaphore_mem>>) src(%dma_wait3A_88 : memref<10240x128xf32, #tpu.memory_space<hbm>>) dst(%arg16 : memref<80x128xf32, #tpu.memory_space<vmem>>)
      %mul3A_89 = arith.constant 4 : i32
      %mul3A_90 = arith.muli %mul3A_89, %add3A_32 : i32
      %add3A_91 = arith.constant 1 : i32
      %add3A_92 = arith.addi %mul3A_90, %add3A_91 : i32
      %mul3A_93 = arith.constant 80 : i32
      %mul3A_94 = arith.muli %add3A_92, %mul3A_93 : i32
      %add3A_95 = arith.addi %mul3A_4, %mul3A_94 : i32
      "tpu.region"() ({
        %run_scoped3A = tpu.sem_alloc : memref<!tpu.dma_semaphore, #tpu.memory_space<semaphore_mem>>
        %dma_start3A_137 = tpu.memref_slice %arg4[%add3A_95] : memref<320000xi32, #tpu.memory_space<hbm>> -> memref<80xi32, #tpu.memory_space<hbm>>
        %dma_start3A_138 = tpu.memref_slice %arg4[%add3A_95] : memref<320000xi32, #tpu.memory_space<hbm>> -> memref<80xi32, #tpu.memory_space<hbm>>
        tpu.enqueue_dma source(%dma_start3A_138 : memref<80xi32, #tpu.memory_space<hbm>>) target(%arg12 : memref<80xi32, #tpu.memory_space<vmem>>) target_semaphore(%run_scoped3A : memref<!tpu.dma_semaphore, #tpu.memory_space<semaphore_mem>>)
        %dma_wait3A_139 = tpu.memref_slice %arg4[%add3A_95] : memref<320000xi32, #tpu.memory_space<hbm>> -> memref<80xi32, #tpu.memory_space<hbm>>
        %dma_wait3A_140 = tpu.memref_slice %arg4[%add3A_95] : memref<320000xi32, #tpu.memory_space<hbm>> -> memref<80xi32, #tpu.memory_space<hbm>>
        tpu.wait_dma2 semaphore(%run_scoped3A : memref<!tpu.dma_semaphore, #tpu.memory_space<semaphore_mem>>) src(%dma_wait3A_140 : memref<80xi32, #tpu.memory_space<hbm>>) dst(%arg12 : memref<80xi32, #tpu.memory_space<vmem>>)
        tpu.yield
      }) : () -> ()
      %dma_start3A_96 = arith.constant 0 : i32
      %dma_start3A_97 = arith.constant 0 : i32
      %dma_start3A_98 = tpu.memref_slice %arg19[%dma_start3A_96, %dma_start3A_97] : memref<10240x128xf32, #tpu.memory_space<vmem_shared>> -> memref<10240x128xf32, #tpu.memory_space<vmem_shared>>
      tpu.enqueue_indirect_dma source(%arg16 : memref<80x128xf32, #tpu.memory_space<vmem>>) target(%dma_start3A_98 : memref<10240x128xf32, #tpu.memory_space<vmem_shared>>) offsets(%arg12 : memref<80xi32, #tpu.memory_space<vmem>>) semaphore(%arg25 : memref<!tpu.dma_semaphore, #tpu.memory_space<semaphore_mem>>) {add = true}
      %dma_wait3A_99 = arith.constant 0 : i32
      %dma_wait3A_100 = arith.constant 0 : i32
      %dma_wait3A_101 = tpu.memref_slice %arg2[%dma_wait3A_99, %dma_wait3A_100] : memref<10240x128xf32, #tpu.memory_space<hbm>> -> memref<10240x128xf32, #tpu.memory_space<hbm>>
      tpu.wait_indirect_dma semaphore(%arg22 : memref<!tpu.dma_semaphore, #tpu.memory_space<semaphore_mem>>) src(%dma_wait3A_101 : memref<10240x128xf32, #tpu.memory_space<hbm>>) dst(%arg17 : memref<80x128xf32, #tpu.memory_space<vmem>>)
      %mul3A_102 = arith.constant 4 : i32
      %mul3A_103 = arith.muli %mul3A_102, %add3A_32 : i32
      %add3A_104 = arith.constant 2 : i32
      %add3A_105 = arith.addi %mul3A_103, %add3A_104 : i32
      %mul3A_106 = arith.constant 80 : i32
      %mul3A_107 = arith.muli %add3A_105, %mul3A_106 : i32
      %add3A_108 = arith.addi %mul3A_4, %mul3A_107 : i32
      "tpu.region"() ({
        %run_scoped3A = tpu.sem_alloc : memref<!tpu.dma_semaphore, #tpu.memory_space<semaphore_mem>>
        %dma_start3A_137 = tpu.memref_slice %arg4[%add3A_108] : memref<320000xi32, #tpu.memory_space<hbm>> -> memref<80xi32, #tpu.memory_space<hbm>>
        %dma_start3A_138 = tpu.memref_slice %arg4[%add3A_108] : memref<320000xi32, #tpu.memory_space<hbm>> -> memref<80xi32, #tpu.memory_space<hbm>>
        tpu.enqueue_dma source(%dma_start3A_138 : memref<80xi32, #tpu.memory_space<hbm>>) target(%arg13 : memref<80xi32, #tpu.memory_space<vmem>>) target_semaphore(%run_scoped3A : memref<!tpu.dma_semaphore, #tpu.memory_space<semaphore_mem>>)
        %dma_wait3A_139 = tpu.memref_slice %arg4[%add3A_108] : memref<320000xi32, #tpu.memory_space<hbm>> -> memref<80xi32, #tpu.memory_space<hbm>>
        %dma_wait3A_140 = tpu.memref_slice %arg4[%add3A_108] : memref<320000xi32, #tpu.memory_space<hbm>> -> memref<80xi32, #tpu.memory_space<hbm>>
        tpu.wait_dma2 semaphore(%run_scoped3A : memref<!tpu.dma_semaphore, #tpu.memory_space<semaphore_mem>>) src(%dma_wait3A_140 : memref<80xi32, #tpu.memory_space<hbm>>) dst(%arg13 : memref<80xi32, #tpu.memory_space<vmem>>)
        tpu.yield
      }) : () -> ()
      %dma_start3A_109 = arith.constant 0 : i32
      %dma_start3A_110 = arith.constant 0 : i32
      %dma_start3A_111 = tpu.memref_slice %arg19[%dma_start3A_109, %dma_start3A_110] : memref<10240x128xf32, #tpu.memory_space<vmem_shared>> -> memref<10240x128xf32, #tpu.memory_space<vmem_shared>>
      tpu.enqueue_indirect_dma source(%arg17 : memref<80x128xf32, #tpu.memory_space<vmem>>) target(%dma_start3A_111 : memref<10240x128xf32, #tpu.memory_space<vmem_shared>>) offsets(%arg13 : memref<80xi32, #tpu.memory_space<vmem>>) semaphore(%arg26 : memref<!tpu.dma_semaphore, #tpu.memory_space<semaphore_mem>>) {add = true}
      %dma_wait3A_112 = arith.constant 0 : i32
      %dma_wait3A_113 = arith.constant 0 : i32
      %dma_wait3A_114 = tpu.memref_slice %arg2[%dma_wait3A_112, %dma_wait3A_113] : memref<10240x128xf32, #tpu.memory_space<hbm>> -> memref<10240x128xf32, #tpu.memory_space<hbm>>
      tpu.wait_indirect_dma semaphore(%arg23 : memref<!tpu.dma_semaphore, #tpu.memory_space<semaphore_mem>>) src(%dma_wait3A_114 : memref<10240x128xf32, #tpu.memory_space<hbm>>) dst(%arg18 : memref<80x128xf32, #tpu.memory_space<vmem>>)
      %mul3A_115 = arith.constant 4 : i32
      %mul3A_116 = arith.muli %mul3A_115, %add3A_32 : i32
      %add3A_117 = arith.constant 3 : i32
      %add3A_118 = arith.addi %mul3A_116, %add3A_117 : i32
      %mul3A_119 = arith.constant 80 : i32
      %mul3A_120 = arith.muli %add3A_118, %mul3A_119 : i32
      %add3A_121 = arith.addi %mul3A_4, %mul3A_120 : i32
      "tpu.region"() ({
        %run_scoped3A = tpu.sem_alloc : memref<!tpu.dma_semaphore, #tpu.memory_space<semaphore_mem>>
        %dma_start3A_137 = tpu.memref_slice %arg4[%add3A_121] : memref<320000xi32, #tpu.memory_space<hbm>> -> memref<80xi32, #tpu.memory_space<hbm>>
        %dma_start3A_138 = tpu.memref_slice %arg4[%add3A_121] : memref<320000xi32, #tpu.memory_space<hbm>> -> memref<80xi32, #tpu.memory_space<hbm>>
        tpu.enqueue_dma source(%dma_start3A_138 : memref<80xi32, #tpu.memory_space<hbm>>) target(%arg14 : memref<80xi32, #tpu.memory_space<vmem>>) target_semaphore(%run_scoped3A : memref<!tpu.dma_semaphore, #tpu.memory_space<semaphore_mem>>)
        %dma_wait3A_139 = tpu.memref_slice %arg4[%add3A_121] : memref<320000xi32, #tpu.memory_space<hbm>> -> memref<80xi32, #tpu.memory_space<hbm>>
        %dma_wait3A_140 = tpu.memref_slice %arg4[%add3A_121] : memref<320000xi32, #tpu.memory_space<hbm>> -> memref<80xi32, #tpu.memory_space<hbm>>
        tpu.wait_dma2 semaphore(%run_scoped3A : memref<!tpu.dma_semaphore, #tpu.memory_space<semaphore_mem>>) src(%dma_wait3A_140 : memref<80xi32, #tpu.memory_space<hbm>>) dst(%arg14 : memref<80xi32, #tpu.memory_space<vmem>>)
        tpu.yield
      }) : () -> ()
      %dma_start3A_122 = arith.constant 0 : i32
      %dma_start3A_123 = arith.constant 0 : i32
      %dma_start3A_124 = tpu.memref_slice %arg19[%dma_start3A_122, %dma_start3A_123] : memref<10240x128xf32, #tpu.memory_space<vmem_shared>> -> memref<10240x128xf32, #tpu.memory_space<vmem_shared>>
      tpu.enqueue_indirect_dma source(%arg18 : memref<80x128xf32, #tpu.memory_space<vmem>>) target(%dma_start3A_124 : memref<10240x128xf32, #tpu.memory_space<vmem_shared>>) offsets(%arg14 : memref<80xi32, #tpu.memory_space<vmem>>) semaphore(%arg27 : memref<!tpu.dma_semaphore, #tpu.memory_space<semaphore_mem>>) {add = true}
      %dma_wait3A_125 = arith.constant 0 : i32
      %dma_wait3A_126 = arith.constant 0 : i32
      %dma_wait3A_127 = tpu.memref_slice %arg19[%dma_wait3A_125, %dma_wait3A_126] : memref<10240x128xf32, #tpu.memory_space<vmem_shared>> -> memref<10240x128xf32, #tpu.memory_space<vmem_shared>>
      tpu.wait_indirect_dma semaphore(%arg24 : memref<!tpu.dma_semaphore, #tpu.memory_space<semaphore_mem>>) src(%arg15 : memref<80x128xf32, #tpu.memory_space<vmem>>) dst(%dma_wait3A_127 : memref<10240x128xf32, #tpu.memory_space<vmem_shared>>)
      %dma_wait3A_128 = arith.constant 0 : i32
      %dma_wait3A_129 = arith.constant 0 : i32
      %dma_wait3A_130 = tpu.memref_slice %arg19[%dma_wait3A_128, %dma_wait3A_129] : memref<10240x128xf32, #tpu.memory_space<vmem_shared>> -> memref<10240x128xf32, #tpu.memory_space<vmem_shared>>
      tpu.wait_indirect_dma semaphore(%arg25 : memref<!tpu.dma_semaphore, #tpu.memory_space<semaphore_mem>>) src(%arg16 : memref<80x128xf32, #tpu.memory_space<vmem>>) dst(%dma_wait3A_130 : memref<10240x128xf32, #tpu.memory_space<vmem_shared>>)
      %dma_wait3A_131 = arith.constant 0 : i32
      %dma_wait3A_132 = arith.constant 0 : i32
      %dma_wait3A_133 = tpu.memref_slice %arg19[%dma_wait3A_131, %dma_wait3A_132] : memref<10240x128xf32, #tpu.memory_space<vmem_shared>> -> memref<10240x128xf32, #tpu.memory_space<vmem_shared>>
      tpu.wait_indirect_dma semaphore(%arg26 : memref<!tpu.dma_semaphore, #tpu.memory_space<semaphore_mem>>) src(%arg17 : memref<80x128xf32, #tpu.memory_space<vmem>>) dst(%dma_wait3A_133 : memref<10240x128xf32, #tpu.memory_space<vmem_shared>>)
      %dma_wait3A_134 = arith.constant 0 : i32
      %dma_wait3A_135 = arith.constant 0 : i32
      %dma_wait3A_136 = tpu.memref_slice %arg19[%dma_wait3A_134, %dma_wait3A_135] : memref<10240x128xf32, #tpu.memory_space<vmem_shared>> -> memref<10240x128xf32, #tpu.memory_space<vmem_shared>>
      tpu.wait_indirect_dma semaphore(%arg27 : memref<!tpu.dma_semaphore, #tpu.memory_space<semaphore_mem>>) src(%arg18 : memref<80x128xf32, #tpu.memory_space<vmem>>) dst(%dma_wait3A_136 : memref<10240x128xf32, #tpu.memory_space<vmem_shared>>)
    }
    %scan3A_8 = arith.constant 31 : i32
    %add3A_9 = arith.constant 9920 : i32
    %add3A_10 = arith.addi %mul3A_4, %add3A_9 : i32
    "tpu.region"() ({
      %run_scoped3A = tpu.sem_alloc : memref<!tpu.dma_semaphore, #tpu.memory_space<semaphore_mem>>
      %dma_start3A_28 = tpu.memref_slice %arg3[%add3A_10] : memref<320000xi32, #tpu.memory_space<hbm>> -> memref<80xi32, #tpu.memory_space<hbm>>
      %dma_start3A_29 = tpu.memref_slice %arg3[%add3A_10] : memref<320000xi32, #tpu.memory_space<hbm>> -> memref<80xi32, #tpu.memory_space<hbm>>
      tpu.enqueue_dma source(%dma_start3A_29 : memref<80xi32, #tpu.memory_space<hbm>>) target(%arg7 : memref<80xi32, #tpu.memory_space<vmem>>) target_semaphore(%run_scoped3A : memref<!tpu.dma_semaphore, #tpu.memory_space<semaphore_mem>>)
      %dma_wait3A_30 = tpu.memref_slice %arg3[%add3A_10] : memref<320000xi32, #tpu.memory_space<hbm>> -> memref<80xi32, #tpu.memory_space<hbm>>
      %dma_wait3A_31 = tpu.memref_slice %arg3[%add3A_10] : memref<320000xi32, #tpu.memory_space<hbm>> -> memref<80xi32, #tpu.memory_space<hbm>>
      tpu.wait_dma2 semaphore(%run_scoped3A : memref<!tpu.dma_semaphore, #tpu.memory_space<semaphore_mem>>) src(%dma_wait3A_31 : memref<80xi32, #tpu.memory_space<hbm>>) dst(%arg7 : memref<80xi32, #tpu.memory_space<vmem>>)
      tpu.yield
    }) : () -> ()
    %dma_start3A = arith.constant 0 : i32
    %dma_start3A_11 = arith.constant 0 : i32
    %dma_start3A_12 = tpu.memref_slice %arg2[%dma_start3A, %dma_start3A_11] : memref<10240x128xf32, #tpu.memory_space<hbm>> -> memref<10240x128xf32, #tpu.memory_space<hbm>>
    tpu.enqueue_indirect_dma source(%dma_start3A_12 : memref<10240x128xf32, #tpu.memory_space<hbm>>) target(%arg15 : memref<80x128xf32, #tpu.memory_space<vmem>>) offsets(%arg7 : memref<80xi32, #tpu.memory_space<vmem>>) semaphore(%arg20 : memref<!tpu.dma_semaphore, #tpu.memory_space<semaphore_mem>>)
    %dma_wait3A = arith.constant 0 : i32
    %dma_wait3A_13 = arith.constant 0 : i32
    %dma_wait3A_14 = tpu.memref_slice %arg2[%dma_wait3A, %dma_wait3A_13] : memref<10240x128xf32, #tpu.memory_space<hbm>> -> memref<10240x128xf32, #tpu.memory_space<hbm>>
    tpu.wait_indirect_dma semaphore(%arg20 : memref<!tpu.dma_semaphore, #tpu.memory_space<semaphore_mem>>) src(%dma_wait3A_14 : memref<10240x128xf32, #tpu.memory_space<hbm>>) dst(%arg15 : memref<80x128xf32, #tpu.memory_space<vmem>>)
    %add3A_15 = arith.constant 9920 : i32
    %add3A_16 = arith.addi %mul3A_4, %add3A_15 : i32
    "tpu.region"() ({
      %run_scoped3A = tpu.sem_alloc : memref<!tpu.dma_semaphore, #tpu.memory_space<semaphore_mem>>
      %dma_start3A_28 = tpu.memref_slice %arg4[%add3A_16] : memref<320000xi32, #tpu.memory_space<hbm>> -> memref<80xi32, #tpu.memory_space<hbm>>
      %dma_start3A_29 = tpu.memref_slice %arg4[%add3A_16] : memref<320000xi32, #tpu.memory_space<hbm>> -> memref<80xi32, #tpu.memory_space<hbm>>
      tpu.enqueue_dma source(%dma_start3A_29 : memref<80xi32, #tpu.memory_space<hbm>>) target(%arg11 : memref<80xi32, #tpu.memory_space<vmem>>) target_semaphore(%run_scoped3A : memref<!tpu.dma_semaphore, #tpu.memory_space<semaphore_mem>>)
      %dma_wait3A_30 = tpu.memref_slice %arg4[%add3A_16] : memref<320000xi32, #tpu.memory_space<hbm>> -> memref<80xi32, #tpu.memory_space<hbm>>
      %dma_wait3A_31 = tpu.memref_slice %arg4[%add3A_16] : memref<320000xi32, #tpu.memory_space<hbm>> -> memref<80xi32, #tpu.memory_space<hbm>>
      tpu.wait_dma2 semaphore(%run_scoped3A : memref<!tpu.dma_semaphore, #tpu.memory_space<semaphore_mem>>) src(%dma_wait3A_31 : memref<80xi32, #tpu.memory_space<hbm>>) dst(%arg11 : memref<80xi32, #tpu.memory_space<vmem>>)
      tpu.yield
    }) : () -> ()
    %dma_start3A_17 = arith.constant 0 : i32
    %dma_start3A_18 = arith.constant 0 : i32
    %dma_start3A_19 = tpu.memref_slice %arg19[%dma_start3A_17, %dma_start3A_18] : memref<10240x128xf32, #tpu.memory_space<vmem_shared>> -> memref<10240x128xf32, #tpu.memory_space<vmem_shared>>
    tpu.enqueue_indirect_dma source(%arg15 : memref<80x128xf32, #tpu.memory_space<vmem>>) target(%dma_start3A_19 : memref<10240x128xf32, #tpu.memory_space<vmem_shared>>) offsets(%arg11 : memref<80xi32, #tpu.memory_space<vmem>>) semaphore(%arg24 : memref<!tpu.dma_semaphore, #tpu.memory_space<semaphore_mem>>) {add = true}
    %dma_wait3A_20 = arith.constant 0 : i32
    %dma_wait3A_21 = arith.constant 0 : i32
    %dma_wait3A_22 = tpu.memref_slice %arg19[%dma_wait3A_20, %dma_wait3A_21] : memref<10240x128xf32, #tpu.memory_space<vmem_shared>> -> memref<10240x128xf32, #tpu.memory_space<vmem_shared>>
    tpu.wait_indirect_dma semaphore(%arg24 : memref<!tpu.dma_semaphore, #tpu.memory_space<semaphore_mem>>) src(%arg15 : memref<80x128xf32, #tpu.memory_space<vmem>>) dst(%dma_wait3A_22 : memref<10240x128xf32, #tpu.memory_space<vmem_shared>>)
    %barrier3A_23 = arith.constant 0 : index
    tpu.barrier barrier_id(%barrier3A_23)
    %mul3A_24 = arith.constant 640 : i32
    %mul3A_25 = arith.muli %arg1, %mul3A_24 : i32
    %mul3A_26 = arith.constant 640 : i32
    %mul3A_27 = arith.muli %arg1, %mul3A_26 : i32
    "tpu.region"() ({
      %run_scoped3A = tpu.sem_alloc : memref<!tpu.dma_semaphore, #tpu.memory_space<semaphore_mem>>
      %dma_start3A_28 = arith.constant 0 : i32
      %dma_start3A_29 = tpu.memref_slice %arg6[%arg0, %mul3A_27, %dma_start3A_28] : memref<2x10240x128xf32, #tpu.memory_space<hbm>> -> memref<1x640x128xf32, #tpu.memory_space<hbm>>
      %dma_start3A_30 = tpu.memref_squeeze %dma_start3A_29 : memref<1x640x128xf32, #tpu.memory_space<hbm>> -> memref<640x128xf32, #tpu.memory_space<hbm>>
      %dma_start3A_31 = arith.constant 0 : i32
      %dma_start3A_32 = tpu.memref_slice %arg19[%mul3A_25, %dma_start3A_31] : memref<10240x128xf32, #tpu.memory_space<vmem_shared>> -> memref<640x128xf32, #tpu.memory_space<vmem_shared>>
      tpu.enqueue_dma source(%dma_start3A_32 : memref<640x128xf32, #tpu.memory_space<vmem_shared>>) target(%dma_start3A_30 : memref<640x128xf32, #tpu.memory_space<hbm>>) target_semaphore(%run_scoped3A : memref<!tpu.dma_semaphore, #tpu.memory_space<semaphore_mem>>)
      %dma_wait3A_33 = arith.constant 0 : i32
      %dma_wait3A_34 = tpu.memref_slice %arg6[%arg0, %mul3A_27, %dma_wait3A_33] : memref<2x10240x128xf32, #tpu.memory_space<hbm>> -> memref<1x640x128xf32, #tpu.memory_space<hbm>>
      %dma_wait3A_35 = tpu.memref_squeeze %dma_wait3A_34 : memref<1x640x128xf32, #tpu.memory_space<hbm>> -> memref<640x128xf32, #tpu.memory_space<hbm>>
      %dma_wait3A_36 = arith.constant 0 : i32
      %dma_wait3A_37 = tpu.memref_slice %arg19[%mul3A_25, %dma_wait3A_36] : memref<10240x128xf32, #tpu.memory_space<vmem_shared>> -> memref<640x128xf32, #tpu.memory_space<vmem_shared>>
      tpu.wait_dma2 semaphore(%run_scoped3A : memref<!tpu.dma_semaphore, #tpu.memory_space<semaphore_mem>>) src(%dma_wait3A_37 : memref<640x128xf32, #tpu.memory_space<vmem_shared>>) dst(%dma_wait3A_35 : memref<640x128xf32, #tpu.memory_space<hbm>>)
      tpu.yield
    }) : () -> ()
    return
  }
}

#map = affine_map<(d0, d1) -> (0, 0)>
#map1 = affine_map<(d0, d1) -> (0)>
#map2 = affine_map<(d0, d1) -> (0, 0, 0)>
module attributes {stable_mosaic.version = 14 : i64} {
  func.func @_agg_body(%arg0: i32, %arg1: i32, %arg2: memref<10240x128xf32, #tpu.memory_space<hbm>>, %arg3: memref<320000xi32, #tpu.memory_space<hbm>>, %arg4: memref<320000xi32, #tpu.memory_space<hbm>>, %arg5: memref<640x128xf32, #tpu.memory_space<hbm>>, %arg6: memref<2x10240x128xf32, #tpu.memory_space<hbm>>, %arg7: memref<80xi32, #tpu.memory_space<vmem>>, %arg8: memref<80xi32, #tpu.memory_space<vmem>>, %arg9: memref<80xi32, #tpu.memory_space<vmem>>, %arg10: memref<80xi32, #tpu.memory_space<vmem>>, %arg11: memref<80xi32, #tpu.memory_space<vmem>>, %arg12: memref<80xi32, #tpu.memory_space<vmem>>, %arg13: memref<80xi32, #tpu.memory_space<vmem>>, %arg14: memref<80xi32, #tpu.memory_space<vmem>>, %arg15: memref<80x128xf32, #tpu.memory_space<vmem>>, %arg16: memref<80x128xf32, #tpu.memory_space<vmem>>, %arg17: memref<80x128xf32, #tpu.memory_space<vmem>>, %arg18: memref<80x128xf32, #tpu.memory_space<vmem>>, %arg19: memref<10240x128xf32, #tpu.memory_space<vmem_shared>>, %arg20: memref<!tpu.dma_semaphore, #tpu.memory_space<semaphore_mem>>, %arg21: memref<!tpu.dma_semaphore, #tpu.memory_space<semaphore_mem>>, %arg22: memref<!tpu.dma_semaphore, #tpu.memory_space<semaphore_mem>>, %arg23: memref<!tpu.dma_semaphore, #tpu.memory_space<semaphore_mem>>, %arg24: memref<!tpu.dma_semaphore, #tpu.memory_space<semaphore_mem>>, %arg25: memref<!tpu.dma_semaphore, #tpu.memory_space<semaphore_mem>>, %arg26: memref<!tpu.dma_semaphore, #tpu.memory_space<semaphore_mem>>, %arg27: memref<!tpu.dma_semaphore, #tpu.memory_space<semaphore_mem>>) attributes {dimension_semantics = [#tpu.dimension_semantics<core_parallel>, #tpu.dimension_semantics<subcore_parallel>], iteration_bounds = array<i64: 2, 16>, scalar_prefetch = 0 : i64, scratch_operands = 21 : i64, tpu.core_type = #tpu.core_type<sc_vector_subcore>, window_params = [{transform_indices = #map}, {transform_indices = #map1}, {transform_indices = #map1}, {transform_indices = #map}, {transform_indices = #map2}]} {
    %mul3A = arith.constant 640 : i32
    %mul3A_0 = arith.muli %arg1, %mul3A : i32
    "tpu.region"() ({
      %run_scoped3A = tpu.sem_alloc : memref<!tpu.dma_semaphore, #tpu.memory_space<semaphore_mem>>
      %dma_start3A_28 = arith.constant 0 : i32
      %dma_start3A_29 = tpu.memref_slice %arg19[%mul3A_0, %dma_start3A_28] : memref<10240x128xf32, #tpu.memory_space<vmem_shared>> -> memref<640x128xf32, #tpu.memory_space<vmem_shared>>
      tpu.enqueue_dma source(%arg5 : memref<640x128xf32, #tpu.memory_space<hbm>>) target(%dma_start3A_29 : memref<640x128xf32, #tpu.memory_space<vmem_shared>>) target_semaphore(%run_scoped3A : memref<!tpu.dma_semaphore, #tpu.memory_space<semaphore_mem>>)
      %dma_wait3A_30 = arith.constant 0 : i32
      %dma_wait3A_31 = tpu.memref_slice %arg19[%mul3A_0, %dma_wait3A_30] : memref<10240x128xf32, #tpu.memory_space<vmem_shared>> -> memref<640x128xf32, #tpu.memory_space<vmem_shared>>
      tpu.wait_dma2 semaphore(%run_scoped3A : memref<!tpu.dma_semaphore, #tpu.memory_space<semaphore_mem>>) src(%arg5 : memref<640x128xf32, #tpu.memory_space<hbm>>) dst(%dma_wait3A_31 : memref<640x128xf32, #tpu.memory_space<vmem_shared>>)
      tpu.yield
    }) : () -> ()
    %barrier3A = arith.constant 0 : index
    tpu.barrier barrier_id(%barrier3A)
    %mul3A_1 = arith.constant 16 : i32
    %mul3A_2 = arith.muli %arg0, %mul3A_1 : i32
    %add3A = arith.addi %mul3A_2, %arg1 : i32
    %mul3A_3 = arith.constant 10000 : i32
    %mul3A_4 = arith.muli %add3A, %mul3A_3 : i32
    %scan3A = arith.constant 0 : i32
    %scan3A_5 = arith.constant 31 : i32
    %scan3A_6 = arith.addi %scan3A, %scan3A_5 : i32
    %scan3A_7 = arith.constant 1 : i32
    scf.for %scan3A_28 = %scan3A to %scan3A_6 step %scan3A_7  : i32 {
      %mul3A_29 = arith.constant 1 : i32
      %mul3A_30 = arith.muli %scan3A_28, %mul3A_29 : i32
      %add3A_31 = arith.constant 0 : i32
      %add3A_32 = arith.addi %add3A_31, %mul3A_30 : i32
      %mul3A_33 = arith.constant 4 : i32
      %mul3A_34 = arith.muli %mul3A_33, %add3A_32 : i32
      %add3A_35 = arith.constant 0 : i32
      %add3A_36 = arith.addi %mul3A_34, %add3A_35 : i32
      %mul3A_37 = arith.constant 80 : i32
      %mul3A_38 = arith.muli %add3A_36, %mul3A_37 : i32
      %add3A_39 = arith.addi %mul3A_4, %mul3A_38 : i32
      "tpu.region"() ({
        %run_scoped3A = tpu.sem_alloc : memref<!tpu.dma_semaphore, #tpu.memory_space<semaphore_mem>>
        %dma_start3A_137 = tpu.memref_slice %arg3[%add3A_39] : memref<320000xi32, #tpu.memory_space<hbm>> -> memref<80xi32, #tpu.memory_space<hbm>>
        %dma_start3A_138 = tpu.memref_slice %arg3[%add3A_39] : memref<320000xi32, #tpu.memory_space<hbm>> -> memref<80xi32, #tpu.memory_space<hbm>>
        tpu.enqueue_dma source(%dma_start3A_138 : memref<80xi32, #tpu.memory_space<hbm>>) target(%arg7 : memref<80xi32, #tpu.memory_space<vmem>>) target_semaphore(%run_scoped3A : memref<!tpu.dma_semaphore, #tpu.memory_space<semaphore_mem>>)
        %dma_wait3A_139 = tpu.memref_slice %arg3[%add3A_39] : memref<320000xi32, #tpu.memory_space<hbm>> -> memref<80xi32, #tpu.memory_space<hbm>>
        %dma_wait3A_140 = tpu.memref_slice %arg3[%add3A_39] : memref<320000xi32, #tpu.memory_space<hbm>> -> memref<80xi32, #tpu.memory_space<hbm>>
        tpu.wait_dma2 semaphore(%run_scoped3A : memref<!tpu.dma_semaphore, #tpu.memory_space<semaphore_mem>>) src(%dma_wait3A_140 : memref<80xi32, #tpu.memory_space<hbm>>) dst(%arg7 : memref<80xi32, #tpu.memory_space<vmem>>)
        tpu.yield
      }) : () -> ()
      %dma_start3A_40 = arith.constant 0 : i32
      %dma_start3A_41 = arith.constant 0 : i32
      %dma_start3A_42 = tpu.memref_slice %arg2[%dma_start3A_40, %dma_start3A_41] : memref<10240x128xf32, #tpu.memory_space<hbm>> -> memref<10240x128xf32, #tpu.memory_space<hbm>>
      tpu.enqueue_indirect_dma source(%dma_start3A_42 : memref<10240x128xf32, #tpu.memory_space<hbm>>) target(%arg15 : memref<80x128xf32, #tpu.memory_space<vmem>>) offsets(%arg7 : memref<80xi32, #tpu.memory_space<vmem>>) semaphore(%arg20 : memref<!tpu.dma_semaphore, #tpu.memory_space<semaphore_mem>>)
      %mul3A_43 = arith.constant 4 : i32
      %mul3A_44 = arith.muli %mul3A_43, %add3A_32 : i32
      %add3A_45 = arith.constant 1 : i32
      %add3A_46 = arith.addi %mul3A_44, %add3A_45 : i32
      %mul3A_47 = arith.constant 80 : i32
      %mul3A_48 = arith.muli %add3A_46, %mul3A_47 : i32
      %add3A_49 = arith.addi %mul3A_4, %mul3A_48 : i32
      "tpu.region"() ({
        %run_scoped3A = tpu.sem_alloc : memref<!tpu.dma_semaphore, #tpu.memory_space<semaphore_mem>>
        %dma_start3A_137 = tpu.memref_slice %arg3[%add3A_49] : memref<320000xi32, #tpu.memory_space<hbm>> -> memref<80xi32, #tpu.memory_space<hbm>>
        %dma_start3A_138 = tpu.memref_slice %arg3[%add3A_49] : memref<320000xi32, #tpu.memory_space<hbm>> -> memref<80xi32, #tpu.memory_space<hbm>>
        tpu.enqueue_dma source(%dma_start3A_138 : memref<80xi32, #tpu.memory_space<hbm>>) target(%arg8 : memref<80xi32, #tpu.memory_space<vmem>>) target_semaphore(%run_scoped3A : memref<!tpu.dma_semaphore, #tpu.memory_space<semaphore_mem>>)
        %dma_wait3A_139 = tpu.memref_slice %arg3[%add3A_49] : memref<320000xi32, #tpu.memory_space<hbm>> -> memref<80xi32, #tpu.memory_space<hbm>>
        %dma_wait3A_140 = tpu.memref_slice %arg3[%add3A_49] : memref<320000xi32, #tpu.memory_space<hbm>> -> memref<80xi32, #tpu.memory_space<hbm>>
        tpu.wait_dma2 semaphore(%run_scoped3A : memref<!tpu.dma_semaphore, #tpu.memory_space<semaphore_mem>>) src(%dma_wait3A_140 : memref<80xi32, #tpu.memory_space<hbm>>) dst(%arg8 : memref<80xi32, #tpu.memory_space<vmem>>)
        tpu.yield
      }) : () -> ()
      %dma_start3A_50 = arith.constant 0 : i32
      %dma_start3A_51 = arith.constant 0 : i32
      %dma_start3A_52 = tpu.memref_slice %arg2[%dma_start3A_50, %dma_start3A_51] : memref<10240x128xf32, #tpu.memory_space<hbm>> -> memref<10240x128xf32, #tpu.memory_space<hbm>>
      tpu.enqueue_indirect_dma source(%dma_start3A_52 : memref<10240x128xf32, #tpu.memory_space<hbm>>) target(%arg16 : memref<80x128xf32, #tpu.memory_space<vmem>>) offsets(%arg8 : memref<80xi32, #tpu.memory_space<vmem>>) semaphore(%arg21 : memref<!tpu.dma_semaphore, #tpu.memory_space<semaphore_mem>>)
      %mul3A_53 = arith.constant 4 : i32
      %mul3A_54 = arith.muli %mul3A_53, %add3A_32 : i32
      %add3A_55 = arith.constant 2 : i32
      %add3A_56 = arith.addi %mul3A_54, %add3A_55 : i32
      %mul3A_57 = arith.constant 80 : i32
      %mul3A_58 = arith.muli %add3A_56, %mul3A_57 : i32
      %add3A_59 = arith.addi %mul3A_4, %mul3A_58 : i32
      "tpu.region"() ({
        %run_scoped3A = tpu.sem_alloc : memref<!tpu.dma_semaphore, #tpu.memory_space<semaphore_mem>>
        %dma_start3A_137 = tpu.memref_slice %arg3[%add3A_59] : memref<320000xi32, #tpu.memory_space<hbm>> -> memref<80xi32, #tpu.memory_space<hbm>>
        %dma_start3A_138 = tpu.memref_slice %arg3[%add3A_59] : memref<320000xi32, #tpu.memory_space<hbm>> -> memref<80xi32, #tpu.memory_space<hbm>>
        tpu.enqueue_dma source(%dma_start3A_138 : memref<80xi32, #tpu.memory_space<hbm>>) target(%arg9 : memref<80xi32, #tpu.memory_space<vmem>>) target_semaphore(%run_scoped3A : memref<!tpu.dma_semaphore, #tpu.memory_space<semaphore_mem>>)
        %dma_wait3A_139 = tpu.memref_slice %arg3[%add3A_59] : memref<320000xi32, #tpu.memory_space<hbm>> -> memref<80xi32, #tpu.memory_space<hbm>>
        %dma_wait3A_140 = tpu.memref_slice %arg3[%add3A_59] : memref<320000xi32, #tpu.memory_space<hbm>> -> memref<80xi32, #tpu.memory_space<hbm>>
        tpu.wait_dma2 semaphore(%run_scoped3A : memref<!tpu.dma_semaphore, #tpu.memory_space<semaphore_mem>>) src(%dma_wait3A_140 : memref<80xi32, #tpu.memory_space<hbm>>) dst(%arg9 : memref<80xi32, #tpu.memory_space<vmem>>)
        tpu.yield
      }) : () -> ()
      %dma_start3A_60 = arith.constant 0 : i32
      %dma_start3A_61 = arith.constant 0 : i32
      %dma_start3A_62 = tpu.memref_slice %arg2[%dma_start3A_60, %dma_start3A_61] : memref<10240x128xf32, #tpu.memory_space<hbm>> -> memref<10240x128xf32, #tpu.memory_space<hbm>>
      tpu.enqueue_indirect_dma source(%dma_start3A_62 : memref<10240x128xf32, #tpu.memory_space<hbm>>) target(%arg17 : memref<80x128xf32, #tpu.memory_space<vmem>>) offsets(%arg9 : memref<80xi32, #tpu.memory_space<vmem>>) semaphore(%arg22 : memref<!tpu.dma_semaphore, #tpu.memory_space<semaphore_mem>>)
      %mul3A_63 = arith.constant 4 : i32
      %mul3A_64 = arith.muli %mul3A_63, %add3A_32 : i32
      %add3A_65 = arith.constant 3 : i32
      %add3A_66 = arith.addi %mul3A_64, %add3A_65 : i32
      %mul3A_67 = arith.constant 80 : i32
      %mul3A_68 = arith.muli %add3A_66, %mul3A_67 : i32
      %add3A_69 = arith.addi %mul3A_4, %mul3A_68 : i32
      "tpu.region"() ({
        %run_scoped3A = tpu.sem_alloc : memref<!tpu.dma_semaphore, #tpu.memory_space<semaphore_mem>>
        %dma_start3A_137 = tpu.memref_slice %arg3[%add3A_69] : memref<320000xi32, #tpu.memory_space<hbm>> -> memref<80xi32, #tpu.memory_space<hbm>>
        %dma_start3A_138 = tpu.memref_slice %arg3[%add3A_69] : memref<320000xi32, #tpu.memory_space<hbm>> -> memref<80xi32, #tpu.memory_space<hbm>>
        tpu.enqueue_dma source(%dma_start3A_138 : memref<80xi32, #tpu.memory_space<hbm>>) target(%arg10 : memref<80xi32, #tpu.memory_space<vmem>>) target_semaphore(%run_scoped3A : memref<!tpu.dma_semaphore, #tpu.memory_space<semaphore_mem>>)
        %dma_wait3A_139 = tpu.memref_slice %arg3[%add3A_69] : memref<320000xi32, #tpu.memory_space<hbm>> -> memref<80xi32, #tpu.memory_space<hbm>>
        %dma_wait3A_140 = tpu.memref_slice %arg3[%add3A_69] : memref<320000xi32, #tpu.memory_space<hbm>> -> memref<80xi32, #tpu.memory_space<hbm>>
        tpu.wait_dma2 semaphore(%run_scoped3A : memref<!tpu.dma_semaphore, #tpu.memory_space<semaphore_mem>>) src(%dma_wait3A_140 : memref<80xi32, #tpu.memory_space<hbm>>) dst(%arg10 : memref<80xi32, #tpu.memory_space<vmem>>)
        tpu.yield
      }) : () -> ()
      %dma_start3A_70 = arith.constant 0 : i32
      %dma_start3A_71 = arith.constant 0 : i32
      %dma_start3A_72 = tpu.memref_slice %arg2[%dma_start3A_70, %dma_start3A_71] : memref<10240x128xf32, #tpu.memory_space<hbm>> -> memref<10240x128xf32, #tpu.memory_space<hbm>>
      tpu.enqueue_indirect_dma source(%dma_start3A_72 : memref<10240x128xf32, #tpu.memory_space<hbm>>) target(%arg18 : memref<80x128xf32, #tpu.memory_space<vmem>>) offsets(%arg10 : memref<80xi32, #tpu.memory_space<vmem>>) semaphore(%arg23 : memref<!tpu.dma_semaphore, #tpu.memory_space<semaphore_mem>>)
      %dma_wait3A_73 = arith.constant 0 : i32
      %dma_wait3A_74 = arith.constant 0 : i32
      %dma_wait3A_75 = tpu.memref_slice %arg2[%dma_wait3A_73, %dma_wait3A_74] : memref<10240x128xf32, #tpu.memory_space<hbm>> -> memref<10240x128xf32, #tpu.memory_space<hbm>>
      tpu.wait_indirect_dma semaphore(%arg20 : memref<!tpu.dma_semaphore, #tpu.memory_space<semaphore_mem>>) src(%dma_wait3A_75 : memref<10240x128xf32, #tpu.memory_space<hbm>>) dst(%arg15 : memref<80x128xf32, #tpu.memory_space<vmem>>)
      %mul3A_76 = arith.constant 4 : i32
      %mul3A_77 = arith.muli %mul3A_76, %add3A_32 : i32
      %add3A_78 = arith.constant 0 : i32
      %add3A_79 = arith.addi %mul3A_77, %add3A_78 : i32
      %mul3A_80 = arith.constant 80 : i32
      %mul3A_81 = arith.muli %add3A_79, %mul3A_80 : i32
      %add3A_82 = arith.addi %mul3A_4, %mul3A_81 : i32
      "tpu.region"() ({
        %run_scoped3A = tpu.sem_alloc : memref<!tpu.dma_semaphore, #tpu.memory_space<semaphore_mem>>
        %dma_start3A_137 = tpu.memref_slice %arg4[%add3A_82] : memref<320000xi32, #tpu.memory_space<hbm>> -> memref<80xi32, #tpu.memory_space<hbm>>
        %dma_start3A_138 = tpu.memref_slice %arg4[%add3A_82] : memref<320000xi32, #tpu.memory_space<hbm>> -> memref<80xi32, #tpu.memory_space<hbm>>
        tpu.enqueue_dma source(%dma_start3A_138 : memref<80xi32, #tpu.memory_space<hbm>>) target(%arg11 : memref<80xi32, #tpu.memory_space<vmem>>) target_semaphore(%run_scoped3A : memref<!tpu.dma_semaphore, #tpu.memory_space<semaphore_mem>>)
        %dma_wait3A_139 = tpu.memref_slice %arg4[%add3A_82] : memref<320000xi32, #tpu.memory_space<hbm>> -> memref<80xi32, #tpu.memory_space<hbm>>
        %dma_wait3A_140 = tpu.memref_slice %arg4[%add3A_82] : memref<320000xi32, #tpu.memory_space<hbm>> -> memref<80xi32, #tpu.memory_space<hbm>>
        tpu.wait_dma2 semaphore(%run_scoped3A : memref<!tpu.dma_semaphore, #tpu.memory_space<semaphore_mem>>) src(%dma_wait3A_140 : memref<80xi32, #tpu.memory_space<hbm>>) dst(%arg11 : memref<80xi32, #tpu.memory_space<vmem>>)
        tpu.yield
      }) : () -> ()
      %dma_start3A_83 = arith.constant 0 : i32
      %dma_start3A_84 = arith.constant 0 : i32
      %dma_start3A_85 = tpu.memref_slice %arg19[%dma_start3A_83, %dma_start3A_84] : memref<10240x128xf32, #tpu.memory_space<vmem_shared>> -> memref<10240x128xf32, #tpu.memory_space<vmem_shared>>
      tpu.enqueue_indirect_dma source(%arg15 : memref<80x128xf32, #tpu.memory_space<vmem>>) target(%dma_start3A_85 : memref<10240x128xf32, #tpu.memory_space<vmem_shared>>) offsets(%arg11 : memref<80xi32, #tpu.memory_space<vmem>>) semaphore(%arg24 : memref<!tpu.dma_semaphore, #tpu.memory_space<semaphore_mem>>) {add = true}
      %dma_wait3A_86 = arith.constant 0 : i32
      %dma_wait3A_87 = arith.constant 0 : i32
      %dma_wait3A_88 = tpu.memref_slice %arg2[%dma_wait3A_86, %dma_wait3A_87] : memref<10240x128xf32, #tpu.memory_space<hbm>> -> memref<10240x128xf32, #tpu.memory_space<hbm>>
      tpu.wait_indirect_dma semaphore(%arg21 : memref<!tpu.dma_semaphore, #tpu.memory_space<semaphore_mem>>) src(%dma_wait3A_88 : memref<10240x128xf32, #tpu.memory_space<hbm>>) dst(%arg16 : memref<80x128xf32, #tpu.memory_space<vmem>>)
      %mul3A_89 = arith.constant 4 : i32
      %mul3A_90 = arith.muli %mul3A_89, %add3A_32 : i32
      %add3A_91 = arith.constant 1 : i32
      %add3A_92 = arith.addi %mul3A_90, %add3A_91 : i32
      %mul3A_93 = arith.constant 80 : i32
      %mul3A_94 = arith.muli %add3A_92, %mul3A_93 : i32
      %add3A_95 = arith.addi %mul3A_4, %mul3A_94 : i32
      "tpu.region"() ({
        %run_scoped3A = tpu.sem_alloc : memref<!tpu.dma_semaphore, #tpu.memory_space<semaphore_mem>>
        %dma_start3A_137 = tpu.memref_slice %arg4[%add3A_95] : memref<320000xi32, #tpu.memory_space<hbm>> -> memref<80xi32, #tpu.memory_space<hbm>>
        %dma_start3A_138 = tpu.memref_slice %arg4[%add3A_95] : memref<320000xi32, #tpu.memory_space<hbm>> -> memref<80xi32, #tpu.memory_space<hbm>>
        tpu.enqueue_dma source(%dma_start3A_138 : memref<80xi32, #tpu.memory_space<hbm>>) target(%arg12 : memref<80xi32, #tpu.memory_space<vmem>>) target_semaphore(%run_scoped3A : memref<!tpu.dma_semaphore, #tpu.memory_space<semaphore_mem>>)
        %dma_wait3A_139 = tpu.memref_slice %arg4[%add3A_95] : memref<320000xi32, #tpu.memory_space<hbm>> -> memref<80xi32, #tpu.memory_space<hbm>>
        %dma_wait3A_140 = tpu.memref_slice %arg4[%add3A_95] : memref<320000xi32, #tpu.memory_space<hbm>> -> memref<80xi32, #tpu.memory_space<hbm>>
        tpu.wait_dma2 semaphore(%run_scoped3A : memref<!tpu.dma_semaphore, #tpu.memory_space<semaphore_mem>>) src(%dma_wait3A_140 : memref<80xi32, #tpu.memory_space<hbm>>) dst(%arg12 : memref<80xi32, #tpu.memory_space<vmem>>)
        tpu.yield
      }) : () -> ()
      %dma_start3A_96 = arith.constant 0 : i32
      %dma_start3A_97 = arith.constant 0 : i32
      %dma_start3A_98 = tpu.memref_slice %arg19[%dma_start3A_96, %dma_start3A_97] : memref<10240x128xf32, #tpu.memory_space<vmem_shared>> -> memref<10240x128xf32, #tpu.memory_space<vmem_shared>>
      tpu.enqueue_indirect_dma source(%arg16 : memref<80x128xf32, #tpu.memory_space<vmem>>) target(%dma_start3A_98 : memref<10240x128xf32, #tpu.memory_space<vmem_shared>>) offsets(%arg12 : memref<80xi32, #tpu.memory_space<vmem>>) semaphore(%arg25 : memref<!tpu.dma_semaphore, #tpu.memory_space<semaphore_mem>>) {add = true}
      %dma_wait3A_99 = arith.constant 0 : i32
      %dma_wait3A_100 = arith.constant 0 : i32
      %dma_wait3A_101 = tpu.memref_slice %arg2[%dma_wait3A_99, %dma_wait3A_100] : memref<10240x128xf32, #tpu.memory_space<hbm>> -> memref<10240x128xf32, #tpu.memory_space<hbm>>
      tpu.wait_indirect_dma semaphore(%arg22 : memref<!tpu.dma_semaphore, #tpu.memory_space<semaphore_mem>>) src(%dma_wait3A_101 : memref<10240x128xf32, #tpu.memory_space<hbm>>) dst(%arg17 : memref<80x128xf32, #tpu.memory_space<vmem>>)
      %mul3A_102 = arith.constant 4 : i32
      %mul3A_103 = arith.muli %mul3A_102, %add3A_32 : i32
      %add3A_104 = arith.constant 2 : i32
      %add3A_105 = arith.addi %mul3A_103, %add3A_104 : i32
      %mul3A_106 = arith.constant 80 : i32
      %mul3A_107 = arith.muli %add3A_105, %mul3A_106 : i32
      %add3A_108 = arith.addi %mul3A_4, %mul3A_107 : i32
      "tpu.region"() ({
        %run_scoped3A = tpu.sem_alloc : memref<!tpu.dma_semaphore, #tpu.memory_space<semaphore_mem>>
        %dma_start3A_137 = tpu.memref_slice %arg4[%add3A_108] : memref<320000xi32, #tpu.memory_space<hbm>> -> memref<80xi32, #tpu.memory_space<hbm>>
        %dma_start3A_138 = tpu.memref_slice %arg4[%add3A_108] : memref<320000xi32, #tpu.memory_space<hbm>> -> memref<80xi32, #tpu.memory_space<hbm>>
        tpu.enqueue_dma source(%dma_start3A_138 : memref<80xi32, #tpu.memory_space<hbm>>) target(%arg13 : memref<80xi32, #tpu.memory_space<vmem>>) target_semaphore(%run_scoped3A : memref<!tpu.dma_semaphore, #tpu.memory_space<semaphore_mem>>)
        %dma_wait3A_139 = tpu.memref_slice %arg4[%add3A_108] : memref<320000xi32, #tpu.memory_space<hbm>> -> memref<80xi32, #tpu.memory_space<hbm>>
        %dma_wait3A_140 = tpu.memref_slice %arg4[%add3A_108] : memref<320000xi32, #tpu.memory_space<hbm>> -> memref<80xi32, #tpu.memory_space<hbm>>
        tpu.wait_dma2 semaphore(%run_scoped3A : memref<!tpu.dma_semaphore, #tpu.memory_space<semaphore_mem>>) src(%dma_wait3A_140 : memref<80xi32, #tpu.memory_space<hbm>>) dst(%arg13 : memref<80xi32, #tpu.memory_space<vmem>>)
        tpu.yield
      }) : () -> ()
      %dma_start3A_109 = arith.constant 0 : i32
      %dma_start3A_110 = arith.constant 0 : i32
      %dma_start3A_111 = tpu.memref_slice %arg19[%dma_start3A_109, %dma_start3A_110] : memref<10240x128xf32, #tpu.memory_space<vmem_shared>> -> memref<10240x128xf32, #tpu.memory_space<vmem_shared>>
      tpu.enqueue_indirect_dma source(%arg17 : memref<80x128xf32, #tpu.memory_space<vmem>>) target(%dma_start3A_111 : memref<10240x128xf32, #tpu.memory_space<vmem_shared>>) offsets(%arg13 : memref<80xi32, #tpu.memory_space<vmem>>) semaphore(%arg26 : memref<!tpu.dma_semaphore, #tpu.memory_space<semaphore_mem>>) {add = true}
      %dma_wait3A_112 = arith.constant 0 : i32
      %dma_wait3A_113 = arith.constant 0 : i32
      %dma_wait3A_114 = tpu.memref_slice %arg2[%dma_wait3A_112, %dma_wait3A_113] : memref<10240x128xf32, #tpu.memory_space<hbm>> -> memref<10240x128xf32, #tpu.memory_space<hbm>>
      tpu.wait_indirect_dma semaphore(%arg23 : memref<!tpu.dma_semaphore, #tpu.memory_space<semaphore_mem>>) src(%dma_wait3A_114 : memref<10240x128xf32, #tpu.memory_space<hbm>>) dst(%arg18 : memref<80x128xf32, #tpu.memory_space<vmem>>)
      %mul3A_115 = arith.constant 4 : i32
      %mul3A_116 = arith.muli %mul3A_115, %add3A_32 : i32
      %add3A_117 = arith.constant 3 : i32
      %add3A_118 = arith.addi %mul3A_116, %add3A_117 : i32
      %mul3A_119 = arith.constant 80 : i32
      %mul3A_120 = arith.muli %add3A_118, %mul3A_119 : i32
      %add3A_121 = arith.addi %mul3A_4, %mul3A_120 : i32
      "tpu.region"() ({
        %run_scoped3A = tpu.sem_alloc : memref<!tpu.dma_semaphore, #tpu.memory_space<semaphore_mem>>
        %dma_start3A_137 = tpu.memref_slice %arg4[%add3A_121] : memref<320000xi32, #tpu.memory_space<hbm>> -> memref<80xi32, #tpu.memory_space<hbm>>
        %dma_start3A_138 = tpu.memref_slice %arg4[%add3A_121] : memref<320000xi32, #tpu.memory_space<hbm>> -> memref<80xi32, #tpu.memory_space<hbm>>
        tpu.enqueue_dma source(%dma_start3A_138 : memref<80xi32, #tpu.memory_space<hbm>>) target(%arg14 : memref<80xi32, #tpu.memory_space<vmem>>) target_semaphore(%run_scoped3A : memref<!tpu.dma_semaphore, #tpu.memory_space<semaphore_mem>>)
        %dma_wait3A_139 = tpu.memref_slice %arg4[%add3A_121] : memref<320000xi32, #tpu.memory_space<hbm>> -> memref<80xi32, #tpu.memory_space<hbm>>
        %dma_wait3A_140 = tpu.memref_slice %arg4[%add3A_121] : memref<320000xi32, #tpu.memory_space<hbm>> -> memref<80xi32, #tpu.memory_space<hbm>>
        tpu.wait_dma2 semaphore(%run_scoped3A : memref<!tpu.dma_semaphore, #tpu.memory_space<semaphore_mem>>) src(%dma_wait3A_140 : memref<80xi32, #tpu.memory_space<hbm>>) dst(%arg14 : memref<80xi32, #tpu.memory_space<vmem>>)
        tpu.yield
      }) : () -> ()
      %dma_start3A_122 = arith.constant 0 : i32
      %dma_start3A_123 = arith.constant 0 : i32
      %dma_start3A_124 = tpu.memref_slice %arg19[%dma_start3A_122, %dma_start3A_123] : memref<10240x128xf32, #tpu.memory_space<vmem_shared>> -> memref<10240x128xf32, #tpu.memory_space<vmem_shared>>
      tpu.enqueue_indirect_dma source(%arg18 : memref<80x128xf32, #tpu.memory_space<vmem>>) target(%dma_start3A_124 : memref<10240x128xf32, #tpu.memory_space<vmem_shared>>) offsets(%arg14 : memref<80xi32, #tpu.memory_space<vmem>>) semaphore(%arg27 : memref<!tpu.dma_semaphore, #tpu.memory_space<semaphore_mem>>) {add = true}
      %dma_wait3A_125 = arith.constant 0 : i32
      %dma_wait3A_126 = arith.constant 0 : i32
      %dma_wait3A_127 = tpu.memref_slice %arg19[%dma_wait3A_125, %dma_wait3A_126] : memref<10240x128xf32, #tpu.memory_space<vmem_shared>> -> memref<10240x128xf32, #tpu.memory_space<vmem_shared>>
      tpu.wait_indirect_dma semaphore(%arg24 : memref<!tpu.dma_semaphore, #tpu.memory_space<semaphore_mem>>) src(%arg15 : memref<80x128xf32, #tpu.memory_space<vmem>>) dst(%dma_wait3A_127 : memref<10240x128xf32, #tpu.memory_space<vmem_shared>>)
      %dma_wait3A_128 = arith.constant 0 : i32
      %dma_wait3A_129 = arith.constant 0 : i32
      %dma_wait3A_130 = tpu.memref_slice %arg19[%dma_wait3A_128, %dma_wait3A_129] : memref<10240x128xf32, #tpu.memory_space<vmem_shared>> -> memref<10240x128xf32, #tpu.memory_space<vmem_shared>>
      tpu.wait_indirect_dma semaphore(%arg25 : memref<!tpu.dma_semaphore, #tpu.memory_space<semaphore_mem>>) src(%arg16 : memref<80x128xf32, #tpu.memory_space<vmem>>) dst(%dma_wait3A_130 : memref<10240x128xf32, #tpu.memory_space<vmem_shared>>)
      %dma_wait3A_131 = arith.constant 0 : i32
      %dma_wait3A_132 = arith.constant 0 : i32
      %dma_wait3A_133 = tpu.memref_slice %arg19[%dma_wait3A_131, %dma_wait3A_132] : memref<10240x128xf32, #tpu.memory_space<vmem_shared>> -> memref<10240x128xf32, #tpu.memory_space<vmem_shared>>
      tpu.wait_indirect_dma semaphore(%arg26 : memref<!tpu.dma_semaphore, #tpu.memory_space<semaphore_mem>>) src(%arg17 : memref<80x128xf32, #tpu.memory_space<vmem>>) dst(%dma_wait3A_133 : memref<10240x128xf32, #tpu.memory_space<vmem_shared>>)
      %dma_wait3A_134 = arith.constant 0 : i32
      %dma_wait3A_135 = arith.constant 0 : i32
      %dma_wait3A_136 = tpu.memref_slice %arg19[%dma_wait3A_134, %dma_wait3A_135] : memref<10240x128xf32, #tpu.memory_space<vmem_shared>> -> memref<10240x128xf32, #tpu.memory_space<vmem_shared>>
      tpu.wait_indirect_dma semaphore(%arg27 : memref<!tpu.dma_semaphore, #tpu.memory_space<semaphore_mem>>) src(%arg18 : memref<80x128xf32, #tpu.memory_space<vmem>>) dst(%dma_wait3A_136 : memref<10240x128xf32, #tpu.memory_space<vmem_shared>>)
    }
    %scan3A_8 = arith.constant 31 : i32
    %add3A_9 = arith.constant 9920 : i32
    %add3A_10 = arith.addi %mul3A_4, %add3A_9 : i32
    "tpu.region"() ({
      %run_scoped3A = tpu.sem_alloc : memref<!tpu.dma_semaphore, #tpu.memory_space<semaphore_mem>>
      %dma_start3A_28 = tpu.memref_slice %arg3[%add3A_10] : memref<320000xi32, #tpu.memory_space<hbm>> -> memref<80xi32, #tpu.memory_space<hbm>>
      %dma_start3A_29 = tpu.memref_slice %arg3[%add3A_10] : memref<320000xi32, #tpu.memory_space<hbm>> -> memref<80xi32, #tpu.memory_space<hbm>>
      tpu.enqueue_dma source(%dma_start3A_29 : memref<80xi32, #tpu.memory_space<hbm>>) target(%arg7 : memref<80xi32, #tpu.memory_space<vmem>>) target_semaphore(%run_scoped3A : memref<!tpu.dma_semaphore, #tpu.memory_space<semaphore_mem>>)
      %dma_wait3A_30 = tpu.memref_slice %arg3[%add3A_10] : memref<320000xi32, #tpu.memory_space<hbm>> -> memref<80xi32, #tpu.memory_space<hbm>>
      %dma_wait3A_31 = tpu.memref_slice %arg3[%add3A_10] : memref<320000xi32, #tpu.memory_space<hbm>> -> memref<80xi32, #tpu.memory_space<hbm>>
      tpu.wait_dma2 semaphore(%run_scoped3A : memref<!tpu.dma_semaphore, #tpu.memory_space<semaphore_mem>>) src(%dma_wait3A_31 : memref<80xi32, #tpu.memory_space<hbm>>) dst(%arg7 : memref<80xi32, #tpu.memory_space<vmem>>)
      tpu.yield
    }) : () -> ()
    %dma_start3A = arith.constant 0 : i32
    %dma_start3A_11 = arith.constant 0 : i32
    %dma_start3A_12 = tpu.memref_slice %arg2[%dma_start3A, %dma_start3A_11] : memref<10240x128xf32, #tpu.memory_space<hbm>> -> memref<10240x128xf32, #tpu.memory_space<hbm>>
    tpu.enqueue_indirect_dma source(%dma_start3A_12 : memref<10240x128xf32, #tpu.memory_space<hbm>>) target(%arg15 : memref<80x128xf32, #tpu.memory_space<vmem>>) offsets(%arg7 : memref<80xi32, #tpu.memory_space<vmem>>) semaphore(%arg20 : memref<!tpu.dma_semaphore, #tpu.memory_space<semaphore_mem>>)
    %dma_wait3A = arith.constant 0 : i32
    %dma_wait3A_13 = arith.constant 0 : i32
    %dma_wait3A_14 = tpu.memref_slice %arg2[%dma_wait3A, %dma_wait3A_13] : memref<10240x128xf32, #tpu.memory_space<hbm>> -> memref<10240x128xf32, #tpu.memory_space<hbm>>
    tpu.wait_indirect_dma semaphore(%arg20 : memref<!tpu.dma_semaphore, #tpu.memory_space<semaphore_mem>>) src(%dma_wait3A_14 : memref<10240x128xf32, #tpu.memory_space<hbm>>) dst(%arg15 : memref<80x128xf32, #tpu.memory_space<vmem>>)
    %add3A_15 = arith.constant 9920 : i32
    %add3A_16 = arith.addi %mul3A_4, %add3A_15 : i32
    "tpu.region"() ({
      %run_scoped3A = tpu.sem_alloc : memref<!tpu.dma_semaphore, #tpu.memory_space<semaphore_mem>>
      %dma_start3A_28 = tpu.memref_slice %arg4[%add3A_16] : memref<320000xi32, #tpu.memory_space<hbm>> -> memref<80xi32, #tpu.memory_space<hbm>>
      %dma_start3A_29 = tpu.memref_slice %arg4[%add3A_16] : memref<320000xi32, #tpu.memory_space<hbm>> -> memref<80xi32, #tpu.memory_space<hbm>>
      tpu.enqueue_dma source(%dma_start3A_29 : memref<80xi32, #tpu.memory_space<hbm>>) target(%arg11 : memref<80xi32, #tpu.memory_space<vmem>>) target_semaphore(%run_scoped3A : memref<!tpu.dma_semaphore, #tpu.memory_space<semaphore_mem>>)
      %dma_wait3A_30 = tpu.memref_slice %arg4[%add3A_16] : memref<320000xi32, #tpu.memory_space<hbm>> -> memref<80xi32, #tpu.memory_space<hbm>>
      %dma_wait3A_31 = tpu.memref_slice %arg4[%add3A_16] : memref<320000xi32, #tpu.memory_space<hbm>> -> memref<80xi32, #tpu.memory_space<hbm>>
      tpu.wait_dma2 semaphore(%run_scoped3A : memref<!tpu.dma_semaphore, #tpu.memory_space<semaphore_mem>>) src(%dma_wait3A_31 : memref<80xi32, #tpu.memory_space<hbm>>) dst(%arg11 : memref<80xi32, #tpu.memory_space<vmem>>)
      tpu.yield
    }) : () -> ()
    %dma_start3A_17 = arith.constant 0 : i32
    %dma_start3A_18 = arith.constant 0 : i32
    %dma_start3A_19 = tpu.memref_slice %arg19[%dma_start3A_17, %dma_start3A_18] : memref<10240x128xf32, #tpu.memory_space<vmem_shared>> -> memref<10240x128xf32, #tpu.memory_space<vmem_shared>>
    tpu.enqueue_indirect_dma source(%arg15 : memref<80x128xf32, #tpu.memory_space<vmem>>) target(%dma_start3A_19 : memref<10240x128xf32, #tpu.memory_space<vmem_shared>>) offsets(%arg11 : memref<80xi32, #tpu.memory_space<vmem>>) semaphore(%arg24 : memref<!tpu.dma_semaphore, #tpu.memory_space<semaphore_mem>>) {add = true}
    %dma_wait3A_20 = arith.constant 0 : i32
    %dma_wait3A_21 = arith.constant 0 : i32
    %dma_wait3A_22 = tpu.memref_slice %arg19[%dma_wait3A_20, %dma_wait3A_21] : memref<10240x128xf32, #tpu.memory_space<vmem_shared>> -> memref<10240x128xf32, #tpu.memory_space<vmem_shared>>
    tpu.wait_indirect_dma semaphore(%arg24 : memref<!tpu.dma_semaphore, #tpu.memory_space<semaphore_mem>>) src(%arg15 : memref<80x128xf32, #tpu.memory_space<vmem>>) dst(%dma_wait3A_22 : memref<10240x128xf32, #tpu.memory_space<vmem_shared>>)
    %barrier3A_23 = arith.constant 0 : index
    tpu.barrier barrier_id(%barrier3A_23)
    %mul3A_24 = arith.constant 640 : i32
    %mul3A_25 = arith.muli %arg1, %mul3A_24 : i32
    %mul3A_26 = arith.constant 640 : i32
    %mul3A_27 = arith.muli %arg1, %mul3A_26 : i32
    "tpu.region"() ({
      %run_scoped3A = tpu.sem_alloc : memref<!tpu.dma_semaphore, #tpu.memory_space<semaphore_mem>>
      %dma_start3A_28 = arith.constant 0 : i32
      %dma_start3A_29 = tpu.memref_slice %arg6[%arg0, %mul3A_27, %dma_start3A_28] : memref<2x10240x128xf32, #tpu.memory_space<hbm>> -> memref<1x640x128xf32, #tpu.memory_space<hbm>>
      %dma_start3A_30 = tpu.memref_squeeze %dma_start3A_29 : memref<1x640x128xf32, #tpu.memory_space<hbm>> -> memref<640x128xf32, #tpu.memory_space<hbm>>
      %dma_start3A_31 = arith.constant 0 : i32
      %dma_start3A_32 = tpu.memref_slice %arg19[%mul3A_25, %dma_start3A_31] : memref<10240x128xf32, #tpu.memory_space<vmem_shared>> -> memref<640x128xf32, #tpu.memory_space<vmem_shared>>
      tpu.enqueue_dma source(%dma_start3A_32 : memref<640x128xf32, #tpu.memory_space<vmem_shared>>) target(%dma_start3A_30 : memref<640x128xf32, #tpu.memory_space<hbm>>) target_semaphore(%run_scoped3A : memref<!tpu.dma_semaphore, #tpu.memory_space<semaphore_mem>>)
      %dma_wait3A_33 = arith.constant 0 : i32
      %dma_wait3A_34 = tpu.memref_slice %arg6[%arg0, %mul3A_27, %dma_wait3A_33] : memref<2x10240x128xf32, #tpu.memory_space<hbm>> -> memref<1x640x128xf32, #tpu.memory_space<hbm>>
      %dma_wait3A_35 = tpu.memref_squeeze %dma_wait3A_34 : memref<1x640x128xf32, #tpu.memory_space<hbm>> -> memref<640x128xf32, #tpu.memory_space<hbm>>
      %dma_wait3A_36 = arith.constant 0 : i32
      %dma_wait3A_37 = tpu.memref_slice %arg19[%mul3A_25, %dma_wait3A_36] : memref<10240x128xf32, #tpu.memory_space<vmem_shared>> -> memref<640x128xf32, #tpu.memory_space<vmem_shared>>
      tpu.wait_dma2 semaphore(%run_scoped3A : memref<!tpu.dma_semaphore, #tpu.memory_space<semaphore_mem>>) src(%dma_wait3A_37 : memref<640x128xf32, #tpu.memory_space<vmem_shared>>) dst(%dma_wait3A_35 : memref<640x128xf32, #tpu.memory_space<hbm>>)
      tpu.yield
    }) : () -> ()
    return
  }
}

module attributes {stable_mosaic.version = 14 : i64} {
  func.func @_counts_body(%arg0: i32, %arg1: memref<1x1x128xf32, #tpu.memory_space<vmem>>, %arg2: memref<64x1xf32, #tpu.memory_space<vmem>>) attributes {dimension_semantics = [#tpu.dimension_semantics<arbitrary>], iteration_bounds = array<i64: 80>, scalar_prefetch = 0 : i64, scratch_operands = 0 : i64, tpu.core_type = #tpu.core_type<tc>, window_params = [{transform_indices = @transform_0, window_bounds = array<i64: 1, 1, 128>}, {pipeline_mode = #tpu.pipeline_mode<synchronous>, transform_indices = @transform_1, window_bounds = array<i64: 64, 1>}]} {
    %eq3A = arith.constant 0 : i32
    %eq3A_0 = arith.cmpi eq, %arg0, %eq3A : i32
    %convert_element_type3A = arith.extui %eq3A_0 : i1 to i32
    %cond3A = arith.constant 0 : i32
    %cond3A_1 = arith.cmpi ne, %convert_element_type3A, %cond3A : i32
    scf.if %cond3A_1 {
      %broadcast_in_dim3A_18 = arith.constant 0.000000e+00 : f32
      %broadcast_in_dim3A_19 = vector.broadcast %broadcast_in_dim3A_18 : f32 to vector<64x1xf32>
      %swap3A_20 = arith.constant 0 : index
      %swap3A_21 = arith.constant 0 : index
      %swap3A_22 = vector.load %arg2[%swap3A_20, %swap3A_21] : memref<64x1xf32, #tpu.memory_space<vmem>>, vector<64x1xf32>
      tpu.vector_store %arg2[%swap3A_20, %swap3A_21], %broadcast_in_dim3A_19 {strides = array<i32>} : memref<64x1xf32, #tpu.memory_space<vmem>>, vector<64x1xf32>,
    } else {
    }
    %get3A = arith.constant 0 : index
    %get3A_2 = arith.constant 0 : index
    %get3A_3 = arith.constant 0 : index
    %get3A_4 = vector.load %arg1[%get3A, %get3A_2, %get3A_3] : memref<1x1x128xf32, #tpu.memory_space<vmem>>, vector<1x1x128xf32>
    %get3A_5 = vector.shape_cast %get3A_4 : vector<1x1x128xf32> to vector<1x128xf32>
    %iota3A = tpu.iota {dimensions = array<i32: 0>} : vector<64x128xi32>
    %convert_element_type3A_6 = arith.sitofp %iota3A : vector<64x128xi32> to vector<64x128xf32>
    %broadcast_in_dim3A = vector.shape_cast %get3A_5 : vector<1x128xf32> to vector<1x128xf32>
    %broadcast_in_dim3A_7 = vector.broadcast %broadcast_in_dim3A : vector<1x128xf32> to vector<64x128xf32>
    %eq3A_8 = arith.cmpf oeq, %broadcast_in_dim3A_7, %convert_element_type3A_6 : vector<64x128xf32>
    %convert_element_type3A_9 = arith.extui %eq3A_8 : vector<64x128xi1> to vector<64x128xi32>
    %convert_element_type3A_10 = arith.sitofp %convert_element_type3A_9 : vector<64x128xi32> to vector<64x128xf32>
    %get3A_11 = arith.constant 0 : index
    %get3A_12 = arith.constant 0 : index
    %get3A_13 = vector.load %arg2[%get3A_11, %get3A_12] : memref<64x1xf32, #tpu.memory_space<vmem>>, vector<64x1xf32>
    %reduce_sum3A = arith.constant dense<0.000000e+00> : vector<64xf32>
    %reduce_sum3A_14 = vector.multi_reduction <add>, %convert_element_type3A_10, %reduce_sum3A [1] : vector<64x128xf32> to vector<64xf32>
    %broadcast_in_dim3A_15 = vector.shape_cast %reduce_sum3A_14 : vector<64xf32> to vector<64x1xf32>
    %add3A = arith.addf %get3A_13, %broadcast_in_dim3A_15 : vector<64x1xf32>
    %swap3A = arith.constant 0 : index
    %swap3A_16 = arith.constant 0 : index
    %swap3A_17 = vector.load %arg2[%swap3A, %swap3A_16] : memref<64x1xf32, #tpu.memory_space<vmem>>, vector<64x1xf32>
    tpu.vector_store %arg2[%swap3A, %swap3A_16], %add3A {strides = array<i32>} : memref<64x1xf32, #tpu.memory_space<vmem>>, vector<64x1xf32>,
    return
  }
  func.func @transform_0(%arg0: i32) -> (i32, i32, i32) {
    %c0_i32 = arith.constant 0 : i32
    %c0_i32_0 = arith.constant 0 : i32
    %c0_i32_1 = arith.constant 0 : i32
    return %arg0, %c0_i32, %c0_i32_0 : i32, i32, i32
  }
  func.func @transform_1(%arg0: i32) -> (i32, i32) {
    %c0_i32 = arith.constant 0 : i32
    %c0_i32_0 = arith.constant 0 : i32
    %c0_i32_1 = arith.constant 0 : i32
    return %c0_i32, %c0_i32_0 : i32, i32
  }
}

module attributes {stable_mosaic.version = 14 : i64} {
  func.func @_mlp_body(%arg0: i32, %arg1: memref<1x64xf32, #tpu.memory_space<vmem>>, %arg2: memref<1x64xf32, #tpu.memory_space<vmem>>, %arg3: memref<1024x128xf32, #tpu.memory_space<vmem>>, %arg4: memref<1024x128xf32, #tpu.memory_space<vmem>>, %arg5: memref<1024x128xf32, #tpu.memory_space<vmem>>, %arg6: memref<128x128xf32, #tpu.memory_space<vmem>>, %arg7: memref<128x128xf32, #tpu.memory_space<vmem>>, %arg8: memref<4x128xf32, #tpu.memory_space<vmem>>, %arg9: memref<1024x128xf32, #tpu.memory_space<vmem>>, %arg10: memref<64x128xf32, #tpu.memory_space<vmem>>) attributes {dimension_semantics = [#tpu.dimension_semantics<arbitrary>], iteration_bounds = array<i64: 10>, scalar_prefetch = 0 : i64, scratch_operands = 0 : i64, tpu.core_type = #tpu.core_type<tc>, window_params = [{pipeline_mode = #tpu.pipeline_mode<synchronous>, transform_indices = @transform_0, window_bounds = array<i64: 1, 64>}, {pipeline_mode = #tpu.pipeline_mode<synchronous>, transform_indices = @transform_1, window_bounds = array<i64: 1, 64>}, {transform_indices = @transform_2, window_bounds = array<i64: 1024, 128>}, {transform_indices = @transform_3, window_bounds = array<i64: 1024, 128>}, {transform_indices = @transform_4, window_bounds = array<i64: 1024, 128>}, {pipeline_mode = #tpu.pipeline_mode<synchronous>, transform_indices = @transform_5, window_bounds = array<i64: 128, 128>}, {pipeline_mode = #tpu.pipeline_mode<synchronous>, transform_indices = @transform_6, window_bounds = array<i64: 128, 128>}, {pipeline_mode = #tpu.pipeline_mode<synchronous>, transform_indices = @transform_7, window_bounds = array<i64: 4, 128>}, {transform_indices = @transform_8, window_bounds = array<i64: 1024, 128>}, {pipeline_mode = #tpu.pipeline_mode<synchronous>, transform_indices = @transform_9, window_bounds = array<i64: 64, 128>}]} {
    %get3A = arith.constant 0 : index
    %get3A_0 = arith.constant 0 : index
    %get3A_1 = vector.load %arg3[%get3A, %get3A_0] : memref<1024x128xf32, #tpu.memory_space<vmem>>, vector<1024x128xf32>
    %get3A_2 = arith.constant 0 : index
    %get3A_3 = arith.constant 0 : index
    %get3A_4 = vector.load %arg4[%get3A_2, %get3A_3] : memref<1024x128xf32, #tpu.memory_space<vmem>>, vector<1024x128xf32>
    %add3A = arith.addf %get3A_1, %get3A_4 : vector<1024x128xf32>
    %get3A_5 = arith.constant 0 : index
    %get3A_6 = arith.constant 0 : index
    %get3A_7 = vector.load %arg5[%get3A_5, %get3A_6] : memref<1024x128xf32, #tpu.memory_space<vmem>>, vector<1024x128xf32>
    %add3A_8 = arith.addf %add3A, %get3A_7 : vector<1024x128xf32>
    %get3A_9 = arith.constant 0 : index
    %get3A_10 = arith.constant 0 : index
    %get3A_11 = vector.load %arg6[%get3A_9, %get3A_10] : memref<128x128xf32, #tpu.memory_space<vmem>>, vector<128x128xf32>
    %dot_general3A = arith.constant dense<0.000000e+00> : vector<1024x128xf32>
    %dot_general3A_12 = tpu.matmul %add3A_8, %get3A_11, %dot_general3A {dimension_numbers = #tpu.dot_dimension_numbers<[1], [0], [0], [1], [0, 0, 1, 1], [], []>, transpose_lhs_hint = false} : vector<1024x128xf32>, vector<128x128xf32>, vector<1024x128xf32> -> vector<1024x128xf32>
    %get3A_13 = arith.constant 0 : index
    %get3A_14 = arith.constant 0 : index
    %get3A_15 = vector.load %arg8[%get3A_13, %get3A_14] : memref<4x128xf32, #tpu.memory_space<vmem>>, vector<1x128xf32>
    %add3A_16 = vector.broadcast %get3A_15 : vector<1x128xf32> to vector<1024x128xf32>
    %add3A_17 = arith.addf %dot_general3A_12, %add3A_16 : vector<1024x128xf32>
    %max3A = arith.constant 0.000000e+00 : f32
    %max3A_18 = vector.broadcast %max3A : f32 to vector<1024x128xf32>
    %max3A_19 = arith.maximumf %add3A_17, %max3A_18 : vector<1024x128xf32>
    %get3A_20 = arith.constant 0 : index
    %get3A_21 = arith.constant 0 : index
    %get3A_22 = vector.load %arg7[%get3A_20, %get3A_21] : memref<128x128xf32, #tpu.memory_space<vmem>>, vector<128x128xf32>
    %dot_general3A_23 = arith.constant dense<0.000000e+00> : vector<1024x128xf32>
    %dot_general3A_24 = tpu.matmul %max3A_19, %get3A_22, %dot_general3A_23 {dimension_numbers = #tpu.dot_dimension_numbers<[1], [0], [0], [1], [0, 0, 1, 1], [], []>, transpose_lhs_hint = false} : vector<1024x128xf32>, vector<128x128xf32>, vector<1024x128xf32> -> vector<1024x128xf32>
    %get3A_25 = arith.constant 1 : index
    %get3A_26 = arith.constant 0 : index
    %get3A_27 = vector.load %arg8[%get3A_25, %get3A_26] : memref<4x128xf32, #tpu.memory_space<vmem>>, vector<1x128xf32>
    %add3A_28 = vector.broadcast %get3A_27 : vector<1x128xf32> to vector<1024x128xf32>
    %add3A_29 = arith.addf %dot_general3A_24, %add3A_28 : vector<1024x128xf32>
    %max3A_30 = arith.constant 0.000000e+00 : f32
    %max3A_31 = vector.broadcast %max3A_30 : f32 to vector<1024x128xf32>
    %max3A_32 = arith.maximumf %add3A_29, %max3A_31 : vector<1024x128xf32>
    %get3A_33 = arith.constant 2 : index
    %get3A_34 = arith.constant 0 : index
    %get3A_35 = vector.load %arg8[%get3A_33, %get3A_34] : memref<4x128xf32, #tpu.memory_space<vmem>>, vector<1x128xf32>
    %mul3A = arith.constant 0.999994993 : f32
    %mul3A_36 = vector.broadcast %mul3A : f32 to vector<1x128xf32>
    %mul3A_37 = arith.mulf %get3A_35, %mul3A_36 : vector<1x128xf32>
    %mul3A_38 = vector.broadcast %mul3A_37 : vector<1x128xf32> to vector<1024x128xf32>
    %mul3A_39 = arith.mulf %max3A_32, %mul3A_38 : vector<1024x128xf32>
    %get3A_40 = arith.constant 3 : index
    %get3A_41 = arith.constant 0 : index
    %get3A_42 = vector.load %arg8[%get3A_40, %get3A_41] : memref<4x128xf32, #tpu.memory_space<vmem>>, vector<1x128xf32>
    %add3A_43 = vector.broadcast %get3A_42 : vector<1x128xf32> to vector<1024x128xf32>
    %add3A_44 = arith.addf %mul3A_39, %add3A_43 : vector<1024x128xf32>
    %max3A_45 = arith.constant 0.000000e+00 : f32
    %max3A_46 = vector.broadcast %max3A_45 : f32 to vector<1024x128xf32>
    %max3A_47 = arith.maximumf %add3A_44, %max3A_46 : vector<1024x128xf32>
    %swap3A = arith.constant 0 : index
    %swap3A_48 = arith.constant 0 : index
    %swap3A_49 = vector.load %arg9[%swap3A, %swap3A_48] : memref<1024x128xf32, #tpu.memory_space<vmem>>, vector<1024x128xf32>
    tpu.vector_store %arg9[%swap3A, %swap3A_48], %max3A_47 {strides = array<i32>} : memref<1024x128xf32, #tpu.memory_space<vmem>>, vector<1024x128xf32>,
    %iota3A = tpu.iota {dimensions = array<i32: 0>} : vector<1024x64xi32>
    %convert_element_type3A = arith.sitofp %iota3A : vector<1024x64xi32> to vector<1024x64xf32>
    %mul3A_50 = arith.constant 1024 : i32
    %mul3A_51 = arith.muli %arg0, %mul3A_50 : i32
    %convert_element_type3A_52 = arith.sitofp %mul3A_51 : i32 to f32
    %add3A_53 = vector.broadcast %convert_element_type3A_52 : f32 to vector<1024x64xf32>
    %add3A_54 = arith.addf %convert_element_type3A, %add3A_53 : vector<1024x64xf32>
    %get3A_55 = arith.constant 0 : index
    %get3A_56 = arith.constant 0 : index
    %get3A_57 = vector.load %arg1[%get3A_55, %get3A_56] : memref<1x64xf32, #tpu.memory_space<vmem>>, vector<1x64xf32>
    %ge3A = vector.broadcast %get3A_57 : vector<1x64xf32> to vector<1024x64xf32>
    %ge3A_58 = arith.cmpf oge, %add3A_54, %ge3A : vector<1024x64xf32>
    %get3A_59 = arith.constant 0 : index
    %get3A_60 = arith.constant 0 : index
    %get3A_61 = vector.load %arg2[%get3A_59, %get3A_60] : memref<1x64xf32, #tpu.memory_space<vmem>>, vector<1x64xf32>
    %lt3A = vector.broadcast %get3A_61 : vector<1x64xf32> to vector<1024x64xf32>
    %lt3A_62 = arith.cmpf olt, %add3A_54, %lt3A : vector<1024x64xf32>
    %and3A = arith.andi %ge3A_58, %lt3A_62 : vector<1024x64xi1>
    %convert_element_type3A_63 = arith.extui %and3A : vector<1024x64xi1> to vector<1024x64xi32>
    %convert_element_type3A_64 = arith.sitofp %convert_element_type3A_63 : vector<1024x64xi32> to vector<1024x64xf32>
    %reduce_sum3A = arith.constant dense<0.000000e+00> : vector<1024xf32>
    %reduce_sum3A_65 = vector.multi_reduction <add>, %convert_element_type3A_64, %reduce_sum3A [1] : vector<1024x64xf32> to vector<1024xf32>
    %broadcast_in_dim3A = vector.shape_cast %reduce_sum3A_65 : vector<1024xf32> to vector<1024x1xf32>
    %gt3A = arith.constant 0.000000e+00 : f32
    %gt3A_66 = vector.broadcast %gt3A : f32 to vector<1024x1xf32>
    %gt3A_67 = arith.cmpf ogt, %broadcast_in_dim3A, %gt3A_66 : vector<1024x1xf32>
    %jit3A = arith.constant 0.000000e+00 : f32
    %broadcast_in_dim3A_68 = vector.shape_cast %gt3A_67 : vector<1024x1xi1> to vector<1024x1xi1>
    %broadcast_in_dim3A_69 = vector.broadcast %broadcast_in_dim3A_68 : vector<1024x1xi1> to vector<1024x128xi1>
    %broadcast_in_dim3A_70 = vector.broadcast %jit3A : f32 to vector<1024x128xf32>
    %select_n3A = arith.select %broadcast_in_dim3A_69, %max3A_47, %broadcast_in_dim3A_70 : vector<1024x128xi1>, vector<1024x128xf32>
    %dot_general3A_71 = arith.constant dense<0.000000e+00> : vector<64x128xf32>
    %dot_general3A_72 = tpu.matmul %convert_element_type3A_64, %select_n3A, %dot_general3A_71 {dimension_numbers = #tpu.dot_dimension_numbers<[0], [0], [1], [1], [0, 1, 1, 1], [], []>, transpose_lhs_hint = false} : vector<1024x64xf32>, vector<1024x128xf32>, vector<64x128xf32> -> vector<64x128xf32>
    %eq3A = arith.constant 0 : i32
    %eq3A_73 = arith.cmpi eq, %arg0, %eq3A : i32
    %convert_element_type3A_74 = arith.extui %eq3A_73 : i1 to i32
    %cond3A = arith.constant 0 : i32
    %cond3A_75 = arith.cmpi ne, %convert_element_type3A_74, %cond3A : i32
    scf.if %cond3A_75 {
      %broadcast_in_dim3A_83 = arith.constant 0.000000e+00 : f32
      %broadcast_in_dim3A_84 = vector.broadcast %broadcast_in_dim3A_83 : f32 to vector<64x128xf32>
      %swap3A_85 = arith.constant 0 : index
      %swap3A_86 = arith.constant 0 : index
      %swap3A_87 = vector.load %arg10[%swap3A_85, %swap3A_86] : memref<64x128xf32, #tpu.memory_space<vmem>>, vector<64x128xf32>
      tpu.vector_store %arg10[%swap3A_85, %swap3A_86], %broadcast_in_dim3A_84 {strides = array<i32>} : memref<64x128xf32, #tpu.memory_space<vmem>>, vector<64x128xf32>,
    } else {
    }
    %get3A_76 = arith.constant 0 : index
    %get3A_77 = arith.constant 0 : index
    %get3A_78 = vector.load %arg10[%get3A_76, %get3A_77] : memref<64x128xf32, #tpu.memory_space<vmem>>, vector<64x128xf32>
    %add3A_79 = arith.addf %get3A_78, %dot_general3A_72 : vector<64x128xf32>
    %swap3A_80 = arith.constant 0 : index
    %swap3A_81 = arith.constant 0 : index
    %swap3A_82 = vector.load %arg10[%swap3A_80, %swap3A_81] : memref<64x128xf32, #tpu.memory_space<vmem>>, vector<64x128xf32>
    tpu.vector_store %arg10[%swap3A_80, %swap3A_81], %add3A_79 {strides = array<i32>} : memref<64x128xf32, #tpu.memory_space<vmem>>, vector<64x128xf32>,
    return
  }
  func.func @transform_0(%arg0: i32) -> (i32, i32) {
    %c0_i32 = arith.constant 0 : i32
    %c0_i32_0 = arith.constant 0 : i32
    %c0_i32_1 = arith.constant 0 : i32
    return %c0_i32, %c0_i32_0 : i32, i32
  }
  func.func @transform_1(%arg0: i32) -> (i32, i32) {
    %c0_i32 = arith.constant 0 : i32
    %c0_i32_0 = arith.constant 0 : i32
    %c0_i32_1 = arith.constant 0 : i32
    return %c0_i32, %c0_i32_0 : i32, i32
  }
  func.func @transform_2(%arg0: i32) -> (i32, i32) {
    %c0_i32 = arith.constant 0 : i32
    %c0_i32_0 = arith.constant 0 : i32
    return %arg0, %c0_i32 : i32, i32
  }
  func.func @transform_3(%arg0: i32) -> (i32, i32) {
    %c0_i32 = arith.constant 0 : i32
    %c0_i32_0 = arith.constant 0 : i32
    return %arg0, %c0_i32 : i32, i32
  }
  func.func @transform_4(%arg0: i32) -> (i32, i32) {
    %c0_i32 = arith.constant 0 : i32
    %c0_i32_0 = arith.constant 0 : i32
    return %arg0, %c0_i32 : i32, i32
  }
  func.func @transform_5(%arg0: i32) -> (i32, i32) {
    %c0_i32 = arith.constant 0 : i32
    %c0_i32_0 = arith.constant 0 : i32
    %c0_i32_1 = arith.constant 0 : i32
    return %c0_i32, %c0_i32_0 : i32, i32
  }
  func.func @transform_6(%arg0: i32) -> (i32, i32) {
    %c0_i32 = arith.constant 0 : i32
    %c0_i32_0 = arith.constant 0 : i32
    %c0_i32_1 = arith.constant 0 : i32
    return %c0_i32, %c0_i32_0 : i32, i32
  }
  func.func @transform_7(%arg0: i32) -> (i32, i32) {
    %c0_i32 = arith.constant 0 : i32
    %c0_i32_0 = arith.constant 0 : i32
    %c0_i32_1 = arith.constant 0 : i32
    return %c0_i32, %c0_i32_0 : i32, i32
  }
  func.func @transform_8(%arg0: i32) -> (i32, i32) {
    %c0_i32 = arith.constant 0 : i32
    %c0_i32_0 = arith.constant 0 : i32
    return %arg0, %c0_i32 : i32, i32
  }
  func.func @transform_9(%arg0: i32) -> (i32, i32) {
    %c0_i32 = arith.constant 0 : i32
    %c0_i32_0 = arith.constant 0 : i32
    %c0_i32_1 = arith.constant 0 : i32
    return %c0_i32, %c0_i32_0 : i32, i32
  }
}

module attributes {stable_mosaic.version = 14 : i64} {
  func.func @_rank_body(%arg0: i32, %arg1: memref<10240xi32, #tpu.memory_space<smem>>, %arg2: memref<65xi32, #tpu.memory_space<smem>>, %arg3: memref<10240x128xf32, #tpu.memory_space<vmem>>, %arg4: memref<128x1xf32, #tpu.memory_space<vmem>>, %arg5: memref<64x1xf32, #tpu.memory_space<vmem>>, %arg6: memref<64x1xf32, #tpu.memory_space<vmem>>, %arg7: memref<1x64xf32, #tpu.memory_space<vmem>>, %arg8: memref<1x64xf32, #tpu.memory_space<vmem>>, %arg9: memref<64x1xf32, #tpu.memory_space<vmem>>, %arg10: memref<64x1xf32, #tpu.memory_space<vmem>>, %arg11: memref<1x1x128xf32, #tpu.memory_space<vmem>>, %arg12: memref<128x128xf32, #tpu.memory_space<vmem>>) attributes {dimension_semantics = [#tpu.dimension_semantics<arbitrary>], iteration_bounds = array<i64: 80>, scalar_prefetch = 2 : i64, scratch_operands = 0 : i64, tpu.core_type = #tpu.core_type<tc>, window_params = [{pipeline_mode = #tpu.pipeline_mode<synchronous>, transform_indices = @transform_0, window_bounds = array<i64: 10240, 128>}, {pipeline_mode = #tpu.pipeline_mode<synchronous>, transform_indices = @transform_1, window_bounds = array<i64: 128, 1>}, {pipeline_mode = #tpu.pipeline_mode<synchronous>, transform_indices = @transform_2, window_bounds = array<i64: 64, 1>}, {pipeline_mode = #tpu.pipeline_mode<synchronous>, transform_indices = @transform_3, window_bounds = array<i64: 64, 1>}, {pipeline_mode = #tpu.pipeline_mode<synchronous>, transform_indices = @transform_4, window_bounds = array<i64: 1, 64>}, {pipeline_mode = #tpu.pipeline_mode<synchronous>, transform_indices = @transform_5, window_bounds = array<i64: 1, 64>}, {pipeline_mode = #tpu.pipeline_mode<synchronous>, transform_indices = @transform_6, window_bounds = array<i64: 64, 1>}, {pipeline_mode = #tpu.pipeline_mode<synchronous>, transform_indices = @transform_7, window_bounds = array<i64: 64, 1>}, {transform_indices = @transform_8, window_bounds = array<i64: 1, 1, 128>}, {transform_indices = @transform_9, window_bounds = array<i64: 128, 128>}]} {
    %get3A = arith.constant 0 : index
    %get3A_0 = arith.constant 0 : index
    %get3A_1 = vector.load %arg4[%get3A, %get3A_0] : memref<128x1xf32, #tpu.memory_space<vmem>>, vector<128x1xf32>
    %mul3A = arith.mulf %get3A_1, %get3A_1 : vector<128x1xf32>
    %reduce_sum3A = vector.shape_cast %mul3A : vector<128x1xf32> to vector<1x128x1xf32>
    %reduce_sum3A_2 = arith.constant dense<0.000000e+00> : vector<1xf32>
    %reduce_sum3A_3 = vector.multi_reduction <add>, %reduce_sum3A, %reduce_sum3A_2 [1, 2] : vector<1x128x1xf32> to vector<1xf32>
    %reduce_sum3A_4 = vector.shape_cast %reduce_sum3A_3 : vector<1xf32> to vector<1x1x1xf32>
    %reduce_sum3A_5 = vector.extract %reduce_sum3A_4[0, 0, 0] : f32 from vector<1x1x1xf32>
    %sqrt3A = math.sqrt %reduce_sum3A_5 : f32
    %add3A = arith.constant 1.000000e-16 : f32
    %add3A_6 = arith.addf %sqrt3A, %add3A : f32
    %mul3A_7 = arith.constant 128 : i32
    %mul3A_8 = arith.muli %arg0, %mul3A_7 : i32
    %get3A_9 = arith.index_cast %mul3A_8 : i32 to index
    %get3A_10 = arith.constant 0 : index
    %get3A_11 = vector.load %arg3[%get3A_9, %get3A_10] : memref<10240x128xf32, #tpu.memory_space<vmem>>, vector<128x128xf32>
    %dot_general3A = arith.constant dense<0.000000e+00> : vector<128x1xf32>
    %dot_general3A_12 = tpu.matmul %get3A_11, %get3A_1, %dot_general3A {dimension_numbers = #tpu.dot_dimension_numbers<[1], [0], [0], [1], [0, 0, 1, 1], [], []>, transpose_lhs_hint = false} : vector<128x128xf32>, vector<128x1xf32>, vector<128x1xf32> -> vector<128x1xf32>
    %div3A = vector.broadcast %add3A_6 : f32 to vector<128x1xf32>
    %div3A_13 = arith.divf %dot_general3A_12, %div3A : vector<128x1xf32>
    %tanh3A = math.tanh %div3A_13 : vector<128x1xf32>
    %mul3A_14 = vector.broadcast %tanh3A : vector<128x1xf32> to vector<128x128xf32>
    %mul3A_15 = arith.mulf %get3A_11, %mul3A_14 : vector<128x128xf32>
    %swap3A = arith.constant 0 : index
    %swap3A_16 = arith.constant 0 : index
    %swap3A_17 = vector.load %arg12[%swap3A, %swap3A_16] : memref<128x128xf32, #tpu.memory_space<vmem>>, vector<128x128xf32>
    tpu.vector_store %arg12[%swap3A, %swap3A_16], %mul3A_15 {strides = array<i32>} : memref<128x128xf32, #tpu.memory_space<vmem>>, vector<128x128xf32>,
    %iota3A = tpu.iota {dimensions = array<i32: 0>} : vector<128x128xi32>
    %iota3A_18 = tpu.iota {dimensions = array<i32: 1>} : vector<128x128xi32>
    %eq3A = arith.cmpi eq, %iota3A, %iota3A_18 : vector<128x128xi32>
    %broadcast_in_dim3A = vector.shape_cast %tanh3A : vector<128x1xf32> to vector<128x1xf32>
    %broadcast_in_dim3A_19 = vector.broadcast %broadcast_in_dim3A : vector<128x1xf32> to vector<128x128xf32>
    %jit3A = arith.constant 0xFF800000 : f32
    %broadcast_in_dim3A_20 = vector.broadcast %jit3A : f32 to vector<128x128xf32>
    %select_n3A = arith.select %eq3A, %broadcast_in_dim3A_19, %broadcast_in_dim3A_20 : vector<128x128xi1>, vector<128x128xf32>
    %reduce_max3A = arith.constant dense<0xFF800000> : vector<128xf32>
    %reduce_max3A_21 = vector.multi_reduction <maximumf>, %select_n3A, %reduce_max3A [0] : vector<128x128xf32> to vector<128xf32>
    %broadcast_in_dim3A_22 = vector.shape_cast %reduce_max3A_21 : vector<128xf32> to vector<1x128xf32>
    %iota3A_23 = tpu.iota {dimensions = array<i32: 1>} : vector<64x128xi32>
    %convert_element_type3A = arith.sitofp %iota3A_23 : vector<64x128xi32> to vector<64x128xf32>
    %mul3A_24 = arith.constant 128 : i32
    %mul3A_25 = arith.muli %arg0, %mul3A_24 : i32
    %convert_element_type3A_26 = arith.sitofp %mul3A_25 : i32 to f32
    %add3A_27 = vector.broadcast %convert_element_type3A_26 : f32 to vector<64x128xf32>
    %add3A_28 = arith.addf %convert_element_type3A, %add3A_27 : vector<64x128xf32>
    %get3A_29 = arith.constant 0 : index
    %get3A_30 = arith.constant 0 : index
    %get3A_31 = vector.load %arg5[%get3A_29, %get3A_30] : memref<64x1xf32, #tpu.memory_space<vmem>>, vector<64x1xf32>
    %ge3A = vector.broadcast %get3A_31 : vector<64x1xf32> to vector<64x128xf32>
    %ge3A_32 = arith.cmpf oge, %add3A_28, %ge3A : vector<64x128xf32>
    %get3A_33 = arith.constant 0 : index
    %get3A_34 = arith.constant 0 : index
    %get3A_35 = vector.load %arg6[%get3A_33, %get3A_34] : memref<64x1xf32, #tpu.memory_space<vmem>>, vector<64x1xf32>
    %lt3A = vector.broadcast %get3A_35 : vector<64x1xf32> to vector<64x128xf32>
    %lt3A_36 = arith.cmpf olt, %add3A_28, %lt3A : vector<64x128xf32>
    %and3A = arith.andi %ge3A_32, %lt3A_36 : vector<64x128xi1>
    %convert_element_type3A_37 = arith.extui %and3A : vector<64x128xi1> to vector<64x128xi32>
    %convert_element_type3A_38 = arith.sitofp %convert_element_type3A_37 : vector<64x128xi32> to vector<64x128xf32>
    %iota3A_39 = tpu.iota {dimensions = array<i32: 0>} : vector<64x128xi32>
    %convert_element_type3A_40 = arith.sitofp %iota3A_39 : vector<64x128xi32> to vector<64x128xf32>
    %reduce_sum3A_41 = arith.constant dense<0.000000e+00> : vector<128xf32>
    %reduce_sum3A_42 = vector.multi_reduction <add>, %convert_element_type3A_38, %reduce_sum3A_41 [0] : vector<64x128xf32> to vector<128xf32>
    %broadcast_in_dim3A_43 = vector.shape_cast %reduce_sum3A_42 : vector<128xf32> to vector<1x128xf32>
    %mul3A_44 = arith.mulf %convert_element_type3A_38, %convert_element_type3A_40 : vector<64x128xf32>
    %reduce_sum3A_45 = arith.constant dense<0.000000e+00> : vector<128xf32>
    %reduce_sum3A_46 = vector.multi_reduction <add>, %mul3A_44, %reduce_sum3A_45 [0] : vector<64x128xf32> to vector<128xf32>
    %broadcast_in_dim3A_47 = vector.shape_cast %reduce_sum3A_46 : vector<128xf32> to vector<1x128xf32>
    %sub3A = arith.constant 1.000000e+00 : f32
    %sub3A_48 = vector.broadcast %sub3A : f32 to vector<1x128xf32>
    %sub3A_49 = arith.subf %sub3A_48, %broadcast_in_dim3A_43 : vector<1x128xf32>
    %mul3A_50 = arith.constant 6.400000e+01 : f32
    %mul3A_51 = vector.broadcast %mul3A_50 : f32 to vector<1x128xf32>
    %mul3A_52 = arith.mulf %sub3A_49, %mul3A_51 : vector<1x128xf32>
    %add3A_53 = arith.addf %broadcast_in_dim3A_47, %mul3A_52 : vector<1x128xf32>
    %get3A_54 = arith.constant 0 : index
    %get3A_55 = arith.constant 0 : index
    %get3A_56 = vector.load %arg9[%get3A_54, %get3A_55] : memref<64x1xf32, #tpu.memory_space<vmem>>, vector<64x1xf32>
    %mul3A_57 = vector.broadcast %get3A_56 : vector<64x1xf32> to vector<64x128xf32>
    %mul3A_58 = arith.mulf %convert_element_type3A_38, %mul3A_57 : vector<64x128xf32>
    %reduce_sum3A_59 = arith.constant dense<0.000000e+00> : vector<128xf32>
    %reduce_sum3A_60 = vector.multi_reduction <add>, %mul3A_58, %reduce_sum3A_59 [0] : vector<64x128xf32> to vector<128xf32>
    %broadcast_in_dim3A_61 = vector.shape_cast %reduce_sum3A_60 : vector<128xf32> to vector<1x128xf32>
    %get3A_62 = arith.constant 0 : index
    %get3A_63 = arith.constant 0 : index
    %get3A_64 = vector.load %arg10[%get3A_62, %get3A_63] : memref<64x1xf32, #tpu.memory_space<vmem>>, vector<64x1xf32>
    %mul3A_65 = vector.broadcast %get3A_64 : vector<64x1xf32> to vector<64x128xf32>
    %mul3A_66 = arith.mulf %convert_element_type3A_38, %mul3A_65 : vector<64x128xf32>
    %reduce_sum3A_67 = arith.constant dense<0.000000e+00> : vector<128xf32>
    %reduce_sum3A_68 = vector.multi_reduction <add>, %mul3A_66, %reduce_sum3A_67 [0] : vector<64x128xf32> to vector<128xf32>
    %broadcast_in_dim3A_69 = vector.shape_cast %reduce_sum3A_68 : vector<128xf32> to vector<1x128xf32>
    %iota3A_70 = tpu.iota {dimensions = array<i32: 1>} : vector<128x128xi32>
    %mul3A_71 = arith.constant 128 : i32
    %mul3A_72 = arith.muli %arg0, %mul3A_71 : i32
    %add3A_73 = vector.broadcast %mul3A_72 : i32 to vector<128x128xi32>
    %add3A_74 = arith.addi %iota3A_70, %add3A_73 : vector<128x128xi32>
    %mul3A_75 = arith.constant 128 : i32
    %mul3A_76 = arith.muli %arg0, %mul3A_75 : i32
    %get3A_77 = arith.index_cast %mul3A_76 : i32 to index
    %get3A_78 = memref.load %arg1[%get3A_77] : memref<10240xi32, #tpu.memory_space<smem>>
    %min3A = arith.constant 63 : i32
    %min3A_79 = arith.minsi %get3A_78, %min3A : i32
    %mul3A_80 = arith.constant 128 : i32
    %mul3A_81 = arith.muli %arg0, %mul3A_80 : i32
    %add3A_82 = arith.constant 127 : i32
    %add3A_83 = arith.addi %mul3A_81, %add3A_82 : i32
    %min3A_84 = arith.constant 9999 : i32
    %min3A_85 = arith.minsi %add3A_83, %min3A_84 : i32
    %get3A_86 = arith.index_cast %min3A_85 : i32 to index
    %get3A_87 = memref.load %arg1[%get3A_86] : memref<10240xi32, #tpu.memory_space<smem>>
    %min3A_88 = arith.constant 63 : i32
    %min3A_89 = arith.minsi %get3A_87, %min3A_88 : i32
    %get3A_90 = arith.index_cast %min3A_79 : i32 to index
    %get3A_91 = memref.load %arg2[%get3A_90] : memref<65xi32, #tpu.memory_space<smem>>
    %jit3A_92 = arith.constant 128 : i32
    %div3A_93 = arith.divsi %get3A_91, %jit3A_92 : i32
    %sign3A = arith.constant 0 : i32
    %sign3A_94 = arith.cmpi sgt, %get3A_91, %sign3A : i32
    %sign3A_95 = arith.extui %sign3A_94 : i1 to i32
    %sign3A_96 = arith.constant 0 : i32
    %sign3A_97 = arith.cmpi slt, %get3A_91, %sign3A_96 : i32
    %sign3A_98 = arith.extui %sign3A_97 : i1 to i32
    %sign3A_99 = arith.subi %sign3A_95, %sign3A_98 : i32
    %sign3A_100 = arith.constant 0 : i32
    %sign3A_101 = arith.cmpi sgt, %jit3A_92, %sign3A_100 : i32
    %sign3A_102 = arith.extui %sign3A_101 : i1 to i32
    %sign3A_103 = arith.constant 0 : i32
    %sign3A_104 = arith.cmpi slt, %jit3A_92, %sign3A_103 : i32
    %sign3A_105 = arith.extui %sign3A_104 : i1 to i32
    %sign3A_106 = arith.subi %sign3A_102, %sign3A_105 : i32
    %ne3A = arith.cmpi ne, %sign3A_99, %sign3A_106 : i32
    %rem3A = arith.remsi %get3A_91, %jit3A_92 : i32
    %ne3A_107 = arith.constant 0 : i32
    %ne3A_108 = arith.cmpi ne, %rem3A, %ne3A_107 : i32
    %and3A_109 = arith.andi %ne3A, %ne3A_108 : i1
    %sub3A_110 = arith.constant 1 : i32
    %sub3A_111 = arith.subi %div3A_93, %sub3A_110 : i32
    %select_n3A_112 = arith.select %and3A_109, %sub3A_111, %div3A_93 : i32
    %add3A_113 = arith.constant 1 : i32
    %add3A_114 = arith.addi %min3A_89, %add3A_113 : i32
    %get3A_115 = arith.index_cast %add3A_114 : i32 to index
    %get3A_116 = memref.load %arg2[%get3A_115] : memref<65xi32, #tpu.memory_space<smem>>
    %add3A_117 = arith.constant 127 : i32
    %add3A_118 = arith.addi %get3A_116, %add3A_117 : i32
    %jit3A_119 = arith.constant 128 : i32
    %div3A_120 = arith.divsi %add3A_118, %jit3A_119 : i32
    %sign3A_121 = arith.constant 0 : i32
    %sign3A_122 = arith.cmpi sgt, %add3A_118, %sign3A_121 : i32
    %sign3A_123 = arith.extui %sign3A_122 : i1 to i32
    %sign3A_124 = arith.constant 0 : i32
    %sign3A_125 = arith.cmpi slt, %add3A_118, %sign3A_124 : i32
    %sign3A_126 = arith.extui %sign3A_125 : i1 to i32
    %sign3A_127 = arith.subi %sign3A_123, %sign3A_126 : i32
    %sign3A_128 = arith.constant 0 : i32
    %sign3A_129 = arith.cmpi sgt, %jit3A_119, %sign3A_128 : i32
    %sign3A_130 = arith.extui %sign3A_129 : i1 to i32
    %sign3A_131 = arith.constant 0 : i32
    %sign3A_132 = arith.cmpi slt, %jit3A_119, %sign3A_131 : i32
    %sign3A_133 = arith.extui %sign3A_132 : i1 to i32
    %sign3A_134 = arith.subi %sign3A_130, %sign3A_133 : i32
    %ne3A_135 = arith.cmpi ne, %sign3A_127, %sign3A_134 : i32
    %rem3A_136 = arith.remsi %add3A_118, %jit3A_119 : i32
    %ne3A_137 = arith.constant 0 : i32
    %ne3A_138 = arith.cmpi ne, %rem3A_136, %ne3A_137 : i32
    %and3A_139 = arith.andi %ne3A_135, %ne3A_138 : i1
    %sub3A_140 = arith.constant 1 : i32
    %sub3A_141 = arith.subi %div3A_120, %sub3A_140 : i32
    %select_n3A_142 = arith.select %and3A_139, %sub3A_141, %div3A_120 : i32
    %broadcast_in_dim3A_143 = arith.constant 0.000000e+00 : f32
    %broadcast_in_dim3A_144 = vector.broadcast %broadcast_in_dim3A_143 : f32 to vector<1x128xf32>
    %while3A = arith.subi %select_n3A_142, %select_n3A_112 : i32
    %while3A_145 = arith.addi %select_n3A_112, %while3A : i32
    %while3A_146 = arith.constant 1 : i32
    %while3A_147 = arith.divsi %while3A, %while3A_146 : i32
    %while3A_148 = arith.muli %while3A_147, %while3A_146 : i32
    %while3A_149 = arith.addi %select_n3A_112, %while3A_148 : i32
    %while3A_150 = arith.constant 1 : i32
    %while3A_151 = scf.for %while3A_168 = %select_n3A_112 to %while3A_149 step %while3A_150 iter_args(%while3A_169 = %broadcast_in_dim3A_144) -> (vector<1x128xf32>)  : i32 {
      %mul3A_170 = arith.constant 128 : i32
      %mul3A_171 = arith.muli %while3A_168, %mul3A_170 : i32
      %get3A_172 = arith.index_cast %mul3A_171 : i32 to index
      %get3A_173 = arith.constant 0 : index
      %get3A_174 = vector.load %arg3[%get3A_172, %get3A_173] : memref<10240x128xf32, #tpu.memory_space<vmem>>, vector<128x128xf32>
      %dot_general3A_175 = arith.constant dense<0.000000e+00> : vector<128x1xf32>
      %dot_general3A_176 = tpu.matmul %get3A_174, %get3A_1, %dot_general3A_175 {dimension_numbers = #tpu.dot_dimension_numbers<[1], [0], [0], [1], [0, 0, 1, 1], [], []>, transpose_lhs_hint = false} : vector<128x128xf32>, vector<128x1xf32>, vector<128x1xf32> -> vector<128x1xf32>
      %div3A_177 = vector.broadcast %add3A_6 : f32 to vector<128x1xf32>
      %div3A_178 = arith.divf %dot_general3A_176, %div3A_177 : vector<128x1xf32>
      %tanh3A_179 = math.tanh %div3A_178 : vector<128x1xf32>
      %iota3A_180 = tpu.iota {dimensions = array<i32: 0>} : vector<128x64xi32>
      %convert_element_type3A_181 = arith.sitofp %iota3A_180 : vector<128x64xi32> to vector<128x64xf32>
      %mul3A_182 = arith.constant 128 : i32
      %mul3A_183 = arith.muli %while3A_168, %mul3A_182 : i32
      %convert_element_type3A_184 = arith.sitofp %mul3A_183 : i32 to f32
      %add3A_185 = vector.broadcast %convert_element_type3A_184 : f32 to vector<128x64xf32>
      %add3A_186 = arith.addf %convert_element_type3A_181, %add3A_185 : vector<128x64xf32>
      %get3A_187 = arith.constant 0 : index
      %get3A_188 = arith.constant 0 : index
      %get3A_189 = vector.load %arg7[%get3A_187, %get3A_188] : memref<1x64xf32, #tpu.memory_space<vmem>>, vector<1x64xf32>
      %ge3A_190 = vector.broadcast %get3A_189 : vector<1x64xf32> to vector<128x64xf32>
      %ge3A_191 = arith.cmpf oge, %add3A_186, %ge3A_190 : vector<128x64xf32>
      %get3A_192 = arith.constant 0 : index
      %get3A_193 = arith.constant 0 : index
      %get3A_194 = vector.load %arg8[%get3A_192, %get3A_193] : memref<1x64xf32, #tpu.memory_space<vmem>>, vector<1x64xf32>
      %lt3A_195 = vector.broadcast %get3A_194 : vector<1x64xf32> to vector<128x64xf32>
      %lt3A_196 = arith.cmpf olt, %add3A_186, %lt3A_195 : vector<128x64xf32>
      %and3A_197 = arith.andi %ge3A_191, %lt3A_196 : vector<128x64xi1>
      %convert_element_type3A_198 = arith.extui %and3A_197 : vector<128x64xi1> to vector<128x64xi32>
      %convert_element_type3A_199 = arith.sitofp %convert_element_type3A_198 : vector<128x64xi32> to vector<128x64xf32>
      %iota3A_200 = tpu.iota {dimensions = array<i32: 1>} : vector<128x64xi32>
      %convert_element_type3A_201 = arith.sitofp %iota3A_200 : vector<128x64xi32> to vector<128x64xf32>
      %reduce_sum3A_202 = arith.constant dense<0.000000e+00> : vector<128xf32>
      %reduce_sum3A_203 = vector.multi_reduction <add>, %convert_element_type3A_199, %reduce_sum3A_202 [1] : vector<128x64xf32> to vector<128xf32>
      %broadcast_in_dim3A_204 = vector.shape_cast %reduce_sum3A_203 : vector<128xf32> to vector<128x1xf32>
      %mul3A_205 = arith.mulf %convert_element_type3A_199, %convert_element_type3A_201 : vector<128x64xf32>
      %reduce_sum3A_206 = arith.constant dense<0.000000e+00> : vector<128xf32>
      %reduce_sum3A_207 = vector.multi_reduction <add>, %mul3A_205, %reduce_sum3A_206 [1] : vector<128x64xf32> to vector<128xf32>
      %broadcast_in_dim3A_208 = vector.shape_cast %reduce_sum3A_207 : vector<128xf32> to vector<128x1xf32>
      %sub3A_209 = arith.constant 1.000000e+00 : f32
      %sub3A_210 = vector.broadcast %sub3A_209 : f32 to vector<128x1xf32>
      %sub3A_211 = arith.subf %sub3A_210, %broadcast_in_dim3A_204 : vector<128x1xf32>
      %mul3A_212 = arith.constant 6.400000e+01 : f32
      %mul3A_213 = vector.broadcast %mul3A_212 : f32 to vector<128x1xf32>
      %mul3A_214 = arith.mulf %sub3A_211, %mul3A_213 : vector<128x1xf32>
      %add3A_215 = arith.addf %broadcast_in_dim3A_208, %mul3A_214 : vector<128x1xf32>
      %iota3A_216 = tpu.iota {dimensions = array<i32: 0>} : vector<128x128xi32>
      %mul3A_217 = arith.constant 128 : i32
      %mul3A_218 = arith.muli %while3A_168, %mul3A_217 : i32
      %add3A_219 = vector.broadcast %mul3A_218 : i32 to vector<128x128xi32>
      %add3A_220 = arith.addi %iota3A_216, %add3A_219 : vector<128x128xi32>
      %eq3A_221 = vector.broadcast %add3A_215 : vector<128x1xf32> to vector<128x128xf32>
      %eq3A_222 = vector.broadcast %add3A_53 : vector<1x128xf32> to vector<128x128xf32>
      %eq3A_223 = arith.cmpf oeq, %eq3A_221, %eq3A_222 : vector<128x128xf32>
      %gt3A = vector.broadcast %tanh3A_179 : vector<128x1xf32> to vector<128x128xf32>
      %gt3A_224 = vector.broadcast %broadcast_in_dim3A_22 : vector<1x128xf32> to vector<128x128xf32>
      %gt3A_225 = arith.cmpf ogt, %gt3A, %gt3A_224 : vector<128x128xf32>
      %eq3A_226 = vector.broadcast %tanh3A_179 : vector<128x1xf32> to vector<128x128xf32>
      %eq3A_227 = vector.broadcast %broadcast_in_dim3A_22 : vector<1x128xf32> to vector<128x128xf32>
      %eq3A_228 = arith.cmpf oeq, %eq3A_226, %eq3A_227 : vector<128x128xf32>
      %lt3A_229 = arith.cmpi slt, %add3A_220, %add3A_74 : vector<128x128xi32>
      %and3A_230 = arith.andi %eq3A_228, %lt3A_229 : vector<128x128xi1>
      %or3A = arith.ori %gt3A_225, %and3A_230 : vector<128x128xi1>
      %and3A_231 = arith.andi %eq3A_223, %or3A : vector<128x128xi1>
      %convert_element_type3A_232 = arith.extui %and3A_231 : vector<128x128xi1> to vector<128x128xi32>
      %convert_element_type3A_233 = arith.sitofp %convert_element_type3A_232 : vector<128x128xi32> to vector<128x128xf32>
      %reduce_sum3A_234 = arith.constant dense<0.000000e+00> : vector<128xf32>
      %reduce_sum3A_235 = vector.multi_reduction <add>, %convert_element_type3A_233, %reduce_sum3A_234 [0] : vector<128x128xf32> to vector<128xf32>
      %broadcast_in_dim3A_236 = vector.shape_cast %reduce_sum3A_235 : vector<128xf32> to vector<1x128xf32>
      %add3A_237 = arith.addf %while3A_169, %broadcast_in_dim3A_236 : vector<1x128xf32>
      scf.yield %add3A_237 : vector<1x128xf32>
    }
    %while3A_152 = arith.constant 1 : i32
    %while3A_153 = scf.for %while3A_168 = %while3A_149 to %while3A_145 step %while3A_152 iter_args(%while3A_169 = %while3A_151) -> (vector<1x128xf32>)  : i32 {
      %mul3A_170 = arith.constant 128 : i32
      %mul3A_171 = arith.muli %while3A_168, %mul3A_170 : i32
      %get3A_172 = arith.index_cast %mul3A_171 : i32 to index
      %get3A_173 = arith.constant 0 : index
      %get3A_174 = vector.load %arg3[%get3A_172, %get3A_173] : memref<10240x128xf32, #tpu.memory_space<vmem>>, vector<128x128xf32>
      %dot_general3A_175 = arith.constant dense<0.000000e+00> : vector<128x1xf32>
      %dot_general3A_176 = tpu.matmul %get3A_174, %get3A_1, %dot_general3A_175 {dimension_numbers = #tpu.dot_dimension_numbers<[1], [0], [0], [1], [0, 0, 1, 1], [], []>, transpose_lhs_hint = false} : vector<128x128xf32>, vector<128x1xf32>, vector<128x1xf32> -> vector<128x1xf32>
      %div3A_177 = vector.broadcast %add3A_6 : f32 to vector<128x1xf32>
      %div3A_178 = arith.divf %dot_general3A_176, %div3A_177 : vector<128x1xf32>
      %tanh3A_179 = math.tanh %div3A_178 : vector<128x1xf32>
      %iota3A_180 = tpu.iota {dimensions = array<i32: 0>} : vector<128x64xi32>
      %convert_element_type3A_181 = arith.sitofp %iota3A_180 : vector<128x64xi32> to vector<128x64xf32>
      %mul3A_182 = arith.constant 128 : i32
      %mul3A_183 = arith.muli %while3A_168, %mul3A_182 : i32
      %convert_element_type3A_184 = arith.sitofp %mul3A_183 : i32 to f32
      %add3A_185 = vector.broadcast %convert_element_type3A_184 : f32 to vector<128x64xf32>
      %add3A_186 = arith.addf %convert_element_type3A_181, %add3A_185 : vector<128x64xf32>
      %get3A_187 = arith.constant 0 : index
      %get3A_188 = arith.constant 0 : index
      %get3A_189 = vector.load %arg7[%get3A_187, %get3A_188] : memref<1x64xf32, #tpu.memory_space<vmem>>, vector<1x64xf32>
      %ge3A_190 = vector.broadcast %get3A_189 : vector<1x64xf32> to vector<128x64xf32>
      %ge3A_191 = arith.cmpf oge, %add3A_186, %ge3A_190 : vector<128x64xf32>
      %get3A_192 = arith.constant 0 : index
      %get3A_193 = arith.constant 0 : index
      %get3A_194 = vector.load %arg8[%get3A_192, %get3A_193] : memref<1x64xf32, #tpu.memory_space<vmem>>, vector<1x64xf32>
      %lt3A_195 = vector.broadcast %get3A_194 : vector<1x64xf32> to vector<128x64xf32>
      %lt3A_196 = arith.cmpf olt, %add3A_186, %lt3A_195 : vector<128x64xf32>
      %and3A_197 = arith.andi %ge3A_191, %lt3A_196 : vector<128x64xi1>
      %convert_element_type3A_198 = arith.extui %and3A_197 : vector<128x64xi1> to vector<128x64xi32>
      %convert_element_type3A_199 = arith.sitofp %convert_element_type3A_198 : vector<128x64xi32> to vector<128x64xf32>
      %iota3A_200 = tpu.iota {dimensions = array<i32: 1>} : vector<128x64xi32>
      %convert_element_type3A_201 = arith.sitofp %iota3A_200 : vector<128x64xi32> to vector<128x64xf32>
      %reduce_sum3A_202 = arith.constant dense<0.000000e+00> : vector<128xf32>
      %reduce_sum3A_203 = vector.multi_reduction <add>, %convert_element_type3A_199, %reduce_sum3A_202 [1] : vector<128x64xf32> to vector<128xf32>
      %broadcast_in_dim3A_204 = vector.shape_cast %reduce_sum3A_203 : vector<128xf32> to vector<128x1xf32>
      %mul3A_205 = arith.mulf %convert_element_type3A_199, %convert_element_type3A_201 : vector<128x64xf32>
      %reduce_sum3A_206 = arith.constant dense<0.000000e+00> : vector<128xf32>
      %reduce_sum3A_207 = vector.multi_reduction <add>, %mul3A_205, %reduce_sum3A_206 [1] : vector<128x64xf32> to vector<128xf32>
      %broadcast_in_dim3A_208 = vector.shape_cast %reduce_sum3A_207 : vector<128xf32> to vector<128x1xf32>
      %sub3A_209 = arith.constant 1.000000e+00 : f32
      %sub3A_210 = vector.broadcast %sub3A_209 : f32 to vector<128x1xf32>
      %sub3A_211 = arith.subf %sub3A_210, %broadcast_in_dim3A_204 : vector<128x1xf32>
      %mul3A_212 = arith.constant 6.400000e+01 : f32
      %mul3A_213 = vector.broadcast %mul3A_212 : f32 to vector<128x1xf32>
      %mul3A_214 = arith.mulf %sub3A_211, %mul3A_213 : vector<128x1xf32>
      %add3A_215 = arith.addf %broadcast_in_dim3A_208, %mul3A_214 : vector<128x1xf32>
      %iota3A_216 = tpu.iota {dimensions = array<i32: 0>} : vector<128x128xi32>
      %mul3A_217 = arith.constant 128 : i32
      %mul3A_218 = arith.muli %while3A_168, %mul3A_217 : i32
      %add3A_219 = vector.broadcast %mul3A_218 : i32 to vector<128x128xi32>
      %add3A_220 = arith.addi %iota3A_216, %add3A_219 : vector<128x128xi32>
      %eq3A_221 = vector.broadcast %add3A_215 : vector<128x1xf32> to vector<128x128xf32>
      %eq3A_222 = vector.broadcast %add3A_53 : vector<1x128xf32> to vector<128x128xf32>
      %eq3A_223 = arith.cmpf oeq, %eq3A_221, %eq3A_222 : vector<128x128xf32>
      %gt3A = vector.broadcast %tanh3A_179 : vector<128x1xf32> to vector<128x128xf32>
      %gt3A_224 = vector.broadcast %broadcast_in_dim3A_22 : vector<1x128xf32> to vector<128x128xf32>
      %gt3A_225 = arith.cmpf ogt, %gt3A, %gt3A_224 : vector<128x128xf32>
      %eq3A_226 = vector.broadcast %tanh3A_179 : vector<128x1xf32> to vector<128x128xf32>
      %eq3A_227 = vector.broadcast %broadcast_in_dim3A_22 : vector<1x128xf32> to vector<128x128xf32>
      %eq3A_228 = arith.cmpf oeq, %eq3A_226, %eq3A_227 : vector<128x128xf32>
      %lt3A_229 = arith.cmpi slt, %add3A_220, %add3A_74 : vector<128x128xi32>
      %and3A_230 = arith.andi %eq3A_228, %lt3A_229 : vector<128x128xi1>
      %or3A = arith.ori %gt3A_225, %and3A_230 : vector<128x128xi1>
      %and3A_231 = arith.andi %eq3A_223, %or3A : vector<128x128xi1>
      %convert_element_type3A_232 = arith.extui %and3A_231 : vector<128x128xi1> to vector<128x128xi32>
      %convert_element_type3A_233 = arith.sitofp %convert_element_type3A_232 : vector<128x128xi32> to vector<128x128xf32>
      %reduce_sum3A_234 = arith.constant dense<0.000000e+00> : vector<128xf32>
      %reduce_sum3A_235 = vector.multi_reduction <add>, %convert_element_type3A_233, %reduce_sum3A_234 [0] : vector<128x128xf32> to vector<128xf32>
      %broadcast_in_dim3A_236 = vector.shape_cast %reduce_sum3A_235 : vector<128xf32> to vector<1x128xf32>
      %add3A_237 = arith.addf %while3A_169, %broadcast_in_dim3A_236 : vector<1x128xf32>
      scf.yield %add3A_237 : vector<1x128xf32>
    }
    %lt3A_154 = arith.cmpf olt, %while3A_153, %broadcast_in_dim3A_61 : vector<1x128xf32>
    %iota3A_155 = tpu.iota {dimensions = array<i32: 1>} : vector<1x128xi32>
    %convert_element_type3A_156 = arith.sitofp %iota3A_155 : vector<1x128xi32> to vector<1x128xf32>
    %add3A_157 = arith.addf %broadcast_in_dim3A_69, %while3A_153 : vector<1x128xf32>
    %add3A_158 = arith.constant 1.000000e+04 : f32
    %add3A_159 = vector.broadcast %add3A_158 : f32 to vector<1x128xf32>
    %add3A_160 = arith.addf %add3A_159, %convert_element_type3A_156 : vector<1x128xf32>
    %select_n3A_161 = arith.select %lt3A_154, %add3A_157, %add3A_160 : vector<1x128xi1>, vector<1x128xf32>
    %swap3A_162 = arith.constant 0 : index
    %swap3A_163 = arith.constant 0 : index
    %swap3A_164 = arith.constant 0 : index
    %swap3A_165 = vector.load %arg11[%swap3A_162, %swap3A_163, %swap3A_164] : memref<1x1x128xf32, #tpu.memory_space<vmem>>, vector<1x1x128xf32>
    %swap3A_166 = vector.shape_cast %swap3A_165 : vector<1x1x128xf32> to vector<1x128xf32>
    %swap3A_167 = vector.shape_cast %select_n3A_161 : vector<1x128xf32> to vector<1x1x128xf32>
    tpu.vector_store %arg11[%swap3A_162, %swap3A_163, %swap3A_164], %swap3A_167 {strides = array<i32>} : memref<1x1x128xf32, #tpu.memory_space<vmem>>, vector<1x1x128xf32>,
    return
  }
  func.func @transform_0(%arg0: i32, %arg1: memref<10240xi32, #tpu.memory_space<smem>>, %arg2: memref<65xi32, #tpu.memory_space<smem>>) -> (i32, i32) {
    %c0_i32 = arith.constant 0 : i32
    %c0_i32_0 = arith.constant 0 : i32
    %c0_i32_1 = arith.constant 0 : i32
    return %c0_i32, %c0_i32_0 : i32, i32
  }
  func.func @transform_1(%arg0: i32, %arg1: memref<10240xi32, #tpu.memory_space<smem>>, %arg2: memref<65xi32, #tpu.memory_space<smem>>) -> (i32, i32) {
    %c0_i32 = arith.constant 0 : i32
    %c0_i32_0 = arith.constant 0 : i32
    %c0_i32_1 = arith.constant 0 : i32
    return %c0_i32, %c0_i32_0 : i32, i32
  }
  func.func @transform_2(%arg0: i32, %arg1: memref<10240xi32, #tpu.memory_space<smem>>, %arg2: memref<65xi32, #tpu.memory_space<smem>>) -> (i32, i32) {
    %c0_i32 = arith.constant 0 : i32
    %c0_i32_0 = arith.constant 0 : i32
    %c0_i32_1 = arith.constant 0 : i32
    return %c0_i32, %c0_i32_0 : i32, i32
  }
  func.func @transform_3(%arg0: i32, %arg1: memref<10240xi32, #tpu.memory_space<smem>>, %arg2: memref<65xi32, #tpu.memory_space<smem>>) -> (i32, i32) {
    %c0_i32 = arith.constant 0 : i32
    %c0_i32_0 = arith.constant 0 : i32
    %c0_i32_1 = arith.constant 0 : i32
    return %c0_i32, %c0_i32_0 : i32, i32
  }
  func.func @transform_4(%arg0: i32, %arg1: memref<10240xi32, #tpu.memory_space<smem>>, %arg2: memref<65xi32, #tpu.memory_space<smem>>) -> (i32, i32) {
    %c0_i32 = arith.constant 0 : i32
    %c0_i32_0 = arith.constant 0 : i32
    %c0_i32_1 = arith.constant 0 : i32
    return %c0_i32, %c0_i32_0 : i32, i32
  }
  func.func @transform_5(%arg0: i32, %arg1: memref<10240xi32, #tpu.memory_space<smem>>, %arg2: memref<65xi32, #tpu.memory_space<smem>>) -> (i32, i32) {
    %c0_i32 = arith.constant 0 : i32
    %c0_i32_0 = arith.constant 0 : i32
    %c0_i32_1 = arith.constant 0 : i32
    return %c0_i32, %c0_i32_0 : i32, i32
  }
  func.func @transform_6(%arg0: i32, %arg1: memref<10240xi32, #tpu.memory_space<smem>>, %arg2: memref<65xi32, #tpu.memory_space<smem>>) -> (i32, i32) {
    %c0_i32 = arith.constant 0 : i32
    %c0_i32_0 = arith.constant 0 : i32
    %c0_i32_1 = arith.constant 0 : i32
    return %c0_i32, %c0_i32_0 : i32, i32
  }
  func.func @transform_7(%arg0: i32, %arg1: memref<10240xi32, #tpu.memory_space<smem>>, %arg2: memref<65xi32, #tpu.memory_space<smem>>) -> (i32, i32) {
    %c0_i32 = arith.constant 0 : i32
    %c0_i32_0 = arith.constant 0 : i32
    %c0_i32_1 = arith.constant 0 : i32
    return %c0_i32, %c0_i32_0 : i32, i32
  }
  func.func @transform_8(%arg0: i32, %arg1: memref<10240xi32, #tpu.memory_space<smem>>, %arg2: memref<65xi32, #tpu.memory_space<smem>>) -> (i32, i32, i32) {
    %c0_i32 = arith.constant 0 : i32
    %c0_i32_0 = arith.constant 0 : i32
    %c0_i32_1 = arith.constant 0 : i32
    return %arg0, %c0_i32, %c0_i32_0 : i32, i32, i32
  }
  func.func @transform_9(%arg0: i32, %arg1: memref<10240xi32, #tpu.memory_space<smem>>, %arg2: memref<65xi32, #tpu.memory_space<smem>>) -> (i32, i32) {
    %c0_i32 = arith.constant 0 : i32
    %c0_i32_0 = arith.constant 0 : i32
    return %arg0, %c0_i32 : i32, i32
  }
}

module attributes {stable_mosaic.version = 14 : i64} {
  func.func @_mlp_body(%arg0: i32, %arg1: memref<1x64xf32, #tpu.memory_space<vmem>>, %arg2: memref<1x64xf32, #tpu.memory_space<vmem>>, %arg3: memref<1024x128xf32, #tpu.memory_space<vmem>>, %arg4: memref<1024x128xf32, #tpu.memory_space<vmem>>, %arg5: memref<1024x128xf32, #tpu.memory_space<vmem>>, %arg6: memref<128x128xf32, #tpu.memory_space<vmem>>, %arg7: memref<128x128xf32, #tpu.memory_space<vmem>>, %arg8: memref<4x128xf32, #tpu.memory_space<vmem>>, %arg9: memref<1024x128xf32, #tpu.memory_space<vmem>>, %arg10: memref<64x128xf32, #tpu.memory_space<vmem>>) attributes {dimension_semantics = [#tpu.dimension_semantics<arbitrary>], iteration_bounds = array<i64: 10>, scalar_prefetch = 0 : i64, scratch_operands = 0 : i64, tpu.core_type = #tpu.core_type<tc>, window_params = [{pipeline_mode = #tpu.pipeline_mode<synchronous>, transform_indices = @transform_0, window_bounds = array<i64: 1, 64>}, {pipeline_mode = #tpu.pipeline_mode<synchronous>, transform_indices = @transform_1, window_bounds = array<i64: 1, 64>}, {transform_indices = @transform_2, window_bounds = array<i64: 1024, 128>}, {transform_indices = @transform_3, window_bounds = array<i64: 1024, 128>}, {transform_indices = @transform_4, window_bounds = array<i64: 1024, 128>}, {pipeline_mode = #tpu.pipeline_mode<synchronous>, transform_indices = @transform_5, window_bounds = array<i64: 128, 128>}, {pipeline_mode = #tpu.pipeline_mode<synchronous>, transform_indices = @transform_6, window_bounds = array<i64: 128, 128>}, {pipeline_mode = #tpu.pipeline_mode<synchronous>, transform_indices = @transform_7, window_bounds = array<i64: 4, 128>}, {transform_indices = @transform_8, window_bounds = array<i64: 1024, 128>}, {pipeline_mode = #tpu.pipeline_mode<synchronous>, transform_indices = @transform_9, window_bounds = array<i64: 64, 128>}]} {
    %get3A = arith.constant 0 : index
    %get3A_0 = arith.constant 0 : index
    %get3A_1 = vector.load %arg3[%get3A, %get3A_0] : memref<1024x128xf32, #tpu.memory_space<vmem>>, vector<1024x128xf32>
    %get3A_2 = arith.constant 0 : index
    %get3A_3 = arith.constant 0 : index
    %get3A_4 = vector.load %arg4[%get3A_2, %get3A_3] : memref<1024x128xf32, #tpu.memory_space<vmem>>, vector<1024x128xf32>
    %add3A = arith.addf %get3A_1, %get3A_4 : vector<1024x128xf32>
    %get3A_5 = arith.constant 0 : index
    %get3A_6 = arith.constant 0 : index
    %get3A_7 = vector.load %arg5[%get3A_5, %get3A_6] : memref<1024x128xf32, #tpu.memory_space<vmem>>, vector<1024x128xf32>
    %add3A_8 = arith.addf %add3A, %get3A_7 : vector<1024x128xf32>
    %get3A_9 = arith.constant 0 : index
    %get3A_10 = arith.constant 0 : index
    %get3A_11 = vector.load %arg6[%get3A_9, %get3A_10] : memref<128x128xf32, #tpu.memory_space<vmem>>, vector<128x128xf32>
    %dot_general3A = arith.constant dense<0.000000e+00> : vector<1024x128xf32>
    %dot_general3A_12 = tpu.matmul %add3A_8, %get3A_11, %dot_general3A {dimension_numbers = #tpu.dot_dimension_numbers<[1], [0], [0], [1], [0, 0, 1, 1], [], []>, transpose_lhs_hint = false} : vector<1024x128xf32>, vector<128x128xf32>, vector<1024x128xf32> -> vector<1024x128xf32>
    %get3A_13 = arith.constant 0 : index
    %get3A_14 = arith.constant 0 : index
    %get3A_15 = vector.load %arg8[%get3A_13, %get3A_14] : memref<4x128xf32, #tpu.memory_space<vmem>>, vector<1x128xf32>
    %add3A_16 = vector.broadcast %get3A_15 : vector<1x128xf32> to vector<1024x128xf32>
    %add3A_17 = arith.addf %dot_general3A_12, %add3A_16 : vector<1024x128xf32>
    %max3A = arith.constant 0.000000e+00 : f32
    %max3A_18 = vector.broadcast %max3A : f32 to vector<1024x128xf32>
    %max3A_19 = arith.maximumf %add3A_17, %max3A_18 : vector<1024x128xf32>
    %get3A_20 = arith.constant 0 : index
    %get3A_21 = arith.constant 0 : index
    %get3A_22 = vector.load %arg7[%get3A_20, %get3A_21] : memref<128x128xf32, #tpu.memory_space<vmem>>, vector<128x128xf32>
    %dot_general3A_23 = arith.constant dense<0.000000e+00> : vector<1024x128xf32>
    %dot_general3A_24 = tpu.matmul %max3A_19, %get3A_22, %dot_general3A_23 {dimension_numbers = #tpu.dot_dimension_numbers<[1], [0], [0], [1], [0, 0, 1, 1], [], []>, transpose_lhs_hint = false} : vector<1024x128xf32>, vector<128x128xf32>, vector<1024x128xf32> -> vector<1024x128xf32>
    %get3A_25 = arith.constant 1 : index
    %get3A_26 = arith.constant 0 : index
    %get3A_27 = vector.load %arg8[%get3A_25, %get3A_26] : memref<4x128xf32, #tpu.memory_space<vmem>>, vector<1x128xf32>
    %add3A_28 = vector.broadcast %get3A_27 : vector<1x128xf32> to vector<1024x128xf32>
    %add3A_29 = arith.addf %dot_general3A_24, %add3A_28 : vector<1024x128xf32>
    %max3A_30 = arith.constant 0.000000e+00 : f32
    %max3A_31 = vector.broadcast %max3A_30 : f32 to vector<1024x128xf32>
    %max3A_32 = arith.maximumf %add3A_29, %max3A_31 : vector<1024x128xf32>
    %get3A_33 = arith.constant 2 : index
    %get3A_34 = arith.constant 0 : index
    %get3A_35 = vector.load %arg8[%get3A_33, %get3A_34] : memref<4x128xf32, #tpu.memory_space<vmem>>, vector<1x128xf32>
    %mul3A = arith.constant 0.999994993 : f32
    %mul3A_36 = vector.broadcast %mul3A : f32 to vector<1x128xf32>
    %mul3A_37 = arith.mulf %get3A_35, %mul3A_36 : vector<1x128xf32>
    %mul3A_38 = vector.broadcast %mul3A_37 : vector<1x128xf32> to vector<1024x128xf32>
    %mul3A_39 = arith.mulf %max3A_32, %mul3A_38 : vector<1024x128xf32>
    %get3A_40 = arith.constant 3 : index
    %get3A_41 = arith.constant 0 : index
    %get3A_42 = vector.load %arg8[%get3A_40, %get3A_41] : memref<4x128xf32, #tpu.memory_space<vmem>>, vector<1x128xf32>
    %add3A_43 = vector.broadcast %get3A_42 : vector<1x128xf32> to vector<1024x128xf32>
    %add3A_44 = arith.addf %mul3A_39, %add3A_43 : vector<1024x128xf32>
    %max3A_45 = arith.constant 0.000000e+00 : f32
    %max3A_46 = vector.broadcast %max3A_45 : f32 to vector<1024x128xf32>
    %max3A_47 = arith.maximumf %add3A_44, %max3A_46 : vector<1024x128xf32>
    %swap3A = arith.constant 0 : index
    %swap3A_48 = arith.constant 0 : index
    %swap3A_49 = vector.load %arg9[%swap3A, %swap3A_48] : memref<1024x128xf32, #tpu.memory_space<vmem>>, vector<1024x128xf32>
    tpu.vector_store %arg9[%swap3A, %swap3A_48], %max3A_47 {strides = array<i32>} : memref<1024x128xf32, #tpu.memory_space<vmem>>, vector<1024x128xf32>,
    %iota3A = tpu.iota {dimensions = array<i32: 0>} : vector<1024x64xi32>
    %convert_element_type3A = arith.sitofp %iota3A : vector<1024x64xi32> to vector<1024x64xf32>
    %mul3A_50 = arith.constant 1024 : i32
    %mul3A_51 = arith.muli %arg0, %mul3A_50 : i32
    %convert_element_type3A_52 = arith.sitofp %mul3A_51 : i32 to f32
    %add3A_53 = vector.broadcast %convert_element_type3A_52 : f32 to vector<1024x64xf32>
    %add3A_54 = arith.addf %convert_element_type3A, %add3A_53 : vector<1024x64xf32>
    %get3A_55 = arith.constant 0 : index
    %get3A_56 = arith.constant 0 : index
    %get3A_57 = vector.load %arg1[%get3A_55, %get3A_56] : memref<1x64xf32, #tpu.memory_space<vmem>>, vector<1x64xf32>
    %ge3A = vector.broadcast %get3A_57 : vector<1x64xf32> to vector<1024x64xf32>
    %ge3A_58 = arith.cmpf oge, %add3A_54, %ge3A : vector<1024x64xf32>
    %get3A_59 = arith.constant 0 : index
    %get3A_60 = arith.constant 0 : index
    %get3A_61 = vector.load %arg2[%get3A_59, %get3A_60] : memref<1x64xf32, #tpu.memory_space<vmem>>, vector<1x64xf32>
    %lt3A = vector.broadcast %get3A_61 : vector<1x64xf32> to vector<1024x64xf32>
    %lt3A_62 = arith.cmpf olt, %add3A_54, %lt3A : vector<1024x64xf32>
    %and3A = arith.andi %ge3A_58, %lt3A_62 : vector<1024x64xi1>
    %convert_element_type3A_63 = arith.extui %and3A : vector<1024x64xi1> to vector<1024x64xi32>
    %convert_element_type3A_64 = arith.sitofp %convert_element_type3A_63 : vector<1024x64xi32> to vector<1024x64xf32>
    %reduce_sum3A = arith.constant dense<0.000000e+00> : vector<1024xf32>
    %reduce_sum3A_65 = vector.multi_reduction <add>, %convert_element_type3A_64, %reduce_sum3A [1] : vector<1024x64xf32> to vector<1024xf32>
    %broadcast_in_dim3A = vector.shape_cast %reduce_sum3A_65 : vector<1024xf32> to vector<1024x1xf32>
    %gt3A = arith.constant 0.000000e+00 : f32
    %gt3A_66 = vector.broadcast %gt3A : f32 to vector<1024x1xf32>
    %gt3A_67 = arith.cmpf ogt, %broadcast_in_dim3A, %gt3A_66 : vector<1024x1xf32>
    %jit3A = arith.constant 0.000000e+00 : f32
    %broadcast_in_dim3A_68 = vector.shape_cast %gt3A_67 : vector<1024x1xi1> to vector<1024x1xi1>
    %broadcast_in_dim3A_69 = vector.broadcast %broadcast_in_dim3A_68 : vector<1024x1xi1> to vector<1024x128xi1>
    %broadcast_in_dim3A_70 = vector.broadcast %jit3A : f32 to vector<1024x128xf32>
    %select_n3A = arith.select %broadcast_in_dim3A_69, %max3A_47, %broadcast_in_dim3A_70 : vector<1024x128xi1>, vector<1024x128xf32>
    %dot_general3A_71 = arith.constant dense<0.000000e+00> : vector<64x128xf32>
    %dot_general3A_72 = tpu.matmul %convert_element_type3A_64, %select_n3A, %dot_general3A_71 {dimension_numbers = #tpu.dot_dimension_numbers<[0], [0], [1], [1], [0, 1, 1, 1], [], []>, transpose_lhs_hint = false} : vector<1024x64xf32>, vector<1024x128xf32>, vector<64x128xf32> -> vector<64x128xf32>
    %eq3A = arith.constant 0 : i32
    %eq3A_73 = arith.cmpi eq, %arg0, %eq3A : i32
    %convert_element_type3A_74 = arith.extui %eq3A_73 : i1 to i32
    %cond3A = arith.constant 0 : i32
    %cond3A_75 = arith.cmpi ne, %convert_element_type3A_74, %cond3A : i32
    scf.if %cond3A_75 {
      %broadcast_in_dim3A_83 = arith.constant 0.000000e+00 : f32
      %broadcast_in_dim3A_84 = vector.broadcast %broadcast_in_dim3A_83 : f32 to vector<64x128xf32>
      %swap3A_85 = arith.constant 0 : index
      %swap3A_86 = arith.constant 0 : index
      %swap3A_87 = vector.load %arg10[%swap3A_85, %swap3A_86] : memref<64x128xf32, #tpu.memory_space<vmem>>, vector<64x128xf32>
      tpu.vector_store %arg10[%swap3A_85, %swap3A_86], %broadcast_in_dim3A_84 {strides = array<i32>} : memref<64x128xf32, #tpu.memory_space<vmem>>, vector<64x128xf32>,
    } else {
    }
    %get3A_76 = arith.constant 0 : index
    %get3A_77 = arith.constant 0 : index
    %get3A_78 = vector.load %arg10[%get3A_76, %get3A_77] : memref<64x128xf32, #tpu.memory_space<vmem>>, vector<64x128xf32>
    %add3A_79 = arith.addf %get3A_78, %dot_general3A_72 : vector<64x128xf32>
    %swap3A_80 = arith.constant 0 : index
    %swap3A_81 = arith.constant 0 : index
    %swap3A_82 = vector.load %arg10[%swap3A_80, %swap3A_81] : memref<64x128xf32, #tpu.memory_space<vmem>>, vector<64x128xf32>
    tpu.vector_store %arg10[%swap3A_80, %swap3A_81], %add3A_79 {strides = array<i32>} : memref<64x128xf32, #tpu.memory_space<vmem>>, vector<64x128xf32>,
    return
  }
  func.func @transform_0(%arg0: i32) -> (i32, i32) {
    %c0_i32 = arith.constant 0 : i32
    %c0_i32_0 = arith.constant 0 : i32
    %c0_i32_1 = arith.constant 0 : i32
    return %c0_i32, %c0_i32_0 : i32, i32
  }
  func.func @transform_1(%arg0: i32) -> (i32, i32) {
    %c0_i32 = arith.constant 0 : i32
    %c0_i32_0 = arith.constant 0 : i32
    %c0_i32_1 = arith.constant 0 : i32
    return %c0_i32, %c0_i32_0 : i32, i32
  }
  func.func @transform_2(%arg0: i32) -> (i32, i32) {
    %c0_i32 = arith.constant 0 : i32
    %c0_i32_0 = arith.constant 0 : i32
    return %arg0, %c0_i32 : i32, i32
  }
  func.func @transform_3(%arg0: i32) -> (i32, i32) {
    %c0_i32 = arith.constant 0 : i32
    %c0_i32_0 = arith.constant 0 : i32
    return %arg0, %c0_i32 : i32, i32
  }
  func.func @transform_4(%arg0: i32) -> (i32, i32) {
    %c0_i32 = arith.constant 0 : i32
    %c0_i32_0 = arith.constant 0 : i32
    return %arg0, %c0_i32 : i32, i32
  }
  func.func @transform_5(%arg0: i32) -> (i32, i32) {
    %c0_i32 = arith.constant 0 : i32
    %c0_i32_0 = arith.constant 0 : i32
    %c0_i32_1 = arith.constant 0 : i32
    return %c0_i32, %c0_i32_0 : i32, i32
  }
  func.func @transform_6(%arg0: i32) -> (i32, i32) {
    %c0_i32 = arith.constant 0 : i32
    %c0_i32_0 = arith.constant 0 : i32
    %c0_i32_1 = arith.constant 0 : i32
    return %c0_i32, %c0_i32_0 : i32, i32
  }
  func.func @transform_7(%arg0: i32) -> (i32, i32) {
    %c0_i32 = arith.constant 0 : i32
    %c0_i32_0 = arith.constant 0 : i32
    %c0_i32_1 = arith.constant 0 : i32
    return %c0_i32, %c0_i32_0 : i32, i32
  }
  func.func @transform_8(%arg0: i32) -> (i32, i32) {
    %c0_i32 = arith.constant 0 : i32
    %c0_i32_0 = arith.constant 0 : i32
    return %arg0, %c0_i32 : i32, i32
  }
  func.func @transform_9(%arg0: i32) -> (i32, i32) {
    %c0_i32 = arith.constant 0 : i32
    %c0_i32_0 = arith.constant 0 : i32
    %c0_i32_1 = arith.constant 0 : i32
    return %c0_i32, %c0_i32_0 : i32, i32
  }
}

module attributes {stable_mosaic.version = 14 : i64} {
  func.func @_head_body(%arg0: memref<64x128xf32, #tpu.memory_space<vmem>>, %arg1: memref<64x128xf32, #tpu.memory_space<vmem>>, %arg2: memref<64x128xf32, #tpu.memory_space<vmem>>, %arg3: memref<64x128xf32, #tpu.memory_space<vmem>>, %arg4: memref<64x1xf32, #tpu.memory_space<vmem>>, %arg5: memref<64x1xf32, #tpu.memory_space<vmem>>, %arg6: memref<512x128xf32, #tpu.memory_space<vmem>>, %arg7: memref<1x128xf32, #tpu.memory_space<vmem>>, %arg8: memref<128x32xf32, #tpu.memory_space<vmem>>, %arg9: memref<1x32xf32, #tpu.memory_space<vmem>>, %arg10: memref<1x32xf32, #tpu.memory_space<vmem>>, %arg11: memref<1x32xf32, #tpu.memory_space<vmem>>, %arg12: memref<32x512xf32, #tpu.memory_space<vmem>>, %arg13: memref<1x512xf32, #tpu.memory_space<vmem>>, %arg14: memref<1x512xf32, #tpu.memory_space<vmem>>, %arg15: memref<1x512xf32, #tpu.memory_space<vmem>>, %arg16: memref<512x10xf32, #tpu.memory_space<vmem>>, %arg17: memref<1x10xf32, #tpu.memory_space<vmem>>, %arg18: memref<64x10xf32, #tpu.memory_space<vmem>>) attributes {dimension_semantics = [], scalar_prefetch = 0 : i64, scratch_operands = 0 : i64, tpu.core_type = #tpu.core_type<tc>} {
    %get3A = arith.constant 0 : index
    %get3A_0 = arith.constant 0 : index
    %get3A_1 = vector.load %arg4[%get3A, %get3A_0] : memref<64x1xf32, #tpu.memory_space<vmem>>, vector<64x1xf32>
    %max3A = arith.constant 1.000000e+00 : f32
    %max3A_2 = vector.broadcast %max3A : f32 to vector<64x1xf32>
    %max3A_3 = arith.maximumf %get3A_1, %max3A_2 : vector<64x1xf32>
    %div3A = arith.constant 1.000000e+00 : f32
    %div3A_4 = vector.broadcast %div3A : f32 to vector<64x1xf32>
    %div3A_5 = arith.divf %div3A_4, %max3A_3 : vector<64x1xf32>
    %get3A_6 = arith.constant 0 : index
    %get3A_7 = arith.constant 0 : index
    %get3A_8 = vector.load %arg5[%get3A_6, %get3A_7] : memref<64x1xf32, #tpu.memory_space<vmem>>, vector<64x1xf32>
    %max3A_9 = arith.constant 1.000000e+00 : f32
    %max3A_10 = vector.broadcast %max3A_9 : f32 to vector<64x1xf32>
    %max3A_11 = arith.maximumf %get3A_8, %max3A_10 : vector<64x1xf32>
    %div3A_12 = arith.constant 1.000000e+00 : f32
    %div3A_13 = vector.broadcast %div3A_12 : f32 to vector<64x1xf32>
    %div3A_14 = arith.divf %div3A_13, %max3A_11 : vector<64x1xf32>
    %get3A_15 = arith.constant 0 : index
    %get3A_16 = arith.constant 0 : index
    %get3A_17 = vector.load %arg0[%get3A_15, %get3A_16] : memref<64x128xf32, #tpu.memory_space<vmem>>, vector<64x128xf32>
    %mul3A = vector.broadcast %div3A_5 : vector<64x1xf32> to vector<64x128xf32>
    %mul3A_18 = arith.mulf %get3A_17, %mul3A : vector<64x128xf32>
    %get3A_19 = arith.constant 0 : index
    %get3A_20 = arith.constant 0 : index
    %get3A_21 = vector.load %arg6[%get3A_19, %get3A_20] : memref<512x128xf32, #tpu.memory_space<vmem>>, vector<128x128xf32>
    %dot_general3A = arith.constant dense<0.000000e+00> : vector<64x128xf32>
    %dot_general3A_22 = tpu.matmul %mul3A_18, %get3A_21, %dot_general3A {dimension_numbers = #tpu.dot_dimension_numbers<[1], [0], [0], [1], [0, 0, 1, 1], [], []>, transpose_lhs_hint = false} : vector<64x128xf32>, vector<128x128xf32>, vector<64x128xf32> -> vector<64x128xf32>
    %get3A_23 = arith.constant 0 : index
    %get3A_24 = arith.constant 0 : index
    %get3A_25 = vector.load %arg1[%get3A_23, %get3A_24] : memref<64x128xf32, #tpu.memory_space<vmem>>, vector<64x128xf32>
    %mul3A_26 = vector.broadcast %div3A_5 : vector<64x1xf32> to vector<64x128xf32>
    %mul3A_27 = arith.mulf %get3A_25, %mul3A_26 : vector<64x128xf32>
    %get3A_28 = arith.constant 128 : index
    %get3A_29 = arith.constant 0 : index
    %get3A_30 = vector.load %arg6[%get3A_28, %get3A_29] : memref<512x128xf32, #tpu.memory_space<vmem>>, vector<128x128xf32>
    %dot_general3A_31 = arith.constant dense<0.000000e+00> : vector<64x128xf32>
    %dot_general3A_32 = tpu.matmul %mul3A_27, %get3A_30, %dot_general3A_31 {dimension_numbers = #tpu.dot_dimension_numbers<[1], [0], [0], [1], [0, 0, 1, 1], [], []>, transpose_lhs_hint = false} : vector<64x128xf32>, vector<128x128xf32>, vector<64x128xf32> -> vector<64x128xf32>
    %add3A = arith.addf %dot_general3A_22, %dot_general3A_32 : vector<64x128xf32>
    %get3A_33 = arith.constant 0 : index
    %get3A_34 = arith.constant 0 : index
    %get3A_35 = vector.load %arg2[%get3A_33, %get3A_34] : memref<64x128xf32, #tpu.memory_space<vmem>>, vector<64x128xf32>
    %mul3A_36 = vector.broadcast %div3A_14 : vector<64x1xf32> to vector<64x128xf32>
    %mul3A_37 = arith.mulf %get3A_35, %mul3A_36 : vector<64x128xf32>
    %get3A_38 = arith.constant 256 : index
    %get3A_39 = arith.constant 0 : index
    %get3A_40 = vector.load %arg6[%get3A_38, %get3A_39] : memref<512x128xf32, #tpu.memory_space<vmem>>, vector<128x128xf32>
    %dot_general3A_41 = arith.constant dense<0.000000e+00> : vector<64x128xf32>
    %dot_general3A_42 = tpu.matmul %mul3A_37, %get3A_40, %dot_general3A_41 {dimension_numbers = #tpu.dot_dimension_numbers<[1], [0], [0], [1], [0, 0, 1, 1], [], []>, transpose_lhs_hint = false} : vector<64x128xf32>, vector<128x128xf32>, vector<64x128xf32> -> vector<64x128xf32>
    %add3A_43 = arith.addf %add3A, %dot_general3A_42 : vector<64x128xf32>
    %get3A_44 = arith.constant 0 : index
    %get3A_45 = arith.constant 0 : index
    %get3A_46 = vector.load %arg3[%get3A_44, %get3A_45] : memref<64x128xf32, #tpu.memory_space<vmem>>, vector<64x128xf32>
    %mul3A_47 = vector.broadcast %div3A_14 : vector<64x1xf32> to vector<64x128xf32>
    %mul3A_48 = arith.mulf %get3A_46, %mul3A_47 : vector<64x128xf32>
    %get3A_49 = arith.constant 384 : index
    %get3A_50 = arith.constant 0 : index
    %get3A_51 = vector.load %arg6[%get3A_49, %get3A_50] : memref<512x128xf32, #tpu.memory_space<vmem>>, vector<128x128xf32>
    %dot_general3A_52 = arith.constant dense<0.000000e+00> : vector<64x128xf32>
    %dot_general3A_53 = tpu.matmul %mul3A_48, %get3A_51, %dot_general3A_52 {dimension_numbers = #tpu.dot_dimension_numbers<[1], [0], [0], [1], [0, 0, 1, 1], [], []>, transpose_lhs_hint = false} : vector<64x128xf32>, vector<128x128xf32>, vector<64x128xf32> -> vector<64x128xf32>
    %add3A_54 = arith.addf %add3A_43, %dot_general3A_53 : vector<64x128xf32>
    %get3A_55 = arith.constant 0 : index
    %get3A_56 = arith.constant 0 : index
    %get3A_57 = vector.load %arg7[%get3A_55, %get3A_56] : memref<1x128xf32, #tpu.memory_space<vmem>>, vector<1x128xf32>
    %add3A_58 = vector.broadcast %get3A_57 : vector<1x128xf32> to vector<64x128xf32>
    %add3A_59 = arith.addf %add3A_54, %add3A_58 : vector<64x128xf32>
    %max3A_60 = arith.constant 0.000000e+00 : f32
    %max3A_61 = vector.broadcast %max3A_60 : f32 to vector<64x128xf32>
    %max3A_62 = arith.maximumf %add3A_59, %max3A_61 : vector<64x128xf32>
    %get3A_63 = arith.constant 0 : index
    %get3A_64 = arith.constant 0 : index
    %get3A_65 = vector.load %arg8[%get3A_63, %get3A_64] : memref<128x32xf32, #tpu.memory_space<vmem>>, vector<128x32xf32>
    %dot_general3A_66 = arith.constant dense<0.000000e+00> : vector<64x32xf32>
    %dot_general3A_67 = tpu.matmul %max3A_62, %get3A_65, %dot_general3A_66 {dimension_numbers = #tpu.dot_dimension_numbers<[1], [0], [0], [1], [0, 0, 1, 1], [], []>, transpose_lhs_hint = false} : vector<64x128xf32>, vector<128x32xf32>, vector<64x32xf32> -> vector<64x32xf32>
    %get3A_68 = arith.constant 0 : index
    %get3A_69 = arith.constant 0 : index
    %get3A_70 = vector.load %arg9[%get3A_68, %get3A_69] : memref<1x32xf32, #tpu.memory_space<vmem>>, vector<1x32xf32>
    %add3A_71 = vector.broadcast %get3A_70 : vector<1x32xf32> to vector<64x32xf32>
    %add3A_72 = arith.addf %dot_general3A_67, %add3A_71 : vector<64x32xf32>
    %max3A_73 = arith.constant 0.000000e+00 : f32
    %max3A_74 = vector.broadcast %max3A_73 : f32 to vector<64x32xf32>
    %max3A_75 = arith.maximumf %add3A_72, %max3A_74 : vector<64x32xf32>
    %get3A_76 = arith.constant 0 : index
    %get3A_77 = arith.constant 0 : index
    %get3A_78 = vector.load %arg10[%get3A_76, %get3A_77] : memref<1x32xf32, #tpu.memory_space<vmem>>, vector<1x32xf32>
    %mul3A_79 = arith.constant 0.999994993 : f32
    %mul3A_80 = vector.broadcast %mul3A_79 : f32 to vector<1x32xf32>
    %mul3A_81 = arith.mulf %get3A_78, %mul3A_80 : vector<1x32xf32>
    %mul3A_82 = vector.broadcast %mul3A_81 : vector<1x32xf32> to vector<64x32xf32>
    %mul3A_83 = arith.mulf %max3A_75, %mul3A_82 : vector<64x32xf32>
    %get3A_84 = arith.constant 0 : index
    %get3A_85 = arith.constant 0 : index
    %get3A_86 = vector.load %arg11[%get3A_84, %get3A_85] : memref<1x32xf32, #tpu.memory_space<vmem>>, vector<1x32xf32>
    %add3A_87 = vector.broadcast %get3A_86 : vector<1x32xf32> to vector<64x32xf32>
    %add3A_88 = arith.addf %mul3A_83, %add3A_87 : vector<64x32xf32>
    %get3A_89 = arith.constant 0 : index
    %get3A_90 = arith.constant 0 : index
    %get3A_91 = vector.load %arg12[%get3A_89, %get3A_90] : memref<32x512xf32, #tpu.memory_space<vmem>>, vector<32x512xf32>
    %dot_general3A_92 = arith.constant dense<0.000000e+00> : vector<64x512xf32>
    %dot_general3A_93 = tpu.matmul %add3A_88, %get3A_91, %dot_general3A_92 {dimension_numbers = #tpu.dot_dimension_numbers<[1], [0], [0], [1], [0, 0, 1, 1], [], []>, transpose_lhs_hint = false} : vector<64x32xf32>, vector<32x512xf32>, vector<64x512xf32> -> vector<64x512xf32>
    %get3A_94 = arith.constant 0 : index
    %get3A_95 = arith.constant 0 : index
    %get3A_96 = vector.load %arg13[%get3A_94, %get3A_95] : memref<1x512xf32, #tpu.memory_space<vmem>>, vector<1x512xf32>
    %add3A_97 = vector.broadcast %get3A_96 : vector<1x512xf32> to vector<64x512xf32>
    %add3A_98 = arith.addf %dot_general3A_93, %add3A_97 : vector<64x512xf32>
    %max3A_99 = arith.constant 0.000000e+00 : f32
    %max3A_100 = vector.broadcast %max3A_99 : f32 to vector<64x512xf32>
    %max3A_101 = arith.maximumf %add3A_98, %max3A_100 : vector<64x512xf32>
    %get3A_102 = arith.constant 0 : index
    %get3A_103 = arith.constant 0 : index
    %get3A_104 = vector.load %arg14[%get3A_102, %get3A_103] : memref<1x512xf32, #tpu.memory_space<vmem>>, vector<1x512xf32>
    %mul3A_105 = arith.constant 0.999994993 : f32
    %mul3A_106 = vector.broadcast %mul3A_105 : f32 to vector<1x512xf32>
    %mul3A_107 = arith.mulf %get3A_104, %mul3A_106 : vector<1x512xf32>
    %mul3A_108 = vector.broadcast %mul3A_107 : vector<1x512xf32> to vector<64x512xf32>
    %mul3A_109 = arith.mulf %max3A_101, %mul3A_108 : vector<64x512xf32>
    %get3A_110 = arith.constant 0 : index
    %get3A_111 = arith.constant 0 : index
    %get3A_112 = vector.load %arg15[%get3A_110, %get3A_111] : memref<1x512xf32, #tpu.memory_space<vmem>>, vector<1x512xf32>
    %add3A_113 = vector.broadcast %get3A_112 : vector<1x512xf32> to vector<64x512xf32>
    %add3A_114 = arith.addf %mul3A_109, %add3A_113 : vector<64x512xf32>
    %get3A_115 = arith.constant 0 : index
    %get3A_116 = arith.constant 0 : index
    %get3A_117 = vector.load %arg16[%get3A_115, %get3A_116] : memref<512x10xf32, #tpu.memory_space<vmem>>, vector<512x10xf32>
    %dot_general3A_118 = arith.constant dense<0.000000e+00> : vector<64x10xf32>
    %dot_general3A_119 = tpu.matmul %add3A_114, %get3A_117, %dot_general3A_118 {dimension_numbers = #tpu.dot_dimension_numbers<[1], [0], [0], [1], [0, 0, 1, 1], [], []>, transpose_lhs_hint = false} : vector<64x512xf32>, vector<512x10xf32>, vector<64x10xf32> -> vector<64x10xf32>
    %get3A_120 = arith.constant 0 : index
    %get3A_121 = arith.constant 0 : index
    %get3A_122 = vector.load %arg17[%get3A_120, %get3A_121] : memref<1x10xf32, #tpu.memory_space<vmem>>, vector<1x10xf32>
    %add3A_123 = vector.broadcast %get3A_122 : vector<1x10xf32> to vector<64x10xf32>
    %add3A_124 = arith.addf %dot_general3A_119, %add3A_123 : vector<64x10xf32>
    %reduce_max3A = arith.constant dense<0xFF800000> : vector<64xf32>
    %reduce_max3A_125 = vector.multi_reduction <maximumf>, %add3A_124, %reduce_max3A [1] : vector<64x10xf32> to vector<64xf32>
    %broadcast_in_dim3A = vector.shape_cast %reduce_max3A_125 : vector<64xf32> to vector<64x1xf32>
    %sub3A = vector.broadcast %broadcast_in_dim3A : vector<64x1xf32> to vector<64x10xf32>
    %sub3A_126 = arith.subf %add3A_124, %sub3A : vector<64x10xf32>
    %exp3A = math.exp %sub3A_126 : vector<64x10xf32>
    %reduce_sum3A = arith.constant dense<0.000000e+00> : vector<64xf32>
    %reduce_sum3A_127 = vector.multi_reduction <add>, %exp3A, %reduce_sum3A [1] : vector<64x10xf32> to vector<64xf32>
    %broadcast_in_dim3A_128 = vector.shape_cast %reduce_sum3A_127 : vector<64xf32> to vector<64x1xf32>
    %log3A = math.log %broadcast_in_dim3A_128 : vector<64x1xf32>
    %sub3A_129 = vector.broadcast %log3A : vector<64x1xf32> to vector<64x10xf32>
    %sub3A_130 = arith.subf %sub3A_126, %sub3A_129 : vector<64x10xf32>
    %swap3A = arith.constant 0 : index
    %swap3A_131 = arith.constant 0 : index
    %swap3A_132 = vector.load %arg18[%swap3A, %swap3A_131] : memref<64x10xf32, #tpu.memory_space<vmem>>, vector<64x10xf32>
    tpu.vector_store %arg18[%swap3A, %swap3A_131], %sub3A_130 {strides = array<i32>} : memref<64x10xf32, #tpu.memory_space<vmem>>, vector<64x10xf32>,
    return
  }
}

</mosaic_0001>

<sc_bundles>
// kernel: kernel.14.cloned.1.call-start
scs
__scs_entry_jumppad:
0x0: {  	(pc) =	sbr.rel $0x88, $3  }
0x1: {  	(tag) =	ssettag $0x0;
	lr =	simm.s32 $0x1  }
0x2: {  	[smem:$0x3F79] =	sst lr;
	_ =	strace $0xD0000000  }
0x3: {  	_ = 	snop  }
0x4: {  	_ = 	snop  }
0x5: {  	_ = 	snop  }
0x6: {  	_ = 	snop  }
0x7: {  	_ = 	snop  }
__scs_overlays_trampoline_lowered:
0x8: {  	[smem:$0x3F88] =	sst s0  }
0x9: {  	[smem:$0x3F89] =	sst s1  }
0xa: {  	[smem:$0x3F8A] =	sst s2  }
0xb: {  	[smem:$0x3F8B] =	sst s3  }
0xc: {  	[smem:$0x3F8C] =	sst s4  }
0xd: {  	[smem:$0x3F8D] =	sst s5  }
0xe: {  	[smem:$0x3F8E] =	sst s6  }
0xf: {  	[smem:$0x3F8F] =	sst s7  }
0x10: {  	[smem:$0x3F90] =	sst s8  }
0x11: {  	[smem:$0x3F91] =	sst s9;
	s0 =	simm.s32 @!p0 $0x0  }
0x12: {  	s1 =	sld [smem:$0x3F77];
	s0 =	simm.s32 @p0 $0x1  }
0x13: {  	[smem:$0x3F92] =	sst s0;
	s0 =	simm.s32 @!p1 $0x0  }
0x14: {  	s2 =	sld [smem:$0x3F76];
	s0 =	simm.s32 @p1 $0x1  }
0x15: {  	[smem:$0x3F93] =	sst s0;
	s0 =	simm.s32 @!p2 $0x0  }
0x16: {  	s3 =	sld [smem:$0x3FDB];
	s0 =	simm.s32 @p2 $0x1  }
0x17: {  	s4 =	simm.s32 $0x1BF5;
	[smem:$0x3F95] =	sst s0  }
0x18: {  	s0 =	sld [smem:$0x3F78];
	_ =	swait.ge [sflag:s4], $0x0  }
0x19: {  	s7 =	sld [smem:$0x3F79]  }
0x1a: {  	s8 =	sadd.s32 $0xFFFFE003, lr  }
0x1b: {  	s9 =	sadd.s32 $0xFFFFFEF7, lr;
	s5 =	simm.s32 $0xFFFFFFFF;
	p2 =	slt.u32 s8, $0xFFFFF086  }
0x1c: {  	p1 =	slt.u32 s9, $0xF7A;
	s5 =	simm.s32 @!p2 $0x0  }
0x1d: {  	s5 =	simm.s32 @p1 $0x1;
	p0 =	seq.s32 s7, s2  }
0x1e: {  	s7 =	smul.u32 @!p0 $0xF7A, s2;
	p2 =	seq.s32 @!p0 s5, $0x0  }
0x1f: {  	s9 =	smul.u32 $0xF7A, s1;
	s8 =	simm.s32 @!p0 $0x1BF5;
	p2 =	por !p2, p0  }
0x20: {  	[sflag:s8] =	ssyncset.s32 @!p0 $0xFFFFF086;
	s6 =	sadd.s32 @!p0 s3, s7;
	s7 =	simm.s32 @!p0 $0x108  }
0x21: {  	s3 =	sadd.s32 s3, s9;
	s6 =	sadd.s32 @!p0 $0x88, s6;
	s7 =	simm.s32 @p2 $0x1082  }
0x22: {  	[simem:s7], [sflag:s8] =	dma.local @!p0 [hbm:s6], $0xF7A  }
0x23: {  	s9 =	sor.u32 $0xD0000000, s2;
	s6 =	simm.s32 $0x108;
	_ =	swait.ge @!p0 [sflag:s8], $0x0  }
0x24: {  	s3 =	sadd.s32 $0x88, s3;
	s6 =	simm.s32 @!p1 $0x1082;
	[sflag:s4] =	ssyncset.s32 $0xFFFFF086  }
0x25: {  	[simem:s6], [sflag:s4] =	dma.local [hbm:s3], $0xF7A  }
0x26: {  	[smem:$0x3F79] =	sst s1;
	(tag) =	ssettag s2;
	_ =	strace s9  }
0x27: {  	s1 =	sld [smem:$0x3F89]  }
0x28: {  	s2 =	sld [smem:$0x3F8A]  }
0x29: {  	s4 =	sld [smem:$0x3F8C]  }
0x2a: {  	p0 =	seq.s32 s5, $0x0;
	s5 =	sld [smem:$0x3F8D]  }
0x2b: {  	s6 =	sld [smem:$0x3F8E]  }
0x2c: {  	s7 =	sld [smem:$0x3F8F]  }
0x2d: {  	s3 =	simm.s32 $0x108;
	s8 =	sld [smem:$0x3F90]  }
0x2e: {  	s3 =	simm.s32 @!p0 $0x1082;
	s9 =	sld [smem:$0x3F91]  }
0x2f: {  	lr =	sadd.s32 s0, s3;
	s0 =	sld [smem:$0x3F88]  }
0x30: {  	s3 =	sld [smem:$0x3F8B]  }
0x31: {  	[smem:$0x3F94] =	sst s10  }
0x32: {  	s10 =	sld [smem:$0x3F92];
	_ =	sdelay $0x3  }
0x33: {  	p0 =	seq.s32 s10, $0x1;
	s10 =	sld [smem:$0x3F94];
	_ =	sdelay $0x3  }
0x34: {  	[smem:$0x3F94] =	sst s10  }
0x35: {  	s10 =	sld [smem:$0x3F93];
	_ =	sdelay $0x3  }
0x36: {  	p1 =	seq.s32 s10, $0x1;
	s10 =	sld [smem:$0x3F94];
	_ =	sdelay $0x3  }
0x37: {  	[smem:$0x3F94] =	sst s10  }
0x38: {  	s10 =	sld [smem:$0x3F95]  }
0x39: {  	_ = 	snop;
	(pc) =	sbr.ind lr, $3  }
0x3a: {  	_ = 	snop  }
0x3b: {  	_ = 	snop  }
0x3c: {  	p2 =	seq.s32 s10, $0x1;
	s10 =	sld [smem:$0x3F94]  }
0x3d: {  	_ =	shalt  }
0x3e: {  	_ =	shalt  }
0x3f: {  	_ =	shalt  }
0x40: {  	_ =	shalt  }
0x41: {  	_ =	shalt  }
0x42: {  	_ =	shalt  }
0x43: {  	_ =	shalt  }
0x44: {  	_ =	shalt  }
0x45: {  	_ =	shalt  }
0x46: {  	_ =	shalt  }
0x47: {  	_ =	shalt  }
0x48: {  	_ =	shalt  }
0x49: {  	_ =	shalt  }
0x4a: {  	_ =	shalt  }
0x4b: {  	_ =	shalt  }
0x4c: {  	_ =	shalt  }
0x4d: {  	_ =	shalt  }
0x4e: {  	_ =	shalt  }
0x4f: {  	_ =	shalt  }
0x50: {  	_ =	shalt  }
0x51: {  	_ =	shalt  }
0x52: {  	_ =	shalt  }
0x53: {  	_ =	shalt  }
0x54: {  	_ =	shalt  }
0x55: {  	_ =	shalt  }
0x56: {  	_ =	shalt  }
0x57: {  	_ =	shalt  }
0x58: {  	_ =	shalt  }
0x59: {  	_ =	shalt  }
0x5a: {  	_ =	shalt  }
0x5b: {  	_ =	shalt  }
0x5c: {  	_ =	shalt  }
0x5d: {  	_ =	shalt  }
0x5e: {  	_ =	shalt  }
0x5f: {  	_ =	shalt  }
0x60: {  	_ =	shalt  }
0x61: {  	_ =	shalt  }
0x62: {  	_ =	shalt  }
0x63: {  	_ =	shalt  }
0x64: {  	_ =	shalt  }
0x65: {  	_ =	shalt  }
0x66: {  	_ =	shalt  }
0x67: {  	_ =	shalt  }
0x68: {  	_ =	shalt  }
0x69: {  	_ =	shalt  }
0x6a: {  	_ =	shalt  }
0x6b: {  	_ =	shalt  }
0x6c: {  	_ =	shalt  }
0x6d: {  	_ =	shalt  }
0x6e: {  	_ =	shalt  }
0x6f: {  	_ =	shalt  }
0x70: {  	_ =	shalt  }
0x71: {  	_ =	shalt  }
0x72: {  	_ =	shalt  }
0x73: {  	_ =	shalt  }
0x74: {  	_ =	shalt  }
0x75: {  	_ =	shalt  }
0x76: {  	_ =	shalt  }
0x77: {  	_ =	shalt  }
0x78: {  	_ =	shalt  }
0x79: {  	_ =	shalt  }
0x7a: {  	_ =	shalt  }
0x7b: {  	_ =	shalt  }
0x7c: {  	_ =	shalt  }
0x7d: {  	_ =	shalt  }
0x7e: {  	_ =	shalt  }
0x7f: {  	_ =	shalt  }
0x80: {  	_ =	shalt  }
0x81: {  	_ =	shalt  }
0x82: {  	_ =	shalt  }
0x83: {  	_ =	shalt  }
0x84: {  	_ =	shalt  }
0x85: {  	_ =	shalt  }
0x86: {  	_ =	shalt  }
0x87: {  	_ =	shalt  }
.Lfunc_end0:
.L_simem_size_0:
called_computation_lowered:
.L_overlay_start_0:
0x88: {  	s2 =	sld [smem:$0x3FD9]  }
0x89: {  	s3 =	sld [smem:$0x3FFE];
	_ =	sdelay $0x1  }
0x8a: {  	s1 =	srdreg.scid  }
0x8b: {  	s0 =	sand.u32 $0x1, s1  }
0x8c: {  	s16 =	sshll.u32 s0, $0xA;
	s2 =	sadd.s32 s3, s2  }
0x8d: {  	s2 =	sadd.s32 s2, s16  }
0x8e: {  	[smem:$0x3FA0] =	sst s2  }
0x8f: {  	_ = 	snop  }
0x90: {  	(tm) =	ssettm $0x1  }
0x91: {  	s17 =	sld [smem:$0x3FFB];
	_ =	sdelay $0x3  }
0x92: {  	_ =	strace s17  }
0x93: {  	s2 =	sld [smem:$0x3FFC];
	_ =	sdelay $0x3  }
0x94: {  	_ =	strace s2  }
0x95: {  	s2 =	sld [smem:$0x3FFD];
	_ =	sdelay $0x3  }
0x96: {  	_ =	strace s2  }
0x97: {  	_ =	strace $0x8FFFFFFF  }
0x98: {  	s18 =	sld [smem:$0x3FDB];
	_ =	sdelay $0x1  }
0x99: {  	s19 =	simm.s32 $_scs_section_size  }
0x9a: {  	s4 =	simm.s32 $_size__tile_overlayer_lowered;
	s5 =	simm.s32 $_tile_overlayer_lowered  }
0x9b: {  	s22 =	simm.s32 $0x1BFF;
	s21 =	sshll.u32 s5, $0x1;
	s2 =	sadd.s32 s19, s18  }
0x9c: {  	s6 =	simm.s32 $0x0;
	s20 =	sshll.u32 s4, $0x1;
	s4 =	sadd.s32 s21, s2  }
0x9d: {  	[timem:s6], [sflag:s22] =	dma.local [hbm:s4], s20  }
0x9e: {  	_ =	swait.ge [sflag:s22], s20  }
0x9f: {  	s3 =	ssub.s32 $0x0, s20;
	[sflag:s22] =	ssyncset.done $0x0  }
0xa0: {  	[sflag:s22] =	ssyncadd.s32 s3;
	_ =	sdelay $0x1  }
0xa1: {  	s23 =	simm.s32 $0x1B8B  }
0xa2: {  	_ =	swait.ge [sflag:s23], $0x1  }
0xa3: {  	[sflag:s23] =	ssyncset.done $0x0  }
0xa4: {  	s25 =	simm.s32 $0x1B8E;
	s24 =	sld [smem:$0x3FFE];
	[sflag:s23] =	ssyncadd.s32 $0xFFFFFFFF  }
0xa5: {  	s26 =	simm.s32 $execute0_lowered;
	[smem:$0x3FD2] =	sst s25  }
0xa6: {  	s4 =	sshll.u32 s26, $0x1;
	_ =	strace $0x80000046;
	[dreg:$0x1] =	wrdreg $0xFFFFFFFF  }
0xa7: {  	s28 =	simm.s32 $_size_execute0_lowered;
	s2 =	sadd.s32 s2, s4;
	[dreg:$0x0] =	wrdreg $0x0  }
0xa8: {  	s4 =	sshll.u32 s28, $0x1;
	[dreg:$0x2] =	wrdreg s2  }
0xa9: {  	[dreg:$0x3] =	wrdreg s4  }
0xaa: {  	[dreg:$0x4] =	wrdreg $0xC0  }
0xab: {  	_ =	task [dreg:s6], $0x5FFFF  }
0xac: {  	[dreg:$0x1] =	wrdreg $0xFFFFFFFF  }
0xad: {  	[dreg:$0x0] =	wrdreg $0x60  }
0xae: {  	[dreg:$0x2] =	wrdreg s24  }
0xaf: {  	[dreg:$0x3] =	wrdreg $0xA4000  }
0xb0: {  	[dreg:$0x4] =	wrdreg $0x9  }
0xb1: {  	_ =	task.clear_ibuf [dreg:s6], $0x5FFFF;
	_ =	strace $0x90000046  }
0xb2: {  	s29 =	simm.s32 $0x9;
	_ =	strace $0x80000048  }
0xb3: {  	_ =	swait.ge [sflag:s29], $0x1  }
0xb4: {  	[sflag:s29] =	ssyncadd.s32 $0xFFFFFFFF  }
0xb5: {  	_ =	strace $0x90000048  }
0xb6: {  	_ =	sfence  }
0xb7: {  	s30 =	sld [smem:$0x0];
	_ =	sdelay $0x2  }
0xb8: {  	s31 =	sshll.u32 s1, $0xD;
	s1 =	sshrl.u32 s1, $0x2  }
0xb9: {  	s3 =	sand.u32 $0x4000, s31;
	s1 =	sadd.s32 s1, s30  }
0xba: {  	s0 =	sor.u32 s3, s0;
	s1 =	sshll.u32 s1, $0x11  }
0xbb: {  	s0 =	sor.u32 s1, s0  }
0xbc: {  	s0 =	sadd.s32 $0x8F2B, s0  }
0xbd: {  	[sflag:s0] =	ssyncadd.remote.s32 $0x1  }
0xbe: {  	_ =	sfence.sel $0xFFFF  }
0xbf: {  	[dreg:$0x0] =	wrdreg $0xFFFFFFFF;
	(pc) =	sbr.abs _section_cstart, $3  }
0xc0: {  	[dreg:$0x1] =	wrdreg $0xFFFFFFFF  }
0xc1: {  	_ =	task.clear_ibuf [dreg:s6], $0x2FFFF;
	_ =	strace $0x9FFFFFFF  }
0xc2: {  	(tm) =	ssettm $0x7FFFFFFF  }
0xc3: {  	_ =	shalt  }
tec
execute0_lowered:
.L_overlay_start_1:
0x0: {  	(tag) =	ssettag $0x1  }
0x1: {  	s0 =	rddreg [dreg:$0x0]  }
0x2: {  	s1 =	rddreg [dreg:$0x1];
	s3 =	simm.s32 $0x0;
	s2 =	srdreg.scid  }
0x3: {  	s13 =	stileid.u32;
	s28 =	simm.s32 $0x4;
	s29 =	simm.s32 $0x380  }
0x4: {  	s30 =	simm.s32 $0x5;
	s31 =	simm.s32 $0x6;
	s6 =	smul.u32 $0x14000, s13  }
0x5: {  	[smem:$0x7FF] =	sst s3;
	s2 =	sand.u32 $0x1, s2;
	s24 =	smul.u32 $0x50000, s13  }
0x6: {  	s4 =	sadd.s32 $0x1B400, s0;
	s8 =	sadd.s32 $0x11600, s0;
	s12 =	smul.u32 $0x2710, s13  }
0x7: {  	s9 =	sadd.s32 $0x7800, s0;
	s7 =	sadd.s32 $0x43400, s0;
	s5 =	smul.u32 $0x140000, s2  }
0x8: {  	_ =	strace $0x80000047;
	[dreg:$0xb] =	wrdreg s7;
	s25 =	ssub.s32 $0x2, s2  }
0x9: {  	s10 =	smul.u32 $0x27100, s2;
	s2 =	sshll.u32 s2, $0x4;
	s11 =	sshrl.u32 s25, $0x1  }
0xa: {  	s2 =	sor.u32 s13, s2;
	s13 =	sshll.u32 s13, $0x6;
	s5 =	sadd.s32 s6, s5  }
0xb: {  	s26 =	ssub.s32 s25, s11;
	s6 =	sshrl.u32 s24, $0x2;
	s2 =	smul.u32 $0x2710, s2  }
0xc: {  	s10 =	sadd.s32 s12, s10;
	s7 =	sor.u32 $0x1C09, s13;
	s13 =	simm.s32 $0x50  }
0xd: {  	s5 =	sshrl.u32 s5, $0x3;
	s6 =	sadd.s32 s6, s1;
	s14 =	sadd.s32 $0xF0, s10  }
0xe: {  	s12 =	sadd.s32 $0xA0, s10;
	s18 =	sadd.s32 $0x50, s10;
	s10 =	sshrl.u32 s10, $0x3  }
0xf: {  	s26 =	smax.u32 s26, $0x1;
	s0 =	sadd.s32 s5, s0;
	[dreg:$0xc] =	wrdreg s6  }
0x10: {  	s2 =	sshrl.u32 s2, $0x3;
	s15 =	sshrl.u32 s14, $0x3;
	s16 =	sshrl.u32 s12, $0x3  }
0x11: {  	s20 =	sshrl.u32 s18, $0x3;
	s24 =	sadd.s32 s10, s9;
	s25 =	sadd.s32 s10, s8  }
0x12: {  	[dreg:$0x10] =	wrdreg s26;
	s12 =	simm.s32 $0x9;
	s14 =	simm.s32 $0x400  }
0x13: {  	s18 =	simm.s32 $0x5400;
	s26 =	simm.s32 $0x300;
	[dreg:$0x9] =	wrdreg s24  }
0x14: {  	s5 =	simm.s32 $0x0;
	s11 =	sadd.s32 s15, s9;
	[dreg:$0xa] =	wrdreg s25  }
0x15: {  	s2 =	sadd.s32 $0x4D8, s2;
	s6 =	sadd.s32 s15, s8;
	[dreg:$0x3] =	wrdreg s11  }
0x16: {  	s17 =	sadd.s32 s16, s9;
	s19 =	sadd.s32 s16, s8;
	[dreg:$0x4] =	wrdreg s6  }
0x17: {  	s22 =	sadd.s32 s20, s9;
	s23 =	sadd.s32 s20, s8;
	[dreg:$0x5] =	wrdreg s17  }
0x18: {  	s0 =	sadd.s32 $0x45C00, s0;
	s15 =	simm.s32 $0x80;
	[dreg:$0x6] =	wrdreg s19  }
0x19: {  	s16 =	simm.s32 $0x2C00;
	s20 =	simm.s32 $0x7C00;
	[dreg:$0x7] =	wrdreg s22  }
0x1a: {  	s24 =	simm.s32 $0x280;
	s25 =	simm.s32 $0x3;
	[dreg:$0x8] =	wrdreg s23  }
0x1b: {  	s21 =	sadd.s32 s8, s2;
	s2 =	sadd.s32 s9, s2;
	[dreg:$0xf] =	wrdreg s0  }
0x1c: {  	s17 =	simm.s32 $0x100;
	s19 =	simm.s32 $0x180;
	s22 =	simm.s32 $0x200  }
0x1d: {  	s23 =	simm.s32 $0x2;
	s0 =	simm.s32 $0x7;
	[dreg:$0xd] =	wrdreg s21  }
0x1e: {  	[dreg:$0xe] =	wrdreg s2;
	s21 =	simm.s32 $0x1;
	s2 =	simm.s32 $0x8  }
.LBB2_1:
0x1f: {  	s6 =	rddreg [dreg:$0xc]  }
0x20: {  	s8 =	rddreg [dreg:$0xb];
	s6 =	sshrl.u32 s6, $0x3  }
0x21: {  	[spmem:s6], [sflag:s7] =	dma.local [hbm:s8], $0x2800  }
0x22: {  	_ =	swait.ge [sflag:s12], $0x2800  }
0x23: {  	[sflag:s12] =	ssyncset.done $0x0  }
0x24: {  	[sflag:s12] =	ssyncadd.s32 $0xFFFFD800  }
0x25: {  	[bflag:$0x0] =	sbarrier.arrive $0xFFFF  }
0x26: {  	s10 =	rddreg [dreg:$0xa]  }
0x27: {  	s8 =	sadd.s32 $0x0, s10  }
0x28: {  	[tilespmem:s3], [sflag:$0x9] =	stream.linear.gather [hbm4b:s8+s3], $0x50, $0x38;
	[tilespmem:$0x1E400] =	vst v63  }
0x29: {  	_ =	swait.ge [sflag:s12], $0x50  }
0x2a: {  	[sflag:s12] =	ssyncset.done $0x0  }
0x2b: {  	s11 =	rddreg [dreg:$0x8];
	[sflag:s12] =	ssyncadd.s32 $0xFFFFFFB0  }
0x2c: {  	[tilespmem:s14], [sflag:$0x1] =	stream.indirect.gather [hbm4b:s4+s13], $0x80, s3, s13, $0xb8;
	[tilespmem:$0x1E400] =	vst v63  }
0x2d: {  	s8 =	sadd.s32 $0x0, s11  }
0x2e: {  	[tilespmem:s15], [sflag:$0x9] =	stream.linear.gather [hbm4b:s8+s3], $0x50, $0x38;
	[tilespmem:$0x1E400] =	vst v63  }
0x2f: {  	_ =	swait.ge [sflag:s12], $0x50  }
0x30: {  	[sflag:s12] =	ssyncset.done $0x0  }
0x31: {  	s9 =	rddreg [dreg:$0x6];
	[sflag:s12] =	ssyncadd.s32 $0xFFFFFFB0  }
0x32: {  	[tilespmem:s16], [sflag:$0x2] =	stream.indirect.gather [hbm4b:s4+s13], $0x80, s15, s13, $0xb8;
	[tilespmem:$0x1E400] =	vst v63  }
0x33: {  	s8 =	sadd.s32 $0x0, s9  }
0x34: {  	[tilespmem:s17], [sflag:$0x9] =	stream.linear.gather [hbm4b:s8+s3], $0x50, $0x38;
	[tilespmem:$0x1E400] =	vst v63  }
0x35: {  	_ =	swait.ge [sflag:s12], $0x50  }
0x36: {  	[sflag:s12] =	ssyncset.done $0x0  }
0x37: {  	s10 =	rddreg [dreg:$0x4];
	[sflag:s12] =	ssyncadd.s32 $0xFFFFFFB0  }
0x38: {  	[tilespmem:s18], [sflag:$0x3] =	stream.indirect.gather [hbm4b:s4+s13], $0x80, s17, s13, $0xb8;
	[tilespmem:$0x1E400] =	vst v63  }
0x39: {  	s8 =	sadd.s32 $0x0, s10  }
0x3a: {  	[tilespmem:s19], [sflag:$0x9] =	stream.linear.gather [hbm4b:s8+s3], $0x50, $0x38;
	[tilespmem:$0x1E400] =	vst v63  }
0x3b: {  	_ =	swait.ge [sflag:s12], $0x50  }
0x3c: {  	[sflag:s12] =	ssyncset.done $0x0  }
0x3d: {  	[sflag:s12] =	ssyncadd.s32 $0xFFFFFFB0  }
0x3e: {  	[tilespmem:s20], [sflag:$0x4] =	stream.indirect.gather [hbm4b:s4+s13], $0x80, s19, s13, $0xb8;
	[tilespmem:$0x1E400] =	vst v63  }
0x3f: {  	_ =	swait.ge [sflag:s21], $0x2800  }
0x40: {  	s11 =	rddreg [dreg:$0x9];
	[sflag:s21] =	ssyncset.done $0x0  }
0x41: {  	[sflag:s21] =	ssyncadd.s32 $0xFFFFD800;
	s8 =	sadd.s32 $0x0, s11  }
0x42: {  	[tilespmem:s22], [sflag:$0x9] =	stream.linear.gather [hbm4b:s8+s3], $0x50, $0x38;
	[tilespmem:$0x1E400] =	vst v63  }
0x43: {  	_ =	swait.ge [sflag:s12], $0x50  }
0x44: {  	[sflag:s12] =	ssyncset.done $0x0  }
0x45: {  	[sflag:s12] =	ssyncadd.s32 $0xFFFFFFB0  }
0x46: {  	[spmem:s1] =	stream.indirect.scatter.add.f32 [tilespmem:s14], [sflag:$0x5], $0x80, s22, s13, $0xb8;
	[tilespmem:$0x1E400] =	vst v63  }
0x47: {  	_ =	swait.ge [sflag:s23], $0x2800  }
0x48: {  	s9 =	rddreg [dreg:$0x7];
	[sflag:s23] =	ssyncset.done $0x0  }
0x49: {  	[sflag:s23] =	ssyncadd.s32 $0xFFFFD800;
	s8 =	sadd.s32 $0x0, s9  }
0x4a: {  	[tilespmem:s24], [sflag:$0x9] =	stream.linear.gather [hbm4b:s8+s3], $0x50, $0x38;
	[tilespmem:$0x1E400] =	vst v63  }
0x4b: {  	_ =	swait.ge [sflag:s12], $0x50  }
0x4c: {  	[sflag:s12] =	ssyncset.done $0x0  }
0x4d: {  	[sflag:s12] =	ssyncadd.s32 $0xFFFFFFB0  }
0x4e: {  	[spmem:s1] =	stream.indirect.scatter.add.f32 [tilespmem:s16], [sflag:$0x6], $0x80, s24, s13, $0xb8;
	[tilespmem:$0x1E400] =	vst v63  }
0x4f: {  	_ =	swait.ge [sflag:s25], $0x2800  }
0x50: {  	s10 =	rddreg [dreg:$0x5];
	[sflag:s25] =	ssyncset.done $0x0  }
0x51: {  	[sflag:s25] =	ssyncadd.s32 $0xFFFFD800;
	s8 =	sadd.s32 $0x0, s10  }
0x52: {  	[tilespmem:s26], [sflag:$0x9] =	stream.linear.gather [hbm4b:s8+s3], $0x50, $0x38;
	[tilespmem:$0x1E400] =	vst v63  }
0x53: {  	_ =	swait.ge [sflag:s12], $0x50  }
0x54: {  	[sflag:s12] =	ssyncset.done $0x0  }
0x55: {  	[sflag:s12] =	ssyncadd.s32 $0xFFFFFFB0  }
0x56: {  	[spmem:s1] =	stream.indirect.scatter.add.f32 [tilespmem:s18], [sflag:$0x7], $0x80, s26, s13, $0xb8;
	[tilespmem:$0x1E400] =	vst v63  }
0x57: {  	_ =	swait.ge [sflag:s28], $0x2800  }
0x58: {  	s11 =	rddreg [dreg:$0x3];
	[sflag:s28] =	ssyncset.done $0x0  }
0x59: {  	[sflag:s28] =	ssyncadd.s32 $0xFFFFD800;
	s8 =	sadd.s32 $0x0, s11  }
0x5a: {  	[tilespmem:s29], [sflag:$0x9] =	stream.linear.gather [hbm4b:s8+s3], $0x50, $0x38;
	[tilespmem:$0x1E400] =	vst v63  }
0x5b: {  	_ =	swait.ge [sflag:s12], $0x50  }
0x5c: {  	[sflag:s12] =	ssyncset.done $0x0  }
0x5d: {  	[sflag:s12] =	ssyncadd.s32 $0xFFFFFFB0  }
0x5e: {  	[spmem:s1] =	stream.indirect.scatter.add.f32 [tilespmem:s20], [sflag:$0x8], $0x80, s29, s13, $0xb8;
	[tilespmem:$0x1E400] =	vst v63  }
0x5f: {  	_ =	swait.ge [sflag:s30], $0x2800  }
0x60: {  	[sflag:s30] =	ssyncset.done $0x0  }
0x61: {  	[sflag:s30] =	ssyncadd.s32 $0xFFFFD800  }
0x62: {  	_ =	swait.ge [sflag:s31], $0x2800  }
0x63: {  	[sflag:s31] =	ssyncset.done $0x0  }
0x64: {  	[sflag:s31] =	ssyncadd.s32 $0xFFFFD800  }
0x65: {  	_ =	swait.ge [sflag:s0], $0x2800  }
0x66: {  	[sflag:s0] =	ssyncset.done $0x0  }
0x67: {  	[sflag:s0] =	ssyncadd.s32 $0xFFFFD800  }
0x68: {  	s9 =	simm.s32 $0x50;
	_ =	swait.ge [sflag:s2], $0x2800  }
0x69: {  	s8 =	simm.s32 $0x28;
	s11 =	rddreg [dreg:$0xa];
	[sflag:s2] =	ssyncset.done $0x0  }
.LBB2_2:
0x6a: {  	[sflag:s2] =	ssyncadd.s32 $0xFFFFD800;
	s11 =	sadd.s32 s8, s11  }
0x6b: {  	[tilespmem:s3], [sflag:$0x9] =	stream.linear.gather [hbm4b:s11+s3], $0x50, $0x38;
	[tilespmem:$0x1E400] =	vst v63  }
0x6c: {  	_ =	swait.ge [sflag:s12], $0x50  }
0x6d: {  	[sflag:s12] =	ssyncset.done $0x0  }
0x6e: {  	s11 =	rddreg [dreg:$0x8];
	[sflag:s12] =	ssyncadd.s32 $0xFFFFFFB0  }
0x6f: {  	[tilespmem:s14], [sflag:$0x1] =	stream.indirect.gather [hbm4b:s4+s13], $0x80, s3, s13, $0xb8;
	[tilespmem:$0x1E400] =	vst v63  }
0x70: {  	s11 =	sadd.s32 s8, s11  }
0x71: {  	[tilespmem:s15], [sflag:$0x9] =	stream.linear.gather [hbm4b:s11+s3], $0x50, $0x38;
	[tilespmem:$0x1E400] =	vst v63  }
0x72: {  	_ =	swait.ge [sflag:s12], $0x50  }
0x73: {  	[sflag:s12] =	ssyncset.done $0x0  }
0x74: {  	s11 =	rddreg [dreg:$0x6];
	[sflag:s12] =	ssyncadd.s32 $0xFFFFFFB0  }
0x75: {  	[tilespmem:s16], [sflag:$0x2] =	stream.indirect.gather [hbm4b:s4+s13], $0x80, s15, s13, $0xb8;
	[tilespmem:$0x1E400] =	vst v63  }
0x76: {  	s11 =	sadd.s32 s8, s11  }
0x77: {  	[tilespmem:s17], [sflag:$0x9] =	stream.linear.gather [hbm4b:s11+s3], $0x50, $0x38;
	[tilespmem:$0x1E400] =	vst v63  }
0x78: {  	_ =	swait.ge [sflag:s12], $0x50  }
0x79: {  	[sflag:s12] =	ssyncset.done $0x0  }
0x7a: {  	s11 =	rddreg [dreg:$0x4];
	[sflag:s12] =	ssyncadd.s32 $0xFFFFFFB0  }
0x7b: {  	[tilespmem:s18], [sflag:$0x3] =	stream.indirect.gather [hbm4b:s4+s13], $0x80, s17, s13, $0xb8;
	[tilespmem:$0x1E400] =	vst v63  }
0x7c: {  	s11 =	sadd.s32 s8, s11  }
0x7d: {  	[tilespmem:s19], [sflag:$0x9] =	stream.linear.gather [hbm4b:s11+s3], $0x50, $0x38;
	[tilespmem:$0x1E400] =	vst v63  }
0x7e: {  	_ =	swait.ge [sflag:s12], $0x50  }
0x7f: {  	[sflag:s12] =	ssyncset.done $0x0  }
0x80: {  	[sflag:s12] =	ssyncadd.s32 $0xFFFFFFB0  }
0x81: {  	[tilespmem:s20], [sflag:$0x4] =	stream.indirect.gather [hbm4b:s4+s13], $0x80, s19, s13, $0xb8;
	[tilespmem:$0x1E400] =	vst v63  }
0x82: {  	_ =	swait.ge [sflag:s21], $0x2800  }
0x83: {  	s11 =	rddreg [dreg:$0x9];
	[sflag:s21] =	ssyncset.done $0x0  }
0x84: {  	[sflag:s21] =	ssyncadd.s32 $0xFFFFD800;
	s11 =	sadd.s32 s8, s11  }
0x85: {  	[tilespmem:s22], [sflag:$0x9] =	stream.linear.gather [hbm4b:s11+s3], $0x50, $0x38;
	[tilespmem:$0x1E400] =	vst v63  }
0x86: {  	_ =	swait.ge [sflag:s12], $0x50  }
0x87: {  	[sflag:s12] =	ssyncset.done $0x0  }
0x88: {  	[sflag:s12] =	ssyncadd.s32 $0xFFFFFFB0  }
0x89: {  	[spmem:s1] =	stream.indirect.scatter.add.f32 [tilespmem:s14], [sflag:$0x5], $0x80, s22, s13, $0xb8;
	[tilespmem:$0x1E400] =	vst v63  }
0x8a: {  	_ =	swait.ge [sflag:s23], $0x2800  }
0x8b: {  	s11 =	rddreg [dreg:$0x7];
	[sflag:s23] =	ssyncset.done $0x0  }
0x8c: {  	[sflag:s23] =	ssyncadd.s32 $0xFFFFD800;
	s11 =	sadd.s32 s8, s11  }
0x8d: {  	[tilespmem:s24], [sflag:$0x9] =	stream.linear.gather [hbm4b:s11+s3], $0x50, $0x38;
	[tilespmem:$0x1E400] =	vst v63  }
0x8e: {  	_ =	swait.ge [sflag:s12], $0x50  }
0x8f: {  	[sflag:s12] =	ssyncset.done $0x0  }
0x90: {  	[sflag:s12] =	ssyncadd.s32 $0xFFFFFFB0  }
0x91: {  	[spmem:s1] =	stream.indirect.scatter.add.f32 [tilespmem:s16], [sflag:$0x6], $0x80, s24, s13, $0xb8;
	[tilespmem:$0x1E400] =	vst v63  }
0x92: {  	_ =	swait.ge [sflag:s25], $0x2800  }
0x93: {  	s11 =	rddreg [dreg:$0x5];
	[sflag:s25] =	ssyncset.done $0x0  }
0x94: {  	[sflag:s25] =	ssyncadd.s32 $0xFFFFD800;
	s11 =	sadd.s32 s8, s11  }
0x95: {  	[tilespmem:s26], [sflag:$0x9] =	stream.linear.gather [hbm4b:s11+s3], $0x50, $0x38;
	[tilespmem:$0x1E400] =	vst v63  }
0x96: {  	_ =	swait.ge [sflag:s12], $0x50  }
0x97: {  	[sflag:s12] =	ssyncset.done $0x0  }
0x98: {  	[sflag:s12] =	ssyncadd.s32 $0xFFFFFFB0  }
0x99: {  	[spmem:s1] =	stream.indirect.scatter.add.f32 [tilespmem:s18], [sflag:$0x7], $0x80, s26, s13, $0xb8;
	[tilespmem:$0x1E400] =	vst v63  }
0x9a: {  	_ =	swait.ge [sflag:s28], $0x2800  }
0x9b: {  	s11 =	rddreg [dreg:$0x3];
	[sflag:s28] =	ssyncset.done $0x0  }
0x9c: {  	[sflag:s28] =	ssyncadd.s32 $0xFFFFD800;
	s11 =	sadd.s32 s8, s11  }
0x9d: {  	[tilespmem:s29], [sflag:$0x9] =	stream.linear.gather [hbm4b:s11+s3], $0x50, $0x38;
	[tilespmem:$0x1E400] =	vst v63  }
0x9e: {  	_ =	swait.ge [sflag:s12], $0x50  }
0x9f: {  	[sflag:s12] =	ssyncset.done $0x0  }
0xa0: {  	[sflag:s12] =	ssyncadd.s32 $0xFFFFFFB0  }
0xa1: {  	[spmem:s1] =	stream.indirect.scatter.add.f32 [tilespmem:s20], [sflag:$0x8], $0x80, s29, s13, $0xb8;
	[tilespmem:$0x1E400] =	vst v63  }
0xa2: {  	_ =	swait.ge [sflag:s30], $0x2800  }
0xa3: {  	[sflag:s30] =	ssyncset.done $0x0  }
0xa4: {  	[sflag:s30] =	ssyncadd.s32 $0xFFFFD800  }
0xa5: {  	_ =	swait.ge [sflag:s31], $0x2800  }
0xa6: {  	[sflag:s31] =	ssyncset.done $0x0  }
0xa7: {  	p0 =	sne.s32 s9, $0x4B0;
	[sflag:s31] =	ssyncadd.s32 $0xFFFFD800  }
.Ltmp0:
0xa8: {  	_ =	swait.ge [sflag:s0], $0x2800;
	(pc) =	sbr.rel @p0 .LBB2_2-.Ltmp0, $4  }
0xa9: {  	[sflag:s0] =	ssyncset.done $0x0  }
0xaa: {  	[sflag:s0] =	ssyncadd.s32 $0xFFFFD800  }
0xab: {  	s10 =	smov.u32 s9;
	s9 =	sadd.s32 $0x28, s9;
	_ =	swait.ge [sflag:s2], $0x2800  }
0xac: {  	s8 =	smov.u32 s10;
	s11 =	rddreg [dreg:$0xa];
	[sflag:s2] =	ssyncset.done $0x0  }
0xad: {  	[sflag:s2] =	ssyncadd.s32 $0xFFFFD800;
	s9 =	sadd.s32 s8, s11  }
0xae: {  	[tilespmem:s3], [sflag:$0x9] =	stream.linear.gather [hbm4b:s9+s3], $0x50, $0x38;
	[tilespmem:$0x1E400] =	vst v63  }
0xaf: {  	_ =	swait.ge [sflag:s12], $0x50  }
0xb0: {  	[sflag:s12] =	ssyncset.done $0x0  }
0xb1: {  	s11 =	rddreg [dreg:$0x8];
	[sflag:s12] =	ssyncadd.s32 $0xFFFFFFB0  }
0xb2: {  	[tilespmem:s14], [sflag:$0x1] =	stream.indirect.gather [hbm4b:s4+s13], $0x80, s3, s13, $0xb8;
	[tilespmem:$0x1E400] =	vst v63  }
0xb3: {  	s9 =	sadd.s32 s8, s11  }
0xb4: {  	[tilespmem:s15], [sflag:$0x9] =	stream.linear.gather [hbm4b:s9+s3], $0x50, $0x38;
	[tilespmem:$0x1E400] =	vst v63  }
0xb5: {  	_ =	swait.ge [sflag:s12], $0x50  }
0xb6: {  	[sflag:s12] =	ssyncset.done $0x0  }
0xb7: {  	s10 =	rddreg [dreg:$0x6];
	[sflag:s12] =	ssyncadd.s32 $0xFFFFFFB0  }
0xb8: {  	[tilespmem:s16], [sflag:$0x2] =	stream.indirect.gather [hbm4b:s4+s13], $0x80, s15, s13, $0xb8;
	[tilespmem:$0x1E400] =	vst v63  }
0xb9: {  	s9 =	sadd.s32 s8, s10  }
0xba: {  	[tilespmem:s17], [sflag:$0x9] =	stream.linear.gather [hbm4b:s9+s3], $0x50, $0x38;
	[tilespmem:$0x1E400] =	vst v63  }
0xbb: {  	_ =	swait.ge [sflag:s12], $0x50  }
0xbc: {  	[sflag:s12] =	ssyncset.done $0x0  }
0xbd: {  	s11 =	rddreg [dreg:$0x4];
	[sflag:s12] =	ssyncadd.s32 $0xFFFFFFB0  }
0xbe: {  	[tilespmem:s18], [sflag:$0x3] =	stream.indirect.gather [hbm4b:s4+s13], $0x80, s17, s13, $0xb8;
	[tilespmem:$0x1E400] =	vst v63  }
0xbf: {  	s9 =	sadd.s32 s8, s11  }
0xc0: {  	[tilespmem:s19], [sflag:$0x9] =	stream.linear.gather [hbm4b:s9+s3], $0x50, $0x38;
	[tilespmem:$0x1E400] =	vst v63  }
0xc1: {  	_ =	swait.ge [sflag:s12], $0x50  }
0xc2: {  	[sflag:s12] =	ssyncset.done $0x0  }
0xc3: {  	[sflag:s12] =	ssyncadd.s32 $0xFFFFFFB0  }
0xc4: {  	[tilespmem:s20], [sflag:$0x4] =	stream.indirect.gather [hbm4b:s4+s13], $0x80, s19, s13, $0xb8;
	[tilespmem:$0x1E400] =	vst v63  }
0xc5: {  	_ =	swait.ge [sflag:s21], $0x2800  }
0xc6: {  	s10 =	rddreg [dreg:$0x9];
	[sflag:s21] =	ssyncset.done $0x0  }
0xc7: {  	[sflag:s21] =	ssyncadd.s32 $0xFFFFD800;
	s9 =	sadd.s32 s8, s10  }
0xc8: {  	[tilespmem:s22], [sflag:$0x9] =	stream.linear.gather [hbm4b:s9+s3], $0x50, $0x38;
	[tilespmem:$0x1E400] =	vst v63  }
0xc9: {  	_ =	swait.ge [sflag:s12], $0x50  }
0xca: {  	[sflag:s12] =	ssyncset.done $0x0  }
0xcb: {  	[sflag:s12] =	ssyncadd.s32 $0xFFFFFFB0  }
0xcc: {  	[spmem:s1] =	stream.indirect.scatter.add.f32 [tilespmem:s14], [sflag:$0x5], $0x80, s22, s13, $0xb8;
	[tilespmem:$0x1E400] =	vst v63  }
0xcd: {  	_ =	swait.ge [sflag:s23], $0x2800  }
0xce: {  	s11 =	rddreg [dreg:$0x7];
	[sflag:s23] =	ssyncset.done $0x0  }
0xcf: {  	[sflag:s23] =	ssyncadd.s32 $0xFFFFD800;
	s9 =	sadd.s32 s8, s11  }
0xd0: {  	[tilespmem:s24], [sflag:$0x9] =	stream.linear.gather [hbm4b:s9+s3], $0x50, $0x38;
	[tilespmem:$0x1E400] =	vst v63  }
0xd1: {  	_ =	swait.ge [sflag:s12], $0x50  }
0xd2: {  	[sflag:s12] =	ssyncset.done $0x0  }
0xd3: {  	[sflag:s12] =	ssyncadd.s32 $0xFFFFFFB0  }
0xd4: {  	[spmem:s1] =	stream.indirect.scatter.add.f32 [tilespmem:s16], [sflag:$0x6], $0x80, s24, s13, $0xb8;
	[tilespmem:$0x1E400] =	vst v63  }
0xd5: {  	_ =	swait.ge [sflag:s25], $0x2800  }
0xd6: {  	s10 =	rddreg [dreg:$0x5];
	[sflag:s25] =	ssyncset.done $0x0  }
0xd7: {  	[sflag:s25] =	ssyncadd.s32 $0xFFFFD800;
	s9 =	sadd.s32 s8, s10  }
0xd8: {  	[tilespmem:s26], [sflag:$0x9] =	stream.linear.gather [hbm4b:s9+s3], $0x50, $0x38;
	[tilespmem:$0x1E400] =	vst v63  }
0xd9: {  	_ =	swait.ge [sflag:s12], $0x50  }
0xda: {  	[sflag:s12] =	ssyncset.done $0x0  }
0xdb: {  	[sflag:s12] =	ssyncadd.s32 $0xFFFFFFB0  }
0xdc: {  	[spmem:s1] =	stream.indirect.scatter.add.f32 [tilespmem:s18], [sflag:$0x7], $0x80, s26, s13, $0xb8;
	[tilespmem:$0x1E400] =	vst v63  }
0xdd: {  	_ =	swait.ge [sflag:s28], $0x2800  }
0xde: {  	s11 =	rddreg [dreg:$0x3];
	[sflag:s28] =	ssyncset.done $0x0  }
0xdf: {  	s10 =	sadd.s32 s8, s11;
	[sflag:s28] =	ssyncadd.s32 $0xFFFFD800  }
0xe0: {  	[tilespmem:s29], [sflag:$0x9] =	stream.linear.gather [hbm4b:s10+s3], $0x50, $0x38;
	[tilespmem:$0x1E400] =	vst v63  }
0xe1: {  	_ =	swait.ge [sflag:s12], $0x50  }
0xe2: {  	[sflag:s12] =	ssyncset.done $0x0  }
0xe3: {  	[sflag:s12] =	ssyncadd.s32 $0xFFFFFFB0  }
0xe4: {  	[spmem:s1] =	stream.indirect.scatter.add.f32 [tilespmem:s20], [sflag:$0x8], $0x80, s29, s13, $0xb8;
	[tilespmem:$0x1E400] =	vst v63  }
0xe5: {  	_ =	swait.ge [sflag:s30], $0x2800  }
0xe6: {  	[sflag:s30] =	ssyncset.done $0x0  }
0xe7: {  	[sflag:s30] =	ssyncadd.s32 $0xFFFFD800  }
0xe8: {  	_ =	swait.ge [sflag:s31], $0x2800  }
0xe9: {  	[sflag:s31] =	ssyncset.done $0x0  }
0xea: {  	[sflag:s31] =	ssyncadd.s32 $0xFFFFD800  }
0xeb: {  	_ =	swait.ge [sflag:s0], $0x2800  }
0xec: {  	[sflag:s0] =	ssyncset.done $0x0  }
0xed: {  	[sflag:s0] =	ssyncadd.s32 $0xFFFFD800  }
0xee: {  	_ =	swait.ge [sflag:s2], $0x2800  }
0xef: {  	[sflag:s2] =	ssyncset.done $0x0  }
0xf0: {  	s11 =	rddreg [dreg:$0xd];
	[sflag:s2] =	ssyncadd.s32 $0xFFFFD800  }
0xf1: {  	[tilespmem:s3], [sflag:$0x9] =	stream.linear.gather [hbm4b:s11+s3], $0x50, $0x38;
	[tilespmem:$0x1E400] =	vst v63  }
0xf2: {  	_ =	swait.ge [sflag:s12], $0x50  }
0xf3: {  	[sflag:s12] =	ssyncset.done $0x0  }
0xf4: {  	[sflag:s12] =	ssyncadd.s32 $0xFFFFFFB0  }
0xf5: {  	[tilespmem:s14], [sflag:$0x1] =	stream.indirect.gather [hbm4b:s4+s13], $0x80, s3, s13, $0xb8;
	[tilespmem:$0x1E400] =	vst v63  }
0xf6: {  	_ =	swait.ge [sflag:s21], $0x2800  }
0xf7: {  	[sflag:s21] =	ssyncset.done $0x0  }
0xf8: {  	s9 =	rddreg [dreg:$0xe];
	[sflag:s21] =	ssyncadd.s32 $0xFFFFD800  }
0xf9: {  	[tilespmem:s22], [sflag:$0x9] =	stream.linear.gather [hbm4b:s9+s3], $0x50, $0x38;
	[tilespmem:$0x1E400] =	vst v63  }
0xfa: {  	_ =	swait.ge [sflag:s12], $0x50  }
0xfb: {  	[sflag:s12] =	ssyncset.done $0x0  }
0xfc: {  	[sflag:s12] =	ssyncadd.s32 $0xFFFFFFB0  }
0xfd: {  	[spmem:s1] =	stream.indirect.scatter.add.f32 [tilespmem:s14], [sflag:$0x5], $0x80, s22, s13, $0xb8;
	[tilespmem:$0x1E400] =	vst v63  }
0xfe: {  	_ =	swait.ge [sflag:s30], $0x2800  }
0xff: {  	[sflag:s30] =	ssyncset.done $0x0  }
0x100: {  	[sflag:s30] =	ssyncadd.s32 $0xFFFFD800  }
0x101: {  	[bflag:$0x0] =	sbarrier.arrive $0xFFFF  }
0x102: {  	s10 =	rddreg [dreg:$0xf]  }
0x103: {  	[hbm:s10], [sflag:s7] =	dma.local [spmem:s6], $0x2800  }
0x104: {  	_ =	swait.ge [sflag:s12], $0x2800  }
0x105: {  	s5 =	sadd.s32 $0x1, s5;
	s11 =	rddreg [dreg:$0x10]  }
0x106: {  	p0 =	sne.s32 s5, s11  }
.Ltmp1:
0x107: {  	_ = 	snop;
	(pc) =	sbr.rel @p0 .LBB2_1-.Ltmp1, $3  }
0x108: {  	_ =	sdelay $0x1  }
0x109: {  	[sflag:s12] =	ssyncset.done $0x0  }
0x10a: {  	[sflag:s12] =	ssyncadd.s32 $0xFFFFD800  }
0x10b: {  	_ =	sfence.sel $0x180000  }
0x10c: {  	[bflag:$0x0] =	sbarrier.arrive $0xFFFF  }
0x10d: {  	_ =	strace $0x90000047  }
0x10e: {  	s0 =	stileid.u32;
	[bflag:$0x2] =	sbarrier.arrive $0xFFFF  }
0x10f: {  	p0 =	sne.s32 s0, $0x0;
	s0 =	rddreg [dreg:$0x2]  }
0x110: {  	s0 =	sadd.s32 @!p0 $0x100000, s0  }
0x111: {  	[sflag:s0] =	ssyncadd.tile.s32 @!p0 $0x1;
	_ =	shalt  }
.Lfunc_end2:
_tile_overlayer_lowered:
.L_overlay_start_2:
0x112: {  	(tag) =	ssettag $0x2  }
0x113: {  	s0 =	rddreg [dreg:$0x0];
	s2 =	stileid.u32  }
0x114: {  	s1 =	rddreg [dreg:$0x1];
	p0 =	sne.s32 s2, $0x0  }
0x115: {  	s3 =	rddreg [dreg:$0x2];
	[bflag:$0x3] =	sbarrier.arrive $0xFFFF;
	s2 =	simm.s32 @!p0 $0x1C09  }
0x116: {  	[timem:s3], [sflag:s2] =	dma.local @!p0 [hbm:s0], s1  }
0x117: {  	s0 =	simm.s32 @!p0 $0x9  }
0x118: {  	_ =	swait.ge @!p0 [sflag:s0], s1  }
0x119: {  	s1 =	ssub.s32 @!p0 $0x0, s1;
	[sflag:s0] =	ssyncset.done @!p0 $0x0  }
0x11a: {  	[sflag:s0] =	ssyncadd.s32 @!p0 s1  }
0x11b: {  	[bflag:$0x3] =	sbarrier.arrive $0xFFFF  }
0x11c: {  	_ =	shalt  }

// kernel: kernel.17.cloned.1.call-start
scs
__scs_entry_jumppad:
0x0: {  	(pc) =	sbr.rel $0x88, $3  }
0x1: {  	(tag) =	ssettag $0x0;
	lr =	simm.s32 $0x1  }
0x2: {  	[smem:$0x3F79] =	sst lr;
	_ =	strace $0xD0000000  }
0x3: {  	_ = 	snop  }
0x4: {  	_ = 	snop  }
0x5: {  	_ = 	snop  }
0x6: {  	_ = 	snop  }
0x7: {  	_ = 	snop  }
__scs_overlays_trampoline_lowered:
0x8: {  	[smem:$0x3F88] =	sst s0  }
0x9: {  	[smem:$0x3F89] =	sst s1  }
0xa: {  	[smem:$0x3F8A] =	sst s2  }
0xb: {  	[smem:$0x3F8B] =	sst s3  }
0xc: {  	[smem:$0x3F8C] =	sst s4  }
0xd: {  	[smem:$0x3F8D] =	sst s5  }
0xe: {  	[smem:$0x3F8E] =	sst s6  }
0xf: {  	[smem:$0x3F8F] =	sst s7  }
0x10: {  	[smem:$0x3F90] =	sst s8  }
0x11: {  	[smem:$0x3F91] =	sst s9;
	s0 =	simm.s32 @!p0 $0x0  }
0x12: {  	s1 =	sld [smem:$0x3F77];
	s0 =	simm.s32 @p0 $0x1  }
0x13: {  	[smem:$0x3F92] =	sst s0;
	s0 =	simm.s32 @!p1 $0x0  }
0x14: {  	s2 =	sld [smem:$0x3F76];
	s0 =	simm.s32 @p1 $0x1  }
0x15: {  	[smem:$0x3F93] =	sst s0;
	s0 =	simm.s32 @!p2 $0x0  }
0x16: {  	s3 =	sld [smem:$0x3FDB];
	s0 =	simm.s32 @p2 $0x1  }
0x17: {  	s4 =	simm.s32 $0x1BF5;
	[smem:$0x3F95] =	sst s0  }
0x18: {  	s0 =	sld [smem:$0x3F78];
	_ =	swait.ge [sflag:s4], $0x0  }
0x19: {  	s7 =	sld [smem:$0x3F79]  }
0x1a: {  	s8 =	sadd.s32 $0xFFFFE003, lr  }
0x1b: {  	s9 =	sadd.s32 $0xFFFFFEF7, lr;
	s5 =	simm.s32 $0xFFFFFFFF;
	p2 =	slt.u32 s8, $0xFFFFF086  }
0x1c: {  	p1 =	slt.u32 s9, $0xF7A;
	s5 =	simm.s32 @!p2 $0x0  }
0x1d: {  	s5 =	simm.s32 @p1 $0x1;
	p0 =	seq.s32 s7, s2  }
0x1e: {  	s7 =	smul.u32 @!p0 $0xF7A, s2;
	p2 =	seq.s32 @!p0 s5, $0x0  }
0x1f: {  	s9 =	smul.u32 $0xF7A, s1;
	s8 =	simm.s32 @!p0 $0x1BF5;
	p2 =	por !p2, p0  }
0x20: {  	[sflag:s8] =	ssyncset.s32 @!p0 $0xFFFFF086;
	s6 =	sadd.s32 @!p0 s3, s7;
	s7 =	simm.s32 @!p0 $0x108  }
0x21: {  	s3 =	sadd.s32 s3, s9;
	s6 =	sadd.s32 @!p0 $0x88, s6;
	s7 =	simm.s32 @p2 $0x1082  }
0x22: {  	[simem:s7], [sflag:s8] =	dma.local @!p0 [hbm:s6], $0xF7A  }
0x23: {  	s9 =	sor.u32 $0xD0000000, s2;
	s6 =	simm.s32 $0x108;
	_ =	swait.ge @!p0 [sflag:s8], $0x0  }
0x24: {  	s3 =	sadd.s32 $0x88, s3;
	s6 =	simm.s32 @!p1 $0x1082;
	[sflag:s4] =	ssyncset.s32 $0xFFFFF086  }
0x25: {  	[simem:s6], [sflag:s4] =	dma.local [hbm:s3], $0xF7A  }
0x26: {  	[smem:$0x3F79] =	sst s1;
	(tag) =	ssettag s2;
	_ =	strace s9  }
0x27: {  	s1 =	sld [smem:$0x3F89]  }
0x28: {  	s2 =	sld [smem:$0x3F8A]  }
0x29: {  	s4 =	sld [smem:$0x3F8C]  }
0x2a: {  	p0 =	seq.s32 s5, $0x0;
	s5 =	sld [smem:$0x3F8D]  }
0x2b: {  	s6 =	sld [smem:$0x3F8E]  }
0x2c: {  	s7 =	sld [smem:$0x3F8F]  }
0x2d: {  	s3 =	simm.s32 $0x108;
	s8 =	sld [smem:$0x3F90]  }
0x2e: {  	s3 =	simm.s32 @!p0 $0x1082;
	s9 =	sld [smem:$0x3F91]  }
0x2f: {  	lr =	sadd.s32 s0, s3;
	s0 =	sld [smem:$0x3F88]  }
0x30: {  	s3 =	sld [smem:$0x3F8B]  }
0x31: {  	[smem:$0x3F94] =	sst s10  }
0x32: {  	s10 =	sld [smem:$0x3F92];
	_ =	sdelay $0x3  }
0x33: {  	p0 =	seq.s32 s10, $0x1;
	s10 =	sld [smem:$0x3F94];
	_ =	sdelay $0x3  }
0x34: {  	[smem:$0x3F94] =	sst s10  }
0x35: {  	s10 =	sld [smem:$0x3F93];
	_ =	sdelay $0x3  }
0x36: {  	p1 =	seq.s32 s10, $0x1;
	s10 =	sld [smem:$0x3F94];
	_ =	sdelay $0x3  }
0x37: {  	[smem:$0x3F94] =	sst s10  }
0x38: {  	s10 =	sld [smem:$0x3F95]  }
0x39: {  	_ = 	snop;
	(pc) =	sbr.ind lr, $3  }
0x3a: {  	_ = 	snop  }
0x3b: {  	_ = 	snop  }
0x3c: {  	p2 =	seq.s32 s10, $0x1;
	s10 =	sld [smem:$0x3F94]  }
0x3d: {  	_ =	shalt  }
0x3e: {  	_ =	shalt  }
0x3f: {  	_ =	shalt  }
0x40: {  	_ =	shalt  }
0x41: {  	_ =	shalt  }
0x42: {  	_ =	shalt  }
0x43: {  	_ =	shalt  }
0x44: {  	_ =	shalt  }
0x45: {  	_ =	shalt  }
0x46: {  	_ =	shalt  }
0x47: {  	_ =	shalt  }
0x48: {  	_ =	shalt  }
0x49: {  	_ =	shalt  }
0x4a: {  	_ =	shalt  }
0x4b: {  	_ =	shalt  }
0x4c: {  	_ =	shalt  }
0x4d: {  	_ =	shalt  }
0x4e: {  	_ =	shalt  }
0x4f: {  	_ =	shalt  }
0x50: {  	_ =	shalt  }
0x51: {  	_ =	shalt  }
0x52: {  	_ =	shalt  }
0x53: {  	_ =	shalt  }
0x54: {  	_ =	shalt  }
0x55: {  	_ =	shalt  }
0x56: {  	_ =	shalt  }
0x57: {  	_ =	shalt  }
0x58: {  	_ =	shalt  }
0x59: {  	_ =	shalt  }
0x5a: {  	_ =	shalt  }
0x5b: {  	_ =	shalt  }
0x5c: {  	_ =	shalt  }
0x5d: {  	_ =	shalt  }
0x5e: {  	_ =	shalt  }
0x5f: {  	_ =	shalt  }
0x60: {  	_ =	shalt  }
0x61: {  	_ =	shalt  }
0x62: {  	_ =	shalt  }
0x63: {  	_ =	shalt  }
0x64: {  	_ =	shalt  }
0x65: {  	_ =	shalt  }
0x66: {  	_ =	shalt  }
0x67: {  	_ =	shalt  }
0x68: {  	_ =	shalt  }
0x69: {  	_ =	shalt  }
0x6a: {  	_ =	shalt  }
0x6b: {  	_ =	shalt  }
0x6c: {  	_ =	shalt  }
0x6d: {  	_ =	shalt  }
0x6e: {  	_ =	shalt  }
0x6f: {  	_ =	shalt  }
0x70: {  	_ =	shalt  }
0x71: {  	_ =	shalt  }
0x72: {  	_ =	shalt  }
0x73: {  	_ =	shalt  }
0x74: {  	_ =	shalt  }
0x75: {  	_ =	shalt  }
0x76: {  	_ =	shalt  }
0x77: {  	_ =	shalt  }
0x78: {  	_ =	shalt  }
0x79: {  	_ =	shalt  }
0x7a: {  	_ =	shalt  }
0x7b: {  	_ =	shalt  }
0x7c: {  	_ =	shalt  }
0x7d: {  	_ =	shalt  }
0x7e: {  	_ =	shalt  }
0x7f: {  	_ =	shalt  }
0x80: {  	_ =	shalt  }
0x81: {  	_ =	shalt  }
0x82: {  	_ =	shalt  }
0x83: {  	_ =	shalt  }
0x84: {  	_ =	shalt  }
0x85: {  	_ =	shalt  }
0x86: {  	_ =	shalt  }
0x87: {  	_ =	shalt  }
.Lfunc_end0:
.L_simem_size_0:
called_computation.1_lowered:
.L_overlay_start_0:
0x88: {  	s2 =	sld [smem:$0x3FD9]  }
0x89: {  	s3 =	sld [smem:$0x3FFE];
	_ =	sdelay $0x1  }
0x8a: {  	s1 =	srdreg.scid  }
0x8b: {  	s0 =	sand.u32 $0x1, s1  }
0x8c: {  	s16 =	sshll.u32 s0, $0xA;
	s2 =	sadd.s32 s3, s2  }
0x8d: {  	s2 =	sadd.s32 s2, s16  }
0x8e: {  	[smem:$0x3FA0] =	sst s2  }
0x8f: {  	_ = 	snop  }
0x90: {  	(tm) =	ssettm $0x1  }
0x91: {  	s17 =	sld [smem:$0x3FFB];
	_ =	sdelay $0x3  }
0x92: {  	_ =	strace s17  }
0x93: {  	s2 =	sld [smem:$0x3FFC];
	_ =	sdelay $0x3  }
0x94: {  	_ =	strace s2  }
0x95: {  	s2 =	sld [smem:$0x3FFD];
	_ =	sdelay $0x3  }
0x96: {  	_ =	strace s2  }
0x97: {  	_ =	strace $0x8FFFFFFF  }
0x98: {  	s18 =	sld [smem:$0x3FDB];
	_ =	sdelay $0x1  }
0x99: {  	s19 =	simm.s32 $_scs_section_size  }
0x9a: {  	s4 =	simm.s32 $_size__tile_overlayer_lowered;
	s5 =	simm.s32 $_tile_overlayer_lowered  }
0x9b: {  	s22 =	simm.s32 $0x1BFF;
	s21 =	sshll.u32 s5, $0x1;
	s2 =	sadd.s32 s19, s18  }
0x9c: {  	s6 =	simm.s32 $0x0;
	s20 =	sshll.u32 s4, $0x1;
	s4 =	sadd.s32 s21, s2  }
0x9d: {  	[timem:s6], [sflag:s22] =	dma.local [hbm:s4], s20  }
0x9e: {  	_ =	swait.ge [sflag:s22], s20  }
0x9f: {  	s3 =	ssub.s32 $0x0, s20;
	[sflag:s22] =	ssyncset.done $0x0  }
0xa0: {  	[sflag:s22] =	ssyncadd.s32 s3;
	_ =	sdelay $0x1  }
0xa1: {  	s23 =	simm.s32 $0x1B8B  }
0xa2: {  	_ =	swait.ge [sflag:s23], $0x1  }
0xa3: {  	[sflag:s23] =	ssyncset.done $0x0  }
0xa4: {  	s25 =	simm.s32 $0x1B8E;
	s24 =	sld [smem:$0x3FFE];
	[sflag:s23] =	ssyncadd.s32 $0xFFFFFFFF  }
0xa5: {  	s26 =	simm.s32 $execute0_lowered;
	[smem:$0x3FD2] =	sst s25  }
0xa6: {  	s4 =	sshll.u32 s26, $0x1;
	_ =	strace $0x80000049;
	[dreg:$0x1] =	wrdreg $0xFFFFFFFF  }
0xa7: {  	s28 =	simm.s32 $_size_execute0_lowered;
	s2 =	sadd.s32 s2, s4;
	[dreg:$0x0] =	wrdreg $0x0  }
0xa8: {  	s4 =	sshll.u32 s28, $0x1;
	[dreg:$0x2] =	wrdreg s2  }
0xa9: {  	[dreg:$0x3] =	wrdreg s4  }
0xaa: {  	[dreg:$0x4] =	wrdreg $0xC0  }
0xab: {  	_ =	task [dreg:s6], $0x5FFFF  }
0xac: {  	[dreg:$0x1] =	wrdreg $0xFFFFFFFF  }
0xad: {  	[dreg:$0x0] =	wrdreg $0x60  }
0xae: {  	[dreg:$0x2] =	wrdreg s24  }
0xaf: {  	[dreg:$0x3] =	wrdreg $0xA4000  }
0xb0: {  	[dreg:$0x4] =	wrdreg $0x9  }
0xb1: {  	_ =	task.clear_ibuf [dreg:s6], $0x5FFFF;
	_ =	strace $0x90000049  }
0xb2: {  	s29 =	simm.s32 $0x9;
	_ =	strace $0x8000004B  }
0xb3: {  	_ =	swait.ge [sflag:s29], $0x1  }
0xb4: {  	[sflag:s29] =	ssyncadd.s32 $0xFFFFFFFF  }
0xb5: {  	_ =	strace $0x9000004B  }
0xb6: {  	_ =	sfence  }
0xb7: {  	s30 =	sld [smem:$0x0];
	_ =	sdelay $0x2  }
0xb8: {  	s31 =	sshll.u32 s1, $0xD;
	s1 =	sshrl.u32 s1, $0x2  }
0xb9: {  	s3 =	sand.u32 $0x4000, s31;
	s1 =	sadd.s32 s1, s30  }
0xba: {  	s0 =	sor.u32 s3, s0;
	s1 =	sshll.u32 s1, $0x11  }
0xbb: {  	s0 =	sor.u32 s1, s0  }
0xbc: {  	s0 =	sadd.s32 $0x8F2B, s0  }
0xbd: {  	[sflag:s0] =	ssyncadd.remote.s32 $0x1  }
0xbe: {  	_ =	sfence.sel $0xFFFF  }
0xbf: {  	[dreg:$0x0] =	wrdreg $0xFFFFFFFF;
	(pc) =	sbr.abs _section_cstart, $3  }
0xc0: {  	[dreg:$0x1] =	wrdreg $0xFFFFFFFF  }
0xc1: {  	_ =	task.clear_ibuf [dreg:s6], $0x2FFFF;
	_ =	strace $0x9FFFFFFF  }
0xc2: {  	(tm) =	ssettm $0x7FFFFFFF  }
0xc3: {  	_ =	shalt  }
tec
execute0_lowered:
.L_overlay_start_1:
0x0: {  	(tag) =	ssettag $0x1  }
0x1: {  	s0 =	rddreg [dreg:$0x0]  }
0x2: {  	s1 =	rddreg [dreg:$0x1];
	s3 =	simm.s32 $0x0;
	s2 =	srdreg.scid  }
0x3: {  	s13 =	stileid.u32;
	s28 =	simm.s32 $0x4;
	s29 =	simm.s32 $0x380  }
0x4: {  	s30 =	simm.s32 $0x5;
	s31 =	simm.s32 $0x6;
	s6 =	smul.u32 $0x14000, s13  }
0x5: {  	[smem:$0x7FF] =	sst s3;
	s2 =	sand.u32 $0x1, s2;
	s24 =	smul.u32 $0x50000, s13  }
0x6: {  	s4 =	sadd.s32 $0x1B400, s0;
	s8 =	sadd.s32 $0x11600, s0;
	s12 =	smul.u32 $0x2710, s13  }
0x7: {  	s9 =	sadd.s32 $0x7800, s0;
	s7 =	sadd.s32 $0x43400, s0;
	s5 =	smul.u32 $0x140000, s2  }
0x8: {  	_ =	strace $0x8000004A;
	[dreg:$0xb] =	wrdreg s7;
	s25 =	ssub.s32 $0x2, s2  }
0x9: {  	s10 =	smul.u32 $0x27100, s2;
	s2 =	sshll.u32 s2, $0x4;
	s11 =	sshrl.u32 s25, $0x1  }
0xa: {  	s2 =	sor.u32 s13, s2;
	s13 =	sshll.u32 s13, $0x6;
	s5 =	sadd.s32 s6, s5  }
0xb: {  	s26 =	ssub.s32 s25, s11;
	s6 =	sshrl.u32 s24, $0x2;
	s2 =	smul.u32 $0x2710, s2  }
0xc: {  	s10 =	sadd.s32 s12, s10;
	s7 =	sor.u32 $0x1C09, s13;
	s13 =	simm.s32 $0x50  }
0xd: {  	s5 =	sshrl.u32 s5, $0x3;
	s6 =	sadd.s32 s6, s1;
	s14 =	sadd.s32 $0xF0, s10  }
0xe: {  	s12 =	sadd.s32 $0xA0, s10;
	s18 =	sadd.s32 $0x50, s10;
	s10 =	sshrl.u32 s10, $0x3  }
0xf: {  	s26 =	smax.u32 s26, $0x1;
	s0 =	sadd.s32 s5, s0;
	[dreg:$0xc] =	wrdreg s6  }
0x10: {  	s2 =	sshrl.u32 s2, $0x3;
	s15 =	sshrl.u32 s14, $0x3;
	s16 =	sshrl.u32 s12, $0x3  }
0x11: {  	s20 =	sshrl.u32 s18, $0x3;
	s24 =	sadd.s32 s10, s9;
	s25 =	sadd.s32 s10, s8  }
0x12: {  	[dreg:$0x10] =	wrdreg s26;
	s12 =	simm.s32 $0x9;
	s14 =	simm.s32 $0x400  }
0x13: {  	s18 =	simm.s32 $0x5400;
	s26 =	simm.s32 $0x300;
	[dreg:$0x9] =	wrdreg s24  }
0x14: {  	s5 =	simm.s32 $0x0;
	s11 =	sadd.s32 s15, s9;
	[dreg:$0xa] =	wrdreg s25  }
0x15: {  	s2 =	sadd.s32 $0x4D8, s2;
	s6 =	sadd.s32 s15, s8;
	[dreg:$0x3] =	wrdreg s11  }
0x16: {  	s17 =	sadd.s32 s16, s9;
	s19 =	sadd.s32 s16, s8;
	[dreg:$0x4] =	wrdreg s6  }
0x17: {  	s22 =	sadd.s32 s20, s9;
	s23 =	sadd.s32 s20, s8;
	[dreg:$0x5] =	wrdreg s17  }
0x18: {  	s0 =	sadd.s32 $0x45C00, s0;
	s15 =	simm.s32 $0x80;
	[dreg:$0x6] =	wrdreg s19  }
0x19: {  	s16 =	simm.s32 $0x2C00;
	s20 =	simm.s32 $0x7C00;
	[dreg:$0x7] =	wrdreg s22  }
0x1a: {  	s24 =	simm.s32 $0x280;
	s25 =	simm.s32 $0x3;
	[dreg:$0x8] =	wrdreg s23  }
0x1b: {  	s21 =	sadd.s32 s8, s2;
	s2 =	sadd.s32 s9, s2;
	[dreg:$0xf] =	wrdreg s0  }
0x1c: {  	s17 =	simm.s32 $0x100;
	s19 =	simm.s32 $0x180;
	s22 =	simm.s32 $0x200  }
0x1d: {  	s23 =	simm.s32 $0x2;
	s0 =	simm.s32 $0x7;
	[dreg:$0xd] =	wrdreg s21  }
0x1e: {  	[dreg:$0xe] =	wrdreg s2;
	s21 =	simm.s32 $0x1;
	s2 =	simm.s32 $0x8  }
.LBB2_1:
0x1f: {  	s6 =	rddreg [dreg:$0xc]  }
0x20: {  	s8 =	rddreg [dreg:$0xb];
	s6 =	sshrl.u32 s6, $0x3  }
0x21: {  	[spmem:s6], [sflag:s7] =	dma.local [hbm:s8], $0x2800  }
0x22: {  	_ =	swait.ge [sflag:s12], $0x2800  }
0x23: {  	[sflag:s12] =	ssyncset.done $0x0  }
0x24: {  	[sflag:s12] =	ssyncadd.s32 $0xFFFFD800  }
0x25: {  	[bflag:$0x0] =	sbarrier.arrive $0xFFFF  }
0x26: {  	s10 =	rddreg [dreg:$0xa]  }
0x27: {  	s8 =	sadd.s32 $0x0, s10  }
0x28: {  	[tilespmem:s3], [sflag:$0x9] =	stream.linear.gather [hbm4b:s8+s3], $0x50, $0x38;
	[tilespmem:$0x1E400] =	vst v63  }
0x29: {  	_ =	swait.ge [sflag:s12], $0x50  }
0x2a: {  	[sflag:s12] =	ssyncset.done $0x0  }
0x2b: {  	s11 =	rddreg [dreg:$0x8];
	[sflag:s12] =	ssyncadd.s32 $0xFFFFFFB0  }
0x2c: {  	[tilespmem:s14], [sflag:$0x1] =	stream.indirect.gather [hbm4b:s4+s13], $0x80, s3, s13, $0xb8;
	[tilespmem:$0x1E400] =	vst v63  }
0x2d: {  	s8 =	sadd.s32 $0x0, s11  }
0x2e: {  	[tilespmem:s15], [sflag:$0x9] =	stream.linear.gather [hbm4b:s8+s3], $0x50, $0x38;
	[tilespmem:$0x1E400] =	vst v63  }
0x2f: {  	_ =	swait.ge [sflag:s12], $0x50  }
0x30: {  	[sflag:s12] =	ssyncset.done $0x0  }
0x31: {  	s9 =	rddreg [dreg:$0x6];
	[sflag:s12] =	ssyncadd.s32 $0xFFFFFFB0  }
0x32: {  	[tilespmem:s16], [sflag:$0x2] =	stream.indirect.gather [hbm4b:s4+s13], $0x80, s15, s13, $0xb8;
	[tilespmem:$0x1E400] =	vst v63  }
0x33: {  	s8 =	sadd.s32 $0x0, s9  }
0x34: {  	[tilespmem:s17], [sflag:$0x9] =	stream.linear.gather [hbm4b:s8+s3], $0x50, $0x38;
	[tilespmem:$0x1E400] =	vst v63  }
0x35: {  	_ =	swait.ge [sflag:s12], $0x50  }
0x36: {  	[sflag:s12] =	ssyncset.done $0x0  }
0x37: {  	s10 =	rddreg [dreg:$0x4];
	[sflag:s12] =	ssyncadd.s32 $0xFFFFFFB0  }
0x38: {  	[tilespmem:s18], [sflag:$0x3] =	stream.indirect.gather [hbm4b:s4+s13], $0x80, s17, s13, $0xb8;
	[tilespmem:$0x1E400] =	vst v63  }
0x39: {  	s8 =	sadd.s32 $0x0, s10  }
0x3a: {  	[tilespmem:s19], [sflag:$0x9] =	stream.linear.gather [hbm4b:s8+s3], $0x50, $0x38;
	[tilespmem:$0x1E400] =	vst v63  }
0x3b: {  	_ =	swait.ge [sflag:s12], $0x50  }
0x3c: {  	[sflag:s12] =	ssyncset.done $0x0  }
0x3d: {  	[sflag:s12] =	ssyncadd.s32 $0xFFFFFFB0  }
0x3e: {  	[tilespmem:s20], [sflag:$0x4] =	stream.indirect.gather [hbm4b:s4+s13], $0x80, s19, s13, $0xb8;
	[tilespmem:$0x1E400] =	vst v63  }
0x3f: {  	_ =	swait.ge [sflag:s21], $0x2800  }
0x40: {  	s11 =	rddreg [dreg:$0x9];
	[sflag:s21] =	ssyncset.done $0x0  }
0x41: {  	[sflag:s21] =	ssyncadd.s32 $0xFFFFD800;
	s8 =	sadd.s32 $0x0, s11  }
0x42: {  	[tilespmem:s22], [sflag:$0x9] =	stream.linear.gather [hbm4b:s8+s3], $0x50, $0x38;
	[tilespmem:$0x1E400] =	vst v63  }
0x43: {  	_ =	swait.ge [sflag:s12], $0x50  }
0x44: {  	[sflag:s12] =	ssyncset.done $0x0  }
0x45: {  	[sflag:s12] =	ssyncadd.s32 $0xFFFFFFB0  }
0x46: {  	[spmem:s1] =	stream.indirect.scatter.add.f32 [tilespmem:s14], [sflag:$0x5], $0x80, s22, s13, $0xb8;
	[tilespmem:$0x1E400] =	vst v63  }
0x47: {  	_ =	swait.ge [sflag:s23], $0x2800  }
0x48: {  	s9 =	rddreg [dreg:$0x7];
	[sflag:s23] =	ssyncset.done $0x0  }
0x49: {  	[sflag:s23] =	ssyncadd.s32 $0xFFFFD800;
	s8 =	sadd.s32 $0x0, s9  }
0x4a: {  	[tilespmem:s24], [sflag:$0x9] =	stream.linear.gather [hbm4b:s8+s3], $0x50, $0x38;
	[tilespmem:$0x1E400] =	vst v63  }
0x4b: {  	_ =	swait.ge [sflag:s12], $0x50  }
0x4c: {  	[sflag:s12] =	ssyncset.done $0x0  }
0x4d: {  	[sflag:s12] =	ssyncadd.s32 $0xFFFFFFB0  }
0x4e: {  	[spmem:s1] =	stream.indirect.scatter.add.f32 [tilespmem:s16], [sflag:$0x6], $0x80, s24, s13, $0xb8;
	[tilespmem:$0x1E400] =	vst v63  }
0x4f: {  	_ =	swait.ge [sflag:s25], $0x2800  }
0x50: {  	s10 =	rddreg [dreg:$0x5];
	[sflag:s25] =	ssyncset.done $0x0  }
0x51: {  	[sflag:s25] =	ssyncadd.s32 $0xFFFFD800;
	s8 =	sadd.s32 $0x0, s10  }
0x52: {  	[tilespmem:s26], [sflag:$0x9] =	stream.linear.gather [hbm4b:s8+s3], $0x50, $0x38;
	[tilespmem:$0x1E400] =	vst v63  }
0x53: {  	_ =	swait.ge [sflag:s12], $0x50  }
0x54: {  	[sflag:s12] =	ssyncset.done $0x0  }
0x55: {  	[sflag:s12] =	ssyncadd.s32 $0xFFFFFFB0  }
0x56: {  	[spmem:s1] =	stream.indirect.scatter.add.f32 [tilespmem:s18], [sflag:$0x7], $0x80, s26, s13, $0xb8;
	[tilespmem:$0x1E400] =	vst v63  }
0x57: {  	_ =	swait.ge [sflag:s28], $0x2800  }
0x58: {  	s11 =	rddreg [dreg:$0x3];
	[sflag:s28] =	ssyncset.done $0x0  }
0x59: {  	[sflag:s28] =	ssyncadd.s32 $0xFFFFD800;
	s8 =	sadd.s32 $0x0, s11  }
0x5a: {  	[tilespmem:s29], [sflag:$0x9] =	stream.linear.gather [hbm4b:s8+s3], $0x50, $0x38;
	[tilespmem:$0x1E400] =	vst v63  }
0x5b: {  	_ =	swait.ge [sflag:s12], $0x50  }
0x5c: {  	[sflag:s12] =	ssyncset.done $0x0  }
0x5d: {  	[sflag:s12] =	ssyncadd.s32 $0xFFFFFFB0  }
0x5e: {  	[spmem:s1] =	stream.indirect.scatter.add.f32 [tilespmem:s20], [sflag:$0x8], $0x80, s29, s13, $0xb8;
	[tilespmem:$0x1E400] =	vst v63  }
0x5f: {  	_ =	swait.ge [sflag:s30], $0x2800  }
0x60: {  	[sflag:s30] =	ssyncset.done $0x0  }
0x61: {  	[sflag:s30] =	ssyncadd.s32 $0xFFFFD800  }
0x62: {  	_ =	swait.ge [sflag:s31], $0x2800  }
0x63: {  	[sflag:s31] =	ssyncset.done $0x0  }
0x64: {  	[sflag:s31] =	ssyncadd.s32 $0xFFFFD800  }
0x65: {  	_ =	swait.ge [sflag:s0], $0x2800  }
0x66: {  	[sflag:s0] =	ssyncset.done $0x0  }
0x67: {  	[sflag:s0] =	ssyncadd.s32 $0xFFFFD800  }
0x68: {  	s9 =	simm.s32 $0x50;
	_ =	swait.ge [sflag:s2], $0x2800  }
0x69: {  	s8 =	simm.s32 $0x28;
	s11 =	rddreg [dreg:$0xa];
	[sflag:s2] =	ssyncset.done $0x0  }
.LBB2_2:
0x6a: {  	[sflag:s2] =	ssyncadd.s32 $0xFFFFD800;
	s11 =	sadd.s32 s8, s11  }
0x6b: {  	[tilespmem:s3], [sflag:$0x9] =	stream.linear.gather [hbm4b:s11+s3], $0x50, $0x38;
	[tilespmem:$0x1E400] =	vst v63  }
0x6c: {  	_ =	swait.ge [sflag:s12], $0x50  }
0x6d: {  	[sflag:s12] =	ssyncset.done $0x0  }
0x6e: {  	s11 =	rddreg [dreg:$0x8];
	[sflag:s12] =	ssyncadd.s32 $0xFFFFFFB0  }
0x6f: {  	[tilespmem:s14], [sflag:$0x1] =	stream.indirect.gather [hbm4b:s4+s13], $0x80, s3, s13, $0xb8;
	[tilespmem:$0x1E400] =	vst v63  }
0x70: {  	s11 =	sadd.s32 s8, s11  }
0x71: {  	[tilespmem:s15], [sflag:$0x9] =	stream.linear.gather [hbm4b:s11+s3], $0x50, $0x38;
	[tilespmem:$0x1E400] =	vst v63  }
0x72: {  	_ =	swait.ge [sflag:s12], $0x50  }
0x73: {  	[sflag:s12] =	ssyncset.done $0x0  }
0x74: {  	s11 =	rddreg [dreg:$0x6];
	[sflag:s12] =	ssyncadd.s32 $0xFFFFFFB0  }
0x75: {  	[tilespmem:s16], [sflag:$0x2] =	stream.indirect.gather [hbm4b:s4+s13], $0x80, s15, s13, $0xb8;
	[tilespmem:$0x1E400] =	vst v63  }
0x76: {  	s11 =	sadd.s32 s8, s11  }
0x77: {  	[tilespmem:s17], [sflag:$0x9] =	stream.linear.gather [hbm4b:s11+s3], $0x50, $0x38;
	[tilespmem:$0x1E400] =	vst v63  }
0x78: {  	_ =	swait.ge [sflag:s12], $0x50  }
0x79: {  	[sflag:s12] =	ssyncset.done $0x0  }
0x7a: {  	s11 =	rddreg [dreg:$0x4];
	[sflag:s12] =	ssyncadd.s32 $0xFFFFFFB0  }
0x7b: {  	[tilespmem:s18], [sflag:$0x3] =	stream.indirect.gather [hbm4b:s4+s13], $0x80, s17, s13, $0xb8;
	[tilespmem:$0x1E400] =	vst v63  }
0x7c: {  	s11 =	sadd.s32 s8, s11  }
0x7d: {  	[tilespmem:s19], [sflag:$0x9] =	stream.linear.gather [hbm4b:s11+s3], $0x50, $0x38;
	[tilespmem:$0x1E400] =	vst v63  }
0x7e: {  	_ =	swait.ge [sflag:s12], $0x50  }
0x7f: {  	[sflag:s12] =	ssyncset.done $0x0  }
0x80: {  	[sflag:s12] =	ssyncadd.s32 $0xFFFFFFB0  }
0x81: {  	[tilespmem:s20], [sflag:$0x4] =	stream.indirect.gather [hbm4b:s4+s13], $0x80, s19, s13, $0xb8;
	[tilespmem:$0x1E400] =	vst v63  }
0x82: {  	_ =	swait.ge [sflag:s21], $0x2800  }
0x83: {  	s11 =	rddreg [dreg:$0x9];
	[sflag:s21] =	ssyncset.done $0x0  }
0x84: {  	[sflag:s21] =	ssyncadd.s32 $0xFFFFD800;
	s11 =	sadd.s32 s8, s11  }
0x85: {  	[tilespmem:s22], [sflag:$0x9] =	stream.linear.gather [hbm4b:s11+s3], $0x50, $0x38;
	[tilespmem:$0x1E400] =	vst v63  }
0x86: {  	_ =	swait.ge [sflag:s12], $0x50  }
0x87: {  	[sflag:s12] =	ssyncset.done $0x0  }
0x88: {  	[sflag:s12] =	ssyncadd.s32 $0xFFFFFFB0  }
0x89: {  	[spmem:s1] =	stream.indirect.scatter.add.f32 [tilespmem:s14], [sflag:$0x5], $0x80, s22, s13, $0xb8;
	[tilespmem:$0x1E400] =	vst v63  }
0x8a: {  	_ =	swait.ge [sflag:s23], $0x2800  }
0x8b: {  	s11 =	rddreg [dreg:$0x7];
	[sflag:s23] =	ssyncset.done $0x0  }
0x8c: {  	[sflag:s23] =	ssyncadd.s32 $0xFFFFD800;
	s11 =	sadd.s32 s8, s11  }
0x8d: {  	[tilespmem:s24], [sflag:$0x9] =	stream.linear.gather [hbm4b:s11+s3], $0x50, $0x38;
	[tilespmem:$0x1E400] =	vst v63  }
0x8e: {  	_ =	swait.ge [sflag:s12], $0x50  }
0x8f: {  	[sflag:s12] =	ssyncset.done $0x0  }
0x90: {  	[sflag:s12] =	ssyncadd.s32 $0xFFFFFFB0  }
0x91: {  	[spmem:s1] =	stream.indirect.scatter.add.f32 [tilespmem:s16], [sflag:$0x6], $0x80, s24, s13, $0xb8;
	[tilespmem:$0x1E400] =	vst v63  }
0x92: {  	_ =	swait.ge [sflag:s25], $0x2800  }
0x93: {  	s11 =	rddreg [dreg:$0x5];
	[sflag:s25] =	ssyncset.done $0x0  }
0x94: {  	[sflag:s25] =	ssyncadd.s32 $0xFFFFD800;
	s11 =	sadd.s32 s8, s11  }
0x95: {  	[tilespmem:s26], [sflag:$0x9] =	stream.linear.gather [hbm4b:s11+s3], $0x50, $0x38;
	[tilespmem:$0x1E400] =	vst v63  }
0x96: {  	_ =	swait.ge [sflag:s12], $0x50  }
0x97: {  	[sflag:s12] =	ssyncset.done $0x0  }
0x98: {  	[sflag:s12] =	ssyncadd.s32 $0xFFFFFFB0  }
0x99: {  	[spmem:s1] =	stream.indirect.scatter.add.f32 [tilespmem:s18], [sflag:$0x7], $0x80, s26, s13, $0xb8;
	[tilespmem:$0x1E400] =	vst v63  }
0x9a: {  	_ =	swait.ge [sflag:s28], $0x2800  }
0x9b: {  	s11 =	rddreg [dreg:$0x3];
	[sflag:s28] =	ssyncset.done $0x0  }
0x9c: {  	[sflag:s28] =	ssyncadd.s32 $0xFFFFD800;
	s11 =	sadd.s32 s8, s11  }
0x9d: {  	[tilespmem:s29], [sflag:$0x9] =	stream.linear.gather [hbm4b:s11+s3], $0x50, $0x38;
	[tilespmem:$0x1E400] =	vst v63  }
0x9e: {  	_ =	swait.ge [sflag:s12], $0x50  }
0x9f: {  	[sflag:s12] =	ssyncset.done $0x0  }
0xa0: {  	[sflag:s12] =	ssyncadd.s32 $0xFFFFFFB0  }
0xa1: {  	[spmem:s1] =	stream.indirect.scatter.add.f32 [tilespmem:s20], [sflag:$0x8], $0x80, s29, s13, $0xb8;
	[tilespmem:$0x1E400] =	vst v63  }
0xa2: {  	_ =	swait.ge [sflag:s30], $0x2800  }
0xa3: {  	[sflag:s30] =	ssyncset.done $0x0  }
0xa4: {  	[sflag:s30] =	ssyncadd.s32 $0xFFFFD800  }
0xa5: {  	_ =	swait.ge [sflag:s31], $0x2800  }
0xa6: {  	[sflag:s31] =	ssyncset.done $0x0  }
0xa7: {  	p0 =	sne.s32 s9, $0x4B0;
	[sflag:s31] =	ssyncadd.s32 $0xFFFFD800  }
.Ltmp0:
0xa8: {  	_ =	swait.ge [sflag:s0], $0x2800;
	(pc) =	sbr.rel @p0 .LBB2_2-.Ltmp0, $4  }
0xa9: {  	[sflag:s0] =	ssyncset.done $0x0  }
0xaa: {  	[sflag:s0] =	ssyncadd.s32 $0xFFFFD800  }
0xab: {  	s10 =	smov.u32 s9;
	s9 =	sadd.s32 $0x28, s9;
	_ =	swait.ge [sflag:s2], $0x2800  }
0xac: {  	s8 =	smov.u32 s10;
	s11 =	rddreg [dreg:$0xa];
	[sflag:s2] =	ssyncset.done $0x0  }
0xad: {  	[sflag:s2] =	ssyncadd.s32 $0xFFFFD800;
	s9 =	sadd.s32 s8, s11  }
0xae: {  	[tilespmem:s3], [sflag:$0x9] =	stream.linear.gather [hbm4b:s9+s3], $0x50, $0x38;
	[tilespmem:$0x1E400] =	vst v63  }
0xaf: {  	_ =	swait.ge [sflag:s12], $0x50  }
0xb0: {  	[sflag:s12] =	ssyncset.done $0x0  }
0xb1: {  	s11 =	rddreg [dreg:$0x8];
	[sflag:s12] =	ssyncadd.s32 $0xFFFFFFB0  }
0xb2: {  	[tilespmem:s14], [sflag:$0x1] =	stream.indirect.gather [hbm4b:s4+s13], $0x80, s3, s13, $0xb8;
	[tilespmem:$0x1E400] =	vst v63  }
0xb3: {  	s9 =	sadd.s32 s8, s11  }
0xb4: {  	[tilespmem:s15], [sflag:$0x9] =	stream.linear.gather [hbm4b:s9+s3], $0x50, $0x38;
	[tilespmem:$0x1E400] =	vst v63  }
0xb5: {  	_ =	swait.ge [sflag:s12], $0x50  }
0xb6: {  	[sflag:s12] =	ssyncset.done $0x0  }
0xb7: {  	s10 =	rddreg [dreg:$0x6];
	[sflag:s12] =	ssyncadd.s32 $0xFFFFFFB0  }
0xb8: {  	[tilespmem:s16], [sflag:$0x2] =	stream.indirect.gather [hbm4b:s4+s13], $0x80, s15, s13, $0xb8;
	[tilespmem:$0x1E400] =	vst v63  }
0xb9: {  	s9 =	sadd.s32 s8, s10  }
0xba: {  	[tilespmem:s17], [sflag:$0x9] =	stream.linear.gather [hbm4b:s9+s3], $0x50, $0x38;
	[tilespmem:$0x1E400] =	vst v63  }
0xbb: {  	_ =	swait.ge [sflag:s12], $0x50  }
0xbc: {  	[sflag:s12] =	ssyncset.done $0x0  }
0xbd: {  	s11 =	rddreg [dreg:$0x4];
	[sflag:s12] =	ssyncadd.s32 $0xFFFFFFB0  }
0xbe: {  	[tilespmem:s18], [sflag:$0x3] =	stream.indirect.gather [hbm4b:s4+s13], $0x80, s17, s13, $0xb8;
	[tilespmem:$0x1E400] =	vst v63  }
0xbf: {  	s9 =	sadd.s32 s8, s11  }
0xc0: {  	[tilespmem:s19], [sflag:$0x9] =	stream.linear.gather [hbm4b:s9+s3], $0x50, $0x38;
	[tilespmem:$0x1E400] =	vst v63  }
0xc1: {  	_ =	swait.ge [sflag:s12], $0x50  }
0xc2: {  	[sflag:s12] =	ssyncset.done $0x0  }
0xc3: {  	[sflag:s12] =	ssyncadd.s32 $0xFFFFFFB0  }
0xc4: {  	[tilespmem:s20], [sflag:$0x4] =	stream.indirect.gather [hbm4b:s4+s13], $0x80, s19, s13, $0xb8;
	[tilespmem:$0x1E400] =	vst v63  }
0xc5: {  	_ =	swait.ge [sflag:s21], $0x2800  }
0xc6: {  	s10 =	rddreg [dreg:$0x9];
	[sflag:s21] =	ssyncset.done $0x0  }
0xc7: {  	[sflag:s21] =	ssyncadd.s32 $0xFFFFD800;
	s9 =	sadd.s32 s8, s10  }
0xc8: {  	[tilespmem:s22], [sflag:$0x9] =	stream.linear.gather [hbm4b:s9+s3], $0x50, $0x38;
	[tilespmem:$0x1E400] =	vst v63  }
0xc9: {  	_ =	swait.ge [sflag:s12], $0x50  }
0xca: {  	[sflag:s12] =	ssyncset.done $0x0  }
0xcb: {  	[sflag:s12] =	ssyncadd.s32 $0xFFFFFFB0  }
0xcc: {  	[spmem:s1] =	stream.indirect.scatter.add.f32 [tilespmem:s14], [sflag:$0x5], $0x80, s22, s13, $0xb8;
	[tilespmem:$0x1E400] =	vst v63  }
0xcd: {  	_ =	swait.ge [sflag:s23], $0x2800  }
0xce: {  	s11 =	rddreg [dreg:$0x7];
	[sflag:s23] =	ssyncset.done $0x0  }
0xcf: {  	[sflag:s23] =	ssyncadd.s32 $0xFFFFD800;
	s9 =	sadd.s32 s8, s11  }
0xd0: {  	[tilespmem:s24], [sflag:$0x9] =	stream.linear.gather [hbm4b:s9+s3], $0x50, $0x38;
	[tilespmem:$0x1E400] =	vst v63  }
0xd1: {  	_ =	swait.ge [sflag:s12], $0x50  }
0xd2: {  	[sflag:s12] =	ssyncset.done $0x0  }
0xd3: {  	[sflag:s12] =	ssyncadd.s32 $0xFFFFFFB0  }
0xd4: {  	[spmem:s1] =	stream.indirect.scatter.add.f32 [tilespmem:s16], [sflag:$0x6], $0x80, s24, s13, $0xb8;
	[tilespmem:$0x1E400] =	vst v63  }
0xd5: {  	_ =	swait.ge [sflag:s25], $0x2800  }
0xd6: {  	s10 =	rddreg [dreg:$0x5];
	[sflag:s25] =	ssyncset.done $0x0  }
0xd7: {  	[sflag:s25] =	ssyncadd.s32 $0xFFFFD800;
	s9 =	sadd.s32 s8, s10  }
0xd8: {  	[tilespmem:s26], [sflag:$0x9] =	stream.linear.gather [hbm4b:s9+s3], $0x50, $0x38;
	[tilespmem:$0x1E400] =	vst v63  }
0xd9: {  	_ =	swait.ge [sflag:s12], $0x50  }
0xda: {  	[sflag:s12] =	ssyncset.done $0x0  }
0xdb: {  	[sflag:s12] =	ssyncadd.s32 $0xFFFFFFB0  }
0xdc: {  	[spmem:s1] =	stream.indirect.scatter.add.f32 [tilespmem:s18], [sflag:$0x7], $0x80, s26, s13, $0xb8;
	[tilespmem:$0x1E400] =	vst v63  }
0xdd: {  	_ =	swait.ge [sflag:s28], $0x2800  }
0xde: {  	s11 =	rddreg [dreg:$0x3];
	[sflag:s28] =	ssyncset.done $0x0  }
0xdf: {  	s10 =	sadd.s32 s8, s11;
	[sflag:s28] =	ssyncadd.s32 $0xFFFFD800  }
0xe0: {  	[tilespmem:s29], [sflag:$0x9] =	stream.linear.gather [hbm4b:s10+s3], $0x50, $0x38;
	[tilespmem:$0x1E400] =	vst v63  }
0xe1: {  	_ =	swait.ge [sflag:s12], $0x50  }
0xe2: {  	[sflag:s12] =	ssyncset.done $0x0  }
0xe3: {  	[sflag:s12] =	ssyncadd.s32 $0xFFFFFFB0  }
0xe4: {  	[spmem:s1] =	stream.indirect.scatter.add.f32 [tilespmem:s20], [sflag:$0x8], $0x80, s29, s13, $0xb8;
	[tilespmem:$0x1E400] =	vst v63  }
0xe5: {  	_ =	swait.ge [sflag:s30], $0x2800  }
0xe6: {  	[sflag:s30] =	ssyncset.done $0x0  }
0xe7: {  	[sflag:s30] =	ssyncadd.s32 $0xFFFFD800  }
0xe8: {  	_ =	swait.ge [sflag:s31], $0x2800  }
0xe9: {  	[sflag:s31] =	ssyncset.done $0x0  }
0xea: {  	[sflag:s31] =	ssyncadd.s32 $0xFFFFD800  }
0xeb: {  	_ =	swait.ge [sflag:s0], $0x2800  }
0xec: {  	[sflag:s0] =	ssyncset.done $0x0  }
0xed: {  	[sflag:s0] =	ssyncadd.s32 $0xFFFFD800  }
0xee: {  	_ =	swait.ge [sflag:s2], $0x2800  }
0xef: {  	[sflag:s2] =	ssyncset.done $0x0  }
0xf0: {  	s11 =	rddreg [dreg:$0xd];
	[sflag:s2] =	ssyncadd.s32 $0xFFFFD800  }
0xf1: {  	[tilespmem:s3], [sflag:$0x9] =	stream.linear.gather [hbm4b:s11+s3], $0x50, $0x38;
	[tilespmem:$0x1E400] =	vst v63  }
0xf2: {  	_ =	swait.ge [sflag:s12], $0x50  }
0xf3: {  	[sflag:s12] =	ssyncset.done $0x0  }
0xf4: {  	[sflag:s12] =	ssyncadd.s32 $0xFFFFFFB0  }
0xf5: {  	[tilespmem:s14], [sflag:$0x1] =	stream.indirect.gather [hbm4b:s4+s13], $0x80, s3, s13, $0xb8;
	[tilespmem:$0x1E400] =	vst v63  }
0xf6: {  	_ =	swait.ge [sflag:s21], $0x2800  }
0xf7: {  	[sflag:s21] =	ssyncset.done $0x0  }
0xf8: {  	s9 =	rddreg [dreg:$0xe];
	[sflag:s21] =	ssyncadd.s32 $0xFFFFD800  }
0xf9: {  	[tilespmem:s22], [sflag:$0x9] =	stream.linear.gather [hbm4b:s9+s3], $0x50, $0x38;
	[tilespmem:$0x1E400] =	vst v63  }
0xfa: {  	_ =	swait.ge [sflag:s12], $0x50  }
0xfb: {  	[sflag:s12] =	ssyncset.done $0x0  }
0xfc: {  	[sflag:s12] =	ssyncadd.s32 $0xFFFFFFB0  }
0xfd: {  	[spmem:s1] =	stream.indirect.scatter.add.f32 [tilespmem:s14], [sflag:$0x5], $0x80, s22, s13, $0xb8;
	[tilespmem:$0x1E400] =	vst v63  }
0xfe: {  	_ =	swait.ge [sflag:s30], $0x2800  }
0xff: {  	[sflag:s30] =	ssyncset.done $0x0  }
0x100: {  	[sflag:s30] =	ssyncadd.s32 $0xFFFFD800  }
0x101: {  	[bflag:$0x0] =	sbarrier.arrive $0xFFFF  }
0x102: {  	s10 =	rddreg [dreg:$0xf]  }
0x103: {  	[hbm:s10], [sflag:s7] =	dma.local [spmem:s6], $0x2800  }
0x104: {  	_ =	swait.ge [sflag:s12], $0x2800  }
0x105: {  	s5 =	sadd.s32 $0x1, s5;
	s11 =	rddreg [dreg:$0x10]  }
0x106: {  	p0 =	sne.s32 s5, s11  }
.Ltmp1:
0x107: {  	_ = 	snop;
	(pc) =	sbr.rel @p0 .LBB2_1-.Ltmp1, $3  }
0x108: {  	_ =	sdelay $0x1  }
0x109: {  	[sflag:s12] =	ssyncset.done $0x0  }
0x10a: {  	[sflag:s12] =	ssyncadd.s32 $0xFFFFD800  }
0x10b: {  	_ =	sfence.sel $0x180000  }
0x10c: {  	[bflag:$0x0] =	sbarrier.arrive $0xFFFF  }
0x10d: {  	_ =	strace $0x9000004A  }
0x10e: {  	s0 =	stileid.u32;
	[bflag:$0x2] =	sbarrier.arrive $0xFFFF  }
0x10f: {  	p0 =	sne.s32 s0, $0x0;
	s0 =	rddreg [dreg:$0x2]  }
0x110: {  	s0 =	sadd.s32 @!p0 $0x100000, s0  }
0x111: {  	[sflag:s0] =	ssyncadd.tile.s32 @!p0 $0x1;
	_ =	shalt  }
.Lfunc_end2:
_tile_overlayer_lowered:
.L_overlay_start_2:
0x112: {  	(tag) =	ssettag $0x2  }
0x113: {  	s0 =	rddreg [dreg:$0x0];
	s2 =	stileid.u32  }
0x114: {  	s1 =	rddreg [dreg:$0x1];
	p0 =	sne.s32 s2, $0x0  }
0x115: {  	s3 =	rddreg [dreg:$0x2];
	[bflag:$0x3] =	sbarrier.arrive $0xFFFF;
	s2 =	simm.s32 @!p0 $0x1C09  }
0x116: {  	[timem:s3], [sflag:s2] =	dma.local @!p0 [hbm:s0], s1  }
0x117: {  	s0 =	simm.s32 @!p0 $0x9  }
0x118: {  	_ =	swait.ge @!p0 [sflag:s0], s1  }
0x119: {  	s1 =	ssub.s32 @!p0 $0x0, s1;
	[sflag:s0] =	ssyncset.done @!p0 $0x0  }
0x11a: {  	[sflag:s0] =	ssyncadd.s32 @!p0 s1  }
0x11b: {  	[bflag:$0x3] =	sbarrier.arrive $0xFFFF  }
0x11c: {  	_ =	shalt  }

// kernel: kernel.20.cloned.1.call-start
scs
__scs_entry_jumppad:
0x0: {  	(pc) =	sbr.rel $0x88, $3  }
0x1: {  	(tag) =	ssettag $0x0;
	lr =	simm.s32 $0x1  }
0x2: {  	[smem:$0x3F79] =	sst lr;
	_ =	strace $0xD0000000  }
0x3: {  	_ = 	snop  }
0x4: {  	_ = 	snop  }
0x5: {  	_ = 	snop  }
0x6: {  	_ = 	snop  }
0x7: {  	_ = 	snop  }
__scs_overlays_trampoline_lowered:
0x8: {  	[smem:$0x3F88] =	sst s0  }
0x9: {  	[smem:$0x3F89] =	sst s1  }
0xa: {  	[smem:$0x3F8A] =	sst s2  }
0xb: {  	[smem:$0x3F8B] =	sst s3  }
0xc: {  	[smem:$0x3F8C] =	sst s4  }
0xd: {  	[smem:$0x3F8D] =	sst s5  }
0xe: {  	[smem:$0x3F8E] =	sst s6  }
0xf: {  	[smem:$0x3F8F] =	sst s7  }
0x10: {  	[smem:$0x3F90] =	sst s8  }
0x11: {  	[smem:$0x3F91] =	sst s9;
	s0 =	simm.s32 @!p0 $0x0  }
0x12: {  	s1 =	sld [smem:$0x3F77];
	s0 =	simm.s32 @p0 $0x1  }
0x13: {  	[smem:$0x3F92] =	sst s0;
	s0 =	simm.s32 @!p1 $0x0  }
0x14: {  	s2 =	sld [smem:$0x3F76];
	s0 =	simm.s32 @p1 $0x1  }
0x15: {  	[smem:$0x3F93] =	sst s0;
	s0 =	simm.s32 @!p2 $0x0  }
0x16: {  	s3 =	sld [smem:$0x3FDB];
	s0 =	simm.s32 @p2 $0x1  }
0x17: {  	s4 =	simm.s32 $0x1BF5;
	[smem:$0x3F95] =	sst s0  }
0x18: {  	s0 =	sld [smem:$0x3F78];
	_ =	swait.ge [sflag:s4], $0x0  }
0x19: {  	s7 =	sld [smem:$0x3F79]  }
0x1a: {  	s8 =	sadd.s32 $0xFFFFE003, lr  }
0x1b: {  	s9 =	sadd.s32 $0xFFFFFEF7, lr;
	s5 =	simm.s32 $0xFFFFFFFF;
	p2 =	slt.u32 s8, $0xFFFFF086  }
0x1c: {  	p1 =	slt.u32 s9, $0xF7A;
	s5 =	simm.s32 @!p2 $0x0  }
0x1d: {  	s5 =	simm.s32 @p1 $0x1;
	p0 =	seq.s32 s7, s2  }
0x1e: {  	s7 =	smul.u32 @!p0 $0xF7A, s2;
	p2 =	seq.s32 @!p0 s5, $0x0  }
0x1f: {  	s9 =	smul.u32 $0xF7A, s1;
	s8 =	simm.s32 @!p0 $0x1BF5;
	p2 =	por !p2, p0  }
0x20: {  	[sflag:s8] =	ssyncset.s32 @!p0 $0xFFFFF086;
	s6 =	sadd.s32 @!p0 s3, s7;
	s7 =	simm.s32 @!p0 $0x108  }
0x21: {  	s3 =	sadd.s32 s3, s9;
	s6 =	sadd.s32 @!p0 $0x88, s6;
	s7 =	simm.s32 @p2 $0x1082  }
0x22: {  	[simem:s7], [sflag:s8] =	dma.local @!p0 [hbm:s6], $0xF7A  }
0x23: {  	s9 =	sor.u32 $0xD0000000, s2;
	s6 =	simm.s32 $0x108;
	_ =	swait.ge @!p0 [sflag:s8], $0x0  }
0x24: {  	s3 =	sadd.s32 $0x88, s3;
	s6 =	simm.s32 @!p1 $0x1082;
	[sflag:s4] =	ssyncset.s32 $0xFFFFF086  }
0x25: {  	[simem:s6], [sflag:s4] =	dma.local [hbm:s3], $0xF7A  }
0x26: {  	[smem:$0x3F79] =	sst s1;
	(tag) =	ssettag s2;
	_ =	strace s9  }
0x27: {  	s1 =	sld [smem:$0x3F89]  }
0x28: {  	s2 =	sld [smem:$0x3F8A]  }
0x29: {  	s4 =	sld [smem:$0x3F8C]  }
0x2a: {  	p0 =	seq.s32 s5, $0x0;
	s5 =	sld [smem:$0x3F8D]  }
0x2b: {  	s6 =	sld [smem:$0x3F8E]  }
0x2c: {  	s7 =	sld [smem:$0x3F8F]  }
0x2d: {  	s3 =	simm.s32 $0x108;
	s8 =	sld [smem:$0x3F90]  }
0x2e: {  	s3 =	simm.s32 @!p0 $0x1082;
	s9 =	sld [smem:$0x3F91]  }
0x2f: {  	lr =	sadd.s32 s0, s3;
	s0 =	sld [smem:$0x3F88]  }
0x30: {  	s3 =	sld [smem:$0x3F8B]  }
0x31: {  	[smem:$0x3F94] =	sst s10  }
0x32: {  	s10 =	sld [smem:$0x3F92];
	_ =	sdelay $0x3  }
0x33: {  	p0 =	seq.s32 s10, $0x1;
	s10 =	sld [smem:$0x3F94];
	_ =	sdelay $0x3  }
0x34: {  	[smem:$0x3F94] =	sst s10  }
0x35: {  	s10 =	sld [smem:$0x3F93];
	_ =	sdelay $0x3  }
0x36: {  	p1 =	seq.s32 s10, $0x1;
	s10 =	sld [smem:$0x3F94];
	_ =	sdelay $0x3  }
0x37: {  	[smem:$0x3F94] =	sst s10  }
0x38: {  	s10 =	sld [smem:$0x3F95]  }
0x39: {  	_ = 	snop;
	(pc) =	sbr.ind lr, $3  }
0x3a: {  	_ = 	snop  }
0x3b: {  	_ = 	snop  }
0x3c: {  	p2 =	seq.s32 s10, $0x1;
	s10 =	sld [smem:$0x3F94]  }
0x3d: {  	_ =	shalt  }
0x3e: {  	_ =	shalt  }
0x3f: {  	_ =	shalt  }
0x40: {  	_ =	shalt  }
0x41: {  	_ =	shalt  }
0x42: {  	_ =	shalt  }
0x43: {  	_ =	shalt  }
0x44: {  	_ =	shalt  }
0x45: {  	_ =	shalt  }
0x46: {  	_ =	shalt  }
0x47: {  	_ =	shalt  }
0x48: {  	_ =	shalt  }
0x49: {  	_ =	shalt  }
0x4a: {  	_ =	shalt  }
0x4b: {  	_ =	shalt  }
0x4c: {  	_ =	shalt  }
0x4d: {  	_ =	shalt  }
0x4e: {  	_ =	shalt  }
0x4f: {  	_ =	shalt  }
0x50: {  	_ =	shalt  }
0x51: {  	_ =	shalt  }
0x52: {  	_ =	shalt  }
0x53: {  	_ =	shalt  }
0x54: {  	_ =	shalt  }
0x55: {  	_ =	shalt  }
0x56: {  	_ =	shalt  }
0x57: {  	_ =	shalt  }
0x58: {  	_ =	shalt  }
0x59: {  	_ =	shalt  }
0x5a: {  	_ =	shalt  }
0x5b: {  	_ =	shalt  }
0x5c: {  	_ =	shalt  }
0x5d: {  	_ =	shalt  }
0x5e: {  	_ =	shalt  }
0x5f: {  	_ =	shalt  }
0x60: {  	_ =	shalt  }
0x61: {  	_ =	shalt  }
0x62: {  	_ =	shalt  }
0x63: {  	_ =	shalt  }
0x64: {  	_ =	shalt  }
0x65: {  	_ =	shalt  }
0x66: {  	_ =	shalt  }
0x67: {  	_ =	shalt  }
0x68: {  	_ =	shalt  }
0x69: {  	_ =	shalt  }
0x6a: {  	_ =	shalt  }
0x6b: {  	_ =	shalt  }
0x6c: {  	_ =	shalt  }
0x6d: {  	_ =	shalt  }
0x6e: {  	_ =	shalt  }
0x6f: {  	_ =	shalt  }
0x70: {  	_ =	shalt  }
0x71: {  	_ =	shalt  }
0x72: {  	_ =	shalt  }
0x73: {  	_ =	shalt  }
0x74: {  	_ =	shalt  }
0x75: {  	_ =	shalt  }
0x76: {  	_ =	shalt  }
0x77: {  	_ =	shalt  }
0x78: {  	_ =	shalt  }
0x79: {  	_ =	shalt  }
0x7a: {  	_ =	shalt  }
0x7b: {  	_ =	shalt  }
0x7c: {  	_ =	shalt  }
0x7d: {  	_ =	shalt  }
0x7e: {  	_ =	shalt  }
0x7f: {  	_ =	shalt  }
0x80: {  	_ =	shalt  }
0x81: {  	_ =	shalt  }
0x82: {  	_ =	shalt  }
0x83: {  	_ =	shalt  }
0x84: {  	_ =	shalt  }
0x85: {  	_ =	shalt  }
0x86: {  	_ =	shalt  }
0x87: {  	_ =	shalt  }
.Lfunc_end0:
.L_simem_size_0:
called_computation.2_lowered:
.L_overlay_start_0:
0x88: {  	s2 =	sld [smem:$0x3FD9]  }
0x89: {  	s3 =	sld [smem:$0x3FFE];
	_ =	sdelay $0x1  }
0x8a: {  	s1 =	srdreg.scid  }
0x8b: {  	s0 =	sand.u32 $0x1, s1  }
0x8c: {  	s16 =	sshll.u32 s0, $0xA;
	s2 =	sadd.s32 s3, s2  }
0x8d: {  	s2 =	sadd.s32 s2, s16  }
0x8e: {  	[smem:$0x3FA0] =	sst s2  }
0x8f: {  	_ = 	snop  }
0x90: {  	(tm) =	ssettm $0x1  }
0x91: {  	s17 =	sld [smem:$0x3FFB];
	_ =	sdelay $0x3  }
0x92: {  	_ =	strace s17  }
0x93: {  	s2 =	sld [smem:$0x3FFC];
	_ =	sdelay $0x3  }
0x94: {  	_ =	strace s2  }
0x95: {  	s2 =	sld [smem:$0x3FFD];
	_ =	sdelay $0x3  }
0x96: {  	_ =	strace s2  }
0x97: {  	_ =	strace $0x8FFFFFFF  }
0x98: {  	s18 =	sld [smem:$0x3FDB];
	_ =	sdelay $0x1  }
0x99: {  	s19 =	simm.s32 $_scs_section_size  }
0x9a: {  	s4 =	simm.s32 $_size__tile_overlayer_lowered;
	s5 =	simm.s32 $_tile_overlayer_lowered  }
0x9b: {  	s22 =	simm.s32 $0x1BFF;
	s21 =	sshll.u32 s5, $0x1;
	s2 =	sadd.s32 s19, s18  }
0x9c: {  	s6 =	simm.s32 $0x0;
	s20 =	sshll.u32 s4, $0x1;
	s4 =	sadd.s32 s21, s2  }
0x9d: {  	[timem:s6], [sflag:s22] =	dma.local [hbm:s4], s20  }
0x9e: {  	_ =	swait.ge [sflag:s22], s20  }
0x9f: {  	s3 =	ssub.s32 $0x0, s20;
	[sflag:s22] =	ssyncset.done $0x0  }
0xa0: {  	[sflag:s22] =	ssyncadd.s32 s3;
	_ =	sdelay $0x1  }
0xa1: {  	s23 =	simm.s32 $0x1B8B  }
0xa2: {  	_ =	swait.ge [sflag:s23], $0x1  }
0xa3: {  	[sflag:s23] =	ssyncset.done $0x0  }
0xa4: {  	s25 =	simm.s32 $0x1B8E;
	s24 =	sld [smem:$0x3FFE];
	[sflag:s23] =	ssyncadd.s32 $0xFFFFFFFF  }
0xa5: {  	s26 =	simm.s32 $execute0_lowered;
	[smem:$0x3FD2] =	sst s25  }
0xa6: {  	s4 =	sshll.u32 s26, $0x1;
	_ =	strace $0x8000004C;
	[dreg:$0x1] =	wrdreg $0xFFFFFFFF  }
0xa7: {  	s28 =	simm.s32 $_size_execute0_lowered;
	s2 =	sadd.s32 s2, s4;
	[dreg:$0x0] =	wrdreg $0x0  }
0xa8: {  	s4 =	sshll.u32 s28, $0x1;
	[dreg:$0x2] =	wrdreg s2  }
0xa9: {  	[dreg:$0x3] =	wrdreg s4  }
0xaa: {  	[dreg:$0x4] =	wrdreg $0xC0  }
0xab: {  	_ =	task [dreg:s6], $0x5FFFF  }
0xac: {  	[dreg:$0x1] =	wrdreg $0xFFFFFFFF  }
0xad: {  	[dreg:$0x0] =	wrdreg $0x60  }
0xae: {  	[dreg:$0x2] =	wrdreg s24  }
0xaf: {  	[dreg:$0x3] =	wrdreg $0x9  }
0xb0: {  	_ =	task.clear_ibuf [dreg:s6], $0x4FFFF;
	_ =	strace $0x9000004C  }
0xb1: {  	s29 =	simm.s32 $0x9;
	_ =	strace $0x8000004E  }
0xb2: {  	_ =	swait.ge [sflag:s29], $0x1  }
0xb3: {  	[sflag:s29] =	ssyncadd.s32 $0xFFFFFFFF  }
0xb4: {  	_ =	strace $0x9000004E  }
0xb5: {  	_ =	sfence  }
0xb6: {  	s30 =	sld [smem:$0x0];
	_ =	sdelay $0x2  }
0xb7: {  	s31 =	sshll.u32 s1, $0xD;
	s1 =	sshrl.u32 s1, $0x2  }
0xb8: {  	s3 =	sand.u32 $0x4000, s31;
	s1 =	sadd.s32 s1, s30  }
0xb9: {  	s0 =	sor.u32 s3, s0;
	s1 =	sshll.u32 s1, $0x11  }
0xba: {  	s0 =	sor.u32 s1, s0  }
0xbb: {  	s0 =	sadd.s32 $0x8F2B, s0  }
0xbc: {  	[sflag:s0] =	ssyncadd.remote.s32 $0x1  }
0xbd: {  	_ =	sfence.sel $0xFFFF  }
0xbe: {  	[dreg:$0x0] =	wrdreg $0xFFFFFFFF;
	(pc) =	sbr.abs _section_cstart, $3  }
0xbf: {  	[dreg:$0x1] =	wrdreg $0xFFFFFFFF  }
0xc0: {  	_ =	task.clear_ibuf [dreg:s6], $0x2FFFF;
	_ =	strace $0x9FFFFFFF  }
0xc1: {  	(tm) =	ssettm $0x7FFFFFFF  }
tec
execute0_lowered:
.L_overlay_start_1:
0x0: {  	(tag) =	ssettag $0x1  }
0x1: {  	s0 =	rddreg [dreg:$0x0]  }
0x2: {  	s1 =	simm.s32 $0x0;
	s2 =	srdreg.scid;
	s7 =	stileid.u32  }
0x3: {  	s28 =	simm.s32 $0x1;
	s29 =	simm.s32 $0x50;
	s30 =	simm.s32 $0x2  }
0x4: {  	s31 =	simm.s32 $0x3;
	s14 =	simm.s32 $0xDA00;
	s15 =	simm.s32 $0xE200  }
0x5: {  	[smem:$0x7FF] =	sst s1;
	s3 =	sadd.s32 $0x1B400, s0;
	s2 =	sand.u32 $0x1, s2  }
0x6: {  	s13 =	sadd.s32 $0x45C00, s0;
	s4 =	sadd.s32 $0x11600, s0;
	s5 =	sadd.s32 $0x7800, s0  }
0x7: {  	s8 =	sadd.s32 $0x78000, s0;
	_ =	strace $0x8000004D;
	s6 =	sshll.u32 s2, $0x4  }
0x8: {  	s2 =	ssub.s32 $0x2, s2;
	[dreg:$0x2] =	wrdreg s13;
	s9 =	sor.u32 s7, s6  }
0x9: {  	s6 =	sadd.s32 $0x46200, s0;
	s11 =	sshrl.u32 s2, $0x1;
	s10 =	smul.u32 $0x140, s9  }
0xa: {  	s7 =	sadd.s32 $0x6E200, s0;
	s12 =	smul.u32 $0x1400, s9;
	s16 =	ssub.s32 s2, s11  }
0xb: {  	s17 =	smul.u32 $0x2710, s9;
	s9 =	simm.s32 $0x6;
	s0 =	smax.u32 s16, $0x1  }
0xc: {  	s18 =	sshrl.u32 s10, $0x3;
	s19 =	sadd.s32 s3, s12;
	s20 =	sadd.s32 $0x50, s10  }
0xd: {  	s22 =	sadd.s32 $0xA0, s10;
	s10 =	sadd.s32 $0xF0, s10;
	[dreg:$0xb] =	wrdreg s0  }
0xe: {  	s0 =	simm.s32 $0x4;
	s12 =	simm.s32 $0xA200;
	s2 =	sadd.s32 s13, s18  }
0xf: {  	[dreg:$0x4] =	wrdreg s19;
	s21 =	sshrl.u32 s20, $0x3;
	s23 =	sshrl.u32 s22, $0x3  }
0x10: {  	s24 =	sshll.u32 s22, $0x4;
	s25 =	sshrl.u32 s10, $0x3;
	s10 =	sshll.u32 s10, $0x4  }
0x11: {  	s19 =	simm.s32 $0x0;
	[dreg:$0x3] =	wrdreg s2;
	s11 =	sadd.s32 s13, s21  }
0x12: {  	s2 =	sshll.u32 s20, $0x4;
	s26 =	sadd.s32 s3, s10;
	[dreg:$0x5] =	wrdreg s11  }
0x13: {  	s20 =	simm.s32 $0x9;
	s2 =	sadd.s32 s3, s2;
	[dreg:$0xa] =	wrdreg s26  }
0x14: {  	s10 =	simm.s32 $0x7;
	[dreg:$0x6] =	wrdreg s2;
	s2 =	sadd.s32 s13, s23  }
0x15: {  	s26 =	simm.s32 $0x7800;
	s11 =	simm.s32 $0x8;
	[dreg:$0x7] =	wrdreg s2  }
0x16: {  	s2 =	sadd.s32 s3, s24;
	s24 =	simm.s32 $0x5000;
	s3 =	simm.s32 $0xD200  }
0x17: {  	[dreg:$0x8] =	wrdreg s2;
	s2 =	sadd.s32 s13, s25;
	s25 =	simm.s32 $0xA180  }
0x18: {  	s13 =	simm.s32 $0xCA00;
	[dreg:$0x9] =	wrdreg s2;
	s2 =	simm.s32 $0x5  }
.LBB2_1:
0x19: {  	s16 =	rddreg [dreg:$0x3];
	s18 =	simm.s32 $0xA000  }
0x1a: {  	[tilespmem:s18], [sflag:$0x9] =	stream.linear.gather [hbm4b:s16+s1], $0x50, $0x38;
	[tilespmem:$0xEA00] =	vst v63  }
0x1b: {  	_ =	swait.ge [sflag:s20], $0x50  }
0x1c: {  	[sflag:s20] =	ssyncset.done $0x0  }
0x1d: {  	s21 =	rddreg [dreg:$0x4];
	[sflag:s20] =	ssyncadd.s32 $0xFFFFFFB0  }
0x1e: {  	[tilespmem:s1], [sflag:$0x1] =	stream.linear.gather [hbm4b:s21+s1], $0x2800, $0x38;
	[tilespmem:$0xEA00] =	vst v63  }
0x1f: {  	s22 =	rddreg [dreg:$0x5];
	s21 =	simm.s32 $0xA080  }
0x20: {  	[tilespmem:s21], [sflag:$0x9] =	stream.linear.gather [hbm4b:s22+s1], $0x50, $0x38;
	[tilespmem:$0xEA00] =	vst v63  }
0x21: {  	_ =	swait.ge [sflag:s20], $0x50  }
0x22: {  	[sflag:s20] =	ssyncset.done $0x0  }
0x23: {  	s22 =	simm.s32 $0x2800;
	s23 =	rddreg [dreg:$0x6];
	[sflag:s20] =	ssyncadd.s32 $0xFFFFFFB0  }
0x24: {  	[tilespmem:s22], [sflag:$0x2] =	stream.linear.gather [hbm4b:s23+s1], $0x2800, $0x38;
	[tilespmem:$0xEA00] =	vst v63  }
0x25: {  	s16 =	rddreg [dreg:$0x7];
	s23 =	simm.s32 $0xA100  }
0x26: {  	[tilespmem:s23], [sflag:$0x9] =	stream.linear.gather [hbm4b:s16+s1], $0x50, $0x38;
	[tilespmem:$0xEA00] =	vst v63  }
0x27: {  	_ =	swait.ge [sflag:s20], $0x50  }
0x28: {  	[sflag:s20] =	ssyncset.done $0x0  }
0x29: {  	s16 =	rddreg [dreg:$0x8];
	[sflag:s20] =	ssyncadd.s32 $0xFFFFFFB0  }
0x2a: {  	[tilespmem:s24], [sflag:$0x3] =	stream.linear.gather [hbm4b:s16+s1], $0x2800, $0x38;
	[tilespmem:$0xEA00] =	vst v63  }
0x2b: {  	s16 =	rddreg [dreg:$0x9]  }
0x2c: {  	[tilespmem:s25], [sflag:$0x9] =	stream.linear.gather [hbm4b:s16+s1], $0x50, $0x38;
	[tilespmem:$0xEA00] =	vst v63  }
0x2d: {  	_ =	swait.ge [sflag:s20], $0x50  }
0x2e: {  	[sflag:s20] =	ssyncset.done $0x0  }
0x2f: {  	s16 =	rddreg [dreg:$0xa];
	[sflag:s20] =	ssyncadd.s32 $0xFFFFFFB0  }
0x30: {  	[tilespmem:s26], [sflag:$0x4] =	stream.linear.gather [hbm4b:s16+s1], $0x2800, $0x38;
	[tilespmem:$0xEA00] =	vst v63  }
0x31: {  	_ =	swait.ge [sflag:s28], $0x2800  }
0x32: {  	[sflag:s28] =	ssyncset.done $0x0  }
0x33: {  	[sflag:s28] =	ssyncadd.s32 $0xFFFFD800  }
0x34: {  	[hbm4b:s6+s29] =	stream.indirect.scatter [tilespmem:s1], [sflag:$0x5], $0x80, s18, s29, $0xb8;
	[tilespmem:$0xEA00] =	vst v63  }
0x35: {  	_ =	swait.ge [sflag:s30], $0x2800  }
0x36: {  	[sflag:s30] =	ssyncset.done $0x0  }
0x37: {  	[sflag:s30] =	ssyncadd.s32 $0xFFFFD800  }
0x38: {  	[hbm4b:s6+s29] =	stream.indirect.scatter [tilespmem:s22], [sflag:$0x6], $0x80, s21, s29, $0xb8;
	[tilespmem:$0xEA00] =	vst v63  }
0x39: {  	_ =	swait.ge [sflag:s31], $0x2800  }
0x3a: {  	[sflag:s31] =	ssyncset.done $0x0  }
0x3b: {  	[sflag:s31] =	ssyncadd.s32 $0xFFFFD800  }
0x3c: {  	[hbm4b:s6+s29] =	stream.indirect.scatter [tilespmem:s24], [sflag:$0x7], $0x80, s23, s29, $0xb8;
	[tilespmem:$0xEA00] =	vst v63  }
0x3d: {  	_ =	swait.ge [sflag:s0], $0x2800  }
0x3e: {  	[sflag:s0] =	ssyncset.done $0x0  }
0x3f: {  	[sflag:s0] =	ssyncadd.s32 $0xFFFFD800  }
0x40: {  	[hbm4b:s6+s29] =	stream.indirect.scatter [tilespmem:s26], [sflag:$0x8], $0x80, s25, s29, $0xb8;
	[tilespmem:$0xEA00] =	vst v63  }
0x41: {  	_ =	swait.ge [sflag:s2], $0x2800  }
0x42: {  	[sflag:s2] =	ssyncset.done $0x0  }
0x43: {  	[sflag:s2] =	ssyncadd.s32 $0xFFFFD800  }
0x44: {  	_ =	swait.ge [sflag:s9], $0x2800  }
0x45: {  	[sflag:s9] =	ssyncset.done $0x0  }
0x46: {  	[sflag:s9] =	ssyncadd.s32 $0xFFFFD800  }
0x47: {  	_ =	swait.ge [sflag:s10], $0x2800  }
0x48: {  	[sflag:s10] =	ssyncset.done $0x0  }
0x49: {  	[sflag:s10] =	ssyncadd.s32 $0xFFFFD800  }
0x4a: {  	_ =	swait.ge [sflag:s11], $0x2800  }
0x4b: {  	[sflag:s11] =	ssyncset.done $0x0  }
0x4c: {  	s23 =	rddreg [dreg:$0x2];
	[sflag:s11] =	ssyncadd.s32 $0xFFFFD800  }
0x4d: {  	[tilespmem:s12], [sflag:$0x9] =	stream.linear.gather [hbm4b:s23+s1], $0x2800, $0x38;
	[tilespmem:$0xEA00] =	vst v63  }
0x4e: {  	_ =	swait.ge [sflag:s20], $0x2800  }
0x4f: {  	[sflag:s20] =	ssyncset.done $0x0  }
0x50: {  	s16 =	simm.s32 $0x0;
	[sflag:s20] =	ssyncadd.s32 $0xFFFFD800  }
.LBB2_2:
0x51: {  	s18 =	smul.u32 $0x7D0, s16;
	_ =	sdelay $0x1  }
0x52: {  	s18 =	sadd.s32 s17, s18  }
0x53: {  	s21 =	sshrl.u32 s18, $0x3  }
0x54: {  	s22 =	simm.s32 $0x0;
	s18 =	sadd.s32 s4, s21  }
0x55: {  	[tilespmem:s13], [sflag:$0x9] =	stream.linear.gather [hbm4b:s18+s22], $0x7D0, $0x38;
	[tilespmem:$0xEA00] =	vst v63  }
0x56: {  	_ =	swait.ge [sflag:s20], $0x7D0  }
0x57: {  	[sflag:s20] =	ssyncset.done $0x0  }
0x58: {  	s23 =	sadd.s32 s5, s21;
	[sflag:s20] =	ssyncadd.s32 $0xFFFFF830  }
0x59: {  	[tilespmem:s3], [sflag:$0x9] =	stream.linear.gather [hbm4b:s23+s22], $0x7D0, $0x38;
	[tilespmem:$0xEA00] =	vst v63  }
0x5a: {  	_ =	swait.ge [sflag:s20], $0x7D0  }
0x5b: {  	[sflag:s20] =	ssyncset.done $0x0  }
0x5c: {  	s22 =	simm.s32 $0x0;
	[sflag:s20] =	ssyncadd.s32 $0xFFFFF830  }
0x5d: {  	v4 =	vld [tilespmem:s22+$0xCA00]  }
0x5e: {  	v3 =	vld [tilespmem:s22+$0xD200];
	_ =	sdelay $0x6  }
0x5f: {  	v1 =	vld.idx.msk [tilespmem:v4+s12+$0x0], $0xffff  }
0x60: {  	v2 =	vld.idx.msk [tilespmem:v3+s12+$0x0], $0xffff  }
0x61: {  	s18 =	simm.s32 $0x10  }
0x62: {  	s23 =	simm.s32 $0x80;
	v0 =	vld [tilespmem:s18+$0xCA00]  }
.LBB2_3:
0x63: {  	p0 =	sne.s32 s23, $0x1F00;
	v5 =	vld [tilespmem:s18+$0xD200]  }
0x64: {  	v4 =	vand.u32 $0x7F, v4  }
0x65: {  	vm0 =	vlt.s32 v1, $0x2710;
	v3 =	vand.u32 $0x7F, v3;
	vm1 =	vlt.s32 v2, $0x2710  }
0x66: {  	v6 =	vadd.s32 $0x2710, v4;
	v7 =	vadd.s32 $0x2710, v3;
	vm0 =	vmand vm0, vm1  }
0x67: {  	v1 =	vsel vm0, v1, v6;
	v2 =	vsel vm0, v2, v7;
	v4 =	vmov v0  }
0x68: {  	[tilespmem:s22+$0xDA00] =	vst v1;
	v3 =	vmov v5  }
0x69: {  	[tilespmem:s22+$0xE200] =	vst v2;
	s22 =	smov.u32 s18  }
.Ltmp0:
0x6a: {  	v1 =	vld.idx.msk [tilespmem:v0+s12+$0x0], $0xffff;
	(pc) =	sbr.rel @p0 .LBB2_3-.Ltmp0, $3  }
0x6b: {  	v2 =	vld.idx.msk [tilespmem:v5+s12+$0x0], $0xffff;
	_ =	sdelay $0x1  }
0x6c: {  	s18 =	sshra.s32 s23, $0x2  }
0x6d: {  	s23 =	sadd.s32 $0x40, s23;
	v0 =	vld [tilespmem:s18+$0xCA00]  }
0x6e: {  	_ = 	snop  }
0x6f: {  	v5 =	vld [tilespmem:s18+$0xD200];
	_ =	sdelay $0x1  }
0x70: {  	v4 =	vand.u32 $0x7F, v4;
	vm0 =	vlt.s32 v1, $0x2710;
	vm1 =	vlt.s32 v2, $0x2710  }
0x71: {  	v3 =	vand.u32 $0x7F, v3;
	v4 =	vadd.s32 $0x2710, v4;
	vm0 =	vmand vm0, vm1  }
0x72: {  	v3 =	vadd.s32 $0x2710, v3;
	v59 =	vsel vm0, v1, v4  }
0x73: {  	v60 =	vsel vm0, v2, v3;
	[tilespmem:s22+$0xDA00] =	vst v59  }
0x74: {  	[tilespmem:s22+$0xE200] =	vst v60  }
0x75: {  	v1 =	vld.idx.msk [tilespmem:v0+s12+$0x0], $0xffff  }
0x76: {  	v2 =	vld.idx.msk [tilespmem:v5+s12+$0x0], $0xffff;
	_ =	sdelay $0x4  }
0x77: {  	v61 =	vand.u32 $0x7F, v0;
	vm14 =	vlt.s32 v1, $0x2710;
	vm15 =	vlt.s32 v2, $0x2710  }
0x78: {  	v62 =	vand.u32 $0x7F, v5;
	v0 =	vadd.s32 $0x2710, v61;
	vm0 =	vmand vm14, vm15  }
0x79: {  	v3 =	vadd.s32 $0x2710, v62;
	v0 =	vsel vm0, v1, v0  }
0x7a: {  	v63 =	vsel vm0, v2, v3;
	[tilespmem:s18+$0xDA00] =	vst v0  }
0x7b: {  	s22 =	sadd.s32 s7, s21;
	[tilespmem:s18+$0xE200] =	vst v63  }
0x7c: {  	[hbm4b:s22+s1] =	stream.linear.scatter [tilespmem:s14], [sflag:$0x9], $0x7D0, $0x38;
	[tilespmem:$0xEA00] =	vst v63  }
0x7d: {  	s16 =	sadd.s32 $0x1, s16;
	_ =	swait.ge [sflag:s20], $0x7D0  }
0x7e: {  	p0 =	sne.s32 s16, $0x5;
	[sflag:s20] =	ssyncset.done $0x0  }
.Ltmp1:
0x7f: {  	s23 =	sadd.s32 s8, s21;
	[sflag:s20] =	ssyncadd.s32 $0xFFFFF830;
	(pc) =	sbr.rel @p0 .LBB2_2-.Ltmp1, $4  }
0x80: {  	[hbm4b:s23+s1] =	stream.linear.scatter [tilespmem:s15], [sflag:$0x9], $0x7D0, $0x38;
	[tilespmem:$0xEA00] =	vst v63  }
0x81: {  	_ =	swait.ge [sflag:s20], $0x7D0  }
0x82: {  	[sflag:s20] =	ssyncset.done $0x0  }
0x83: {  	[sflag:s20] =	ssyncadd.s32 $0xFFFFF830  }
0x84: {  	s19 =	sadd.s32 $0x1, s19;
	s16 =	rddreg [dreg:$0xb]  }
0x85: {  	p0 =	sne.s32 s19, s16  }
.Ltmp2:
0x86: {  	_ = 	snop;
	(pc) =	sbr.rel @p0 .LBB2_1-.Ltmp2, $1  }
0x87: {  	_ =	sdelay $0x3  }
0x88: {  	_ =	sfence.sel $0x180000  }
0x89: {  	[bflag:$0x0] =	sbarrier.arrive $0xFFFF  }
0x8a: {  	_ =	strace $0x9000004D  }
0x8b: {  	s0 =	stileid.u32;
	[bflag:$0x2] =	sbarrier.arrive $0xFFFF  }
0x8c: {  	p0 =	sne.s32 s0, $0x0;
	s0 =	rddreg [dreg:$0x1]  }
0x8d: {  	s0 =	sadd.s32 @!p0 $0x100000, s0  }
0x8e: {  	[sflag:s0] =	ssyncadd.tile.s32 @!p0 $0x1;
	_ =	shalt  }
.Lfunc_end2:
_tile_overlayer_lowered:
.L_overlay_start_2:
0x8f: {  	(tag) =	ssettag $0x2  }
0x90: {  	s0 =	rddreg [dreg:$0x0];
	s2 =	stileid.u32  }
0x91: {  	s1 =	rddreg [dreg:$0x1];
	p0 =	sne.s32 s2, $0x0  }
0x92: {  	s3 =	rddreg [dreg:$0x2];
	[bflag:$0x3] =	sbarrier.arrive $0xFFFF;
	s2 =	simm.s32 @!p0 $0x1C09  }
0x93: {  	[timem:s3], [sflag:s2] =	dma.local @!p0 [hbm:s0], s1  }
0x94: {  	s0 =	simm.s32 @!p0 $0x9  }
0x95: {  	_ =	swait.ge @!p0 [sflag:s0], s1  }
0x96: {  	s1 =	ssub.s32 @!p0 $0x0, s1;
	[sflag:s0] =	ssyncset.done @!p0 $0x0  }
0x97: {  	[sflag:s0] =	ssyncadd.s32 @!p0 s1  }
0x98: {  	[bflag:$0x3] =	sbarrier.arrive $0xFFFF  }
0x99: {  	_ =	shalt  }

// kernel: kernel.23.cloned.1.call-start
scs
__scs_entry_jumppad:
0x0: {  	(pc) =	sbr.rel $0x88, $3  }
0x1: {  	(tag) =	ssettag $0x0;
	lr =	simm.s32 $0x1  }
0x2: {  	[smem:$0x3F79] =	sst lr;
	_ =	strace $0xD0000000  }
0x3: {  	_ = 	snop  }
0x4: {  	_ = 	snop  }
0x5: {  	_ = 	snop  }
0x6: {  	_ = 	snop  }
0x7: {  	_ = 	snop  }
__scs_overlays_trampoline_lowered:
0x8: {  	[smem:$0x3F88] =	sst s0  }
0x9: {  	[smem:$0x3F89] =	sst s1  }
0xa: {  	[smem:$0x3F8A] =	sst s2  }
0xb: {  	[smem:$0x3F8B] =	sst s3  }
0xc: {  	[smem:$0x3F8C] =	sst s4  }
0xd: {  	[smem:$0x3F8D] =	sst s5  }
0xe: {  	[smem:$0x3F8E] =	sst s6  }
0xf: {  	[smem:$0x3F8F] =	sst s7  }
0x10: {  	[smem:$0x3F90] =	sst s8  }
0x11: {  	[smem:$0x3F91] =	sst s9;
	s0 =	simm.s32 @!p0 $0x0  }
0x12: {  	s1 =	sld [smem:$0x3F77];
	s0 =	simm.s32 @p0 $0x1  }
0x13: {  	[smem:$0x3F92] =	sst s0;
	s0 =	simm.s32 @!p1 $0x0  }
0x14: {  	s2 =	sld [smem:$0x3F76];
	s0 =	simm.s32 @p1 $0x1  }
0x15: {  	[smem:$0x3F93] =	sst s0;
	s0 =	simm.s32 @!p2 $0x0  }
0x16: {  	s3 =	sld [smem:$0x3FDB];
	s0 =	simm.s32 @p2 $0x1  }
0x17: {  	s4 =	simm.s32 $0x1BF5;
	[smem:$0x3F95] =	sst s0  }
0x18: {  	s0 =	sld [smem:$0x3F78];
	_ =	swait.ge [sflag:s4], $0x0  }
0x19: {  	s7 =	sld [smem:$0x3F79]  }
0x1a: {  	s8 =	sadd.s32 $0xFFFFE003, lr  }
0x1b: {  	s9 =	sadd.s32 $0xFFFFFEF7, lr;
	s5 =	simm.s32 $0xFFFFFFFF;
	p2 =	slt.u32 s8, $0xFFFFF086  }
0x1c: {  	p1 =	slt.u32 s9, $0xF7A;
	s5 =	simm.s32 @!p2 $0x0  }
0x1d: {  	s5 =	simm.s32 @p1 $0x1;
	p0 =	seq.s32 s7, s2  }
0x1e: {  	s7 =	smul.u32 @!p0 $0xF7A, s2;
	p2 =	seq.s32 @!p0 s5, $0x0  }
0x1f: {  	s9 =	smul.u32 $0xF7A, s1;
	s8 =	simm.s32 @!p0 $0x1BF5;
	p2 =	por !p2, p0  }
0x20: {  	[sflag:s8] =	ssyncset.s32 @!p0 $0xFFFFF086;
	s6 =	sadd.s32 @!p0 s3, s7;
	s7 =	simm.s32 @!p0 $0x108  }
0x21: {  	s3 =	sadd.s32 s3, s9;
	s6 =	sadd.s32 @!p0 $0x88, s6;
	s7 =	simm.s32 @p2 $0x1082  }
0x22: {  	[simem:s7], [sflag:s8] =	dma.local @!p0 [hbm:s6], $0xF7A  }
0x23: {  	s9 =	sor.u32 $0xD0000000, s2;
	s6 =	simm.s32 $0x108;
	_ =	swait.ge @!p0 [sflag:s8], $0x0  }
0x24: {  	s3 =	sadd.s32 $0x88, s3;
	s6 =	simm.s32 @!p1 $0x1082;
	[sflag:s4] =	ssyncset.s32 $0xFFFFF086  }
0x25: {  	[simem:s6], [sflag:s4] =	dma.local [hbm:s3], $0xF7A  }
0x26: {  	[smem:$0x3F79] =	sst s1;
	(tag) =	ssettag s2;
	_ =	strace s9  }
0x27: {  	s1 =	sld [smem:$0x3F89]  }
0x28: {  	s2 =	sld [smem:$0x3F8A]  }
0x29: {  	s4 =	sld [smem:$0x3F8C]  }
0x2a: {  	p0 =	seq.s32 s5, $0x0;
	s5 =	sld [smem:$0x3F8D]  }
0x2b: {  	s6 =	sld [smem:$0x3F8E]  }
0x2c: {  	s7 =	sld [smem:$0x3F8F]  }
0x2d: {  	s3 =	simm.s32 $0x108;
	s8 =	sld [smem:$0x3F90]  }
0x2e: {  	s3 =	simm.s32 @!p0 $0x1082;
	s9 =	sld [smem:$0x3F91]  }
0x2f: {  	lr =	sadd.s32 s0, s3;
	s0 =	sld [smem:$0x3F88]  }
0x30: {  	s3 =	sld [smem:$0x3F8B]  }
0x31: {  	[smem:$0x3F94] =	sst s10  }
0x32: {  	s10 =	sld [smem:$0x3F92];
	_ =	sdelay $0x3  }
0x33: {  	p0 =	seq.s32 s10, $0x1;
	s10 =	sld [smem:$0x3F94];
	_ =	sdelay $0x3  }
0x34: {  	[smem:$0x3F94] =	sst s10  }
0x35: {  	s10 =	sld [smem:$0x3F93];
	_ =	sdelay $0x3  }
0x36: {  	p1 =	seq.s32 s10, $0x1;
	s10 =	sld [smem:$0x3F94];
	_ =	sdelay $0x3  }
0x37: {  	[smem:$0x3F94] =	sst s10  }
0x38: {  	s10 =	sld [smem:$0x3F95]  }
0x39: {  	_ = 	snop;
	(pc) =	sbr.ind lr, $3  }
0x3a: {  	_ = 	snop  }
0x3b: {  	_ = 	snop  }
0x3c: {  	p2 =	seq.s32 s10, $0x1;
	s10 =	sld [smem:$0x3F94]  }
0x3d: {  	_ =	shalt  }
0x3e: {  	_ =	shalt  }
0x3f: {  	_ =	shalt  }
0x40: {  	_ =	shalt  }
0x41: {  	_ =	shalt  }
0x42: {  	_ =	shalt  }
0x43: {  	_ =	shalt  }
0x44: {  	_ =	shalt  }
0x45: {  	_ =	shalt  }
0x46: {  	_ =	shalt  }
0x47: {  	_ =	shalt  }
0x48: {  	_ =	shalt  }
0x49: {  	_ =	shalt  }
0x4a: {  	_ =	shalt  }
0x4b: {  	_ =	shalt  }
0x4c: {  	_ =	shalt  }
0x4d: {  	_ =	shalt  }
0x4e: {  	_ =	shalt  }
0x4f: {  	_ =	shalt  }
0x50: {  	_ =	shalt  }
0x51: {  	_ =	shalt  }
0x52: {  	_ =	shalt  }
0x53: {  	_ =	shalt  }
0x54: {  	_ =	shalt  }
0x55: {  	_ =	shalt  }
0x56: {  	_ =	shalt  }
0x57: {  	_ =	shalt  }
0x58: {  	_ =	shalt  }
0x59: {  	_ =	shalt  }
0x5a: {  	_ =	shalt  }
0x5b: {  	_ =	shalt  }
0x5c: {  	_ =	shalt  }
0x5d: {  	_ =	shalt  }
0x5e: {  	_ =	shalt  }
0x5f: {  	_ =	shalt  }
0x60: {  	_ =	shalt  }
0x61: {  	_ =	shalt  }
0x62: {  	_ =	shalt  }
0x63: {  	_ =	shalt  }
0x64: {  	_ =	shalt  }
0x65: {  	_ =	shalt  }
0x66: {  	_ =	shalt  }
0x67: {  	_ =	shalt  }
0x68: {  	_ =	shalt  }
0x69: {  	_ =	shalt  }
0x6a: {  	_ =	shalt  }
0x6b: {  	_ =	shalt  }
0x6c: {  	_ =	shalt  }
0x6d: {  	_ =	shalt  }
0x6e: {  	_ =	shalt  }
0x6f: {  	_ =	shalt  }
0x70: {  	_ =	shalt  }
0x71: {  	_ =	shalt  }
0x72: {  	_ =	shalt  }
0x73: {  	_ =	shalt  }
0x74: {  	_ =	shalt  }
0x75: {  	_ =	shalt  }
0x76: {  	_ =	shalt  }
0x77: {  	_ =	shalt  }
0x78: {  	_ =	shalt  }
0x79: {  	_ =	shalt  }
0x7a: {  	_ =	shalt  }
0x7b: {  	_ =	shalt  }
0x7c: {  	_ =	shalt  }
0x7d: {  	_ =	shalt  }
0x7e: {  	_ =	shalt  }
0x7f: {  	_ =	shalt  }
0x80: {  	_ =	shalt  }
0x81: {  	_ =	shalt  }
0x82: {  	_ =	shalt  }
0x83: {  	_ =	shalt  }
0x84: {  	_ =	shalt  }
0x85: {  	_ =	shalt  }
0x86: {  	_ =	shalt  }
0x87: {  	_ =	shalt  }
.Lfunc_end0:
.L_simem_size_0:
called_computation.3_lowered:
.L_overlay_start_0:
0x88: {  	s2 =	sld [smem:$0x3FD9]  }
0x89: {  	s3 =	sld [smem:$0x3FFE];
	_ =	sdelay $0x1  }
0x8a: {  	s1 =	srdreg.scid  }
0x8b: {  	s0 =	sand.u32 $0x1, s1  }
0x8c: {  	s16 =	sshll.u32 s0, $0xA;
	s2 =	sadd.s32 s3, s2  }
0x8d: {  	s2 =	sadd.s32 s2, s16  }
0x8e: {  	[smem:$0x3FA0] =	sst s2  }
0x8f: {  	_ = 	snop  }
0x90: {  	(tm) =	ssettm $0x1  }
0x91: {  	s17 =	sld [smem:$0x3FFB];
	_ =	sdelay $0x3  }
0x92: {  	_ =	strace s17  }
0x93: {  	s2 =	sld [smem:$0x3FFC];
	_ =	sdelay $0x3  }
0x94: {  	_ =	strace s2  }
0x95: {  	s2 =	sld [smem:$0x3FFD];
	_ =	sdelay $0x3  }
0x96: {  	_ =	strace s2  }
0x97: {  	_ =	strace $0x8FFFFFFF  }
0x98: {  	s18 =	sld [smem:$0x3FDB];
	_ =	sdelay $0x1  }
0x99: {  	s19 =	simm.s32 $_scs_section_size  }
0x9a: {  	s4 =	simm.s32 $_size__tile_overlayer_lowered;
	s5 =	simm.s32 $_tile_overlayer_lowered  }
0x9b: {  	s22 =	simm.s32 $0x1BFF;
	s21 =	sshll.u32 s5, $0x1;
	s2 =	sadd.s32 s19, s18  }
0x9c: {  	s6 =	simm.s32 $0x0;
	s20 =	sshll.u32 s4, $0x1;
	s4 =	sadd.s32 s21, s2  }
0x9d: {  	[timem:s6], [sflag:s22] =	dma.local [hbm:s4], s20  }
0x9e: {  	_ =	swait.ge [sflag:s22], s20  }
0x9f: {  	s3 =	ssub.s32 $0x0, s20;
	[sflag:s22] =	ssyncset.done $0x0  }
0xa0: {  	[sflag:s22] =	ssyncadd.s32 s3;
	_ =	sdelay $0x1  }
0xa1: {  	s23 =	simm.s32 $0x1B8B  }
0xa2: {  	_ =	swait.ge [sflag:s23], $0x1  }
0xa3: {  	[sflag:s23] =	ssyncset.done $0x0  }
0xa4: {  	s25 =	simm.s32 $0x1B8E;
	s24 =	sld [smem:$0x3FFE];
	[sflag:s23] =	ssyncadd.s32 $0xFFFFFFFF  }
0xa5: {  	s26 =	simm.s32 $execute0_lowered;
	[smem:$0x3FD2] =	sst s25  }
0xa6: {  	s4 =	sshll.u32 s26, $0x1;
	_ =	strace $0x8000004F;
	[dreg:$0x1] =	wrdreg $0xFFFFFFFF  }
0xa7: {  	s28 =	simm.s32 $_size_execute0_lowered;
	s2 =	sadd.s32 s2, s4;
	[dreg:$0x0] =	wrdreg $0x0  }
0xa8: {  	s4 =	sshll.u32 s28, $0x1;
	[dreg:$0x2] =	wrdreg s2  }
0xa9: {  	[dreg:$0x3] =	wrdreg s4  }
0xaa: {  	[dreg:$0x4] =	wrdreg $0xC0  }
0xab: {  	_ =	task [dreg:s6], $0x5FFFF  }
0xac: {  	[dreg:$0x1] =	wrdreg $0xFFFFFFFF  }
0xad: {  	[dreg:$0x0] =	wrdreg $0x60  }
0xae: {  	[dreg:$0x2] =	wrdreg s24  }
0xaf: {  	[dreg:$0x3] =	wrdreg $0xA4000  }
0xb0: {  	[dreg:$0x4] =	wrdreg $0x9  }
0xb1: {  	_ =	task.clear_ibuf [dreg:s6], $0x5FFFF;
	_ =	strace $0x9000004F  }
0xb2: {  	s29 =	simm.s32 $0x9;
	_ =	strace $0x80000051  }
0xb3: {  	_ =	swait.ge [sflag:s29], $0x1  }
0xb4: {  	[sflag:s29] =	ssyncadd.s32 $0xFFFFFFFF  }
0xb5: {  	_ =	strace $0x90000051  }
0xb6: {  	_ =	sfence  }
0xb7: {  	s30 =	sld [smem:$0x0];
	_ =	sdelay $0x2  }
0xb8: {  	s31 =	sshll.u32 s1, $0xD;
	s1 =	sshrl.u32 s1, $0x2  }
0xb9: {  	s3 =	sand.u32 $0x4000, s31;
	s1 =	sadd.s32 s1, s30  }
0xba: {  	s0 =	sor.u32 s3, s0;
	s1 =	sshll.u32 s1, $0x11  }
0xbb: {  	s0 =	sor.u32 s1, s0  }
0xbc: {  	s0 =	sadd.s32 $0x8F2B, s0  }
0xbd: {  	[sflag:s0] =	ssyncadd.remote.s32 $0x1  }
0xbe: {  	_ =	sfence.sel $0xFFFF  }
0xbf: {  	[dreg:$0x0] =	wrdreg $0xFFFFFFFF;
	(pc) =	sbr.abs _section_cstart, $3  }
0xc0: {  	[dreg:$0x1] =	wrdreg $0xFFFFFFFF  }
0xc1: {  	_ =	task.clear_ibuf [dreg:s6], $0x2FFFF;
	_ =	strace $0x9FFFFFFF  }
0xc2: {  	(tm) =	ssettm $0x7FFFFFFF  }
0xc3: {  	_ =	shalt  }
tec
execute0_lowered:
.L_overlay_start_1:
0x0: {  	(tag) =	ssettag $0x1  }
0x1: {  	s0 =	rddreg [dreg:$0x0]  }
0x2: {  	s1 =	rddreg [dreg:$0x1];
	s3 =	simm.s32 $0x0;
	s2 =	srdreg.scid  }
0x3: {  	s13 =	stileid.u32;
	s28 =	simm.s32 $0x4;
	s29 =	simm.s32 $0x380  }
0x4: {  	s30 =	simm.s32 $0x5;
	s31 =	simm.s32 $0x6;
	s6 =	smul.u32 $0x14000, s13  }
0x5: {  	[smem:$0x7FF] =	sst s3;
	s2 =	sand.u32 $0x1, s2;
	s24 =	smul.u32 $0x50000, s13  }
0x6: {  	s4 =	sadd.s32 $0x46200, s0;
	s8 =	sadd.s32 $0x6E200, s0;
	s12 =	smul.u32 $0x2710, s13  }
0x7: {  	s9 =	sadd.s32 $0x78000, s0;
	s7 =	sadd.s32 $0x43400, s0;
	s5 =	smul.u32 $0x140000, s2  }
0x8: {  	_ =	strace $0x80000050;
	[dreg:$0xb] =	wrdreg s7;
	s25 =	ssub.s32 $0x2, s2  }
0x9: {  	s10 =	smul.u32 $0x27100, s2;
	s2 =	sshll.u32 s2, $0x4;
	s11 =	sshrl.u32 s25, $0x1  }
0xa: {  	s2 =	sor.u32 s13, s2;
	s13 =	sshll.u32 s13, $0x6;
	s5 =	sadd.s32 s6, s5  }
0xb: {  	s26 =	ssub.s32 s25, s11;
	s6 =	sshrl.u32 s24, $0x2;
	s2 =	smul.u32 $0x2710, s2  }
0xc: {  	s10 =	sadd.s32 s12, s10;
	s7 =	sor.u32 $0x1C09, s13;
	s13 =	simm.s32 $0x50  }
0xd: {  	s5 =	sshrl.u32 s5, $0x3;
	s6 =	sadd.s32 s6, s1;
	s14 =	sadd.s32 $0xF0, s10  }
0xe: {  	s12 =	sadd.s32 $0xA0, s10;
	s18 =	sadd.s32 $0x50, s10;
	s10 =	sshrl.u32 s10, $0x3  }
0xf: {  	s26 =	smax.u32 s26, $0x1;
	s0 =	sadd.s32 s5, s0;
	[dreg:$0xc] =	wrdreg s6  }
0x10: {  	s2 =	sshrl.u32 s2, $0x3;
	s15 =	sshrl.u32 s14, $0x3;
	s16 =	sshrl.u32 s12, $0x3  }
0x11: {  	s20 =	sshrl.u32 s18, $0x3;
	s24 =	sadd.s32 s10, s9;
	s25 =	sadd.s32 s10, s8  }
0x12: {  	[dreg:$0x10] =	wrdreg s26;
	s12 =	simm.s32 $0x9;
	s14 =	simm.s32 $0x400  }
0x13: {  	s18 =	simm.s32 $0x5400;
	s26 =	simm.s32 $0x300;
	[dreg:$0x9] =	wrdreg s24  }
0x14: {  	s5 =	simm.s32 $0x0;
	s11 =	sadd.s32 s15, s9;
	[dreg:$0xa] =	wrdreg s25  }
0x15: {  	s2 =	sadd.s32 $0x4D8, s2;
	s6 =	sadd.s32 s15, s8;
	[dreg:$0x3] =	wrdreg s11  }
0x16: {  	s17 =	sadd.s32 s16, s9;
	s19 =	sadd.s32 s16, s8;
	[dreg:$0x4] =	wrdreg s6  }
0x17: {  	s22 =	sadd.s32 s20, s9;
	s23 =	sadd.s32 s20, s8;
	[dreg:$0x5] =	wrdreg s17  }
0x18: {  	s0 =	sadd.s32 $0x81E00, s0;
	s15 =	simm.s32 $0x80;
	[dreg:$0x6] =	wrdreg s19  }
0x19: {  	s16 =	simm.s32 $0x2C00;
	s20 =	simm.s32 $0x7C00;
	[dreg:$0x7] =	wrdreg s22  }
0x1a: {  	s24 =	simm.s32 $0x280;
	s25 =	simm.s32 $0x3;
	[dreg:$0x8] =	wrdreg s23  }
0x1b: {  	s21 =	sadd.s32 s8, s2;
	s2 =	sadd.s32 s9, s2;
	[dreg:$0xf] =	wrdreg s0  }
0x1c: {  	s17 =	simm.s32 $0x100;
	s19 =	simm.s32 $0x180;
	s22 =	simm.s32 $0x200  }
0x1d: {  	s23 =	simm.s32 $0x2;
	s0 =	simm.s32 $0x7;
	[dreg:$0xd] =	wrdreg s21  }
0x1e: {  	[dreg:$0xe] =	wrdreg s2;
	s21 =	simm.s32 $0x1;
	s2 =	simm.s32 $0x8  }
.LBB2_1:
0x1f: {  	s6 =	rddreg [dreg:$0xc]  }
0x20: {  	s8 =	rddreg [dreg:$0xb];
	s6 =	sshrl.u32 s6, $0x3  }
0x21: {  	[spmem:s6], [sflag:s7] =	dma.local [hbm:s8], $0x2800  }
0x22: {  	_ =	swait.ge [sflag:s12], $0x2800  }
0x23: {  	[sflag:s12] =	ssyncset.done $0x0  }
0x24: {  	[sflag:s12] =	ssyncadd.s32 $0xFFFFD800  }
0x25: {  	[bflag:$0x0] =	sbarrier.arrive $0xFFFF  }
0x26: {  	s10 =	rddreg [dreg:$0xa]  }
0x27: {  	s8 =	sadd.s32 $0x0, s10  }
0x28: {  	[tilespmem:s3], [sflag:$0x9] =	stream.linear.gather [hbm4b:s8+s3], $0x50, $0x38;
	[tilespmem:$0x1E400] =	vst v63  }
0x29: {  	_ =	swait.ge [sflag:s12], $0x50  }
0x2a: {  	[sflag:s12] =	ssyncset.done $0x0  }
0x2b: {  	s11 =	rddreg [dreg:$0x8];
	[sflag:s12] =	ssyncadd.s32 $0xFFFFFFB0  }
0x2c: {  	[tilespmem:s14], [sflag:$0x1] =	stream.indirect.gather [hbm4b:s4+s13], $0x80, s3, s13, $0xb8;
	[tilespmem:$0x1E400] =	vst v63  }
0x2d: {  	s8 =	sadd.s32 $0x0, s11  }
0x2e: {  	[tilespmem:s15], [sflag:$0x9] =	stream.linear.gather [hbm4b:s8+s3], $0x50, $0x38;
	[tilespmem:$0x1E400] =	vst v63  }
0x2f: {  	_ =	swait.ge [sflag:s12], $0x50  }
0x30: {  	[sflag:s12] =	ssyncset.done $0x0  }
0x31: {  	s9 =	rddreg [dreg:$0x6];
	[sflag:s12] =	ssyncadd.s32 $0xFFFFFFB0  }
0x32: {  	[tilespmem:s16], [sflag:$0x2] =	stream.indirect.gather [hbm4b:s4+s13], $0x80, s15, s13, $0xb8;
	[tilespmem:$0x1E400] =	vst v63  }
0x33: {  	s8 =	sadd.s32 $0x0, s9  }
0x34: {  	[tilespmem:s17], [sflag:$0x9] =	stream.linear.gather [hbm4b:s8+s3], $0x50, $0x38;
	[tilespmem:$0x1E400] =	vst v63  }
0x35: {  	_ =	swait.ge [sflag:s12], $0x50  }
0x36: {  	[sflag:s12] =	ssyncset.done $0x0  }
0x37: {  	s10 =	rddreg [dreg:$0x4];
	[sflag:s12] =	ssyncadd.s32 $0xFFFFFFB0  }
0x38: {  	[tilespmem:s18], [sflag:$0x3] =	stream.indirect.gather [hbm4b:s4+s13], $0x80, s17, s13, $0xb8;
	[tilespmem:$0x1E400] =	vst v63  }
0x39: {  	s8 =	sadd.s32 $0x0, s10  }
0x3a: {  	[tilespmem:s19], [sflag:$0x9] =	stream.linear.gather [hbm4b:s8+s3], $0x50, $0x38;
	[tilespmem:$0x1E400] =	vst v63  }
0x3b: {  	_ =	swait.ge [sflag:s12], $0x50  }
0x3c: {  	[sflag:s12] =	ssyncset.done $0x0  }
0x3d: {  	[sflag:s12] =	ssyncadd.s32 $0xFFFFFFB0  }
0x3e: {  	[tilespmem:s20], [sflag:$0x4] =	stream.indirect.gather [hbm4b:s4+s13], $0x80, s19, s13, $0xb8;
	[tilespmem:$0x1E400] =	vst v63  }
0x3f: {  	_ =	swait.ge [sflag:s21], $0x2800  }
0x40: {  	s11 =	rddreg [dreg:$0x9];
	[sflag:s21] =	ssyncset.done $0x0  }
0x41: {  	[sflag:s21] =	ssyncadd.s32 $0xFFFFD800;
	s8 =	sadd.s32 $0x0, s11  }
0x42: {  	[tilespmem:s22], [sflag:$0x9] =	stream.linear.gather [hbm4b:s8+s3], $0x50, $0x38;
	[tilespmem:$0x1E400] =	vst v63  }
0x43: {  	_ =	swait.ge [sflag:s12], $0x50  }
0x44: {  	[sflag:s12] =	ssyncset.done $0x0  }
0x45: {  	[sflag:s12] =	ssyncadd.s32 $0xFFFFFFB0  }
0x46: {  	[spmem:s1] =	stream.indirect.scatter.add.f32 [tilespmem:s14], [sflag:$0x5], $0x80, s22, s13, $0xb8;
	[tilespmem:$0x1E400] =	vst v63  }
0x47: {  	_ =	swait.ge [sflag:s23], $0x2800  }
0x48: {  	s9 =	rddreg [dreg:$0x7];
	[sflag:s23] =	ssyncset.done $0x0  }
0x49: {  	[sflag:s23] =	ssyncadd.s32 $0xFFFFD800;
	s8 =	sadd.s32 $0x0, s9  }
0x4a: {  	[tilespmem:s24], [sflag:$0x9] =	stream.linear.gather [hbm4b:s8+s3], $0x50, $0x38;
	[tilespmem:$0x1E400] =	vst v63  }
0x4b: {  	_ =	swait.ge [sflag:s12], $0x50  }
0x4c: {  	[sflag:s12] =	ssyncset.done $0x0  }
0x4d: {  	[sflag:s12] =	ssyncadd.s32 $0xFFFFFFB0  }
0x4e: {  	[spmem:s1] =	stream.indirect.scatter.add.f32 [tilespmem:s16], [sflag:$0x6], $0x80, s24, s13, $0xb8;
	[tilespmem:$0x1E400] =	vst v63  }
0x4f: {  	_ =	swait.ge [sflag:s25], $0x2800  }
0x50: {  	s10 =	rddreg [dreg:$0x5];
	[sflag:s25] =	ssyncset.done $0x0  }
0x51: {  	[sflag:s25] =	ssyncadd.s32 $0xFFFFD800;
	s8 =	sadd.s32 $0x0, s10  }
0x52: {  	[tilespmem:s26], [sflag:$0x9] =	stream.linear.gather [hbm4b:s8+s3], $0x50, $0x38;
	[tilespmem:$0x1E400] =	vst v63  }
0x53: {  	_ =	swait.ge [sflag:s12], $0x50  }
0x54: {  	[sflag:s12] =	ssyncset.done $0x0  }
0x55: {  	[sflag:s12] =	ssyncadd.s32 $0xFFFFFFB0  }
0x56: {  	[spmem:s1] =	stream.indirect.scatter.add.f32 [tilespmem:s18], [sflag:$0x7], $0x80, s26, s13, $0xb8;
	[tilespmem:$0x1E400] =	vst v63  }
0x57: {  	_ =	swait.ge [sflag:s28], $0x2800  }
0x58: {  	s11 =	rddreg [dreg:$0x3];
	[sflag:s28] =	ssyncset.done $0x0  }
0x59: {  	[sflag:s28] =	ssyncadd.s32 $0xFFFFD800;
	s8 =	sadd.s32 $0x0, s11  }
0x5a: {  	[tilespmem:s29], [sflag:$0x9] =	stream.linear.gather [hbm4b:s8+s3], $0x50, $0x38;
	[tilespmem:$0x1E400] =	vst v63  }
0x5b: {  	_ =	swait.ge [sflag:s12], $0x50  }
0x5c: {  	[sflag:s12] =	ssyncset.done $0x0  }
0x5d: {  	[sflag:s12] =	ssyncadd.s32 $0xFFFFFFB0  }
0x5e: {  	[spmem:s1] =	stream.indirect.scatter.add.f32 [tilespmem:s20], [sflag:$0x8], $0x80, s29, s13, $0xb8;
	[tilespmem:$0x1E400] =	vst v63  }
0x5f: {  	_ =	swait.ge [sflag:s30], $0x2800  }
0x60: {  	[sflag:s30] =	ssyncset.done $0x0  }
0x61: {  	[sflag:s30] =	ssyncadd.s32 $0xFFFFD800  }
0x62: {  	_ =	swait.ge [sflag:s31], $0x2800  }
0x63: {  	[sflag:s31] =	ssyncset.done $0x0  }
0x64: {  	[sflag:s31] =	ssyncadd.s32 $0xFFFFD800  }
0x65: {  	_ =	swait.ge [sflag:s0], $0x2800  }
0x66: {  	[sflag:s0] =	ssyncset.done $0x0  }
0x67: {  	[sflag:s0] =	ssyncadd.s32 $0xFFFFD800  }
0x68: {  	s9 =	simm.s32 $0x50;
	_ =	swait.ge [sflag:s2], $0x2800  }
0x69: {  	s8 =	simm.s32 $0x28;
	s11 =	rddreg [dreg:$0xa];
	[sflag:s2] =	ssyncset.done $0x0  }
.LBB2_2:
0x6a: {  	[sflag:s2] =	ssyncadd.s32 $0xFFFFD800;
	s11 =	sadd.s32 s8, s11  }
0x6b: {  	[tilespmem:s3], [sflag:$0x9] =	stream.linear.gather [hbm4b:s11+s3], $0x50, $0x38;
	[tilespmem:$0x1E400] =	vst v63  }
0x6c: {  	_ =	swait.ge [sflag:s12], $0x50  }
0x6d: {  	[sflag:s12] =	ssyncset.done $0x0  }
0x6e: {  	s11 =	rddreg [dreg:$0x8];
	[sflag:s12] =	ssyncadd.s32 $0xFFFFFFB0  }
0x6f: {  	[tilespmem:s14], [sflag:$0x1] =	stream.indirect.gather [hbm4b:s4+s13], $0x80, s3, s13, $0xb8;
	[tilespmem:$0x1E400] =	vst v63  }
0x70: {  	s11 =	sadd.s32 s8, s11  }
0x71: {  	[tilespmem:s15], [sflag:$0x9] =	stream.linear.gather [hbm4b:s11+s3], $0x50, $0x38;
	[tilespmem:$0x1E400] =	vst v63  }
0x72: {  	_ =	swait.ge [sflag:s12], $0x50  }
0x73: {  	[sflag:s12] =	ssyncset.done $0x0  }
0x74: {  	s11 =	rddreg [dreg:$0x6];
	[sflag:s12] =	ssyncadd.s32 $0xFFFFFFB0  }
0x75: {  	[tilespmem:s16], [sflag:$0x2] =	stream.indirect.gather [hbm4b:s4+s13], $0x80, s15, s13, $0xb8;
	[tilespmem:$0x1E400] =	vst v63  }
0x76: {  	s11 =	sadd.s32 s8, s11  }
0x77: {  	[tilespmem:s17], [sflag:$0x9] =	stream.linear.gather [hbm4b:s11+s3], $0x50, $0x38;
	[tilespmem:$0x1E400] =	vst v63  }
0x78: {  	_ =	swait.ge [sflag:s12], $0x50  }
0x79: {  	[sflag:s12] =	ssyncset.done $0x0  }
0x7a: {  	s11 =	rddreg [dreg:$0x4];
	[sflag:s12] =	ssyncadd.s32 $0xFFFFFFB0  }
0x7b: {  	[tilespmem:s18], [sflag:$0x3] =	stream.indirect.gather [hbm4b:s4+s13], $0x80, s17, s13, $0xb8;
	[tilespmem:$0x1E400] =	vst v63  }
0x7c: {  	s11 =	sadd.s32 s8, s11  }
0x7d: {  	[tilespmem:s19], [sflag:$0x9] =	stream.linear.gather [hbm4b:s11+s3], $0x50, $0x38;
	[tilespmem:$0x1E400] =	vst v63  }
0x7e: {  	_ =	swait.ge [sflag:s12], $0x50  }
0x7f: {  	[sflag:s12] =	ssyncset.done $0x0  }
0x80: {  	[sflag:s12] =	ssyncadd.s32 $0xFFFFFFB0  }
0x81: {  	[tilespmem:s20], [sflag:$0x4] =	stream.indirect.gather [hbm4b:s4+s13], $0x80, s19, s13, $0xb8;
	[tilespmem:$0x1E400] =	vst v63  }
0x82: {  	_ =	swait.ge [sflag:s21], $0x2800  }
0x83: {  	s11 =	rddreg [dreg:$0x9];
	[sflag:s21] =	ssyncset.done $0x0  }
0x84: {  	[sflag:s21] =	ssyncadd.s32 $0xFFFFD800;
	s11 =	sadd.s32 s8, s11  }
0x85: {  	[tilespmem:s22], [sflag:$0x9] =	stream.linear.gather [hbm4b:s11+s3], $0x50, $0x38;
	[tilespmem:$0x1E400] =	vst v63  }
0x86: {  	_ =	swait.ge [sflag:s12], $0x50  }
0x87: {  	[sflag:s12] =	ssyncset.done $0x0  }
0x88: {  	[sflag:s12] =	ssyncadd.s32 $0xFFFFFFB0  }
0x89: {  	[spmem:s1] =	stream.indirect.scatter.add.f32 [tilespmem:s14], [sflag:$0x5], $0x80, s22, s13, $0xb8;
	[tilespmem:$0x1E400] =	vst v63  }
0x8a: {  	_ =	swait.ge [sflag:s23], $0x2800  }
0x8b: {  	s11 =	rddreg [dreg:$0x7];
	[sflag:s23] =	ssyncset.done $0x0  }
0x8c: {  	[sflag:s23] =	ssyncadd.s32 $0xFFFFD800;
	s11 =	sadd.s32 s8, s11  }
0x8d: {  	[tilespmem:s24], [sflag:$0x9] =	stream.linear.gather [hbm4b:s11+s3], $0x50, $0x38;
	[tilespmem:$0x1E400] =	vst v63  }
0x8e: {  	_ =	swait.ge [sflag:s12], $0x50  }
0x8f: {  	[sflag:s12] =	ssyncset.done $0x0  }
0x90: {  	[sflag:s12] =	ssyncadd.s32 $0xFFFFFFB0  }
0x91: {  	[spmem:s1] =	stream.indirect.scatter.add.f32 [tilespmem:s16], [sflag:$0x6], $0x80, s24, s13, $0xb8;
	[tilespmem:$0x1E400] =	vst v63  }
0x92: {  	_ =	swait.ge [sflag:s25], $0x2800  }
0x93: {  	s11 =	rddreg [dreg:$0x5];
	[sflag:s25] =	ssyncset.done $0x0  }
0x94: {  	[sflag:s25] =	ssyncadd.s32 $0xFFFFD800;
	s11 =	sadd.s32 s8, s11  }
0x95: {  	[tilespmem:s26], [sflag:$0x9] =	stream.linear.gather [hbm4b:s11+s3], $0x50, $0x38;
	[tilespmem:$0x1E400] =	vst v63  }
0x96: {  	_ =	swait.ge [sflag:s12], $0x50  }
0x97: {  	[sflag:s12] =	ssyncset.done $0x0  }
0x98: {  	[sflag:s12] =	ssyncadd.s32 $0xFFFFFFB0  }
0x99: {  	[spmem:s1] =	stream.indirect.scatter.add.f32 [tilespmem:s18], [sflag:$0x7], $0x80, s26, s13, $0xb8;
	[tilespmem:$0x1E400] =	vst v63  }
0x9a: {  	_ =	swait.ge [sflag:s28], $0x2800  }
0x9b: {  	s11 =	rddreg [dreg:$0x3];
	[sflag:s28] =	ssyncset.done $0x0  }
0x9c: {  	[sflag:s28] =	ssyncadd.s32 $0xFFFFD800;
	s11 =	sadd.s32 s8, s11  }
0x9d: {  	[tilespmem:s29], [sflag:$0x9] =	stream.linear.gather [hbm4b:s11+s3], $0x50, $0x38;
	[tilespmem:$0x1E400] =	vst v63  }
0x9e: {  	_ =	swait.ge [sflag:s12], $0x50  }
0x9f: {  	[sflag:s12] =	ssyncset.done $0x0  }
0xa0: {  	[sflag:s12] =	ssyncadd.s32 $0xFFFFFFB0  }
0xa1: {  	[spmem:s1] =	stream.indirect.scatter.add.f32 [tilespmem:s20], [sflag:$0x8], $0x80, s29, s13, $0xb8;
	[tilespmem:$0x1E400] =	vst v63  }
0xa2: {  	_ =	swait.ge [sflag:s30], $0x2800  }
0xa3: {  	[sflag:s30] =	ssyncset.done $0x0  }
0xa4: {  	[sflag:s30] =	ssyncadd.s32 $0xFFFFD800  }
0xa5: {  	_ =	swait.ge [sflag:s31], $0x2800  }
0xa6: {  	[sflag:s31] =	ssyncset.done $0x0  }
0xa7: {  	p0 =	sne.s32 s9, $0x4B0;
	[sflag:s31] =	ssyncadd.s32 $0xFFFFD800  }
.Ltmp0:
0xa8: {  	_ =	swait.ge [sflag:s0], $0x2800;
	(pc) =	sbr.rel @p0 .LBB2_2-.Ltmp0, $4  }
0xa9: {  	[sflag:s0] =	ssyncset.done $0x0  }
0xaa: {  	[sflag:s0] =	ssyncadd.s32 $0xFFFFD800  }
0xab: {  	s10 =	smov.u32 s9;
	s9 =	sadd.s32 $0x28, s9;
	_ =	swait.ge [sflag:s2], $0x2800  }
0xac: {  	s8 =	smov.u32 s10;
	s11 =	rddreg [dreg:$0xa];
	[sflag:s2] =	ssyncset.done $0x0  }
0xad: {  	[sflag:s2] =	ssyncadd.s32 $0xFFFFD800;
	s9 =	sadd.s32 s8, s11  }
0xae: {  	[tilespmem:s3], [sflag:$0x9] =	stream.linear.gather [hbm4b:s9+s3], $0x50, $0x38;
	[tilespmem:$0x1E400] =	vst v63  }
0xaf: {  	_ =	swait.ge [sflag:s12], $0x50  }
0xb0: {  	[sflag:s12] =	ssyncset.done $0x0  }
0xb1: {  	s11 =	rddreg [dreg:$0x8];
	[sflag:s12] =	ssyncadd.s32 $0xFFFFFFB0  }
0xb2: {  	[tilespmem:s14], [sflag:$0x1] =	stream.indirect.gather [hbm4b:s4+s13], $0x80, s3, s13, $0xb8;
	[tilespmem:$0x1E400] =	vst v63  }
0xb3: {  	s9 =	sadd.s32 s8, s11  }
0xb4: {  	[tilespmem:s15], [sflag:$0x9] =	stream.linear.gather [hbm4b:s9+s3], $0x50, $0x38;
	[tilespmem:$0x1E400] =	vst v63  }
0xb5: {  	_ =	swait.ge [sflag:s12], $0x50  }
0xb6: {  	[sflag:s12] =	ssyncset.done $0x0  }
0xb7: {  	s10 =	rddreg [dreg:$0x6];
	[sflag:s12] =	ssyncadd.s32 $0xFFFFFFB0  }
0xb8: {  	[tilespmem:s16], [sflag:$0x2] =	stream.indirect.gather [hbm4b:s4+s13], $0x80, s15, s13, $0xb8;
	[tilespmem:$0x1E400] =	vst v63  }
0xb9: {  	s9 =	sadd.s32 s8, s10  }
0xba: {  	[tilespmem:s17], [sflag:$0x9] =	stream.linear.gather [hbm4b:s9+s3], $0x50, $0x38;
	[tilespmem:$0x1E400] =	vst v63  }
0xbb: {  	_ =	swait.ge [sflag:s12], $0x50  }
0xbc: {  	[sflag:s12] =	ssyncset.done $0x0  }
0xbd: {  	s11 =	rddreg [dreg:$0x4];
	[sflag:s12] =	ssyncadd.s32 $0xFFFFFFB0  }
0xbe: {  	[tilespmem:s18], [sflag:$0x3] =	stream.indirect.gather [hbm4b:s4+s13], $0x80, s17, s13, $0xb8;
	[tilespmem:$0x1E400] =	vst v63  }
0xbf: {  	s9 =	sadd.s32 s8, s11  }
0xc0: {  	[tilespmem:s19], [sflag:$0x9] =	stream.linear.gather [hbm4b:s9+s3], $0x50, $0x38;
	[tilespmem:$0x1E400] =	vst v63  }
0xc1: {  	_ =	swait.ge [sflag:s12], $0x50  }
0xc2: {  	[sflag:s12] =	ssyncset.done $0x0  }
0xc3: {  	[sflag:s12] =	ssyncadd.s32 $0xFFFFFFB0  }
0xc4: {  	[tilespmem:s20], [sflag:$0x4] =	stream.indirect.gather [hbm4b:s4+s13], $0x80, s19, s13, $0xb8;
	[tilespmem:$0x1E400] =	vst v63  }
0xc5: {  	_ =	swait.ge [sflag:s21], $0x2800  }
0xc6: {  	s10 =	rddreg [dreg:$0x9];
	[sflag:s21] =	ssyncset.done $0x0  }
0xc7: {  	[sflag:s21] =	ssyncadd.s32 $0xFFFFD800;
	s9 =	sadd.s32 s8, s10  }
0xc8: {  	[tilespmem:s22], [sflag:$0x9] =	stream.linear.gather [hbm4b:s9+s3], $0x50, $0x38;
	[tilespmem:$0x1E400] =	vst v63  }
0xc9: {  	_ =	swait.ge [sflag:s12], $0x50  }
0xca: {  	[sflag:s12] =	ssyncset.done $0x0  }
0xcb: {  	[sflag:s12] =	ssyncadd.s32 $0xFFFFFFB0  }
0xcc: {  	[spmem:s1] =	stream.indirect.scatter.add.f32 [tilespmem:s14], [sflag:$0x5], $0x80, s22, s13, $0xb8;
	[tilespmem:$0x1E400] =	vst v63  }
0xcd: {  	_ =	swait.ge [sflag:s23], $0x2800  }
0xce: {  	s11 =	rddreg [dreg:$0x7];
	[sflag:s23] =	ssyncset.done $0x0  }
0xcf: {  	[sflag:s23] =	ssyncadd.s32 $0xFFFFD800;
	s9 =	sadd.s32 s8, s11  }
0xd0: {  	[tilespmem:s24], [sflag:$0x9] =	stream.linear.gather [hbm4b:s9+s3], $0x50, $0x38;
	[tilespmem:$0x1E400] =	vst v63  }
0xd1: {  	_ =	swait.ge [sflag:s12], $0x50  }
0xd2: {  	[sflag:s12] =	ssyncset.done $0x0  }
0xd3: {  	[sflag:s12] =	ssyncadd.s32 $0xFFFFFFB0  }
0xd4: {  	[spmem:s1] =	stream.indirect.scatter.add.f32 [tilespmem:s16], [sflag:$0x6], $0x80, s24, s13, $0xb8;
	[tilespmem:$0x1E400] =	vst v63  }
0xd5: {  	_ =	swait.ge [sflag:s25], $0x2800  }
0xd6: {  	s10 =	rddreg [dreg:$0x5];
	[sflag:s25] =	ssyncset.done $0x0  }
0xd7: {  	[sflag:s25] =	ssyncadd.s32 $0xFFFFD800;
	s9 =	sadd.s32 s8, s10  }
0xd8: {  	[tilespmem:s26], [sflag:$0x9] =	stream.linear.gather [hbm4b:s9+s3], $0x50, $0x38;
	[tilespmem:$0x1E400] =	vst v63  }
0xd9: {  	_ =	swait.ge [sflag:s12], $0x50  }
0xda: {  	[sflag:s12] =	ssyncset.done $0x0  }
0xdb: {  	[sflag:s12] =	ssyncadd.s32 $0xFFFFFFB0  }
0xdc: {  	[spmem:s1] =	stream.indirect.scatter.add.f32 [tilespmem:s18], [sflag:$0x7], $0x80, s26, s13, $0xb8;
	[tilespmem:$0x1E400] =	vst v63  }
0xdd: {  	_ =	swait.ge [sflag:s28], $0x2800  }
0xde: {  	s11 =	rddreg [dreg:$0x3];
	[sflag:s28] =	ssyncset.done $0x0  }
0xdf: {  	s10 =	sadd.s32 s8, s11;
	[sflag:s28] =	ssyncadd.s32 $0xFFFFD800  }
0xe0: {  	[tilespmem:s29], [sflag:$0x9] =	stream.linear.gather [hbm4b:s10+s3], $0x50, $0x38;
	[tilespmem:$0x1E400] =	vst v63  }
0xe1: {  	_ =	swait.ge [sflag:s12], $0x50  }
0xe2: {  	[sflag:s12] =	ssyncset.done $0x0  }
0xe3: {  	[sflag:s12] =	ssyncadd.s32 $0xFFFFFFB0  }
0xe4: {  	[spmem:s1] =	stream.indirect.scatter.add.f32 [tilespmem:s20], [sflag:$0x8], $0x80, s29, s13, $0xb8;
	[tilespmem:$0x1E400] =	vst v63  }
0xe5: {  	_ =	swait.ge [sflag:s30], $0x2800  }
0xe6: {  	[sflag:s30] =	ssyncset.done $0x0  }
0xe7: {  	[sflag:s30] =	ssyncadd.s32 $0xFFFFD800  }
0xe8: {  	_ =	swait.ge [sflag:s31], $0x2800  }
0xe9: {  	[sflag:s31] =	ssyncset.done $0x0  }
0xea: {  	[sflag:s31] =	ssyncadd.s32 $0xFFFFD800  }
0xeb: {  	_ =	swait.ge [sflag:s0], $0x2800  }
0xec: {  	[sflag:s0] =	ssyncset.done $0x0  }
0xed: {  	[sflag:s0] =	ssyncadd.s32 $0xFFFFD800  }
0xee: {  	_ =	swait.ge [sflag:s2], $0x2800  }
0xef: {  	[sflag:s2] =	ssyncset.done $0x0  }
0xf0: {  	s11 =	rddreg [dreg:$0xd];
	[sflag:s2] =	ssyncadd.s32 $0xFFFFD800  }
0xf1: {  	[tilespmem:s3], [sflag:$0x9] =	stream.linear.gather [hbm4b:s11+s3], $0x50, $0x38;
	[tilespmem:$0x1E400] =	vst v63  }
0xf2: {  	_ =	swait.ge [sflag:s12], $0x50  }
0xf3: {  	[sflag:s12] =	ssyncset.done $0x0  }
0xf4: {  	[sflag:s12] =	ssyncadd.s32 $0xFFFFFFB0  }
0xf5: {  	[tilespmem:s14], [sflag:$0x1] =	stream.indirect.gather [hbm4b:s4+s13], $0x80, s3, s13, $0xb8;
	[tilespmem:$0x1E400] =	vst v63  }
0xf6: {  	_ =	swait.ge [sflag:s21], $0x2800  }
0xf7: {  	[sflag:s21] =	ssyncset.done $0x0  }
0xf8: {  	s9 =	rddreg [dreg:$0xe];
	[sflag:s21] =	ssyncadd.s32 $0xFFFFD800  }
0xf9: {  	[tilespmem:s22], [sflag:$0x9] =	stream.linear.gather [hbm4b:s9+s3], $0x50, $0x38;
	[tilespmem:$0x1E400] =	vst v63  }
0xfa: {  	_ =	swait.ge [sflag:s12], $0x50  }
0xfb: {  	[sflag:s12] =	ssyncset.done $0x0  }
0xfc: {  	[sflag:s12] =	ssyncadd.s32 $0xFFFFFFB0  }
0xfd: {  	[spmem:s1] =	stream.indirect.scatter.add.f32 [tilespmem:s14], [sflag:$0x5], $0x80, s22, s13, $0xb8;
	[tilespmem:$0x1E400] =	vst v63  }
0xfe: {  	_ =	swait.ge [sflag:s30], $0x2800  }
0xff: {  	[sflag:s30] =	ssyncset.done $0x0  }
0x100: {  	[sflag:s30] =	ssyncadd.s32 $0xFFFFD800  }
0x101: {  	[bflag:$0x0] =	sbarrier.arrive $0xFFFF  }
0x102: {  	s10 =	rddreg [dreg:$0xf]  }
0x103: {  	[hbm:s10], [sflag:s7] =	dma.local [spmem:s6], $0x2800  }
0x104: {  	_ =	swait.ge [sflag:s12], $0x2800  }
0x105: {  	s5 =	sadd.s32 $0x1, s5;
	s11 =	rddreg [dreg:$0x10]  }
0x106: {  	p0 =	sne.s32 s5, s11  }
.Ltmp1:
0x107: {  	_ = 	snop;
	(pc) =	sbr.rel @p0 .LBB2_1-.Ltmp1, $3  }
0x108: {  	_ =	sdelay $0x1  }
0x109: {  	[sflag:s12] =	ssyncset.done $0x0  }
0x10a: {  	[sflag:s12] =	ssyncadd.s32 $0xFFFFD800  }
0x10b: {  	_ =	sfence.sel $0x180000  }
0x10c: {  	[bflag:$0x0] =	sbarrier.arrive $0xFFFF  }
0x10d: {  	_ =	strace $0x90000050  }
0x10e: {  	s0 =	stileid.u32;
	[bflag:$0x2] =	sbarrier.arrive $0xFFFF  }
0x10f: {  	p0 =	sne.s32 s0, $0x0;
	s0 =	rddreg [dreg:$0x2]  }
0x110: {  	s0 =	sadd.s32 @!p0 $0x100000, s0  }
0x111: {  	[sflag:s0] =	ssyncadd.tile.s32 @!p0 $0x1;
	_ =	shalt  }
.Lfunc_end2:
_tile_overlayer_lowered:
.L_overlay_start_2:
0x112: {  	(tag) =	ssettag $0x2  }
0x113: {  	s0 =	rddreg [dreg:$0x0];
	s2 =	stileid.u32  }
0x114: {  	s1 =	rddreg [dreg:$0x1];
	p0 =	sne.s32 s2, $0x0  }
0x115: {  	s3 =	rddreg [dreg:$0x2];
	[bflag:$0x3] =	sbarrier.arrive $0xFFFF;
	s2 =	simm.s32 @!p0 $0x1C09  }
0x116: {  	[timem:s3], [sflag:s2] =	dma.local @!p0 [hbm:s0], s1  }
0x117: {  	s0 =	simm.s32 @!p0 $0x9  }
0x118: {  	_ =	swait.ge @!p0 [sflag:s0], s1  }
0x119: {  	s1 =	ssub.s32 @!p0 $0x0, s1;
	[sflag:s0] =	ssyncset.done @!p0 $0x0  }
0x11a: {  	[sflag:s0] =	ssyncadd.s32 @!p0 s1  }
0x11b: {  	[bflag:$0x3] =	sbarrier.arrive $0xFFFF  }
0x11c: {  	_ =	shalt  }

// kernel: kernel.26.cloned.1.call-start
scs
__scs_entry_jumppad:
0x0: {  	(pc) =	sbr.rel $0x88, $3  }
0x1: {  	(tag) =	ssettag $0x0;
	lr =	simm.s32 $0x1  }
0x2: {  	[smem:$0x3F79] =	sst lr;
	_ =	strace $0xD0000000  }
0x3: {  	_ = 	snop  }
0x4: {  	_ = 	snop  }
0x5: {  	_ = 	snop  }
0x6: {  	_ = 	snop  }
0x7: {  	_ = 	snop  }
__scs_overlays_trampoline_lowered:
0x8: {  	[smem:$0x3F88] =	sst s0  }
0x9: {  	[smem:$0x3F89] =	sst s1  }
0xa: {  	[smem:$0x3F8A] =	sst s2  }
0xb: {  	[smem:$0x3F8B] =	sst s3  }
0xc: {  	[smem:$0x3F8C] =	sst s4  }
0xd: {  	[smem:$0x3F8D] =	sst s5  }
0xe: {  	[smem:$0x3F8E] =	sst s6  }
0xf: {  	[smem:$0x3F8F] =	sst s7  }
0x10: {  	[smem:$0x3F90] =	sst s8  }
0x11: {  	[smem:$0x3F91] =	sst s9;
	s0 =	simm.s32 @!p0 $0x0  }
0x12: {  	s1 =	sld [smem:$0x3F77];
	s0 =	simm.s32 @p0 $0x1  }
0x13: {  	[smem:$0x3F92] =	sst s0;
	s0 =	simm.s32 @!p1 $0x0  }
0x14: {  	s2 =	sld [smem:$0x3F76];
	s0 =	simm.s32 @p1 $0x1  }
0x15: {  	[smem:$0x3F93] =	sst s0;
	s0 =	simm.s32 @!p2 $0x0  }
0x16: {  	s3 =	sld [smem:$0x3FDB];
	s0 =	simm.s32 @p2 $0x1  }
0x17: {  	s4 =	simm.s32 $0x1BF5;
	[smem:$0x3F95] =	sst s0  }
0x18: {  	s0 =	sld [smem:$0x3F78];
	_ =	swait.ge [sflag:s4], $0x0  }
0x19: {  	s7 =	sld [smem:$0x3F79]  }
0x1a: {  	s8 =	sadd.s32 $0xFFFFE003, lr  }
0x1b: {  	s9 =	sadd.s32 $0xFFFFFEF7, lr;
	s5 =	simm.s32 $0xFFFFFFFF;
	p2 =	slt.u32 s8, $0xFFFFF086  }
0x1c: {  	p1 =	slt.u32 s9, $0xF7A;
	s5 =	simm.s32 @!p2 $0x0  }
0x1d: {  	s5 =	simm.s32 @p1 $0x1;
	p0 =	seq.s32 s7, s2  }
0x1e: {  	s7 =	smul.u32 @!p0 $0xF7A, s2;
	p2 =	seq.s32 @!p0 s5, $0x0  }
0x1f: {  	s9 =	smul.u32 $0xF7A, s1;
	s8 =	simm.s32 @!p0 $0x1BF5;
	p2 =	por !p2, p0  }
0x20: {  	[sflag:s8] =	ssyncset.s32 @!p0 $0xFFFFF086;
	s6 =	sadd.s32 @!p0 s3, s7;
	s7 =	simm.s32 @!p0 $0x108  }
0x21: {  	s3 =	sadd.s32 s3, s9;
	s6 =	sadd.s32 @!p0 $0x88, s6;
	s7 =	simm.s32 @p2 $0x1082  }
0x22: {  	[simem:s7], [sflag:s8] =	dma.local @!p0 [hbm:s6], $0xF7A  }
0x23: {  	s9 =	sor.u32 $0xD0000000, s2;
	s6 =	simm.s32 $0x108;
	_ =	swait.ge @!p0 [sflag:s8], $0x0  }
0x24: {  	s3 =	sadd.s32 $0x88, s3;
	s6 =	simm.s32 @!p1 $0x1082;
	[sflag:s4] =	ssyncset.s32 $0xFFFFF086  }
0x25: {  	[simem:s6], [sflag:s4] =	dma.local [hbm:s3], $0xF7A  }
0x26: {  	[smem:$0x3F79] =	sst s1;
	(tag) =	ssettag s2;
	_ =	strace s9  }
0x27: {  	s1 =	sld [smem:$0x3F89]  }
0x28: {  	s2 =	sld [smem:$0x3F8A]  }
0x29: {  	s4 =	sld [smem:$0x3F8C]  }
0x2a: {  	p0 =	seq.s32 s5, $0x0;
	s5 =	sld [smem:$0x3F8D]  }
0x2b: {  	s6 =	sld [smem:$0x3F8E]  }
0x2c: {  	s7 =	sld [smem:$0x3F8F]  }
0x2d: {  	s3 =	simm.s32 $0x108;
	s8 =	sld [smem:$0x3F90]  }
0x2e: {  	s3 =	simm.s32 @!p0 $0x1082;
	s9 =	sld [smem:$0x3F91]  }
0x2f: {  	lr =	sadd.s32 s0, s3;
	s0 =	sld [smem:$0x3F88]  }
0x30: {  	s3 =	sld [smem:$0x3F8B]  }
0x31: {  	[smem:$0x3F94] =	sst s10  }
0x32: {  	s10 =	sld [smem:$0x3F92];
	_ =	sdelay $0x3  }
0x33: {  	p0 =	seq.s32 s10, $0x1;
	s10 =	sld [smem:$0x3F94];
	_ =	sdelay $0x3  }
0x34: {  	[smem:$0x3F94] =	sst s10  }
0x35: {  	s10 =	sld [smem:$0x3F93];
	_ =	sdelay $0x3  }
0x36: {  	p1 =	seq.s32 s10, $0x1;
	s10 =	sld [smem:$0x3F94];
	_ =	sdelay $0x3  }
0x37: {  	[smem:$0x3F94] =	sst s10  }
0x38: {  	s10 =	sld [smem:$0x3F95]  }
0x39: {  	_ = 	snop;
	(pc) =	sbr.ind lr, $3  }
0x3a: {  	_ = 	snop  }
0x3b: {  	_ = 	snop  }
0x3c: {  	p2 =	seq.s32 s10, $0x1;
	s10 =	sld [smem:$0x3F94]  }
0x3d: {  	_ =	shalt  }
0x3e: {  	_ =	shalt  }
0x3f: {  	_ =	shalt  }
0x40: {  	_ =	shalt  }
0x41: {  	_ =	shalt  }
0x42: {  	_ =	shalt  }
0x43: {  	_ =	shalt  }
0x44: {  	_ =	shalt  }
0x45: {  	_ =	shalt  }
0x46: {  	_ =	shalt  }
0x47: {  	_ =	shalt  }
0x48: {  	_ =	shalt  }
0x49: {  	_ =	shalt  }
0x4a: {  	_ =	shalt  }
0x4b: {  	_ =	shalt  }
0x4c: {  	_ =	shalt  }
0x4d: {  	_ =	shalt  }
0x4e: {  	_ =	shalt  }
0x4f: {  	_ =	shalt  }
0x50: {  	_ =	shalt  }
0x51: {  	_ =	shalt  }
0x52: {  	_ =	shalt  }
0x53: {  	_ =	shalt  }
0x54: {  	_ =	shalt  }
0x55: {  	_ =	shalt  }
0x56: {  	_ =	shalt  }
0x57: {  	_ =	shalt  }
0x58: {  	_ =	shalt  }
0x59: {  	_ =	shalt  }
0x5a: {  	_ =	shalt  }
0x5b: {  	_ =	shalt  }
0x5c: {  	_ =	shalt  }
0x5d: {  	_ =	shalt  }
0x5e: {  	_ =	shalt  }
0x5f: {  	_ =	shalt  }
0x60: {  	_ =	shalt  }
0x61: {  	_ =	shalt  }
0x62: {  	_ =	shalt  }
0x63: {  	_ =	shalt  }
0x64: {  	_ =	shalt  }
0x65: {  	_ =	shalt  }
0x66: {  	_ =	shalt  }
0x67: {  	_ =	shalt  }
0x68: {  	_ =	shalt  }
0x69: {  	_ =	shalt  }
0x6a: {  	_ =	shalt  }
0x6b: {  	_ =	shalt  }
0x6c: {  	_ =	shalt  }
0x6d: {  	_ =	shalt  }
0x6e: {  	_ =	shalt  }
0x6f: {  	_ =	shalt  }
0x70: {  	_ =	shalt  }
0x71: {  	_ =	shalt  }
0x72: {  	_ =	shalt  }
0x73: {  	_ =	shalt  }
0x74: {  	_ =	shalt  }
0x75: {  	_ =	shalt  }
0x76: {  	_ =	shalt  }
0x77: {  	_ =	shalt  }
0x78: {  	_ =	shalt  }
0x79: {  	_ =	shalt  }
0x7a: {  	_ =	shalt  }
0x7b: {  	_ =	shalt  }
0x7c: {  	_ =	shalt  }
0x7d: {  	_ =	shalt  }
0x7e: {  	_ =	shalt  }
0x7f: {  	_ =	shalt  }
0x80: {  	_ =	shalt  }
0x81: {  	_ =	shalt  }
0x82: {  	_ =	shalt  }
0x83: {  	_ =	shalt  }
0x84: {  	_ =	shalt  }
0x85: {  	_ =	shalt  }
0x86: {  	_ =	shalt  }
0x87: {  	_ =	shalt  }
.Lfunc_end0:
.L_simem_size_0:
called_computation.4_lowered:
.L_overlay_start_0:
0x88: {  	s2 =	sld [smem:$0x3FD9]  }
0x89: {  	s3 =	sld [smem:$0x3FFE];
	_ =	sdelay $0x1  }
0x8a: {  	s1 =	srdreg.scid  }
0x8b: {  	s0 =	sand.u32 $0x1, s1  }
0x8c: {  	s16 =	sshll.u32 s0, $0xA;
	s2 =	sadd.s32 s3, s2  }
0x8d: {  	s2 =	sadd.s32 s2, s16  }
0x8e: {  	[smem:$0x3FA0] =	sst s2  }
0x8f: {  	_ = 	snop  }
0x90: {  	(tm) =	ssettm $0x1  }
0x91: {  	s17 =	sld [smem:$0x3FFB];
	_ =	sdelay $0x3  }
0x92: {  	_ =	strace s17  }
0x93: {  	s2 =	sld [smem:$0x3FFC];
	_ =	sdelay $0x3  }
0x94: {  	_ =	strace s2  }
0x95: {  	s2 =	sld [smem:$0x3FFD];
	_ =	sdelay $0x3  }
0x96: {  	_ =	strace s2  }
0x97: {  	_ =	strace $0x8FFFFFFF  }
0x98: {  	s18 =	sld [smem:$0x3FDB];
	_ =	sdelay $0x1  }
0x99: {  	s19 =	simm.s32 $_scs_section_size  }
0x9a: {  	s4 =	simm.s32 $_size__tile_overlayer_lowered;
	s5 =	simm.s32 $_tile_overlayer_lowered  }
0x9b: {  	s22 =	simm.s32 $0x1BFF;
	s21 =	sshll.u32 s5, $0x1;
	s2 =	sadd.s32 s19, s18  }
0x9c: {  	s6 =	simm.s32 $0x0;
	s20 =	sshll.u32 s4, $0x1;
	s4 =	sadd.s32 s21, s2  }
0x9d: {  	[timem:s6], [sflag:s22] =	dma.local [hbm:s4], s20  }
0x9e: {  	_ =	swait.ge [sflag:s22], s20  }
0x9f: {  	s3 =	ssub.s32 $0x0, s20;
	[sflag:s22] =	ssyncset.done $0x0  }
0xa0: {  	[sflag:s22] =	ssyncadd.s32 s3;
	_ =	sdelay $0x1  }
0xa1: {  	s23 =	simm.s32 $0x1B8B  }
0xa2: {  	_ =	swait.ge [sflag:s23], $0x1  }
0xa3: {  	[sflag:s23] =	ssyncset.done $0x0  }
0xa4: {  	s25 =	simm.s32 $0x1B8E;
	s24 =	sld [smem:$0x3FFE];
	[sflag:s23] =	ssyncadd.s32 $0xFFFFFFFF  }
0xa5: {  	s26 =	simm.s32 $execute0_lowered;
	[smem:$0x3FD2] =	sst s25  }
0xa6: {  	s4 =	sshll.u32 s26, $0x1;
	_ =	strace $0x80000052;
	[dreg:$0x1] =	wrdreg $0xFFFFFFFF  }
0xa7: {  	s28 =	simm.s32 $_size_execute0_lowered;
	s2 =	sadd.s32 s2, s4;
	[dreg:$0x0] =	wrdreg $0x0  }
0xa8: {  	s4 =	sshll.u32 s28, $0x1;
	[dreg:$0x2] =	wrdreg s2  }
0xa9: {  	[dreg:$0x3] =	wrdreg s4  }
0xaa: {  	[dreg:$0x4] =	wrdreg $0xC0  }
0xab: {  	_ =	task [dreg:s6], $0x5FFFF  }
0xac: {  	[dreg:$0x1] =	wrdreg $0xFFFFFFFF  }
0xad: {  	[dreg:$0x0] =	wrdreg $0x60  }
0xae: {  	[dreg:$0x2] =	wrdreg s24  }
0xaf: {  	[dreg:$0x3] =	wrdreg $0xA4000  }
0xb0: {  	[dreg:$0x4] =	wrdreg $0x9  }
0xb1: {  	_ =	task.clear_ibuf [dreg:s6], $0x5FFFF;
	_ =	strace $0x90000052  }
0xb2: {  	s29 =	simm.s32 $0x9;
	_ =	strace $0x80000054  }
0xb3: {  	_ =	swait.ge [sflag:s29], $0x1  }
0xb4: {  	[sflag:s29] =	ssyncadd.s32 $0xFFFFFFFF  }
0xb5: {  	_ =	strace $0x90000054  }
0xb6: {  	_ =	sfence  }
0xb7: {  	s30 =	sld [smem:$0x0];
	_ =	sdelay $0x2  }
0xb8: {  	s31 =	sshll.u32 s1, $0xD;
	s1 =	sshrl.u32 s1, $0x2  }
0xb9: {  	s3 =	sand.u32 $0x4000, s31;
	s1 =	sadd.s32 s1, s30  }
0xba: {  	s0 =	sor.u32 s3, s0;
	s1 =	sshll.u32 s1, $0x11  }
0xbb: {  	s0 =	sor.u32 s1, s0  }
0xbc: {  	s0 =	sadd.s32 $0x8F2B, s0  }
0xbd: {  	[sflag:s0] =	ssyncadd.remote.s32 $0x1  }
0xbe: {  	_ =	sfence.sel $0xFFFF  }
0xbf: {  	[dreg:$0x0] =	wrdreg $0xFFFFFFFF;
	(pc) =	sbr.abs _section_cstart, $3  }
0xc0: {  	[dreg:$0x1] =	wrdreg $0xFFFFFFFF  }
0xc1: {  	_ =	task.clear_ibuf [dreg:s6], $0x2FFFF;
	_ =	strace $0x9FFFFFFF  }
0xc2: {  	(tm) =	ssettm $0x7FFFFFFF  }
0xc3: {  	_ =	shalt  }
tec
execute0_lowered:
.L_overlay_start_1:
0x0: {  	(tag) =	ssettag $0x1  }
0x1: {  	s0 =	rddreg [dreg:$0x0]  }
0x2: {  	s1 =	rddreg [dreg:$0x1];
	s3 =	simm.s32 $0x0;
	s2 =	srdreg.scid  }
0x3: {  	s13 =	stileid.u32;
	s28 =	simm.s32 $0x4;
	s29 =	simm.s32 $0x380  }
0x4: {  	s30 =	simm.s32 $0x5;
	s31 =	simm.s32 $0x6;
	s6 =	smul.u32 $0x14000, s13  }
0x5: {  	[smem:$0x7FF] =	sst s3;
	s2 =	sand.u32 $0x1, s2;
	s24 =	smul.u32 $0x50000, s13  }
0x6: {  	s4 =	sadd.s32 $0x45C00, s0;
	s8 =	sadd.s32 $0x6E200, s0;
	s12 =	smul.u32 $0x2710, s13  }
0x7: {  	s9 =	sadd.s32 $0x78000, s0;
	s7 =	sadd.s32 $0x43400, s0;
	s5 =	smul.u32 $0x140000, s2  }
0x8: {  	_ =	strace $0x80000053;
	[dreg:$0xb] =	wrdreg s7;
	s25 =	ssub.s32 $0x2, s2  }
0x9: {  	s10 =	smul.u32 $0x27100, s2;
	s2 =	sshll.u32 s2, $0x4;
	s11 =	sshrl.u32 s25, $0x1  }
0xa: {  	s2 =	sor.u32 s13, s2;
	s13 =	sshll.u32 s13, $0x6;
	s5 =	sadd.s32 s6, s5  }
0xb: {  	s26 =	ssub.s32 s25, s11;
	s6 =	sshrl.u32 s24, $0x2;
	s2 =	smul.u32 $0x2710, s2  }
0xc: {  	s10 =	sadd.s32 s12, s10;
	s7 =	sor.u32 $0x1C09, s13;
	s13 =	simm.s32 $0x50  }
0xd: {  	s5 =	sshrl.u32 s5, $0x3;
	s6 =	sadd.s32 s6, s1;
	s14 =	sadd.s32 $0xF0, s10  }
0xe: {  	s12 =	sadd.s32 $0xA0, s10;
	s18 =	sadd.s32 $0x50, s10;
	s10 =	sshrl.u32 s10, $0x3  }
0xf: {  	s26 =	smax.u32 s26, $0x1;
	s0 =	sadd.s32 s5, s0;
	[dreg:$0xc] =	wrdreg s6  }
0x10: {  	s2 =	sshrl.u32 s2, $0x3;
	s15 =	sshrl.u32 s14, $0x3;
	s16 =	sshrl.u32 s12, $0x3  }
0x11: {  	s20 =	sshrl.u32 s18, $0x3;
	s24 =	sadd.s32 s10, s9;
	s25 =	sadd.s32 s10, s8  }
0x12: {  	[dreg:$0x10] =	wrdreg s26;
	s12 =	simm.s32 $0x9;
	s14 =	simm.s32 $0x400  }
0x13: {  	s18 =	simm.s32 $0x5400;
	s26 =	simm.s32 $0x300;
	[dreg:$0x9] =	wrdreg s24  }
0x14: {  	s5 =	simm.s32 $0x0;
	s11 =	sadd.s32 s15, s9;
	[dreg:$0xa] =	wrdreg s25  }
0x15: {  	s2 =	sadd.s32 $0x4D8, s2;
	s6 =	sadd.s32 s15, s8;
	[dreg:$0x3] =	wrdreg s11  }
0x16: {  	s17 =	sadd.s32 s16, s9;
	s19 =	sadd.s32 s16, s8;
	[dreg:$0x4] =	wrdreg s6  }
0x17: {  	s22 =	sadd.s32 s20, s9;
	s23 =	sadd.s32 s20, s8;
	[dreg:$0x5] =	wrdreg s17  }
0x18: {  	s0 =	sadd.s32 $0x81E00, s0;
	s15 =	simm.s32 $0x80;
	[dreg:$0x6] =	wrdreg s19  }
0x19: {  	s16 =	simm.s32 $0x2C00;
	s20 =	simm.s32 $0x7C00;
	[dreg:$0x7] =	wrdreg s22  }
0x1a: {  	s24 =	simm.s32 $0x280;
	s25 =	simm.s32 $0x3;
	[dreg:$0x8] =	wrdreg s23  }
0x1b: {  	s21 =	sadd.s32 s8, s2;
	s2 =	sadd.s32 s9, s2;
	[dreg:$0xf] =	wrdreg s0  }
0x1c: {  	s17 =	simm.s32 $0x100;
	s19 =	simm.s32 $0x180;
	s22 =	simm.s32 $0x200  }
0x1d: {  	s23 =	simm.s32 $0x2;
	s0 =	simm.s32 $0x7;
	[dreg:$0xd] =	wrdreg s21  }
0x1e: {  	[dreg:$0xe] =	wrdreg s2;
	s21 =	simm.s32 $0x1;
	s2 =	simm.s32 $0x8  }
.LBB2_1:
0x1f: {  	s6 =	rddreg [dreg:$0xc]  }
0x20: {  	s8 =	rddreg [dreg:$0xb];
	s6 =	sshrl.u32 s6, $0x3  }
0x21: {  	[spmem:s6], [sflag:s7] =	dma.local [hbm:s8], $0x2800  }
0x22: {  	_ =	swait.ge [sflag:s12], $0x2800  }
0x23: {  	[sflag:s12] =	ssyncset.done $0x0  }
0x24: {  	[sflag:s12] =	ssyncadd.s32 $0xFFFFD800  }
0x25: {  	[bflag:$0x0] =	sbarrier.arrive $0xFFFF  }
0x26: {  	s10 =	rddreg [dreg:$0xa]  }
0x27: {  	s8 =	sadd.s32 $0x0, s10  }
0x28: {  	[tilespmem:s3], [sflag:$0x9] =	stream.linear.gather [hbm4b:s8+s3], $0x50, $0x38;
	[tilespmem:$0x1E400] =	vst v63  }
0x29: {  	_ =	swait.ge [sflag:s12], $0x50  }
0x2a: {  	[sflag:s12] =	ssyncset.done $0x0  }
0x2b: {  	s11 =	rddreg [dreg:$0x8];
	[sflag:s12] =	ssyncadd.s32 $0xFFFFFFB0  }
0x2c: {  	[tilespmem:s14], [sflag:$0x1] =	stream.indirect.gather [hbm4b:s4+s13], $0x80, s3, s13, $0xb8;
	[tilespmem:$0x1E400] =	vst v63  }
0x2d: {  	s8 =	sadd.s32 $0x0, s11  }
0x2e: {  	[tilespmem:s15], [sflag:$0x9] =	stream.linear.gather [hbm4b:s8+s3], $0x50, $0x38;
	[tilespmem:$0x1E400] =	vst v63  }
0x2f: {  	_ =	swait.ge [sflag:s12], $0x50  }
0x30: {  	[sflag:s12] =	ssyncset.done $0x0  }
0x31: {  	s9 =	rddreg [dreg:$0x6];
	[sflag:s12] =	ssyncadd.s32 $0xFFFFFFB0  }
0x32: {  	[tilespmem:s16], [sflag:$0x2] =	stream.indirect.gather [hbm4b:s4+s13], $0x80, s15, s13, $0xb8;
	[tilespmem:$0x1E400] =	vst v63  }
0x33: {  	s8 =	sadd.s32 $0x0, s9  }
0x34: {  	[tilespmem:s17], [sflag:$0x9] =	stream.linear.gather [hbm4b:s8+s3], $0x50, $0x38;
	[tilespmem:$0x1E400] =	vst v63  }
0x35: {  	_ =	swait.ge [sflag:s12], $0x50  }
0x36: {  	[sflag:s12] =	ssyncset.done $0x0  }
0x37: {  	s10 =	rddreg [dreg:$0x4];
	[sflag:s12] =	ssyncadd.s32 $0xFFFFFFB0  }
0x38: {  	[tilespmem:s18], [sflag:$0x3] =	stream.indirect.gather [hbm4b:s4+s13], $0x80, s17, s13, $0xb8;
	[tilespmem:$0x1E400] =	vst v63  }
0x39: {  	s8 =	sadd.s32 $0x0, s10  }
0x3a: {  	[tilespmem:s19], [sflag:$0x9] =	stream.linear.gather [hbm4b:s8+s3], $0x50, $0x38;
	[tilespmem:$0x1E400] =	vst v63  }
0x3b: {  	_ =	swait.ge [sflag:s12], $0x50  }
0x3c: {  	[sflag:s12] =	ssyncset.done $0x0  }
0x3d: {  	[sflag:s12] =	ssyncadd.s32 $0xFFFFFFB0  }
0x3e: {  	[tilespmem:s20], [sflag:$0x4] =	stream.indirect.gather [hbm4b:s4+s13], $0x80, s19, s13, $0xb8;
	[tilespmem:$0x1E400] =	vst v63  }
0x3f: {  	_ =	swait.ge [sflag:s21], $0x2800  }
0x40: {  	s11 =	rddreg [dreg:$0x9];
	[sflag:s21] =	ssyncset.done $0x0  }
0x41: {  	[sflag:s21] =	ssyncadd.s32 $0xFFFFD800;
	s8 =	sadd.s32 $0x0, s11  }
0x42: {  	[tilespmem:s22], [sflag:$0x9] =	stream.linear.gather [hbm4b:s8+s3], $0x50, $0x38;
	[tilespmem:$0x1E400] =	vst v63  }
0x43: {  	_ =	swait.ge [sflag:s12], $0x50  }
0x44: {  	[sflag:s12] =	ssyncset.done $0x0  }
0x45: {  	[sflag:s12] =	ssyncadd.s32 $0xFFFFFFB0  }
0x46: {  	[spmem:s1] =	stream.indirect.scatter.add.f32 [tilespmem:s14], [sflag:$0x5], $0x80, s22, s13, $0xb8;
	[tilespmem:$0x1E400] =	vst v63  }
0x47: {  	_ =	swait.ge [sflag:s23], $0x2800  }
0x48: {  	s9 =	rddreg [dreg:$0x7];
	[sflag:s23] =	ssyncset.done $0x0  }
0x49: {  	[sflag:s23] =	ssyncadd.s32 $0xFFFFD800;
	s8 =	sadd.s32 $0x0, s9  }
0x4a: {  	[tilespmem:s24], [sflag:$0x9] =	stream.linear.gather [hbm4b:s8+s3], $0x50, $0x38;
	[tilespmem:$0x1E400] =	vst v63  }
0x4b: {  	_ =	swait.ge [sflag:s12], $0x50  }
0x4c: {  	[sflag:s12] =	ssyncset.done $0x0  }
0x4d: {  	[sflag:s12] =	ssyncadd.s32 $0xFFFFFFB0  }
0x4e: {  	[spmem:s1] =	stream.indirect.scatter.add.f32 [tilespmem:s16], [sflag:$0x6], $0x80, s24, s13, $0xb8;
	[tilespmem:$0x1E400] =	vst v63  }
0x4f: {  	_ =	swait.ge [sflag:s25], $0x2800  }
0x50: {  	s10 =	rddreg [dreg:$0x5];
	[sflag:s25] =	ssyncset.done $0x0  }
0x51: {  	[sflag:s25] =	ssyncadd.s32 $0xFFFFD800;
	s8 =	sadd.s32 $0x0, s10  }
0x52: {  	[tilespmem:s26], [sflag:$0x9] =	stream.linear.gather [hbm4b:s8+s3], $0x50, $0x38;
	[tilespmem:$0x1E400] =	vst v63  }
0x53: {  	_ =	swait.ge [sflag:s12], $0x50  }
0x54: {  	[sflag:s12] =	ssyncset.done $0x0  }
0x55: {  	[sflag:s12] =	ssyncadd.s32 $0xFFFFFFB0  }
0x56: {  	[spmem:s1] =	stream.indirect.scatter.add.f32 [tilespmem:s18], [sflag:$0x7], $0x80, s26, s13, $0xb8;
	[tilespmem:$0x1E400] =	vst v63  }
0x57: {  	_ =	swait.ge [sflag:s28], $0x2800  }
0x58: {  	s11 =	rddreg [dreg:$0x3];
	[sflag:s28] =	ssyncset.done $0x0  }
0x59: {  	[sflag:s28] =	ssyncadd.s32 $0xFFFFD800;
	s8 =	sadd.s32 $0x0, s11  }
0x5a: {  	[tilespmem:s29], [sflag:$0x9] =	stream.linear.gather [hbm4b:s8+s3], $0x50, $0x38;
	[tilespmem:$0x1E400] =	vst v63  }
0x5b: {  	_ =	swait.ge [sflag:s12], $0x50  }
0x5c: {  	[sflag:s12] =	ssyncset.done $0x0  }
0x5d: {  	[sflag:s12] =	ssyncadd.s32 $0xFFFFFFB0  }
0x5e: {  	[spmem:s1] =	stream.indirect.scatter.add.f32 [tilespmem:s20], [sflag:$0x8], $0x80, s29, s13, $0xb8;
	[tilespmem:$0x1E400] =	vst v63  }
0x5f: {  	_ =	swait.ge [sflag:s30], $0x2800  }
0x60: {  	[sflag:s30] =	ssyncset.done $0x0  }
0x61: {  	[sflag:s30] =	ssyncadd.s32 $0xFFFFD800  }
0x62: {  	_ =	swait.ge [sflag:s31], $0x2800  }
0x63: {  	[sflag:s31] =	ssyncset.done $0x0  }
0x64: {  	[sflag:s31] =	ssyncadd.s32 $0xFFFFD800  }
0x65: {  	_ =	swait.ge [sflag:s0], $0x2800  }
0x66: {  	[sflag:s0] =	ssyncset.done $0x0  }
0x67: {  	[sflag:s0] =	ssyncadd.s32 $0xFFFFD800  }
0x68: {  	s9 =	simm.s32 $0x50;
	_ =	swait.ge [sflag:s2], $0x2800  }
0x69: {  	s8 =	simm.s32 $0x28;
	s11 =	rddreg [dreg:$0xa];
	[sflag:s2] =	ssyncset.done $0x0  }
.LBB2_2:
0x6a: {  	[sflag:s2] =	ssyncadd.s32 $0xFFFFD800;
	s11 =	sadd.s32 s8, s11  }
0x6b: {  	[tilespmem:s3], [sflag:$0x9] =	stream.linear.gather [hbm4b:s11+s3], $0x50, $0x38;
	[tilespmem:$0x1E400] =	vst v63  }
0x6c: {  	_ =	swait.ge [sflag:s12], $0x50  }
0x6d: {  	[sflag:s12] =	ssyncset.done $0x0  }
0x6e: {  	s11 =	rddreg [dreg:$0x8];
	[sflag:s12] =	ssyncadd.s32 $0xFFFFFFB0  }
0x6f: {  	[tilespmem:s14], [sflag:$0x1] =	stream.indirect.gather [hbm4b:s4+s13], $0x80, s3, s13, $0xb8;
	[tilespmem:$0x1E400] =	vst v63  }
0x70: {  	s11 =	sadd.s32 s8, s11  }
0x71: {  	[tilespmem:s15], [sflag:$0x9] =	stream.linear.gather [hbm4b:s11+s3], $0x50, $0x38;
	[tilespmem:$0x1E400] =	vst v63  }
0x72: {  	_ =	swait.ge [sflag:s12], $0x50  }
0x73: {  	[sflag:s12] =	ssyncset.done $0x0  }
0x74: {  	s11 =	rddreg [dreg:$0x6];
	[sflag:s12] =	ssyncadd.s32 $0xFFFFFFB0  }
0x75: {  	[tilespmem:s16], [sflag:$0x2] =	stream.indirect.gather [hbm4b:s4+s13], $0x80, s15, s13, $0xb8;
	[tilespmem:$0x1E400] =	vst v63  }
0x76: {  	s11 =	sadd.s32 s8, s11  }
0x77: {  	[tilespmem:s17], [sflag:$0x9] =	stream.linear.gather [hbm4b:s11+s3], $0x50, $0x38;
	[tilespmem:$0x1E400] =	vst v63  }
0x78: {  	_ =	swait.ge [sflag:s12], $0x50  }
0x79: {  	[sflag:s12] =	ssyncset.done $0x0  }
0x7a: {  	s11 =	rddreg [dreg:$0x4];
	[sflag:s12] =	ssyncadd.s32 $0xFFFFFFB0  }
0x7b: {  	[tilespmem:s18], [sflag:$0x3] =	stream.indirect.gather [hbm4b:s4+s13], $0x80, s17, s13, $0xb8;
	[tilespmem:$0x1E400] =	vst v63  }
0x7c: {  	s11 =	sadd.s32 s8, s11  }
0x7d: {  	[tilespmem:s19], [sflag:$0x9] =	stream.linear.gather [hbm4b:s11+s3], $0x50, $0x38;
	[tilespmem:$0x1E400] =	vst v63  }
0x7e: {  	_ =	swait.ge [sflag:s12], $0x50  }
0x7f: {  	[sflag:s12] =	ssyncset.done $0x0  }
0x80: {  	[sflag:s12] =	ssyncadd.s32 $0xFFFFFFB0  }
0x81: {  	[tilespmem:s20], [sflag:$0x4] =	stream.indirect.gather [hbm4b:s4+s13], $0x80, s19, s13, $0xb8;
	[tilespmem:$0x1E400] =	vst v63  }
0x82: {  	_ =	swait.ge [sflag:s21], $0x2800  }
0x83: {  	s11 =	rddreg [dreg:$0x9];
	[sflag:s21] =	ssyncset.done $0x0  }
0x84: {  	[sflag:s21] =	ssyncadd.s32 $0xFFFFD800;
	s11 =	sadd.s32 s8, s11  }
0x85: {  	[tilespmem:s22], [sflag:$0x9] =	stream.linear.gather [hbm4b:s11+s3], $0x50, $0x38;
	[tilespmem:$0x1E400] =	vst v63  }
0x86: {  	_ =	swait.ge [sflag:s12], $0x50  }
0x87: {  	[sflag:s12] =	ssyncset.done $0x0  }
0x88: {  	[sflag:s12] =	ssyncadd.s32 $0xFFFFFFB0  }
0x89: {  	[spmem:s1] =	stream.indirect.scatter.add.f32 [tilespmem:s14], [sflag:$0x5], $0x80, s22, s13, $0xb8;
	[tilespmem:$0x1E400] =	vst v63  }
0x8a: {  	_ =	swait.ge [sflag:s23], $0x2800  }
0x8b: {  	s11 =	rddreg [dreg:$0x7];
	[sflag:s23] =	ssyncset.done $0x0  }
0x8c: {  	[sflag:s23] =	ssyncadd.s32 $0xFFFFD800;
	s11 =	sadd.s32 s8, s11  }
0x8d: {  	[tilespmem:s24], [sflag:$0x9] =	stream.linear.gather [hbm4b:s11+s3], $0x50, $0x38;
	[tilespmem:$0x1E400] =	vst v63  }
0x8e: {  	_ =	swait.ge [sflag:s12], $0x50  }
0x8f: {  	[sflag:s12] =	ssyncset.done $0x0  }
0x90: {  	[sflag:s12] =	ssyncadd.s32 $0xFFFFFFB0  }
0x91: {  	[spmem:s1] =	stream.indirect.scatter.add.f32 [tilespmem:s16], [sflag:$0x6], $0x80, s24, s13, $0xb8;
	[tilespmem:$0x1E400] =	vst v63  }
0x92: {  	_ =	swait.ge [sflag:s25], $0x2800  }
0x93: {  	s11 =	rddreg [dreg:$0x5];
	[sflag:s25] =	ssyncset.done $0x0  }
0x94: {  	[sflag:s25] =	ssyncadd.s32 $0xFFFFD800;
	s11 =	sadd.s32 s8, s11  }
0x95: {  	[tilespmem:s26], [sflag:$0x9] =	stream.linear.gather [hbm4b:s11+s3], $0x50, $0x38;
	[tilespmem:$0x1E400] =	vst v63  }
0x96: {  	_ =	swait.ge [sflag:s12], $0x50  }
0x97: {  	[sflag:s12] =	ssyncset.done $0x0  }
0x98: {  	[sflag:s12] =	ssyncadd.s32 $0xFFFFFFB0  }
0x99: {  	[spmem:s1] =	stream.indirect.scatter.add.f32 [tilespmem:s18], [sflag:$0x7], $0x80, s26, s13, $0xb8;
	[tilespmem:$0x1E400] =	vst v63  }
0x9a: {  	_ =	swait.ge [sflag:s28], $0x2800  }
0x9b: {  	s11 =	rddreg [dreg:$0x3];
	[sflag:s28] =	ssyncset.done $0x0  }
0x9c: {  	[sflag:s28] =	ssyncadd.s32 $0xFFFFD800;
	s11 =	sadd.s32 s8, s11  }
0x9d: {  	[tilespmem:s29], [sflag:$0x9] =	stream.linear.gather [hbm4b:s11+s3], $0x50, $0x38;
	[tilespmem:$0x1E400] =	vst v63  }
0x9e: {  	_ =	swait.ge [sflag:s12], $0x50  }
0x9f: {  	[sflag:s12] =	ssyncset.done $0x0  }
0xa0: {  	[sflag:s12] =	ssyncadd.s32 $0xFFFFFFB0  }
0xa1: {  	[spmem:s1] =	stream.indirect.scatter.add.f32 [tilespmem:s20], [sflag:$0x8], $0x80, s29, s13, $0xb8;
	[tilespmem:$0x1E400] =	vst v63  }
0xa2: {  	_ =	swait.ge [sflag:s30], $0x2800  }
0xa3: {  	[sflag:s30] =	ssyncset.done $0x0  }
0xa4: {  	[sflag:s30] =	ssyncadd.s32 $0xFFFFD800  }
0xa5: {  	_ =	swait.ge [sflag:s31], $0x2800  }
0xa6: {  	[sflag:s31] =	ssyncset.done $0x0  }
0xa7: {  	p0 =	sne.s32 s9, $0x4B0;
	[sflag:s31] =	ssyncadd.s32 $0xFFFFD800  }
.Ltmp0:
0xa8: {  	_ =	swait.ge [sflag:s0], $0x2800;
	(pc) =	sbr.rel @p0 .LBB2_2-.Ltmp0, $4  }
0xa9: {  	[sflag:s0] =	ssyncset.done $0x0  }
0xaa: {  	[sflag:s0] =	ssyncadd.s32 $0xFFFFD800  }
0xab: {  	s10 =	smov.u32 s9;
	s9 =	sadd.s32 $0x28, s9;
	_ =	swait.ge [sflag:s2], $0x2800  }
0xac: {  	s8 =	smov.u32 s10;
	s11 =	rddreg [dreg:$0xa];
	[sflag:s2] =	ssyncset.done $0x0  }
0xad: {  	[sflag:s2] =	ssyncadd.s32 $0xFFFFD800;
	s9 =	sadd.s32 s8, s11  }
0xae: {  	[tilespmem:s3], [sflag:$0x9] =	stream.linear.gather [hbm4b:s9+s3], $0x50, $0x38;
	[tilespmem:$0x1E400] =	vst v63  }
0xaf: {  	_ =	swait.ge [sflag:s12], $0x50  }
0xb0: {  	[sflag:s12] =	ssyncset.done $0x0  }
0xb1: {  	s11 =	rddreg [dreg:$0x8];
	[sflag:s12] =	ssyncadd.s32 $0xFFFFFFB0  }
0xb2: {  	[tilespmem:s14], [sflag:$0x1] =	stream.indirect.gather [hbm4b:s4+s13], $0x80, s3, s13, $0xb8;
	[tilespmem:$0x1E400] =	vst v63  }
0xb3: {  	s9 =	sadd.s32 s8, s11  }
0xb4: {  	[tilespmem:s15], [sflag:$0x9] =	stream.linear.gather [hbm4b:s9+s3], $0x50, $0x38;
	[tilespmem:$0x1E400] =	vst v63  }
0xb5: {  	_ =	swait.ge [sflag:s12], $0x50  }
0xb6: {  	[sflag:s12] =	ssyncset.done $0x0  }
0xb7: {  	s10 =	rddreg [dreg:$0x6];
	[sflag:s12] =	ssyncadd.s32 $0xFFFFFFB0  }
0xb8: {  	[tilespmem:s16], [sflag:$0x2] =	stream.indirect.gather [hbm4b:s4+s13], $0x80, s15, s13, $0xb8;
	[tilespmem:$0x1E400] =	vst v63  }
0xb9: {  	s9 =	sadd.s32 s8, s10  }
0xba: {  	[tilespmem:s17], [sflag:$0x9] =	stream.linear.gather [hbm4b:s9+s3], $0x50, $0x38;
	[tilespmem:$0x1E400] =	vst v63  }
0xbb: {  	_ =	swait.ge [sflag:s12], $0x50  }
0xbc: {  	[sflag:s12] =	ssyncset.done $0x0  }
0xbd: {  	s11 =	rddreg [dreg:$0x4];
	[sflag:s12] =	ssyncadd.s32 $0xFFFFFFB0  }
0xbe: {  	[tilespmem:s18], [sflag:$0x3] =	stream.indirect.gather [hbm4b:s4+s13], $0x80, s17, s13, $0xb8;
	[tilespmem:$0x1E400] =	vst v63  }
0xbf: {  	s9 =	sadd.s32 s8, s11  }
0xc0: {  	[tilespmem:s19], [sflag:$0x9] =	stream.linear.gather [hbm4b:s9+s3], $0x50, $0x38;
	[tilespmem:$0x1E400] =	vst v63  }
0xc1: {  	_ =	swait.ge [sflag:s12], $0x50  }
0xc2: {  	[sflag:s12] =	ssyncset.done $0x0  }
0xc3: {  	[sflag:s12] =	ssyncadd.s32 $0xFFFFFFB0  }
0xc4: {  	[tilespmem:s20], [sflag:$0x4] =	stream.indirect.gather [hbm4b:s4+s13], $0x80, s19, s13, $0xb8;
	[tilespmem:$0x1E400] =	vst v63  }
0xc5: {  	_ =	swait.ge [sflag:s21], $0x2800  }
0xc6: {  	s10 =	rddreg [dreg:$0x9];
	[sflag:s21] =	ssyncset.done $0x0  }
0xc7: {  	[sflag:s21] =	ssyncadd.s32 $0xFFFFD800;
	s9 =	sadd.s32 s8, s10  }
0xc8: {  	[tilespmem:s22], [sflag:$0x9] =	stream.linear.gather [hbm4b:s9+s3], $0x50, $0x38;
	[tilespmem:$0x1E400] =	vst v63  }
0xc9: {  	_ =	swait.ge [sflag:s12], $0x50  }
0xca: {  	[sflag:s12] =	ssyncset.done $0x0  }
0xcb: {  	[sflag:s12] =	ssyncadd.s32 $0xFFFFFFB0  }
0xcc: {  	[spmem:s1] =	stream.indirect.scatter.add.f32 [tilespmem:s14], [sflag:$0x5], $0x80, s22, s13, $0xb8;
	[tilespmem:$0x1E400] =	vst v63  }
0xcd: {  	_ =	swait.ge [sflag:s23], $0x2800  }
0xce: {  	s11 =	rddreg [dreg:$0x7];
	[sflag:s23] =	ssyncset.done $0x0  }
0xcf: {  	[sflag:s23] =	ssyncadd.s32 $0xFFFFD800;
	s9 =	sadd.s32 s8, s11  }
0xd0: {  	[tilespmem:s24], [sflag:$0x9] =	stream.linear.gather [hbm4b:s9+s3], $0x50, $0x38;
	[tilespmem:$0x1E400] =	vst v63  }
0xd1: {  	_ =	swait.ge [sflag:s12], $0x50  }
0xd2: {  	[sflag:s12] =	ssyncset.done $0x0  }
0xd3: {  	[sflag:s12] =	ssyncadd.s32 $0xFFFFFFB0  }
0xd4: {  	[spmem:s1] =	stream.indirect.scatter.add.f32 [tilespmem:s16], [sflag:$0x6], $0x80, s24, s13, $0xb8;
	[tilespmem:$0x1E400] =	vst v63  }
0xd5: {  	_ =	swait.ge [sflag:s25], $0x2800  }
0xd6: {  	s10 =	rddreg [dreg:$0x5];
	[sflag:s25] =	ssyncset.done $0x0  }
0xd7: {  	[sflag:s25] =	ssyncadd.s32 $0xFFFFD800;
	s9 =	sadd.s32 s8, s10  }
0xd8: {  	[tilespmem:s26], [sflag:$0x9] =	stream.linear.gather [hbm4b:s9+s3], $0x50, $0x38;
	[tilespmem:$0x1E400] =	vst v63  }
0xd9: {  	_ =	swait.ge [sflag:s12], $0x50  }
0xda: {  	[sflag:s12] =	ssyncset.done $0x0  }
0xdb: {  	[sflag:s12] =	ssyncadd.s32 $0xFFFFFFB0  }
0xdc: {  	[spmem:s1] =	stream.indirect.scatter.add.f32 [tilespmem:s18], [sflag:$0x7], $0x80, s26, s13, $0xb8;
	[tilespmem:$0x1E400] =	vst v63  }
0xdd: {  	_ =	swait.ge [sflag:s28], $0x2800  }
0xde: {  	s11 =	rddreg [dreg:$0x3];
	[sflag:s28] =	ssyncset.done $0x0  }
0xdf: {  	s10 =	sadd.s32 s8, s11;
	[sflag:s28] =	ssyncadd.s32 $0xFFFFD800  }
0xe0: {  	[tilespmem:s29], [sflag:$0x9] =	stream.linear.gather [hbm4b:s10+s3], $0x50, $0x38;
	[tilespmem:$0x1E400] =	vst v63  }
0xe1: {  	_ =	swait.ge [sflag:s12], $0x50  }
0xe2: {  	[sflag:s12] =	ssyncset.done $0x0  }
0xe3: {  	[sflag:s12] =	ssyncadd.s32 $0xFFFFFFB0  }
0xe4: {  	[spmem:s1] =	stream.indirect.scatter.add.f32 [tilespmem:s20], [sflag:$0x8], $0x80, s29, s13, $0xb8;
	[tilespmem:$0x1E400] =	vst v63  }
0xe5: {  	_ =	swait.ge [sflag:s30], $0x2800  }
0xe6: {  	[sflag:s30] =	ssyncset.done $0x0  }
0xe7: {  	[sflag:s30] =	ssyncadd.s32 $0xFFFFD800  }
0xe8: {  	_ =	swait.ge [sflag:s31], $0x2800  }
0xe9: {  	[sflag:s31] =	ssyncset.done $0x0  }
0xea: {  	[sflag:s31] =	ssyncadd.s32 $0xFFFFD800  }
0xeb: {  	_ =	swait.ge [sflag:s0], $0x2800  }
0xec: {  	[sflag:s0] =	ssyncset.done $0x0  }
0xed: {  	[sflag:s0] =	ssyncadd.s32 $0xFFFFD800  }
0xee: {  	_ =	swait.ge [sflag:s2], $0x2800  }
0xef: {  	[sflag:s2] =	ssyncset.done $0x0  }
0xf0: {  	s11 =	rddreg [dreg:$0xd];
	[sflag:s2] =	ssyncadd.s32 $0xFFFFD800  }
0xf1: {  	[tilespmem:s3], [sflag:$0x9] =	stream.linear.gather [hbm4b:s11+s3], $0x50, $0x38;
	[tilespmem:$0x1E400] =	vst v63  }
0xf2: {  	_ =	swait.ge [sflag:s12], $0x50  }
0xf3: {  	[sflag:s12] =	ssyncset.done $0x0  }
0xf4: {  	[sflag:s12] =	ssyncadd.s32 $0xFFFFFFB0  }
0xf5: {  	[tilespmem:s14], [sflag:$0x1] =	stream.indirect.gather [hbm4b:s4+s13], $0x80, s3, s13, $0xb8;
	[tilespmem:$0x1E400] =	vst v63  }
0xf6: {  	_ =	swait.ge [sflag:s21], $0x2800  }
0xf7: {  	[sflag:s21] =	ssyncset.done $0x0  }
0xf8: {  	s9 =	rddreg [dreg:$0xe];
	[sflag:s21] =	ssyncadd.s32 $0xFFFFD800  }
0xf9: {  	[tilespmem:s22], [sflag:$0x9] =	stream.linear.gather [hbm4b:s9+s3], $0x50, $0x38;
	[tilespmem:$0x1E400] =	vst v63  }
0xfa: {  	_ =	swait.ge [sflag:s12], $0x50  }
0xfb: {  	[sflag:s12] =	ssyncset.done $0x0  }
0xfc: {  	[sflag:s12] =	ssyncadd.s32 $0xFFFFFFB0  }
0xfd: {  	[spmem:s1] =	stream.indirect.scatter.add.f32 [tilespmem:s14], [sflag:$0x5], $0x80, s22, s13, $0xb8;
	[tilespmem:$0x1E400] =	vst v63  }
0xfe: {  	_ =	swait.ge [sflag:s30], $0x2800  }
0xff: {  	[sflag:s30] =	ssyncset.done $0x0  }
0x100: {  	[sflag:s30] =	ssyncadd.s32 $0xFFFFD800  }
0x101: {  	[bflag:$0x0] =	sbarrier.arrive $0xFFFF  }
0x102: {  	s10 =	rddreg [dreg:$0xf]  }
0x103: {  	[hbm:s10], [sflag:s7] =	dma.local [spmem:s6], $0x2800  }
0x104: {  	_ =	swait.ge [sflag:s12], $0x2800  }
0x105: {  	s5 =	sadd.s32 $0x1, s5;
	s11 =	rddreg [dreg:$0x10]  }
0x106: {  	p0 =	sne.s32 s5, s11  }
.Ltmp1:
0x107: {  	_ = 	snop;
	(pc) =	sbr.rel @p0 .LBB2_1-.Ltmp1, $3  }
0x108: {  	_ =	sdelay $0x1  }
0x109: {  	[sflag:s12] =	ssyncset.done $0x0  }
0x10a: {  	[sflag:s12] =	ssyncadd.s32 $0xFFFFD800  }
0x10b: {  	_ =	sfence.sel $0x180000  }
0x10c: {  	[bflag:$0x0] =	sbarrier.arrive $0xFFFF  }
0x10d: {  	_ =	strace $0x90000053  }
0x10e: {  	s0 =	stileid.u32;
	[bflag:$0x2] =	sbarrier.arrive $0xFFFF  }
0x10f: {  	p0 =	sne.s32 s0, $0x0;
	s0 =	rddreg [dreg:$0x2]  }
0x110: {  	s0 =	sadd.s32 @!p0 $0x100000, s0  }
0x111: {  	[sflag:s0] =	ssyncadd.tile.s32 @!p0 $0x1;
	_ =	shalt  }
.Lfunc_end2:
_tile_overlayer_lowered:
.L_overlay_start_2:
0x112: {  	(tag) =	ssettag $0x2  }
0x113: {  	s0 =	rddreg [dreg:$0x0];
	s2 =	stileid.u32  }
0x114: {  	s1 =	rddreg [dreg:$0x1];
	p0 =	sne.s32 s2, $0x0  }
0x115: {  	s3 =	rddreg [dreg:$0x2];
	[bflag:$0x3] =	sbarrier.arrive $0xFFFF;
	s2 =	simm.s32 @!p0 $0x1C09  }
0x116: {  	[timem:s3], [sflag:s2] =	dma.local @!p0 [hbm:s0], s1  }
0x117: {  	s0 =	simm.s32 @!p0 $0x9  }
0x118: {  	_ =	swait.ge @!p0 [sflag:s0], s1  }
0x119: {  	s1 =	ssub.s32 @!p0 $0x0, s1;
	[sflag:s0] =	ssyncset.done @!p0 $0x0  }
0x11a: {  	[sflag:s0] =	ssyncadd.s32 @!p0 s1  }
0x11b: {  	[bflag:$0x3] =	sbarrier.arrive $0xFFFF  }
0x11c: {  	_ =	shalt  }

</sc_bundles>
